<compile_context>
chip_gen: v7x
topology: tpu7x:2x2x1
jax: 0.10.2.dev20260603
libtpu: 0.0.44.dev20260713+nightly
codegen_flags: <defaults>
</compile_context>

<pallas_src>
import functools

import jax
import jax.numpy as jnp
from jax import lax
from jax.experimental import pallas as pl
from jax.experimental.pallas import tpu as pltpu
from jax.experimental.pallas import tpu_sc as plsc

B, N, MA, MB = 2, 20480, 128, 128
K_AB = 32
TN = 4096
NT = N // TN
MCH = 64
MC = MB // MCH

_HI = jax.lax.Precision.HIGHEST


def _relu(x):
    return jnp.maximum(x, 0.0)


def _p1_body(pc_ref, nat_ref, min3_ref, mirow_ref, cm_ref, sums_ref):
    nt = pl.program_id(1)
    pc = pc_ref[0]
    nat = nat_ref[0]
    d2 = None
    for c in range(3):
        t = nat[:, c:c + 1] - pc[c:c + 1, :]
        t2 = t * t
        d2 = t2 if d2 is None else d2 + t2
    d = jnp.sqrt(d2)
    subl = lax.broadcasted_iota(jnp.int32, (MA, TN), 0).astype(jnp.float32)
    ik0 = None
    for k in range(3):
        mn = jnp.min(d, axis=0, keepdims=True)
        ik = jnp.min(jnp.where(d == mn, subl, jnp.float32(MA)),
                     axis=0, keepdims=True)
        iki = ik.astype(jnp.int32)
        min3_ref[0, :, k:k + 1] = iki.T
        if k == 0:
            ik0 = ik
            mirow_ref[0] = iki
        if k < 2:
            d = jnp.where(subl == ik, jnp.float32(jnp.inf), d)
    maskT = (subl == ik0).astype(jnp.float32)
    part = lax.dot_general(maskT, pc, (((1,), (1,)), ((), ())),
                           preferred_element_type=jnp.float32,
                           precision=_HI)
    cnt = jnp.sum(maskT, axis=1, keepdims=True)

    @pl.when(nt == 0)
    def _():
        sums_ref[...] = jnp.zeros_like(sums_ref)

    sums_ref[:, :3] += part
    sums_ref[:, 3:4] += cnt

    @pl.when(nt == NT - 1)
    def _():
        s = sums_ref[...]
        cm_ref[0] = (s[:, :3] / (s[:, 3:4] + 1e-5)).T


def _pass1(pc, nat):
    return pl.pallas_call(
        _p1_body,
        grid=(B, NT),
        in_specs=[
            pl.BlockSpec((1, 3, TN), lambda b, nt: (b, 0, nt)),
            pl.BlockSpec((1, MA, 3), lambda b, nt: (b, 0, 0)),
        ],
        out_specs=[
            pl.BlockSpec((1, TN, 3), lambda b, nt: (b, nt, 0)),
            pl.BlockSpec((1, 1, TN), lambda b, nt: (b, 0, nt)),
            pl.BlockSpec((1, 3, MA), lambda b, nt: (b, 0, 0)),
        ],
        out_shape=[
            jax.ShapeDtypeStruct((B, N, 3), jnp.int32),
            jax.ShapeDtypeStruct((B, 1, N), jnp.int32),
            jax.ShapeDtypeStruct((B, 3, MA), jnp.float32),
        ],
        scratch_shapes=[pltpu.VMEM((MA, 4), jnp.float32)],
    )(pc, nat)


def _p2_body(pc_ref, it_ref, sn_ref, lb_ref, mirow_ref, cm_ref,
             w1, b1, w2, b2, w3, b3, ct_ref, first_ref, firstP_ref):
    ik = mirow_ref[0]
    subl = lax.broadcasted_iota(jnp.int32, (MA, TN), 0)
    maskT = (subl == ik).astype(jnp.float32)
    centersT = jnp.dot(cm_ref[0], maskT, precision=_HI)
    ct_ref[0] = centersT
    dec = pc_ref[0] - centersT
    x = (jnp.dot(w1[:, :3], dec) + w1[:, 3:4] * it_ref[0]
         + jnp.dot(w1[:, 4:7], sn_ref[0]) + w1[:, 7:8] * lb_ref[0]
         + b1[...])
    x = _relu(x)
    x = _relu(jnp.dot(w2[...], x) + b2[...])
    x = _relu(jnp.dot(w3[...], x) + b3[...])
    first_ref[0] = x
    firstP_ref[0] = x.T


def _pass2(pc, it, sn, lb, mirow, cm, fw, fb):
    wspecs = []
    for w in (fw[0], fb[0], fw[1], fb[1], fw[2], fb[2]):
        wspecs.append(pl.BlockSpec(w.shape, lambda b, nt: (0,) * w.ndim))
    return pl.pallas_call(
        _p2_body,
        grid=(B, NT),
        in_specs=[
            pl.BlockSpec((1, 3, TN), lambda b, nt: (b, 0, nt)),
            pl.BlockSpec((1, 1, TN), lambda b, nt: (b, 0, nt)),
            pl.BlockSpec((1, 3, TN), lambda b, nt: (b, 0, nt)),
            pl.BlockSpec((1, 1, TN), lambda b, nt: (b, 0, nt)),
            pl.BlockSpec((1, 1, TN), lambda b, nt: (b, 0, nt)),
            pl.BlockSpec((1, 3, MA), lambda b, nt: (b, 0, 0)),
        ] + wspecs,
        out_specs=[
            pl.BlockSpec((1, 3, TN), lambda b, nt: (b, 0, nt)),
            pl.BlockSpec((1, 32, TN), lambda b, nt: (b, 0, nt)),
            pl.BlockSpec((1, TN, 32), lambda b, nt: (b, nt, 0)),
        ],
        out_shape=[
            jax.ShapeDtypeStruct((B, 3, N), jnp.float32),
            jax.ShapeDtypeStruct((B, 32, N), jnp.float32),
            jax.ShapeDtypeStruct((B, N, 32), jnp.float32),
        ],
    )(pc, it, sn, lb, mirow, cm, fw[0], fb[0], fw[1], fb[1], fw[2], fb[2])


def _segmax_sc(feat_cn, mirow, C):
    NC, NS = 2, 16
    NW = NC * NS
    n_per_w = (B * N) // NW
    G = C // 16
    WPB = NW // B
    mesh = plsc.VectorSubcoreMesh(core_axis_name="c", subcore_axis_name="s",
                                  num_cores=NC, num_subcores=NS)

    @functools.partial(
        pl.kernel,
        out_type=jax.ShapeDtypeStruct((NW, MA * C), jnp.float32),
        mesh=mesh,
        compiler_params=pltpu.CompilerParams(needs_layout_passes=False),
        scratch_types=[
            pltpu.VMEM((n_per_w * C,), jnp.float32),
            pltpu.VMEM((n_per_w,), jnp.int32),
            pltpu.VMEM((MA * C,), jnp.float32),
        ],
    )
    def k(feat_hbm, idx_hbm, out_hbm, feat_v, idx_v, acc_v):
        w = lax.axis_index("s") * NC + lax.axis_index("c")
        bb = w // WPB
        n0 = (w % WPB) * n_per_w
        pltpu.sync_copy(feat_hbm.at[w], feat_v)
        pltpu.sync_copy(idx_hbm.at[bb, 0, pl.ds(n0, n_per_w)], idx_v)

        def zero(i, carry):
            acc_v[pl.ds(i * 16, 16)] = jnp.zeros((16,), jnp.float32)
            return carry

        lax.fori_loop(0, MA * C // 16, zero, 0)

        def body(i, carry):
            iv = idx_v[pl.ds(i * 16, 16)]
            for j in range(16):
                base = iv[j] * C
                fbase = (i * 16 + j) * C
                for g in range(G):
                    v = feat_v[pl.ds(fbase + g * 16, 16)]
                    a = acc_v[pl.ds(base + g * 16, 16)]
                    acc_v[pl.ds(base + g * 16, 16)] = jnp.maximum(a, v)
            return carry

        lax.fori_loop(0, n_per_w // 16, body, 0)
        pltpu.sync_copy(acc_v, out_hbm.at[w])

    return k(feat_cn, mirow)


def _segmax(feat_pm, mirow, C):
    npw = (B * N) // 32
    fpm = feat_pm.reshape(32, npw * C)
    part = _segmax_sc(fpm, mirow, C)
    return part.reshape(B, 32 // B, MA, C)


def _p3_body(first_ref, mirow_ref, fmp_ref, w1, b1, w2, b2,
             second_ref, secondP_ref):
    fm = fmp_ref[0, 0]
    for t in range(1, fmp_ref.shape[1]):
        fm = jnp.maximum(fm, fmp_ref[0, t])
    fmT = fm.T
    ik = mirow_ref[0]
    subl = lax.broadcasted_iota(jnp.int32, (MA, TN), 0)
    maskT = (subl == ik).astype(jnp.float32)
    scT = jnp.dot(fmT, maskT, precision=_HI)
    f = first_ref[0]
    h = _relu(jnp.dot(w1[:, :32], f) + jnp.dot(w1[:, 32:], scT) + b1[...])
    out = _relu(jnp.dot(w2[...], h) + b2[...])
    second_ref[0] = out
    secondP_ref[0] = out.T


def _pass3(first, mirow, fmp, w1, b1, w2, b2):
    wspecs = [pl.BlockSpec(w.shape, lambda b, nt: (0,) * w.ndim)
              for w in (w1, b1, w2, b2)]
    nw_b = fmp.shape[1]
    return pl.pallas_call(
        _p3_body,
        grid=(B, NT),
        in_specs=[
            pl.BlockSpec((1, 32, TN), lambda b, nt: (b, 0, nt)),
            pl.BlockSpec((1, 1, TN), lambda b, nt: (b, 0, nt)),
            pl.BlockSpec((1, nw_b, MA, 32), lambda b, nt: (b, 0, 0, 0)),
        ] + wspecs,
        out_specs=[
            pl.BlockSpec((1, 64, TN), lambda b, nt: (b, 0, nt)),
            pl.BlockSpec((1, TN, 64), lambda b, nt: (b, nt, 0)),
        ],
        out_shape=[
            jax.ShapeDtypeStruct((B, 64, N), jnp.float32),
            jax.ShapeDtypeStruct((B, N, 64), jnp.float32),
        ],
    )(first, mirow, fmp, w1, b1, w2, b2)


def _b1_body(cm_ref, nbt_ref, cmt_ref, nafp_ref,
             k1wa, k1wb, k1b1, k1w2, k1b2,
             k2wa, k2wb, k2b1, k2w2, k2b2,
             fiwa, fiwb, fib1, fiw2, fib2,
             nbf_ref, naf_ref, g_ref, gmax_ref):
    mc = pl.program_id(1)
    naf = nafp_ref[0, 0]
    for t in range(1, nafp_ref.shape[1]):
        naf = jnp.maximum(naf, nafp_ref[0, t])

    @pl.when(mc == 0)
    def _():
        naf_ref[0] = naf

    cm = cm_ref[0]
    nbc = nbt_ref[0]
    d2 = None
    for c in range(3):
        t = nbc[:, c:c + 1] - cm[c:c + 1, :]
        t2 = t * t
        d2 = t2 if d2 is None else d2 + t2
    d = jnp.sqrt(d2 + 1e-12)
    lanes = lax.broadcasted_iota(jnp.int32, (MCH, MA), 1).astype(jnp.float32)
    cols = []
    for k in range(K_AB):
        mn = jnp.min(d, axis=1, keepdims=True)
        ik = jnp.min(jnp.where(d == mn, lanes, jnp.float32(MA)),
                     axis=1, keepdims=True)
        cols.append(ik)
        if k < K_AB - 1:
            d = jnp.where(lanes == ik, jnp.float32(jnp.inf), d)
    idxcol = jnp.concatenate(cols, axis=0)
    R = K_AB * MCH
    lanesr = lax.broadcasted_iota(jnp.int32, (R, MA), 1).astype(jnp.float32)
    O = (lanesr == idxcol).astype(jnp.float32)
    nb_coord = jnp.dot(O, cmt_ref[0], precision=_HI)
    nbb = jnp.concatenate([nbc] * K_AB, axis=0)
    rel = nb_coord - nbb
    nb_feat = jnp.dot(O, naf, precision=_HI)
    x1 = _relu(jnp.dot(rel, k1wa[...]) + jnp.dot(nb_feat, k1wb[...])
               + k1b1[...])
    x1 = _relu(jnp.dot(x1, k1w2[...]) + k1b2[...])
    pooled = x1[0:MCH]
    for k in range(1, K_AB):
        pooled = jnp.maximum(pooled, x1[k * MCH:(k + 1) * MCH])
    ph = jnp.dot(pooled, k2wa[...])
    phr = jnp.concatenate([ph] * K_AB, axis=0)
    x2 = _relu(phr + jnp.dot(x1, k2wb[...]) + k2b1[...])
    x2 = _relu(jnp.dot(x2, k2w2[...]) + k2b2[...])
    nbf = x2[0:MCH]
    for k in range(1, K_AB):
        nbf = jnp.maximum(nbf, x2[k * MCH:(k + 1) * MCH])
    nbf_ref[0] = nbf
    fi = _relu(jnp.dot(nbc, fiwa[...]) + jnp.dot(nbf, fiwb[...]) + fib1[...])
    fi = _relu(jnp.dot(fi, fiw2[...]) + fib2[...])
    gm = jnp.max(fi, axis=0, keepdims=True)

    @pl.when(mc == 0)
    def _():
        gmax_ref[...] = jnp.zeros_like(gmax_ref)

    gmax_ref[...] = jnp.maximum(gmax_ref[...], gm)

    @pl.when(mc == MC - 1)
    def _():
        g_ref[0] = gmax_ref[...]


def _partb1(cm, nbt, cmt, nafp, ws):
    wspecs = [pl.BlockSpec(w.shape, lambda b, mc: (0,) * w.ndim) for w in ws]
    nw_b = nafp.shape[1]
    return pl.pallas_call(
        _b1_body,
        grid=(B, MC),
        in_specs=[
            pl.BlockSpec((1, 3, MA), lambda b, mc: (b, 0, 0)),
            pl.BlockSpec((1, MCH, 3), lambda b, mc: (b, mc, 0)),
            pl.BlockSpec((1, MA, 3), lambda b, mc: (b, 0, 0)),
            pl.BlockSpec((1, nw_b, MA, 64), lambda b, mc: (b, 0, 0, 0)),
        ] + wspecs,
        out_specs=[
            pl.BlockSpec((1, MCH, 256), lambda b, mc: (b, mc, 0)),
            pl.BlockSpec((1, MA, 64), lambda b, mc: (b, 0, 0)),
            pl.BlockSpec((1, 1, 512), lambda b, mc: (b, 0, 0)),
        ],
        out_shape=[
            jax.ShapeDtypeStruct((B, MB, 256), jnp.float32),
            jax.ShapeDtypeStruct((B, MA, 64), jnp.float32),
            jax.ShapeDtypeStruct((B, 1, 512), jnp.float32),
        ],
        scratch_shapes=[pltpu.VMEM((1, 512), jnp.float32)],
    )(cm, nbt, cmt, nafp, *ws)


def kernel(pc, intensity, sn, label, node_a, node_b, params):
    p = params
    nat = node_a.transpose(0, 2, 1)

    min3, mirow, cm = _pass1(pc, nat)

    fb = [b.reshape(-1, 1) for b in p['fp_b']]
    ct, first, firstP = _pass2(pc, intensity, sn, label, mirow, cm,
                               p['fp_W'], fb)

    fmp = _segmax(firstP, mirow, 32)

    second, secondP = _pass3(first, mirow, fmp, p['sp_W'][0],
                             p['sp_b'][0].reshape(-1, 1),
                             p['sp_W'][1], p['sp_b'][1].reshape(-1, 1))

    nafp = _segmax(secondP, mirow, 64)

    cmt = cm.transpose(0, 2, 1)
    nbt = node_b.transpose(0, 2, 1)
    k1w1 = p['k1_W'][0].T
    k2w1 = p['k2_W'][0].T
    bws = [k1w1[:3], k1w1[3:], p['k1_b'][0].reshape(1, -1),
           p['k1_W'][1].T, p['k1_b'][1].reshape(1, -1),
           k2w1[:256], k2w1[256:], p['k2_b'][0].reshape(1, -1),
           p['k2_W'][1].T, p['k2_b'][1].reshape(1, -1)]
    fiw1 = p['fi_W'][0].T
    bws += [fiw1[:3], fiw1[3:], p['fi_b'][0].reshape(1, -1),
            p['fi_W'][1].T, p['fi_b'][1].reshape(1, -1)]
    nbf, naf, g = _partb1(cm, nbt, cmt, nafp, bws)

    return (ct,
            cm,
            min3,
            first,
            second,
            naf.transpose(0, 2, 1),
            nbf.transpose(0, 2, 1),
            g.transpose(0, 2, 1))

# --- scband reference (transcript-rebuilt; emitter-appended) ---
"""Pipeline reference for scband-pcencoder-65833258713754 (READ-ONLY COPY).

The authoritative reference and input builder live on the scoring server;
editing this copy changes nothing except your own understanding.
"""

import jax, jax.numpy as jnp
import numpy as np

B, N, MA, MB = 2, 20480, 128, 128
CA, CB, CG = 64, 256, 512
K_INTERP, K_AB = 3, 32

def _mk(key, co, ci):
    return 0.05 * jax.random.normal(key, (co, ci), dtype=jnp.float32), jnp.zeros((co,), jnp.float32)

def setup_inputs(seed: int = 0):
    key = jax.random.key(seed)
    ks = jax.random.split(key, 24)
    pc = jax.random.normal(ks[0], (B, 3, N), jnp.float32)
    intensity = jax.random.uniform(ks[1], (B, 1, N), jnp.float32)
    sn = jax.random.normal(ks[2], (B, 3, N), jnp.float32)
    label = jax.random.uniform(ks[3], (B, 1, N), jnp.float32)
    node_a = jax.random.normal(ks[4], (B, 3, MA), jnp.float32)
    node_b = jax.random.normal(ks[5], (B, 3, MB), jnp.float32)
    dims = {
        'fp': [(CA // 2, 8), (CA // 2, CA // 2), (CA // 2, CA // 2)],
        'sp': [(CA, CA), (CA, CA)],
        'k1': [(CB, 3 + CA), (CB, CB)],
        'k2': [(CB * 2, CB * 2), (CB, CB * 2)],
        'fi': [(CG // 2, 3 + CB), (CG, CG // 2)],
    }
    params = {}
    i = 6
    for name, layer_dims in dims.items():
        Ws, bs = [], []
        for (co, ci) in layer_dims:
            W, b = _mk(ks[i], co, ci); i += 1
            Ws.append(W); bs.append(b)
        params[name + '_W'] = Ws
        params[name + '_b'] = bs
    return {'pc': pc, 'intensity': intensity, 'sn': sn, 'label': label,
            'node_a': node_a, 'node_b': node_b, 'params': params}

def _pointnet(x, Ws, bs):
    for W, b in zip(Ws, bs):
        x = jnp.einsum('oc,bcn->bon', W, x) + b[None, :, None]
        x = jax.nn.relu(x)
    return x

def _mlp2d(x, Ws, bs):
    for W, b in zip(Ws, bs):
        x = jnp.einsum('oc,bcmk->bomk', W, x) + b[None, :, None, None]
        x = jax.nn.relu(x)
    return x

def _cluster_max(feat, min_idx, M, mask_row_max):
    b, c, n = feat.shape
    out = jnp.full((b, c, M), -jnp.inf, feat.dtype)
    bi = jnp.arange(b)[:, None, None]
    ci = jnp.arange(c)[None, :, None]
    ii = jnp.broadcast_to(min_idx[:, None, :], (b, c, n))
    out = out.at[bi, ci, ii].max(feat)
    out = jnp.where(jnp.isneginf(out), 0.0, out)
    return out * mask_row_max[:, None, :]

def _forward(pc, intensity, sn, label, node_a, node_b, params):
    b, n = pc.shape[0], pc.shape[2]
    ma, mb = node_a.shape[2], node_b.shape[2]
    diff = jnp.sqrt(jnp.sum((pc[:, :, :, None] - node_a[:, :, None, :]) ** 2, axis=1))
    _, min_k_idx = jax.lax.top_k(-diff, K_INTERP)
    min_idx = min_k_idx[:, :, 0]
    mask = jax.nn.one_hot(min_idx, ma, dtype=jnp.float32)
    mask_row_max = jnp.max(mask, axis=1)
    mask_row_sum = jnp.sum(mask[:, None, :, :], axis=2)
    pc_masked = pc[:, :, :, None] * mask[:, None, :, :]
    cluster_mean = jnp.sum(pc_masked, axis=2) / jax.lax.stop_gradient(mask_row_sum + 1e-5)
    pc_centers = jnp.take_along_axis(cluster_mean, jnp.broadcast_to(min_idx[:, None, :], (b, 3, n)), axis=2)
    pc_decentered = jax.lax.stop_gradient(pc - pc_centers)
    pc_aug = jnp.concatenate([pc_decentered, intensity, sn, label], axis=1)
    first = _pointnet(pc_aug, params['fp_W'], params['fp_b'])
    first_max = _cluster_max(first, min_idx, ma, mask_row_max)
    scattered = jnp.take_along_axis(first_max, jnp.broadcast_to(min_idx[:, None, :], (b, first.shape[1], n)), axis=2)
    fusion = jnp.concatenate([first, scattered], axis=1)
    second = _pointnet(fusion, params['sp_W'], params['sp_b'])
    node_a_features = _cluster_max(second, min_idx, ma, mask_row_max)
    dqd = jnp.sqrt(jnp.sum((node_b[:, :, :, None] - cluster_mean[:, :, None, :]) ** 2, axis=1) + 1e-12)
    _, knn_idx = jax.lax.top_k(-dqd, K_AB)
    nb_coord = jnp.take_along_axis(jnp.broadcast_to(cluster_mean[:, :, None, :], (b, 3, mb, ma)),
                                   jnp.broadcast_to(knn_idx[:, None, :, :], (b, 3, mb, K_AB)), axis=3)
    c_feat = node_a_features.shape[1]
    nb_feat = jnp.take_along_axis(jnp.broadcast_to(node_a_features[:, :, None, :], (b, c_feat, mb, ma)),
                                  jnp.broadcast_to(knn_idx[:, None, :, :], (b, c_feat, mb, K_AB)), axis=3)
    rel = nb_coord - node_b[:, :, :, None]
    x1 = _mlp2d(jnp.concatenate([rel, nb_feat], axis=1), params['k1_W'], params['k1_b'])
    pooled = jnp.max(x1, axis=3)
    x2 = jnp.concatenate([jnp.broadcast_to(pooled[:, :, :, None], x1.shape), x1], axis=1)
    x2 = _mlp2d(x2, params['k2_W'], params['k2_b'])
    node_b_features = jnp.max(x2, axis=3)
    final = _pointnet(jnp.concatenate([node_b, node_b_features], axis=1), params['fi_W'], params['fi_b'])
    global_feature = jnp.max(final, axis=2, keepdims=True)
    return (pc_centers, cluster_mean, min_k_idx, first, second, node_a_features, node_b_features, global_feature)

def reference(pc, intensity, sn, label, node_a, node_b, params):
    return _forward(pc, intensity, sn, label, node_a, node_b, params)

if __name__ == "__main__":
    import jax
    _d = setup_inputs()
    print(jax.jit(kernel)(*tuple(_d.values())))

</pallas_src>

<mosaic_0001>
#map = affine_map<(d0, d1) -> (0, 0)>
#map1 = affine_map<(d0, d1) -> (0, 0, 0)>
module attributes {stable_mosaic.version = 14 : i64} {
  func.func @k(%arg0: i32, %arg1: i32, %arg2: memref<32x40960xf32, #tpu.memory_space<hbm>>, %arg3: memref<2x1x20480xi32, #tpu.memory_space<hbm>>, %arg4: memref<32x4096xf32, #tpu.memory_space<hbm>>, %arg5: memref<40960xf32, #tpu.memory_space<vmem>>, %arg6: memref<1280xi32, #tpu.memory_space<vmem>>, %arg7: memref<4096xf32, #tpu.memory_space<vmem>>) attributes {dimension_semantics = [#tpu.dimension_semantics<core_parallel>, #tpu.dimension_semantics<subcore_parallel>], iteration_bounds = array<i64: 2, 16>, scalar_prefetch = 0 : i64, scratch_operands = 3 : i64, tpu.core_type = #tpu.core_type<sc_vector_subcore>, window_params = [{transform_indices = #map}, {transform_indices = #map1}, {transform_indices = #map}]} {
    %mul3A = arith.constant 2 : i32
    %mul3A_0 = arith.muli %arg1, %mul3A : i32
    %add3A = arith.addi %mul3A_0, %arg0 : i32
    %jit3A = arith.constant 16 : i32
    %div3A = arith.divsi %add3A, %jit3A : i32
    %sign3A = arith.constant 0 : i32
    %sign3A_1 = arith.cmpi sgt, %add3A, %sign3A : i32
    %sign3A_2 = arith.extui %sign3A_1 : i1 to i32
    %sign3A_3 = arith.constant 0 : i32
    %sign3A_4 = arith.cmpi slt, %add3A, %sign3A_3 : i32
    %sign3A_5 = arith.extui %sign3A_4 : i1 to i32
    %sign3A_6 = arith.subi %sign3A_2, %sign3A_5 : i32
    %sign3A_7 = arith.constant 0 : i32
    %sign3A_8 = arith.cmpi sgt, %jit3A, %sign3A_7 : i32
    %sign3A_9 = arith.extui %sign3A_8 : i1 to i32
    %sign3A_10 = arith.constant 0 : i32
    %sign3A_11 = arith.cmpi slt, %jit3A, %sign3A_10 : i32
    %sign3A_12 = arith.extui %sign3A_11 : i1 to i32
    %sign3A_13 = arith.subi %sign3A_9, %sign3A_12 : i32
    %ne3A = arith.cmpi ne, %sign3A_6, %sign3A_13 : i32
    %rem3A = arith.remsi %add3A, %jit3A : i32
    %ne3A_14 = arith.constant 0 : i32
    %ne3A_15 = arith.cmpi ne, %rem3A, %ne3A_14 : i32
    %and3A = arith.andi %ne3A, %ne3A_15 : i1
    %sub3A = arith.constant 1 : i32
    %sub3A_16 = arith.subi %div3A, %sub3A : i32
    %select_n3A = arith.select %and3A, %sub3A_16, %div3A : i32
    %jit3A_17 = arith.constant 16 : i32
    %eq3A = arith.constant 0 : i32
    %eq3A_18 = arith.cmpi eq, %jit3A_17, %eq3A : i32
    %jit3A_19 = arith.constant 1 : i32
    %select_n3A_20 = arith.select %eq3A_18, %jit3A_19, %jit3A_17 : i32
    %rem3A_21 = arith.remsi %add3A, %select_n3A_20 : i32
    %ne3A_22 = arith.constant 0 : i32
    %ne3A_23 = arith.cmpi ne, %rem3A_21, %ne3A_22 : i32
    %lt3A = arith.constant 0 : i32
    %lt3A_24 = arith.cmpi slt, %rem3A_21, %lt3A : i32
    %lt3A_25 = arith.constant 0 : i32
    %lt3A_26 = arith.cmpi slt, %select_n3A_20, %lt3A_25 : i32
    %ne3A_27 = arith.xori %lt3A_24, %lt3A_26 : i1
    %and3A_28 = arith.andi %ne3A_27, %ne3A_23 : i1
    %add3A_29 = arith.addi %rem3A_21, %select_n3A_20 : i32
    %select_n3A_30 = arith.select %and3A_28, %add3A_29, %rem3A_21 : i32
    %mul3A_31 = arith.constant 1280 : i32
    %mul3A_32 = arith.muli %select_n3A_30, %mul3A_31 : i32
    "tpu.region"() ({
      %run_scoped3A_44 = tpu.sem_alloc : memref<!tpu.dma_semaphore, #tpu.memory_space<semaphore_mem>>
      %dma_start3A = arith.constant 0 : i32
      %dma_start3A_45 = tpu.memref_slice %arg2[%add3A, %dma_start3A] : memref<32x40960xf32, #tpu.memory_space<hbm>> -> memref<1x40960xf32, #tpu.memory_space<hbm>>
      %dma_start3A_46 = tpu.memref_squeeze %dma_start3A_45 : memref<1x40960xf32, #tpu.memory_space<hbm>> -> memref<40960xf32, #tpu.memory_space<hbm>>
      %dma_start3A_47 = arith.constant 0 : i32
      %dma_start3A_48 = tpu.memref_slice %arg2[%add3A, %dma_start3A_47] : memref<32x40960xf32, #tpu.memory_space<hbm>> -> memref<1x40960xf32, #tpu.memory_space<hbm>>
      %dma_start3A_49 = tpu.memref_squeeze %dma_start3A_48 : memref<1x40960xf32, #tpu.memory_space<hbm>> -> memref<40960xf32, #tpu.memory_space<hbm>>
      tpu.enqueue_dma source(%dma_start3A_49 : memref<40960xf32, #tpu.memory_space<hbm>>) target(%arg5 : memref<40960xf32, #tpu.memory_space<vmem>>) target_semaphore(%run_scoped3A_44 : memref<!tpu.dma_semaphore, #tpu.memory_space<semaphore_mem>>)
      %dma_wait3A = arith.constant 0 : i32
      %dma_wait3A_50 = tpu.memref_slice %arg2[%add3A, %dma_wait3A] : memref<32x40960xf32, #tpu.memory_space<hbm>> -> memref<1x40960xf32, #tpu.memory_space<hbm>>
      %dma_wait3A_51 = tpu.memref_squeeze %dma_wait3A_50 : memref<1x40960xf32, #tpu.memory_space<hbm>> -> memref<40960xf32, #tpu.memory_space<hbm>>
      %dma_wait3A_52 = arith.constant 0 : i32
      %dma_wait3A_53 = tpu.memref_slice %arg2[%add3A, %dma_wait3A_52] : memref<32x40960xf32, #tpu.memory_space<hbm>> -> memref<1x40960xf32, #tpu.memory_space<hbm>>
      %dma_wait3A_54 = tpu.memref_squeeze %dma_wait3A_53 : memref<1x40960xf32, #tpu.memory_space<hbm>> -> memref<40960xf32, #tpu.memory_space<hbm>>
      tpu.wait_dma2 semaphore(%run_scoped3A_44 : memref<!tpu.dma_semaphore, #tpu.memory_space<semaphore_mem>>) src(%dma_wait3A_54 : memref<40960xf32, #tpu.memory_space<hbm>>) dst(%arg5 : memref<40960xf32, #tpu.memory_space<vmem>>)
      tpu.yield
    }) : () -> ()
    %run_scoped3A = arith.constant 0 : i32
    "tpu.region"() ({
      %run_scoped3A_44 = tpu.sem_alloc : memref<!tpu.dma_semaphore, #tpu.memory_space<semaphore_mem>>
      %dma_start3A = tpu.memref_slice %arg3[%select_n3A, %run_scoped3A, %mul3A_32] : memref<2x1x20480xi32, #tpu.memory_space<hbm>> -> memref<1x1x1280xi32, #tpu.memory_space<hbm>>
      %dma_start3A_45 = tpu.memref_squeeze %dma_start3A : memref<1x1x1280xi32, #tpu.memory_space<hbm>> -> memref<1280xi32, #tpu.memory_space<hbm>>
      %dma_start3A_46 = tpu.memref_slice %arg3[%select_n3A, %run_scoped3A, %mul3A_32] : memref<2x1x20480xi32, #tpu.memory_space<hbm>> -> memref<1x1x1280xi32, #tpu.memory_space<hbm>>
      %dma_start3A_47 = tpu.memref_squeeze %dma_start3A_46 : memref<1x1x1280xi32, #tpu.memory_space<hbm>> -> memref<1280xi32, #tpu.memory_space<hbm>>
      tpu.enqueue_dma source(%dma_start3A_47 : memref<1280xi32, #tpu.memory_space<hbm>>) target(%arg6 : memref<1280xi32, #tpu.memory_space<vmem>>) target_semaphore(%run_scoped3A_44 : memref<!tpu.dma_semaphore, #tpu.memory_space<semaphore_mem>>)
      %dma_wait3A = tpu.memref_slice %arg3[%select_n3A, %run_scoped3A, %mul3A_32] : memref<2x1x20480xi32, #tpu.memory_space<hbm>> -> memref<1x1x1280xi32, #tpu.memory_space<hbm>>
      %dma_wait3A_48 = tpu.memref_squeeze %dma_wait3A : memref<1x1x1280xi32, #tpu.memory_space<hbm>> -> memref<1280xi32, #tpu.memory_space<hbm>>
      %dma_wait3A_49 = tpu.memref_slice %arg3[%select_n3A, %run_scoped3A, %mul3A_32] : memref<2x1x20480xi32, #tpu.memory_space<hbm>> -> memref<1x1x1280xi32, #tpu.memory_space<hbm>>
      %dma_wait3A_50 = tpu.memref_squeeze %dma_wait3A_49 : memref<1x1x1280xi32, #tpu.memory_space<hbm>> -> memref<1280xi32, #tpu.memory_space<hbm>>
      tpu.wait_dma2 semaphore(%run_scoped3A_44 : memref<!tpu.dma_semaphore, #tpu.memory_space<semaphore_mem>>) src(%dma_wait3A_50 : memref<1280xi32, #tpu.memory_space<hbm>>) dst(%arg6 : memref<1280xi32, #tpu.memory_space<vmem>>)
      tpu.yield
    }) : () -> ()
    %scan3A = arith.constant 0 : i32
    %scan3A_33 = arith.constant 0 : i32
    %scan3A_34 = arith.constant 256 : i32
    %scan3A_35 = arith.addi %scan3A_33, %scan3A_34 : i32
    %scan3A_36 = arith.constant 1 : i32
    scf.for %scan3A_44 = %scan3A_33 to %scan3A_35 step %scan3A_36  : i32 {
      %broadcast_in_dim3A = arith.constant 0.000000e+00 : f32
      %broadcast_in_dim3A_45 = vector.broadcast %broadcast_in_dim3A : f32 to vector<16xf32>
      %mul3A_46 = arith.constant 16 : i32
      %mul3A_47 = arith.muli %scan3A_44, %mul3A_46 : i32
      %swap3A = arith.index_cast %mul3A_47 : i32 to index
      %swap3A_48 = tpu.vector_load %arg7[%swap3A] {strides = array<i32>} : memref<4096xf32, #tpu.memory_space<vmem>>, vector<16xf32>,
      tpu.vector_store %arg7[%swap3A], %broadcast_in_dim3A_45 {strides = array<i32>} : memref<4096xf32, #tpu.memory_space<vmem>>, vector<16xf32>,
    }
    %scan3A_37 = arith.constant 256 : i32
    %scan3A_38 = arith.constant 0 : i32
    %scan3A_39 = arith.constant 0 : i32
    %scan3A_40 = arith.constant 80 : i32
    %scan3A_41 = arith.addi %scan3A_39, %scan3A_40 : i32
    %scan3A_42 = arith.constant 1 : i32
    scf.for %scan3A_44 = %scan3A_39 to %scan3A_41 step %scan3A_42  : i32 {
      %mul3A_45 = arith.constant 16 : i32
      %mul3A_46 = arith.muli %scan3A_44, %mul3A_45 : i32
      %get3A = arith.index_cast %mul3A_46 : i32 to index
      %get3A_47 = tpu.vector_load %arg6[%get3A] {strides = array<i32>} : memref<1280xi32, #tpu.memory_space<vmem>>, vector<16xi32>,
      %slice3A = vector.extract_strided_slice %get3A_47 {offsets = [0], sizes = [1], strides = [1]} : vector<16xi32> to vector<1xi32>
      %squeeze3A = vector.extract %slice3A[0] : i32 from vector<1xi32>
      %mul3A_48 = arith.constant 32 : i32
      %mul3A_49 = arith.muli %squeeze3A, %mul3A_48 : i32
      %mul3A_50 = arith.constant 16 : i32
      %mul3A_51 = arith.muli %scan3A_44, %mul3A_50 : i32
      %add3A_52 = arith.constant 0 : i32
      %add3A_53 = arith.addi %mul3A_51, %add3A_52 : i32
      %mul3A_54 = arith.constant 32 : i32
      %mul3A_55 = arith.muli %add3A_53, %mul3A_54 : i32
      %add3A_56 = arith.constant 0 : i32
      %add3A_57 = arith.addi %mul3A_55, %add3A_56 : i32
      %get3A_58 = arith.index_cast %add3A_57 : i32 to index
      %get3A_59 = tpu.vector_load %arg5[%get3A_58] {strides = array<i32>} : memref<40960xf32, #tpu.memory_space<vmem>>, vector<16xf32>,
      %add3A_60 = arith.constant 0 : i32
      %add3A_61 = arith.addi %mul3A_49, %add3A_60 : i32
      %get3A_62 = arith.index_cast %add3A_61 : i32 to index
      %get3A_63 = tpu.vector_load %arg7[%get3A_62] {strides = array<i32>} : memref<4096xf32, #tpu.memory_space<vmem>>, vector<16xf32>,
      %max3A = arith.maximumf %get3A_63, %get3A_59 : vector<16xf32>
      %add3A_64 = arith.constant 0 : i32
      %add3A_65 = arith.addi %mul3A_49, %add3A_64 : i32
      %swap3A = arith.index_cast %add3A_65 : i32 to index
      %swap3A_66 = tpu.vector_load %arg7[%swap3A] {strides = array<i32>} : memref<4096xf32, #tpu.memory_space<vmem>>, vector<16xf32>,
      tpu.vector_store %arg7[%swap3A], %max3A {strides = array<i32>} : memref<4096xf32, #tpu.memory_space<vmem>>, vector<16xf32>,
      %add3A_67 = arith.constant 16 : i32
      %add3A_68 = arith.addi %mul3A_55, %add3A_67 : i32
      %get3A_69 = arith.index_cast %add3A_68 : i32 to index
      %get3A_70 = tpu.vector_load %arg5[%get3A_69] {strides = array<i32>} : memref<40960xf32, #tpu.memory_space<vmem>>, vector<16xf32>,
      %add3A_71 = arith.constant 16 : i32
      %add3A_72 = arith.addi %mul3A_49, %add3A_71 : i32
      %get3A_73 = arith.index_cast %add3A_72 : i32 to index
      %get3A_74 = tpu.vector_load %arg7[%get3A_73] {strides = array<i32>} : memref<4096xf32, #tpu.memory_space<vmem>>, vector<16xf32>,
      %max3A_75 = arith.maximumf %get3A_74, %get3A_70 : vector<16xf32>
      %add3A_76 = arith.constant 16 : i32
      %add3A_77 = arith.addi %mul3A_49, %add3A_76 : i32
      %swap3A_78 = arith.index_cast %add3A_77 : i32 to index
      %swap3A_79 = tpu.vector_load %arg7[%swap3A_78] {strides = array<i32>} : memref<4096xf32, #tpu.memory_space<vmem>>, vector<16xf32>,
      tpu.vector_store %arg7[%swap3A_78], %max3A_75 {strides = array<i32>} : memref<4096xf32, #tpu.memory_space<vmem>>, vector<16xf32>,
      %slice3A_80 = vector.extract_strided_slice %get3A_47 {offsets = [1], sizes = [1], strides = [1]} : vector<16xi32> to vector<1xi32>
      %squeeze3A_81 = vector.extract %slice3A_80[0] : i32 from vector<1xi32>
      %mul3A_82 = arith.constant 32 : i32
      %mul3A_83 = arith.muli %squeeze3A_81, %mul3A_82 : i32
      %mul3A_84 = arith.constant 16 : i32
      %mul3A_85 = arith.muli %scan3A_44, %mul3A_84 : i32
      %add3A_86 = arith.constant 1 : i32
      %add3A_87 = arith.addi %mul3A_85, %add3A_86 : i32
      %mul3A_88 = arith.constant 32 : i32
      %mul3A_89 = arith.muli %add3A_87, %mul3A_88 : i32
      %add3A_90 = arith.constant 0 : i32
      %add3A_91 = arith.addi %mul3A_89, %add3A_90 : i32
      %get3A_92 = arith.index_cast %add3A_91 : i32 to index
      %get3A_93 = tpu.vector_load %arg5[%get3A_92] {strides = array<i32>} : memref<40960xf32, #tpu.memory_space<vmem>>, vector<16xf32>,
      %add3A_94 = arith.constant 0 : i32
      %add3A_95 = arith.addi %mul3A_83, %add3A_94 : i32
      %get3A_96 = arith.index_cast %add3A_95 : i32 to index
      %get3A_97 = tpu.vector_load %arg7[%get3A_96] {strides = array<i32>} : memref<4096xf32, #tpu.memory_space<vmem>>, vector<16xf32>,
      %max3A_98 = arith.maximumf %get3A_97, %get3A_93 : vector<16xf32>
      %add3A_99 = arith.constant 0 : i32
      %add3A_100 = arith.addi %mul3A_83, %add3A_99 : i32
      %swap3A_101 = arith.index_cast %add3A_100 : i32 to index
      %swap3A_102 = tpu.vector_load %arg7[%swap3A_101] {strides = array<i32>} : memref<4096xf32, #tpu.memory_space<vmem>>, vector<16xf32>,
      tpu.vector_store %arg7[%swap3A_101], %max3A_98 {strides = array<i32>} : memref<4096xf32, #tpu.memory_space<vmem>>, vector<16xf32>,
      %add3A_103 = arith.constant 16 : i32
      %add3A_104 = arith.addi %mul3A_89, %add3A_103 : i32
      %get3A_105 = arith.index_cast %add3A_104 : i32 to index
      %get3A_106 = tpu.vector_load %arg5[%get3A_105] {strides = array<i32>} : memref<40960xf32, #tpu.memory_space<vmem>>, vector<16xf32>,
      %add3A_107 = arith.constant 16 : i32
      %add3A_108 = arith.addi %mul3A_83, %add3A_107 : i32
      %get3A_109 = arith.index_cast %add3A_108 : i32 to index
      %get3A_110 = tpu.vector_load %arg7[%get3A_109] {strides = array<i32>} : memref<4096xf32, #tpu.memory_space<vmem>>, vector<16xf32>,
      %max3A_111 = arith.maximumf %get3A_110, %get3A_106 : vector<16xf32>
      %add3A_112 = arith.constant 16 : i32
      %add3A_113 = arith.addi %mul3A_83, %add3A_112 : i32
      %swap3A_114 = arith.index_cast %add3A_113 : i32 to index
      %swap3A_115 = tpu.vector_load %arg7[%swap3A_114] {strides = array<i32>} : memref<4096xf32, #tpu.memory_space<vmem>>, vector<16xf32>,
      tpu.vector_store %arg7[%swap3A_114], %max3A_111 {strides = array<i32>} : memref<4096xf32, #tpu.memory_space<vmem>>, vector<16xf32>,
      %slice3A_116 = vector.extract_strided_slice %get3A_47 {offsets = [2], sizes = [1], strides = [1]} : vector<16xi32> to vector<1xi32>
      %squeeze3A_117 = vector.extract %slice3A_116[0] : i32 from vector<1xi32>
      %mul3A_118 = arith.constant 32 : i32
      %mul3A_119 = arith.muli %squeeze3A_117, %mul3A_118 : i32
      %mul3A_120 = arith.constant 16 : i32
      %mul3A_121 = arith.muli %scan3A_44, %mul3A_120 : i32
      %add3A_122 = arith.constant 2 : i32
      %add3A_123 = arith.addi %mul3A_121, %add3A_122 : i32
      %mul3A_124 = arith.constant 32 : i32
      %mul3A_125 = arith.muli %add3A_123, %mul3A_124 : i32
      %add3A_126 = arith.constant 0 : i32
      %add3A_127 = arith.addi %mul3A_125, %add3A_126 : i32
      %get3A_128 = arith.index_cast %add3A_127 : i32 to index
      %get3A_129 = tpu.vector_load %arg5[%get3A_128] {strides = array<i32>} : memref<40960xf32, #tpu.memory_space<vmem>>, vector<16xf32>,
      %add3A_130 = arith.constant 0 : i32
      %add3A_131 = arith.addi %mul3A_119, %add3A_130 : i32
      %get3A_132 = arith.index_cast %add3A_131 : i32 to index
      %get3A_133 = tpu.vector_load %arg7[%get3A_132] {strides = array<i32>} : memref<4096xf32, #tpu.memory_space<vmem>>, vector<16xf32>,
      %max3A_134 = arith.maximumf %get3A_133, %get3A_129 : vector<16xf32>
      %add3A_135 = arith.constant 0 : i32
      %add3A_136 = arith.addi %mul3A_119, %add3A_135 : i32
      %swap3A_137 = arith.index_cast %add3A_136 : i32 to index
      %swap3A_138 = tpu.vector_load %arg7[%swap3A_137] {strides = array<i32>} : memref<4096xf32, #tpu.memory_space<vmem>>, vector<16xf32>,
      tpu.vector_store %arg7[%swap3A_137], %max3A_134 {strides = array<i32>} : memref<4096xf32, #tpu.memory_space<vmem>>, vector<16xf32>,
      %add3A_139 = arith.constant 16 : i32
      %add3A_140 = arith.addi %mul3A_125, %add3A_139 : i32
      %get3A_141 = arith.index_cast %add3A_140 : i32 to index
      %get3A_142 = tpu.vector_load %arg5[%get3A_141] {strides = array<i32>} : memref<40960xf32, #tpu.memory_space<vmem>>, vector<16xf32>,
      %add3A_143 = arith.constant 16 : i32
      %add3A_144 = arith.addi %mul3A_119, %add3A_143 : i32
      %get3A_145 = arith.index_cast %add3A_144 : i32 to index
      %get3A_146 = tpu.vector_load %arg7[%get3A_145] {strides = array<i32>} : memref<4096xf32, #tpu.memory_space<vmem>>, vector<16xf32>,
      %max3A_147 = arith.maximumf %get3A_146, %get3A_142 : vector<16xf32>
      %add3A_148 = arith.constant 16 : i32
      %add3A_149 = arith.addi %mul3A_119, %add3A_148 : i32
      %swap3A_150 = arith.index_cast %add3A_149 : i32 to index
      %swap3A_151 = tpu.vector_load %arg7[%swap3A_150] {strides = array<i32>} : memref<4096xf32, #tpu.memory_space<vmem>>, vector<16xf32>,
      tpu.vector_store %arg7[%swap3A_150], %max3A_147 {strides = array<i32>} : memref<4096xf32, #tpu.memory_space<vmem>>, vector<16xf32>,
      %slice3A_152 = vector.extract_strided_slice %get3A_47 {offsets = [3], sizes = [1], strides = [1]} : vector<16xi32> to vector<1xi32>
      %squeeze3A_153 = vector.extract %slice3A_152[0] : i32 from vector<1xi32>
      %mul3A_154 = arith.constant 32 : i32
      %mul3A_155 = arith.muli %squeeze3A_153, %mul3A_154 : i32
      %mul3A_156 = arith.constant 16 : i32
      %mul3A_157 = arith.muli %scan3A_44, %mul3A_156 : i32
      %add3A_158 = arith.constant 3 : i32
      %add3A_159 = arith.addi %mul3A_157, %add3A_158 : i32
      %mul3A_160 = arith.constant 32 : i32
      %mul3A_161 = arith.muli %add3A_159, %mul3A_160 : i32
      %add3A_162 = arith.constant 0 : i32
      %add3A_163 = arith.addi %mul3A_161, %add3A_162 : i32
      %get3A_164 = arith.index_cast %add3A_163 : i32 to index
      %get3A_165 = tpu.vector_load %arg5[%get3A_164] {strides = array<i32>} : memref<40960xf32, #tpu.memory_space<vmem>>, vector<16xf32>,
      %add3A_166 = arith.constant 0 : i32
      %add3A_167 = arith.addi %mul3A_155, %add3A_166 : i32
      %get3A_168 = arith.index_cast %add3A_167 : i32 to index
      %get3A_169 = tpu.vector_load %arg7[%get3A_168] {strides = array<i32>} : memref<4096xf32, #tpu.memory_space<vmem>>, vector<16xf32>,
      %max3A_170 = arith.maximumf %get3A_169, %get3A_165 : vector<16xf32>
      %add3A_171 = arith.constant 0 : i32
      %add3A_172 = arith.addi %mul3A_155, %add3A_171 : i32
      %swap3A_173 = arith.index_cast %add3A_172 : i32 to index
      %swap3A_174 = tpu.vector_load %arg7[%swap3A_173] {strides = array<i32>} : memref<4096xf32, #tpu.memory_space<vmem>>, vector<16xf32>,
      tpu.vector_store %arg7[%swap3A_173], %max3A_170 {strides = array<i32>} : memref<4096xf32, #tpu.memory_space<vmem>>, vector<16xf32>,
      %add3A_175 = arith.constant 16 : i32
      %add3A_176 = arith.addi %mul3A_161, %add3A_175 : i32
      %get3A_177 = arith.index_cast %add3A_176 : i32 to index
      %get3A_178 = tpu.vector_load %arg5[%get3A_177] {strides = array<i32>} : memref<40960xf32, #tpu.memory_space<vmem>>, vector<16xf32>,
      %add3A_179 = arith.constant 16 : i32
      %add3A_180 = arith.addi %mul3A_155, %add3A_179 : i32
      %get3A_181 = arith.index_cast %add3A_180 : i32 to index
      %get3A_182 = tpu.vector_load %arg7[%get3A_181] {strides = array<i32>} : memref<4096xf32, #tpu.memory_space<vmem>>, vector<16xf32>,
      %max3A_183 = arith.maximumf %get3A_182, %get3A_178 : vector<16xf32>
      %add3A_184 = arith.constant 16 : i32
      %add3A_185 = arith.addi %mul3A_155, %add3A_184 : i32
      %swap3A_186 = arith.index_cast %add3A_185 : i32 to index
      %swap3A_187 = tpu.vector_load %arg7[%swap3A_186] {strides = array<i32>} : memref<4096xf32, #tpu.memory_space<vmem>>, vector<16xf32>,
      tpu.vector_store %arg7[%swap3A_186], %max3A_183 {strides = array<i32>} : memref<4096xf32, #tpu.memory_space<vmem>>, vector<16xf32>,
      %slice3A_188 = vector.extract_strided_slice %get3A_47 {offsets = [4], sizes = [1], strides = [1]} : vector<16xi32> to vector<1xi32>
      %squeeze3A_189 = vector.extract %slice3A_188[0] : i32 from vector<1xi32>
      %mul3A_190 = arith.constant 32 : i32
      %mul3A_191 = arith.muli %squeeze3A_189, %mul3A_190 : i32
      %mul3A_192 = arith.constant 16 : i32
      %mul3A_193 = arith.muli %scan3A_44, %mul3A_192 : i32
      %add3A_194 = arith.constant 4 : i32
      %add3A_195 = arith.addi %mul3A_193, %add3A_194 : i32
      %mul3A_196 = arith.constant 32 : i32
      %mul3A_197 = arith.muli %add3A_195, %mul3A_196 : i32
      %add3A_198 = arith.constant 0 : i32
      %add3A_199 = arith.addi %mul3A_197, %add3A_198 : i32
      %get3A_200 = arith.index_cast %add3A_199 : i32 to index
      %get3A_201 = tpu.vector_load %arg5[%get3A_200] {strides = array<i32>} : memref<40960xf32, #tpu.memory_space<vmem>>, vector<16xf32>,
      %add3A_202 = arith.constant 0 : i32
      %add3A_203 = arith.addi %mul3A_191, %add3A_202 : i32
      %get3A_204 = arith.index_cast %add3A_203 : i32 to index
      %get3A_205 = tpu.vector_load %arg7[%get3A_204] {strides = array<i32>} : memref<4096xf32, #tpu.memory_space<vmem>>, vector<16xf32>,
      %max3A_206 = arith.maximumf %get3A_205, %get3A_201 : vector<16xf32>
      %add3A_207 = arith.constant 0 : i32
      %add3A_208 = arith.addi %mul3A_191, %add3A_207 : i32
      %swap3A_209 = arith.index_cast %add3A_208 : i32 to index
      %swap3A_210 = tpu.vector_load %arg7[%swap3A_209] {strides = array<i32>} : memref<4096xf32, #tpu.memory_space<vmem>>, vector<16xf32>,
      tpu.vector_store %arg7[%swap3A_209], %max3A_206 {strides = array<i32>} : memref<4096xf32, #tpu.memory_space<vmem>>, vector<16xf32>,
      %add3A_211 = arith.constant 16 : i32
      %add3A_212 = arith.addi %mul3A_197, %add3A_211 : i32
      %get3A_213 = arith.index_cast %add3A_212 : i32 to index
      %get3A_214 = tpu.vector_load %arg5[%get3A_213] {strides = array<i32>} : memref<40960xf32, #tpu.memory_space<vmem>>, vector<16xf32>,
      %add3A_215 = arith.constant 16 : i32
      %add3A_216 = arith.addi %mul3A_191, %add3A_215 : i32
      %get3A_217 = arith.index_cast %add3A_216 : i32 to index
      %get3A_218 = tpu.vector_load %arg7[%get3A_217] {strides = array<i32>} : memref<4096xf32, #tpu.memory_space<vmem>>, vector<16xf32>,
      %max3A_219 = arith.maximumf %get3A_218, %get3A_214 : vector<16xf32>
      %add3A_220 = arith.constant 16 : i32
      %add3A_221 = arith.addi %mul3A_191, %add3A_220 : i32
      %swap3A_222 = arith.index_cast %add3A_221 : i32 to index
      %swap3A_223 = tpu.vector_load %arg7[%swap3A_222] {strides = array<i32>} : memref<4096xf32, #tpu.memory_space<vmem>>, vector<16xf32>,
      tpu.vector_store %arg7[%swap3A_222], %max3A_219 {strides = array<i32>} : memref<4096xf32, #tpu.memory_space<vmem>>, vector<16xf32>,
      %slice3A_224 = vector.extract_strided_slice %get3A_47 {offsets = [5], sizes = [1], strides = [1]} : vector<16xi32> to vector<1xi32>
      %squeeze3A_225 = vector.extract %slice3A_224[0] : i32 from vector<1xi32>
      %mul3A_226 = arith.constant 32 : i32
      %mul3A_227 = arith.muli %squeeze3A_225, %mul3A_226 : i32
      %mul3A_228 = arith.constant 16 : i32
      %mul3A_229 = arith.muli %scan3A_44, %mul3A_228 : i32
      %add3A_230 = arith.constant 5 : i32
      %add3A_231 = arith.addi %mul3A_229, %add3A_230 : i32
      %mul3A_232 = arith.constant 32 : i32
      %mul3A_233 = arith.muli %add3A_231, %mul3A_232 : i32
      %add3A_234 = arith.constant 0 : i32
      %add3A_235 = arith.addi %mul3A_233, %add3A_234 : i32
      %get3A_236 = arith.index_cast %add3A_235 : i32 to index
      %get3A_237 = tpu.vector_load %arg5[%get3A_236] {strides = array<i32>} : memref<40960xf32, #tpu.memory_space<vmem>>, vector<16xf32>,
      %add3A_238 = arith.constant 0 : i32
      %add3A_239 = arith.addi %mul3A_227, %add3A_238 : i32
      %get3A_240 = arith.index_cast %add3A_239 : i32 to index
      %get3A_241 = tpu.vector_load %arg7[%get3A_240] {strides = array<i32>} : memref<4096xf32, #tpu.memory_space<vmem>>, vector<16xf32>,
      %max3A_242 = arith.maximumf %get3A_241, %get3A_237 : vector<16xf32>
      %add3A_243 = arith.constant 0 : i32
      %add3A_244 = arith.addi %mul3A_227, %add3A_243 : i32
      %swap3A_245 = arith.index_cast %add3A_244 : i32 to index
      %swap3A_246 = tpu.vector_load %arg7[%swap3A_245] {strides = array<i32>} : memref<4096xf32, #tpu.memory_space<vmem>>, vector<16xf32>,
      tpu.vector_store %arg7[%swap3A_245], %max3A_242 {strides = array<i32>} : memref<4096xf32, #tpu.memory_space<vmem>>, vector<16xf32>,
      %add3A_247 = arith.constant 16 : i32
      %add3A_248 = arith.addi %mul3A_233, %add3A_247 : i32
      %get3A_249 = arith.index_cast %add3A_248 : i32 to index
      %get3A_250 = tpu.vector_load %arg5[%get3A_249] {strides = array<i32>} : memref<40960xf32, #tpu.memory_space<vmem>>, vector<16xf32>,
      %add3A_251 = arith.constant 16 : i32
      %add3A_252 = arith.addi %mul3A_227, %add3A_251 : i32
      %get3A_253 = arith.index_cast %add3A_252 : i32 to index
      %get3A_254 = tpu.vector_load %arg7[%get3A_253] {strides = array<i32>} : memref<4096xf32, #tpu.memory_space<vmem>>, vector<16xf32>,
      %max3A_255 = arith.maximumf %get3A_254, %get3A_250 : vector<16xf32>
      %add3A_256 = arith.constant 16 : i32
      %add3A_257 = arith.addi %mul3A_227, %add3A_256 : i32
      %swap3A_258 = arith.index_cast %add3A_257 : i32 to index
      %swap3A_259 = tpu.vector_load %arg7[%swap3A_258] {strides = array<i32>} : memref<4096xf32, #tpu.memory_space<vmem>>, vector<16xf32>,
      tpu.vector_store %arg7[%swap3A_258], %max3A_255 {strides = array<i32>} : memref<4096xf32, #tpu.memory_space<vmem>>, vector<16xf32>,
      %slice3A_260 = vector.extract_strided_slice %get3A_47 {offsets = [6], sizes = [1], strides = [1]} : vector<16xi32> to vector<1xi32>
      %squeeze3A_261 = vector.extract %slice3A_260[0] : i32 from vector<1xi32>
      %mul3A_262 = arith.constant 32 : i32
      %mul3A_263 = arith.muli %squeeze3A_261, %mul3A_262 : i32
      %mul3A_264 = arith.constant 16 : i32
      %mul3A_265 = arith.muli %scan3A_44, %mul3A_264 : i32
      %add3A_266 = arith.constant 6 : i32
      %add3A_267 = arith.addi %mul3A_265, %add3A_266 : i32
      %mul3A_268 = arith.constant 32 : i32
      %mul3A_269 = arith.muli %add3A_267, %mul3A_268 : i32
      %add3A_270 = arith.constant 0 : i32
      %add3A_271 = arith.addi %mul3A_269, %add3A_270 : i32
      %get3A_272 = arith.index_cast %add3A_271 : i32 to index
      %get3A_273 = tpu.vector_load %arg5[%get3A_272] {strides = array<i32>} : memref<40960xf32, #tpu.memory_space<vmem>>, vector<16xf32>,
      %add3A_274 = arith.constant 0 : i32
      %add3A_275 = arith.addi %mul3A_263, %add3A_274 : i32
      %get3A_276 = arith.index_cast %add3A_275 : i32 to index
      %get3A_277 = tpu.vector_load %arg7[%get3A_276] {strides = array<i32>} : memref<4096xf32, #tpu.memory_space<vmem>>, vector<16xf32>,
      %max3A_278 = arith.maximumf %get3A_277, %get3A_273 : vector<16xf32>
      %add3A_279 = arith.constant 0 : i32
      %add3A_280 = arith.addi %mul3A_263, %add3A_279 : i32
      %swap3A_281 = arith.index_cast %add3A_280 : i32 to index
      %swap3A_282 = tpu.vector_load %arg7[%swap3A_281] {strides = array<i32>} : memref<4096xf32, #tpu.memory_space<vmem>>, vector<16xf32>,
      tpu.vector_store %arg7[%swap3A_281], %max3A_278 {strides = array<i32>} : memref<4096xf32, #tpu.memory_space<vmem>>, vector<16xf32>,
      %add3A_283 = arith.constant 16 : i32
      %add3A_284 = arith.addi %mul3A_269, %add3A_283 : i32
      %get3A_285 = arith.index_cast %add3A_284 : i32 to index
      %get3A_286 = tpu.vector_load %arg5[%get3A_285] {strides = array<i32>} : memref<40960xf32, #tpu.memory_space<vmem>>, vector<16xf32>,
      %add3A_287 = arith.constant 16 : i32
      %add3A_288 = arith.addi %mul3A_263, %add3A_287 : i32
      %get3A_289 = arith.index_cast %add3A_288 : i32 to index
      %get3A_290 = tpu.vector_load %arg7[%get3A_289] {strides = array<i32>} : memref<4096xf32, #tpu.memory_space<vmem>>, vector<16xf32>,
      %max3A_291 = arith.maximumf %get3A_290, %get3A_286 : vector<16xf32>
      %add3A_292 = arith.constant 16 : i32
      %add3A_293 = arith.addi %mul3A_263, %add3A_292 : i32
      %swap3A_294 = arith.index_cast %add3A_293 : i32 to index
      %swap3A_295 = tpu.vector_load %arg7[%swap3A_294] {strides = array<i32>} : memref<4096xf32, #tpu.memory_space<vmem>>, vector<16xf32>,
      tpu.vector_store %arg7[%swap3A_294], %max3A_291 {strides = array<i32>} : memref<4096xf32, #tpu.memory_space<vmem>>, vector<16xf32>,
      %slice3A_296 = vector.extract_strided_slice %get3A_47 {offsets = [7], sizes = [1], strides = [1]} : vector<16xi32> to vector<1xi32>
      %squeeze3A_297 = vector.extract %slice3A_296[0] : i32 from vector<1xi32>
      %mul3A_298 = arith.constant 32 : i32
      %mul3A_299 = arith.muli %squeeze3A_297, %mul3A_298 : i32
      %mul3A_300 = arith.constant 16 : i32
      %mul3A_301 = arith.muli %scan3A_44, %mul3A_300 : i32
      %add3A_302 = arith.constant 7 : i32
      %add3A_303 = arith.addi %mul3A_301, %add3A_302 : i32
      %mul3A_304 = arith.constant 32 : i32
      %mul3A_305 = arith.muli %add3A_303, %mul3A_304 : i32
      %add3A_306 = arith.constant 0 : i32
      %add3A_307 = arith.addi %mul3A_305, %add3A_306 : i32
      %get3A_308 = arith.index_cast %add3A_307 : i32 to index
      %get3A_309 = tpu.vector_load %arg5[%get3A_308] {strides = array<i32>} : memref<40960xf32, #tpu.memory_space<vmem>>, vector<16xf32>,
      %add3A_310 = arith.constant 0 : i32
      %add3A_311 = arith.addi %mul3A_299, %add3A_310 : i32
      %get3A_312 = arith.index_cast %add3A_311 : i32 to index
      %get3A_313 = tpu.vector_load %arg7[%get3A_312] {strides = array<i32>} : memref<4096xf32, #tpu.memory_space<vmem>>, vector<16xf32>,
      %max3A_314 = arith.maximumf %get3A_313, %get3A_309 : vector<16xf32>
      %add3A_315 = arith.constant 0 : i32
      %add3A_316 = arith.addi %mul3A_299, %add3A_315 : i32
      %swap3A_317 = arith.index_cast %add3A_316 : i32 to index
      %swap3A_318 = tpu.vector_load %arg7[%swap3A_317] {strides = array<i32>} : memref<4096xf32, #tpu.memory_space<vmem>>, vector<16xf32>,
      tpu.vector_store %arg7[%swap3A_317], %max3A_314 {strides = array<i32>} : memref<4096xf32, #tpu.memory_space<vmem>>, vector<16xf32>,
      %add3A_319 = arith.constant 16 : i32
      %add3A_320 = arith.addi %mul3A_305, %add3A_319 : i32
      %get3A_321 = arith.index_cast %add3A_320 : i32 to index
      %get3A_322 = tpu.vector_load %arg5[%get3A_321] {strides = array<i32>} : memref<40960xf32, #tpu.memory_space<vmem>>, vector<16xf32>,
      %add3A_323 = arith.constant 16 : i32
      %add3A_324 = arith.addi %mul3A_299, %add3A_323 : i32
      %get3A_325 = arith.index_cast %add3A_324 : i32 to index
      %get3A_326 = tpu.vector_load %arg7[%get3A_325] {strides = array<i32>} : memref<4096xf32, #tpu.memory_space<vmem>>, vector<16xf32>,
      %max3A_327 = arith.maximumf %get3A_326, %get3A_322 : vector<16xf32>
      %add3A_328 = arith.constant 16 : i32
      %add3A_329 = arith.addi %mul3A_299, %add3A_328 : i32
      %swap3A_330 = arith.index_cast %add3A_329 : i32 to index
      %swap3A_331 = tpu.vector_load %arg7[%swap3A_330] {strides = array<i32>} : memref<4096xf32, #tpu.memory_space<vmem>>, vector<16xf32>,
      tpu.vector_store %arg7[%swap3A_330], %max3A_327 {strides = array<i32>} : memref<4096xf32, #tpu.memory_space<vmem>>, vector<16xf32>,
      %slice3A_332 = vector.extract_strided_slice %get3A_47 {offsets = [8], sizes = [1], strides = [1]} : vector<16xi32> to vector<1xi32>
      %squeeze3A_333 = vector.extract %slice3A_332[0] : i32 from vector<1xi32>
      %mul3A_334 = arith.constant 32 : i32
      %mul3A_335 = arith.muli %squeeze3A_333, %mul3A_334 : i32
      %mul3A_336 = arith.constant 16 : i32
      %mul3A_337 = arith.muli %scan3A_44, %mul3A_336 : i32
      %add3A_338 = arith.constant 8 : i32
      %add3A_339 = arith.addi %mul3A_337, %add3A_338 : i32
      %mul3A_340 = arith.constant 32 : i32
      %mul3A_341 = arith.muli %add3A_339, %mul3A_340 : i32
      %add3A_342 = arith.constant 0 : i32
      %add3A_343 = arith.addi %mul3A_341, %add3A_342 : i32
      %get3A_344 = arith.index_cast %add3A_343 : i32 to index
      %get3A_345 = tpu.vector_load %arg5[%get3A_344] {strides = array<i32>} : memref<40960xf32, #tpu.memory_space<vmem>>, vector<16xf32>,
      %add3A_346 = arith.constant 0 : i32
      %add3A_347 = arith.addi %mul3A_335, %add3A_346 : i32
      %get3A_348 = arith.index_cast %add3A_347 : i32 to index
      %get3A_349 = tpu.vector_load %arg7[%get3A_348] {strides = array<i32>} : memref<4096xf32, #tpu.memory_space<vmem>>, vector<16xf32>,
      %max3A_350 = arith.maximumf %get3A_349, %get3A_345 : vector<16xf32>
      %add3A_351 = arith.constant 0 : i32
      %add3A_352 = arith.addi %mul3A_335, %add3A_351 : i32
      %swap3A_353 = arith.index_cast %add3A_352 : i32 to index
      %swap3A_354 = tpu.vector_load %arg7[%swap3A_353] {strides = array<i32>} : memref<4096xf32, #tpu.memory_space<vmem>>, vector<16xf32>,
      tpu.vector_store %arg7[%swap3A_353], %max3A_350 {strides = array<i32>} : memref<4096xf32, #tpu.memory_space<vmem>>, vector<16xf32>,
      %add3A_355 = arith.constant 16 : i32
      %add3A_356 = arith.addi %mul3A_341, %add3A_355 : i32
      %get3A_357 = arith.index_cast %add3A_356 : i32 to index
      %get3A_358 = tpu.vector_load %arg5[%get3A_357] {strides = array<i32>} : memref<40960xf32, #tpu.memory_space<vmem>>, vector<16xf32>,
      %add3A_359 = arith.constant 16 : i32
      %add3A_360 = arith.addi %mul3A_335, %add3A_359 : i32
      %get3A_361 = arith.index_cast %add3A_360 : i32 to index
      %get3A_362 = tpu.vector_load %arg7[%get3A_361] {strides = array<i32>} : memref<4096xf32, #tpu.memory_space<vmem>>, vector<16xf32>,
      %max3A_363 = arith.maximumf %get3A_362, %get3A_358 : vector<16xf32>
      %add3A_364 = arith.constant 16 : i32
      %add3A_365 = arith.addi %mul3A_335, %add3A_364 : i32
      %swap3A_366 = arith.index_cast %add3A_365 : i32 to index
      %swap3A_367 = tpu.vector_load %arg7[%swap3A_366] {strides = array<i32>} : memref<4096xf32, #tpu.memory_space<vmem>>, vector<16xf32>,
      tpu.vector_store %arg7[%swap3A_366], %max3A_363 {strides = array<i32>} : memref<4096xf32, #tpu.memory_space<vmem>>, vector<16xf32>,
      %slice3A_368 = vector.extract_strided_slice %get3A_47 {offsets = [9], sizes = [1], strides = [1]} : vector<16xi32> to vector<1xi32>
      %squeeze3A_369 = vector.extract %slice3A_368[0] : i32 from vector<1xi32>
      %mul3A_370 = arith.constant 32 : i32
      %mul3A_371 = arith.muli %squeeze3A_369, %mul3A_370 : i32
      %mul3A_372 = arith.constant 16 : i32
      %mul3A_373 = arith.muli %scan3A_44, %mul3A_372 : i32
      %add3A_374 = arith.constant 9 : i32
      %add3A_375 = arith.addi %mul3A_373, %add3A_374 : i32
      %mul3A_376 = arith.constant 32 : i32
      %mul3A_377 = arith.muli %add3A_375, %mul3A_376 : i32
      %add3A_378 = arith.constant 0 : i32
      %add3A_379 = arith.addi %mul3A_377, %add3A_378 : i32
      %get3A_380 = arith.index_cast %add3A_379 : i32 to index
      %get3A_381 = tpu.vector_load %arg5[%get3A_380] {strides = array<i32>} : memref<40960xf32, #tpu.memory_space<vmem>>, vector<16xf32>,
      %add3A_382 = arith.constant 0 : i32
      %add3A_383 = arith.addi %mul3A_371, %add3A_382 : i32
      %get3A_384 = arith.index_cast %add3A_383 : i32 to index
      %get3A_385 = tpu.vector_load %arg7[%get3A_384] {strides = array<i32>} : memref<4096xf32, #tpu.memory_space<vmem>>, vector<16xf32>,
      %max3A_386 = arith.maximumf %get3A_385, %get3A_381 : vector<16xf32>
      %add3A_387 = arith.constant 0 : i32
      %add3A_388 = arith.addi %mul3A_371, %add3A_387 : i32
      %swap3A_389 = arith.index_cast %add3A_388 : i32 to index
      %swap3A_390 = tpu.vector_load %arg7[%swap3A_389] {strides = array<i32>} : memref<4096xf32, #tpu.memory_space<vmem>>, vector<16xf32>,
      tpu.vector_store %arg7[%swap3A_389], %max3A_386 {strides = array<i32>} : memref<4096xf32, #tpu.memory_space<vmem>>, vector<16xf32>,
      %add3A_391 = arith.constant 16 : i32
      %add3A_392 = arith.addi %mul3A_377, %add3A_391 : i32
      %get3A_393 = arith.index_cast %add3A_392 : i32 to index
      %get3A_394 = tpu.vector_load %arg5[%get3A_393] {strides = array<i32>} : memref<40960xf32, #tpu.memory_space<vmem>>, vector<16xf32>,
      %add3A_395 = arith.constant 16 : i32
      %add3A_396 = arith.addi %mul3A_371, %add3A_395 : i32
      %get3A_397 = arith.index_cast %add3A_396 : i32 to index
      %get3A_398 = tpu.vector_load %arg7[%get3A_397] {strides = array<i32>} : memref<4096xf32, #tpu.memory_space<vmem>>, vector<16xf32>,
      %max3A_399 = arith.maximumf %get3A_398, %get3A_394 : vector<16xf32>
      %add3A_400 = arith.constant 16 : i32
      %add3A_401 = arith.addi %mul3A_371, %add3A_400 : i32
      %swap3A_402 = arith.index_cast %add3A_401 : i32 to index
      %swap3A_403 = tpu.vector_load %arg7[%swap3A_402] {strides = array<i32>} : memref<4096xf32, #tpu.memory_space<vmem>>, vector<16xf32>,
      tpu.vector_store %arg7[%swap3A_402], %max3A_399 {strides = array<i32>} : memref<4096xf32, #tpu.memory_space<vmem>>, vector<16xf32>,
      %slice3A_404 = vector.extract_strided_slice %get3A_47 {offsets = [10], sizes = [1], strides = [1]} : vector<16xi32> to vector<1xi32>
      %squeeze3A_405 = vector.extract %slice3A_404[0] : i32 from vector<1xi32>
      %mul3A_406 = arith.constant 32 : i32
      %mul3A_407 = arith.muli %squeeze3A_405, %mul3A_406 : i32
      %mul3A_408 = arith.constant 16 : i32
      %mul3A_409 = arith.muli %scan3A_44, %mul3A_408 : i32
      %add3A_410 = arith.constant 10 : i32
      %add3A_411 = arith.addi %mul3A_409, %add3A_410 : i32
      %mul3A_412 = arith.constant 32 : i32
      %mul3A_413 = arith.muli %add3A_411, %mul3A_412 : i32
      %add3A_414 = arith.constant 0 : i32
      %add3A_415 = arith.addi %mul3A_413, %add3A_414 : i32
      %get3A_416 = arith.index_cast %add3A_415 : i32 to index
      %get3A_417 = tpu.vector_load %arg5[%get3A_416] {strides = array<i32>} : memref<40960xf32, #tpu.memory_space<vmem>>, vector<16xf32>,
      %add3A_418 = arith.constant 0 : i32
      %add3A_419 = arith.addi %mul3A_407, %add3A_418 : i32
      %get3A_420 = arith.index_cast %add3A_419 : i32 to index
      %get3A_421 = tpu.vector_load %arg7[%get3A_420] {strides = array<i32>} : memref<4096xf32, #tpu.memory_space<vmem>>, vector<16xf32>,
      %max3A_422 = arith.maximumf %get3A_421, %get3A_417 : vector<16xf32>
      %add3A_423 = arith.constant 0 : i32
      %add3A_424 = arith.addi %mul3A_407, %add3A_423 : i32
      %swap3A_425 = arith.index_cast %add3A_424 : i32 to index
      %swap3A_426 = tpu.vector_load %arg7[%swap3A_425] {strides = array<i32>} : memref<4096xf32, #tpu.memory_space<vmem>>, vector<16xf32>,
      tpu.vector_store %arg7[%swap3A_425], %max3A_422 {strides = array<i32>} : memref<4096xf32, #tpu.memory_space<vmem>>, vector<16xf32>,
      %add3A_427 = arith.constant 16 : i32
      %add3A_428 = arith.addi %mul3A_413, %add3A_427 : i32
      %get3A_429 = arith.index_cast %add3A_428 : i32 to index
      %get3A_430 = tpu.vector_load %arg5[%get3A_429] {strides = array<i32>} : memref<40960xf32, #tpu.memory_space<vmem>>, vector<16xf32>,
      %add3A_431 = arith.constant 16 : i32
      %add3A_432 = arith.addi %mul3A_407, %add3A_431 : i32
      %get3A_433 = arith.index_cast %add3A_432 : i32 to index
      %get3A_434 = tpu.vector_load %arg7[%get3A_433] {strides = array<i32>} : memref<4096xf32, #tpu.memory_space<vmem>>, vector<16xf32>,
      %max3A_435 = arith.maximumf %get3A_434, %get3A_430 : vector<16xf32>
      %add3A_436 = arith.constant 16 : i32
      %add3A_437 = arith.addi %mul3A_407, %add3A_436 : i32
      %swap3A_438 = arith.index_cast %add3A_437 : i32 to index
      %swap3A_439 = tpu.vector_load %arg7[%swap3A_438] {strides = array<i32>} : memref<4096xf32, #tpu.memory_space<vmem>>, vector<16xf32>,
      tpu.vector_store %arg7[%swap3A_438], %max3A_435 {strides = array<i32>} : memref<4096xf32, #tpu.memory_space<vmem>>, vector<16xf32>,
      %slice3A_440 = vector.extract_strided_slice %get3A_47 {offsets = [11], sizes = [1], strides = [1]} : vector<16xi32> to vector<1xi32>
      %squeeze3A_441 = vector.extract %slice3A_440[0] : i32 from vector<1xi32>
      %mul3A_442 = arith.constant 32 : i32
      %mul3A_443 = arith.muli %squeeze3A_441, %mul3A_442 : i32
      %mul3A_444 = arith.constant 16 : i32
      %mul3A_445 = arith.muli %scan3A_44, %mul3A_444 : i32
      %add3A_446 = arith.constant 11 : i32
      %add3A_447 = arith.addi %mul3A_445, %add3A_446 : i32
      %mul3A_448 = arith.constant 32 : i32
      %mul3A_449 = arith.muli %add3A_447, %mul3A_448 : i32
      %add3A_450 = arith.constant 0 : i32
      %add3A_451 = arith.addi %mul3A_449, %add3A_450 : i32
      %get3A_452 = arith.index_cast %add3A_451 : i32 to index
      %get3A_453 = tpu.vector_load %arg5[%get3A_452] {strides = array<i32>} : memref<40960xf32, #tpu.memory_space<vmem>>, vector<16xf32>,
      %add3A_454 = arith.constant 0 : i32
      %add3A_455 = arith.addi %mul3A_443, %add3A_454 : i32
      %get3A_456 = arith.index_cast %add3A_455 : i32 to index
      %get3A_457 = tpu.vector_load %arg7[%get3A_456] {strides = array<i32>} : memref<4096xf32, #tpu.memory_space<vmem>>, vector<16xf32>,
      %max3A_458 = arith.maximumf %get3A_457, %get3A_453 : vector<16xf32>
      %add3A_459 = arith.constant 0 : i32
      %add3A_460 = arith.addi %mul3A_443, %add3A_459 : i32
      %swap3A_461 = arith.index_cast %add3A_460 : i32 to index
      %swap3A_462 = tpu.vector_load %arg7[%swap3A_461] {strides = array<i32>} : memref<4096xf32, #tpu.memory_space<vmem>>, vector<16xf32>,
      tpu.vector_store %arg7[%swap3A_461], %max3A_458 {strides = array<i32>} : memref<4096xf32, #tpu.memory_space<vmem>>, vector<16xf32>,
      %add3A_463 = arith.constant 16 : i32
      %add3A_464 = arith.addi %mul3A_449, %add3A_463 : i32
      %get3A_465 = arith.index_cast %add3A_464 : i32 to index
      %get3A_466 = tpu.vector_load %arg5[%get3A_465] {strides = array<i32>} : memref<40960xf32, #tpu.memory_space<vmem>>, vector<16xf32>,
      %add3A_467 = arith.constant 16 : i32
      %add3A_468 = arith.addi %mul3A_443, %add3A_467 : i32
      %get3A_469 = arith.index_cast %add3A_468 : i32 to index
      %get3A_470 = tpu.vector_load %arg7[%get3A_469] {strides = array<i32>} : memref<4096xf32, #tpu.memory_space<vmem>>, vector<16xf32>,
      %max3A_471 = arith.maximumf %get3A_470, %get3A_466 : vector<16xf32>
      %add3A_472 = arith.constant 16 : i32
      %add3A_473 = arith.addi %mul3A_443, %add3A_472 : i32
      %swap3A_474 = arith.index_cast %add3A_473 : i32 to index
      %swap3A_475 = tpu.vector_load %arg7[%swap3A_474] {strides = array<i32>} : memref<4096xf32, #tpu.memory_space<vmem>>, vector<16xf32>,
      tpu.vector_store %arg7[%swap3A_474], %max3A_471 {strides = array<i32>} : memref<4096xf32, #tpu.memory_space<vmem>>, vector<16xf32>,
      %slice3A_476 = vector.extract_strided_slice %get3A_47 {offsets = [12], sizes = [1], strides = [1]} : vector<16xi32> to vector<1xi32>
      %squeeze3A_477 = vector.extract %slice3A_476[0] : i32 from vector<1xi32>
      %mul3A_478 = arith.constant 32 : i32
      %mul3A_479 = arith.muli %squeeze3A_477, %mul3A_478 : i32
      %mul3A_480 = arith.constant 16 : i32
      %mul3A_481 = arith.muli %scan3A_44, %mul3A_480 : i32
      %add3A_482 = arith.constant 12 : i32
      %add3A_483 = arith.addi %mul3A_481, %add3A_482 : i32
      %mul3A_484 = arith.constant 32 : i32
      %mul3A_485 = arith.muli %add3A_483, %mul3A_484 : i32
      %add3A_486 = arith.constant 0 : i32
      %add3A_487 = arith.addi %mul3A_485, %add3A_486 : i32
      %get3A_488 = arith.index_cast %add3A_487 : i32 to index
      %get3A_489 = tpu.vector_load %arg5[%get3A_488] {strides = array<i32>} : memref<40960xf32, #tpu.memory_space<vmem>>, vector<16xf32>,
      %add3A_490 = arith.constant 0 : i32
      %add3A_491 = arith.addi %mul3A_479, %add3A_490 : i32
      %get3A_492 = arith.index_cast %add3A_491 : i32 to index
      %get3A_493 = tpu.vector_load %arg7[%get3A_492] {strides = array<i32>} : memref<4096xf32, #tpu.memory_space<vmem>>, vector<16xf32>,
      %max3A_494 = arith.maximumf %get3A_493, %get3A_489 : vector<16xf32>
      %add3A_495 = arith.constant 0 : i32
      %add3A_496 = arith.addi %mul3A_479, %add3A_495 : i32
      %swap3A_497 = arith.index_cast %add3A_496 : i32 to index
      %swap3A_498 = tpu.vector_load %arg7[%swap3A_497] {strides = array<i32>} : memref<4096xf32, #tpu.memory_space<vmem>>, vector<16xf32>,
      tpu.vector_store %arg7[%swap3A_497], %max3A_494 {strides = array<i32>} : memref<4096xf32, #tpu.memory_space<vmem>>, vector<16xf32>,
      %add3A_499 = arith.constant 16 : i32
      %add3A_500 = arith.addi %mul3A_485, %add3A_499 : i32
      %get3A_501 = arith.index_cast %add3A_500 : i32 to index
      %get3A_502 = tpu.vector_load %arg5[%get3A_501] {strides = array<i32>} : memref<40960xf32, #tpu.memory_space<vmem>>, vector<16xf32>,
      %add3A_503 = arith.constant 16 : i32
      %add3A_504 = arith.addi %mul3A_479, %add3A_503 : i32
      %get3A_505 = arith.index_cast %add3A_504 : i32 to index
      %get3A_506 = tpu.vector_load %arg7[%get3A_505] {strides = array<i32>} : memref<4096xf32, #tpu.memory_space<vmem>>, vector<16xf32>,
      %max3A_507 = arith.maximumf %get3A_506, %get3A_502 : vector<16xf32>
      %add3A_508 = arith.constant 16 : i32
      %add3A_509 = arith.addi %mul3A_479, %add3A_508 : i32
      %swap3A_510 = arith.index_cast %add3A_509 : i32 to index
      %swap3A_511 = tpu.vector_load %arg7[%swap3A_510] {strides = array<i32>} : memref<4096xf32, #tpu.memory_space<vmem>>, vector<16xf32>,
      tpu.vector_store %arg7[%swap3A_510], %max3A_507 {strides = array<i32>} : memref<4096xf32, #tpu.memory_space<vmem>>, vector<16xf32>,
      %slice3A_512 = vector.extract_strided_slice %get3A_47 {offsets = [13], sizes = [1], strides = [1]} : vector<16xi32> to vector<1xi32>
      %squeeze3A_513 = vector.extract %slice3A_512[0] : i32 from vector<1xi32>
      %mul3A_514 = arith.constant 32 : i32
      %mul3A_515 = arith.muli %squeeze3A_513, %mul3A_514 : i32
      %mul3A_516 = arith.constant 16 : i32
      %mul3A_517 = arith.muli %scan3A_44, %mul3A_516 : i32
      %add3A_518 = arith.constant 13 : i32
      %add3A_519 = arith.addi %mul3A_517, %add3A_518 : i32
      %mul3A_520 = arith.constant 32 : i32
      %mul3A_521 = arith.muli %add3A_519, %mul3A_520 : i32
      %add3A_522 = arith.constant 0 : i32
      %add3A_523 = arith.addi %mul3A_521, %add3A_522 : i32
      %get3A_524 = arith.index_cast %add3A_523 : i32 to index
      %get3A_525 = tpu.vector_load %arg5[%get3A_524] {strides = array<i32>} : memref<40960xf32, #tpu.memory_space<vmem>>, vector<16xf32>,
      %add3A_526 = arith.constant 0 : i32
      %add3A_527 = arith.addi %mul3A_515, %add3A_526 : i32
      %get3A_528 = arith.index_cast %add3A_527 : i32 to index
      %get3A_529 = tpu.vector_load %arg7[%get3A_528] {strides = array<i32>} : memref<4096xf32, #tpu.memory_space<vmem>>, vector<16xf32>,
      %max3A_530 = arith.maximumf %get3A_529, %get3A_525 : vector<16xf32>
      %add3A_531 = arith.constant 0 : i32
      %add3A_532 = arith.addi %mul3A_515, %add3A_531 : i32
      %swap3A_533 = arith.index_cast %add3A_532 : i32 to index
      %swap3A_534 = tpu.vector_load %arg7[%swap3A_533] {strides = array<i32>} : memref<4096xf32, #tpu.memory_space<vmem>>, vector<16xf32>,
      tpu.vector_store %arg7[%swap3A_533], %max3A_530 {strides = array<i32>} : memref<4096xf32, #tpu.memory_space<vmem>>, vector<16xf32>,
      %add3A_535 = arith.constant 16 : i32
      %add3A_536 = arith.addi %mul3A_521, %add3A_535 : i32
      %get3A_537 = arith.index_cast %add3A_536 : i32 to index
      %get3A_538 = tpu.vector_load %arg5[%get3A_537] {strides = array<i32>} : memref<40960xf32, #tpu.memory_space<vmem>>, vector<16xf32>,
      %add3A_539 = arith.constant 16 : i32
      %add3A_540 = arith.addi %mul3A_515, %add3A_539 : i32
      %get3A_541 = arith.index_cast %add3A_540 : i32 to index
      %get3A_542 = tpu.vector_load %arg7[%get3A_541] {strides = array<i32>} : memref<4096xf32, #tpu.memory_space<vmem>>, vector<16xf32>,
      %max3A_543 = arith.maximumf %get3A_542, %get3A_538 : vector<16xf32>
      %add3A_544 = arith.constant 16 : i32
      %add3A_545 = arith.addi %mul3A_515, %add3A_544 : i32
      %swap3A_546 = arith.index_cast %add3A_545 : i32 to index
      %swap3A_547 = tpu.vector_load %arg7[%swap3A_546] {strides = array<i32>} : memref<4096xf32, #tpu.memory_space<vmem>>, vector<16xf32>,
      tpu.vector_store %arg7[%swap3A_546], %max3A_543 {strides = array<i32>} : memref<4096xf32, #tpu.memory_space<vmem>>, vector<16xf32>,
      %slice3A_548 = vector.extract_strided_slice %get3A_47 {offsets = [14], sizes = [1], strides = [1]} : vector<16xi32> to vector<1xi32>
      %squeeze3A_549 = vector.extract %slice3A_548[0] : i32 from vector<1xi32>
      %mul3A_550 = arith.constant 32 : i32
      %mul3A_551 = arith.muli %squeeze3A_549, %mul3A_550 : i32
      %mul3A_552 = arith.constant 16 : i32
      %mul3A_553 = arith.muli %scan3A_44, %mul3A_552 : i32
      %add3A_554 = arith.constant 14 : i32
      %add3A_555 = arith.addi %mul3A_553, %add3A_554 : i32
      %mul3A_556 = arith.constant 32 : i32
      %mul3A_557 = arith.muli %add3A_555, %mul3A_556 : i32
      %add3A_558 = arith.constant 0 : i32
      %add3A_559 = arith.addi %mul3A_557, %add3A_558 : i32
      %get3A_560 = arith.index_cast %add3A_559 : i32 to index
      %get3A_561 = tpu.vector_load %arg5[%get3A_560] {strides = array<i32>} : memref<40960xf32, #tpu.memory_space<vmem>>, vector<16xf32>,
      %add3A_562 = arith.constant 0 : i32
      %add3A_563 = arith.addi %mul3A_551, %add3A_562 : i32
      %get3A_564 = arith.index_cast %add3A_563 : i32 to index
      %get3A_565 = tpu.vector_load %arg7[%get3A_564] {strides = array<i32>} : memref<4096xf32, #tpu.memory_space<vmem>>, vector<16xf32>,
      %max3A_566 = arith.maximumf %get3A_565, %get3A_561 : vector<16xf32>
      %add3A_567 = arith.constant 0 : i32
      %add3A_568 = arith.addi %mul3A_551, %add3A_567 : i32
      %swap3A_569 = arith.index_cast %add3A_568 : i32 to index
      %swap3A_570 = tpu.vector_load %arg7[%swap3A_569] {strides = array<i32>} : memref<4096xf32, #tpu.memory_space<vmem>>, vector<16xf32>,
      tpu.vector_store %arg7[%swap3A_569], %max3A_566 {strides = array<i32>} : memref<4096xf32, #tpu.memory_space<vmem>>, vector<16xf32>,
      %add3A_571 = arith.constant 16 : i32
      %add3A_572 = arith.addi %mul3A_557, %add3A_571 : i32
      %get3A_573 = arith.index_cast %add3A_572 : i32 to index
      %get3A_574 = tpu.vector_load %arg5[%get3A_573] {strides = array<i32>} : memref<40960xf32, #tpu.memory_space<vmem>>, vector<16xf32>,
      %add3A_575 = arith.constant 16 : i32
      %add3A_576 = arith.addi %mul3A_551, %add3A_575 : i32
      %get3A_577 = arith.index_cast %add3A_576 : i32 to index
      %get3A_578 = tpu.vector_load %arg7[%get3A_577] {strides = array<i32>} : memref<4096xf32, #tpu.memory_space<vmem>>, vector<16xf32>,
      %max3A_579 = arith.maximumf %get3A_578, %get3A_574 : vector<16xf32>
      %add3A_580 = arith.constant 16 : i32
      %add3A_581 = arith.addi %mul3A_551, %add3A_580 : i32
      %swap3A_582 = arith.index_cast %add3A_581 : i32 to index
      %swap3A_583 = tpu.vector_load %arg7[%swap3A_582] {strides = array<i32>} : memref<4096xf32, #tpu.memory_space<vmem>>, vector<16xf32>,
      tpu.vector_store %arg7[%swap3A_582], %max3A_579 {strides = array<i32>} : memref<4096xf32, #tpu.memory_space<vmem>>, vector<16xf32>,
      %slice3A_584 = vector.extract_strided_slice %get3A_47 {offsets = [15], sizes = [1], strides = [1]} : vector<16xi32> to vector<1xi32>
      %squeeze3A_585 = vector.extract %slice3A_584[0] : i32 from vector<1xi32>
      %mul3A_586 = arith.constant 32 : i32
      %mul3A_587 = arith.muli %squeeze3A_585, %mul3A_586 : i32
      %mul3A_588 = arith.constant 16 : i32
      %mul3A_589 = arith.muli %scan3A_44, %mul3A_588 : i32
      %add3A_590 = arith.constant 15 : i32
      %add3A_591 = arith.addi %mul3A_589, %add3A_590 : i32
      %mul3A_592 = arith.constant 32 : i32
      %mul3A_593 = arith.muli %add3A_591, %mul3A_592 : i32
      %add3A_594 = arith.constant 0 : i32
      %add3A_595 = arith.addi %mul3A_593, %add3A_594 : i32
      %get3A_596 = arith.index_cast %add3A_595 : i32 to index
      %get3A_597 = tpu.vector_load %arg5[%get3A_596] {strides = array<i32>} : memref<40960xf32, #tpu.memory_space<vmem>>, vector<16xf32>,
      %add3A_598 = arith.constant 0 : i32
      %add3A_599 = arith.addi %mul3A_587, %add3A_598 : i32
      %get3A_600 = arith.index_cast %add3A_599 : i32 to index
      %get3A_601 = tpu.vector_load %arg7[%get3A_600] {strides = array<i32>} : memref<4096xf32, #tpu.memory_space<vmem>>, vector<16xf32>,
      %max3A_602 = arith.maximumf %get3A_601, %get3A_597 : vector<16xf32>
      %add3A_603 = arith.constant 0 : i32
      %add3A_604 = arith.addi %mul3A_587, %add3A_603 : i32
      %swap3A_605 = arith.index_cast %add3A_604 : i32 to index
      %swap3A_606 = tpu.vector_load %arg7[%swap3A_605] {strides = array<i32>} : memref<4096xf32, #tpu.memory_space<vmem>>, vector<16xf32>,
      tpu.vector_store %arg7[%swap3A_605], %max3A_602 {strides = array<i32>} : memref<4096xf32, #tpu.memory_space<vmem>>, vector<16xf32>,
      %add3A_607 = arith.constant 16 : i32
      %add3A_608 = arith.addi %mul3A_593, %add3A_607 : i32
      %get3A_609 = arith.index_cast %add3A_608 : i32 to index
      %get3A_610 = tpu.vector_load %arg5[%get3A_609] {strides = array<i32>} : memref<40960xf32, #tpu.memory_space<vmem>>, vector<16xf32>,
      %add3A_611 = arith.constant 16 : i32
      %add3A_612 = arith.addi %mul3A_587, %add3A_611 : i32
      %get3A_613 = arith.index_cast %add3A_612 : i32 to index
      %get3A_614 = tpu.vector_load %arg7[%get3A_613] {strides = array<i32>} : memref<4096xf32, #tpu.memory_space<vmem>>, vector<16xf32>,
      %max3A_615 = arith.maximumf %get3A_614, %get3A_610 : vector<16xf32>
      %add3A_616 = arith.constant 16 : i32
      %add3A_617 = arith.addi %mul3A_587, %add3A_616 : i32
      %swap3A_618 = arith.index_cast %add3A_617 : i32 to index
      %swap3A_619 = tpu.vector_load %arg7[%swap3A_618] {strides = array<i32>} : memref<4096xf32, #tpu.memory_space<vmem>>, vector<16xf32>,
      tpu.vector_store %arg7[%swap3A_618], %max3A_615 {strides = array<i32>} : memref<4096xf32, #tpu.memory_space<vmem>>, vector<16xf32>,
    }
    %scan3A_43 = arith.constant 80 : i32
    "tpu.region"() ({
      %run_scoped3A_44 = tpu.sem_alloc : memref<!tpu.dma_semaphore, #tpu.memory_space<semaphore_mem>>
      %dma_start3A = arith.constant 0 : i32
      %dma_start3A_45 = tpu.memref_slice %arg4[%add3A, %dma_start3A] : memref<32x4096xf32, #tpu.memory_space<hbm>> -> memref<1x4096xf32, #tpu.memory_space<hbm>>
      %dma_start3A_46 = tpu.memref_squeeze %dma_start3A_45 : memref<1x4096xf32, #tpu.memory_space<hbm>> -> memref<4096xf32, #tpu.memory_space<hbm>>
      %dma_start3A_47 = arith.constant 0 : i32
      %dma_start3A_48 = tpu.memref_slice %arg4[%add3A, %dma_start3A_47] : memref<32x4096xf32, #tpu.memory_space<hbm>> -> memref<1x4096xf32, #tpu.memory_space<hbm>>
      %dma_start3A_49 = tpu.memref_squeeze %dma_start3A_48 : memref<1x4096xf32, #tpu.memory_space<hbm>> -> memref<4096xf32, #tpu.memory_space<hbm>>
      tpu.enqueue_dma source(%arg7 : memref<4096xf32, #tpu.memory_space<vmem>>) target(%dma_start3A_49 : memref<4096xf32, #tpu.memory_space<hbm>>) target_semaphore(%run_scoped3A_44 : memref<!tpu.dma_semaphore, #tpu.memory_space<semaphore_mem>>)
      %dma_wait3A = arith.constant 0 : i32
      %dma_wait3A_50 = tpu.memref_slice %arg4[%add3A, %dma_wait3A] : memref<32x4096xf32, #tpu.memory_space<hbm>> -> memref<1x4096xf32, #tpu.memory_space<hbm>>
      %dma_wait3A_51 = tpu.memref_squeeze %dma_wait3A_50 : memref<1x4096xf32, #tpu.memory_space<hbm>> -> memref<4096xf32, #tpu.memory_space<hbm>>
      %dma_wait3A_52 = arith.constant 0 : i32
      %dma_wait3A_53 = tpu.memref_slice %arg4[%add3A, %dma_wait3A_52] : memref<32x4096xf32, #tpu.memory_space<hbm>> -> memref<1x4096xf32, #tpu.memory_space<hbm>>
      %dma_wait3A_54 = tpu.memref_squeeze %dma_wait3A_53 : memref<1x4096xf32, #tpu.memory_space<hbm>> -> memref<4096xf32, #tpu.memory_space<hbm>>
      tpu.wait_dma2 semaphore(%run_scoped3A_44 : memref<!tpu.dma_semaphore, #tpu.memory_space<semaphore_mem>>) src(%arg7 : memref<4096xf32, #tpu.memory_space<vmem>>) dst(%dma_wait3A_54 : memref<4096xf32, #tpu.memory_space<hbm>>)
      tpu.yield
    }) : () -> ()
    return
  }
}

#map = affine_map<(d0, d1) -> (0, 0)>
#map1 = affine_map<(d0, d1) -> (0, 0, 0)>
module attributes {stable_mosaic.version = 14 : i64} {
  func.func @k(%arg0: i32, %arg1: i32, %arg2: memref<32x81920xf32, #tpu.memory_space<hbm>>, %arg3: memref<2x1x20480xi32, #tpu.memory_space<hbm>>, %arg4: memref<32x8192xf32, #tpu.memory_space<hbm>>, %arg5: memref<81920xf32, #tpu.memory_space<vmem>>, %arg6: memref<1280xi32, #tpu.memory_space<vmem>>, %arg7: memref<8192xf32, #tpu.memory_space<vmem>>) attributes {dimension_semantics = [#tpu.dimension_semantics<core_parallel>, #tpu.dimension_semantics<subcore_parallel>], iteration_bounds = array<i64: 2, 16>, scalar_prefetch = 0 : i64, scratch_operands = 3 : i64, tpu.core_type = #tpu.core_type<sc_vector_subcore>, window_params = [{transform_indices = #map}, {transform_indices = #map1}, {transform_indices = #map}]} {
    %mul3A = arith.constant 2 : i32
    %mul3A_0 = arith.muli %arg1, %mul3A : i32
    %add3A = arith.addi %mul3A_0, %arg0 : i32
    %jit3A = arith.constant 16 : i32
    %div3A = arith.divsi %add3A, %jit3A : i32
    %sign3A = arith.constant 0 : i32
    %sign3A_1 = arith.cmpi sgt, %add3A, %sign3A : i32
    %sign3A_2 = arith.extui %sign3A_1 : i1 to i32
    %sign3A_3 = arith.constant 0 : i32
    %sign3A_4 = arith.cmpi slt, %add3A, %sign3A_3 : i32
    %sign3A_5 = arith.extui %sign3A_4 : i1 to i32
    %sign3A_6 = arith.subi %sign3A_2, %sign3A_5 : i32
    %sign3A_7 = arith.constant 0 : i32
    %sign3A_8 = arith.cmpi sgt, %jit3A, %sign3A_7 : i32
    %sign3A_9 = arith.extui %sign3A_8 : i1 to i32
    %sign3A_10 = arith.constant 0 : i32
    %sign3A_11 = arith.cmpi slt, %jit3A, %sign3A_10 : i32
    %sign3A_12 = arith.extui %sign3A_11 : i1 to i32
    %sign3A_13 = arith.subi %sign3A_9, %sign3A_12 : i32
    %ne3A = arith.cmpi ne, %sign3A_6, %sign3A_13 : i32
    %rem3A = arith.remsi %add3A, %jit3A : i32
    %ne3A_14 = arith.constant 0 : i32
    %ne3A_15 = arith.cmpi ne, %rem3A, %ne3A_14 : i32
    %and3A = arith.andi %ne3A, %ne3A_15 : i1
    %sub3A = arith.constant 1 : i32
    %sub3A_16 = arith.subi %div3A, %sub3A : i32
    %select_n3A = arith.select %and3A, %sub3A_16, %div3A : i32
    %jit3A_17 = arith.constant 16 : i32
    %eq3A = arith.constant 0 : i32
    %eq3A_18 = arith.cmpi eq, %jit3A_17, %eq3A : i32
    %jit3A_19 = arith.constant 1 : i32
    %select_n3A_20 = arith.select %eq3A_18, %jit3A_19, %jit3A_17 : i32
    %rem3A_21 = arith.remsi %add3A, %select_n3A_20 : i32
    %ne3A_22 = arith.constant 0 : i32
    %ne3A_23 = arith.cmpi ne, %rem3A_21, %ne3A_22 : i32
    %lt3A = arith.constant 0 : i32
    %lt3A_24 = arith.cmpi slt, %rem3A_21, %lt3A : i32
    %lt3A_25 = arith.constant 0 : i32
    %lt3A_26 = arith.cmpi slt, %select_n3A_20, %lt3A_25 : i32
    %ne3A_27 = arith.xori %lt3A_24, %lt3A_26 : i1
    %and3A_28 = arith.andi %ne3A_27, %ne3A_23 : i1
    %add3A_29 = arith.addi %rem3A_21, %select_n3A_20 : i32
    %select_n3A_30 = arith.select %and3A_28, %add3A_29, %rem3A_21 : i32
    %mul3A_31 = arith.constant 1280 : i32
    %mul3A_32 = arith.muli %select_n3A_30, %mul3A_31 : i32
    "tpu.region"() ({
      %run_scoped3A_44 = tpu.sem_alloc : memref<!tpu.dma_semaphore, #tpu.memory_space<semaphore_mem>>
      %dma_start3A = arith.constant 0 : i32
      %dma_start3A_45 = tpu.memref_slice %arg2[%add3A, %dma_start3A] : memref<32x81920xf32, #tpu.memory_space<hbm>> -> memref<1x81920xf32, #tpu.memory_space<hbm>>
      %dma_start3A_46 = tpu.memref_squeeze %dma_start3A_45 : memref<1x81920xf32, #tpu.memory_space<hbm>> -> memref<81920xf32, #tpu.memory_space<hbm>>
      %dma_start3A_47 = arith.constant 0 : i32
      %dma_start3A_48 = tpu.memref_slice %arg2[%add3A, %dma_start3A_47] : memref<32x81920xf32, #tpu.memory_space<hbm>> -> memref<1x81920xf32, #tpu.memory_space<hbm>>
      %dma_start3A_49 = tpu.memref_squeeze %dma_start3A_48 : memref<1x81920xf32, #tpu.memory_space<hbm>> -> memref<81920xf32, #tpu.memory_space<hbm>>
      tpu.enqueue_dma source(%dma_start3A_49 : memref<81920xf32, #tpu.memory_space<hbm>>) target(%arg5 : memref<81920xf32, #tpu.memory_space<vmem>>) target_semaphore(%run_scoped3A_44 : memref<!tpu.dma_semaphore, #tpu.memory_space<semaphore_mem>>)
      %dma_wait3A = arith.constant 0 : i32
      %dma_wait3A_50 = tpu.memref_slice %arg2[%add3A, %dma_wait3A] : memref<32x81920xf32, #tpu.memory_space<hbm>> -> memref<1x81920xf32, #tpu.memory_space<hbm>>
      %dma_wait3A_51 = tpu.memref_squeeze %dma_wait3A_50 : memref<1x81920xf32, #tpu.memory_space<hbm>> -> memref<81920xf32, #tpu.memory_space<hbm>>
      %dma_wait3A_52 = arith.constant 0 : i32
      %dma_wait3A_53 = tpu.memref_slice %arg2[%add3A, %dma_wait3A_52] : memref<32x81920xf32, #tpu.memory_space<hbm>> -> memref<1x81920xf32, #tpu.memory_space<hbm>>
      %dma_wait3A_54 = tpu.memref_squeeze %dma_wait3A_53 : memref<1x81920xf32, #tpu.memory_space<hbm>> -> memref<81920xf32, #tpu.memory_space<hbm>>
      tpu.wait_dma2 semaphore(%run_scoped3A_44 : memref<!tpu.dma_semaphore, #tpu.memory_space<semaphore_mem>>) src(%dma_wait3A_54 : memref<81920xf32, #tpu.memory_space<hbm>>) dst(%arg5 : memref<81920xf32, #tpu.memory_space<vmem>>)
      tpu.yield
    }) : () -> ()
    %run_scoped3A = arith.constant 0 : i32
    "tpu.region"() ({
      %run_scoped3A_44 = tpu.sem_alloc : memref<!tpu.dma_semaphore, #tpu.memory_space<semaphore_mem>>
      %dma_start3A = tpu.memref_slice %arg3[%select_n3A, %run_scoped3A, %mul3A_32] : memref<2x1x20480xi32, #tpu.memory_space<hbm>> -> memref<1x1x1280xi32, #tpu.memory_space<hbm>>
      %dma_start3A_45 = tpu.memref_squeeze %dma_start3A : memref<1x1x1280xi32, #tpu.memory_space<hbm>> -> memref<1280xi32, #tpu.memory_space<hbm>>
      %dma_start3A_46 = tpu.memref_slice %arg3[%select_n3A, %run_scoped3A, %mul3A_32] : memref<2x1x20480xi32, #tpu.memory_space<hbm>> -> memref<1x1x1280xi32, #tpu.memory_space<hbm>>
      %dma_start3A_47 = tpu.memref_squeeze %dma_start3A_46 : memref<1x1x1280xi32, #tpu.memory_space<hbm>> -> memref<1280xi32, #tpu.memory_space<hbm>>
      tpu.enqueue_dma source(%dma_start3A_47 : memref<1280xi32, #tpu.memory_space<hbm>>) target(%arg6 : memref<1280xi32, #tpu.memory_space<vmem>>) target_semaphore(%run_scoped3A_44 : memref<!tpu.dma_semaphore, #tpu.memory_space<semaphore_mem>>)
      %dma_wait3A = tpu.memref_slice %arg3[%select_n3A, %run_scoped3A, %mul3A_32] : memref<2x1x20480xi32, #tpu.memory_space<hbm>> -> memref<1x1x1280xi32, #tpu.memory_space<hbm>>
      %dma_wait3A_48 = tpu.memref_squeeze %dma_wait3A : memref<1x1x1280xi32, #tpu.memory_space<hbm>> -> memref<1280xi32, #tpu.memory_space<hbm>>
      %dma_wait3A_49 = tpu.memref_slice %arg3[%select_n3A, %run_scoped3A, %mul3A_32] : memref<2x1x20480xi32, #tpu.memory_space<hbm>> -> memref<1x1x1280xi32, #tpu.memory_space<hbm>>
      %dma_wait3A_50 = tpu.memref_squeeze %dma_wait3A_49 : memref<1x1x1280xi32, #tpu.memory_space<hbm>> -> memref<1280xi32, #tpu.memory_space<hbm>>
      tpu.wait_dma2 semaphore(%run_scoped3A_44 : memref<!tpu.dma_semaphore, #tpu.memory_space<semaphore_mem>>) src(%dma_wait3A_50 : memref<1280xi32, #tpu.memory_space<hbm>>) dst(%arg6 : memref<1280xi32, #tpu.memory_space<vmem>>)
      tpu.yield
    }) : () -> ()
    %scan3A = arith.constant 0 : i32
    %scan3A_33 = arith.constant 0 : i32
    %scan3A_34 = arith.constant 512 : i32
    %scan3A_35 = arith.addi %scan3A_33, %scan3A_34 : i32
    %scan3A_36 = arith.constant 1 : i32
    scf.for %scan3A_44 = %scan3A_33 to %scan3A_35 step %scan3A_36  : i32 {
      %broadcast_in_dim3A = arith.constant 0.000000e+00 : f32
      %broadcast_in_dim3A_45 = vector.broadcast %broadcast_in_dim3A : f32 to vector<16xf32>
      %mul3A_46 = arith.constant 16 : i32
      %mul3A_47 = arith.muli %scan3A_44, %mul3A_46 : i32
      %swap3A = arith.index_cast %mul3A_47 : i32 to index
      %swap3A_48 = tpu.vector_load %arg7[%swap3A] {strides = array<i32>} : memref<8192xf32, #tpu.memory_space<vmem>>, vector<16xf32>,
      tpu.vector_store %arg7[%swap3A], %broadcast_in_dim3A_45 {strides = array<i32>} : memref<8192xf32, #tpu.memory_space<vmem>>, vector<16xf32>,
    }
    %scan3A_37 = arith.constant 512 : i32
    %scan3A_38 = arith.constant 0 : i32
    %scan3A_39 = arith.constant 0 : i32
    %scan3A_40 = arith.constant 80 : i32
    %scan3A_41 = arith.addi %scan3A_39, %scan3A_40 : i32
    %scan3A_42 = arith.constant 1 : i32
    scf.for %scan3A_44 = %scan3A_39 to %scan3A_41 step %scan3A_42  : i32 {
      %mul3A_45 = arith.constant 16 : i32
      %mul3A_46 = arith.muli %scan3A_44, %mul3A_45 : i32
      %get3A = arith.index_cast %mul3A_46 : i32 to index
      %get3A_47 = tpu.vector_load %arg6[%get3A] {strides = array<i32>} : memref<1280xi32, #tpu.memory_space<vmem>>, vector<16xi32>,
      %slice3A = vector.extract_strided_slice %get3A_47 {offsets = [0], sizes = [1], strides = [1]} : vector<16xi32> to vector<1xi32>
      %squeeze3A = vector.extract %slice3A[0] : i32 from vector<1xi32>
      %mul3A_48 = arith.constant 64 : i32
      %mul3A_49 = arith.muli %squeeze3A, %mul3A_48 : i32
      %mul3A_50 = arith.constant 16 : i32
      %mul3A_51 = arith.muli %scan3A_44, %mul3A_50 : i32
      %add3A_52 = arith.constant 0 : i32
      %add3A_53 = arith.addi %mul3A_51, %add3A_52 : i32
      %mul3A_54 = arith.constant 64 : i32
      %mul3A_55 = arith.muli %add3A_53, %mul3A_54 : i32
      %add3A_56 = arith.constant 0 : i32
      %add3A_57 = arith.addi %mul3A_55, %add3A_56 : i32
      %get3A_58 = arith.index_cast %add3A_57 : i32 to index
      %get3A_59 = tpu.vector_load %arg5[%get3A_58] {strides = array<i32>} : memref<81920xf32, #tpu.memory_space<vmem>>, vector<16xf32>,
      %add3A_60 = arith.constant 0 : i32
      %add3A_61 = arith.addi %mul3A_49, %add3A_60 : i32
      %get3A_62 = arith.index_cast %add3A_61 : i32 to index
      %get3A_63 = tpu.vector_load %arg7[%get3A_62] {strides = array<i32>} : memref<8192xf32, #tpu.memory_space<vmem>>, vector<16xf32>,
      %max3A = arith.maximumf %get3A_63, %get3A_59 : vector<16xf32>
      %add3A_64 = arith.constant 0 : i32
      %add3A_65 = arith.addi %mul3A_49, %add3A_64 : i32
      %swap3A = arith.index_cast %add3A_65 : i32 to index
      %swap3A_66 = tpu.vector_load %arg7[%swap3A] {strides = array<i32>} : memref<8192xf32, #tpu.memory_space<vmem>>, vector<16xf32>,
      tpu.vector_store %arg7[%swap3A], %max3A {strides = array<i32>} : memref<8192xf32, #tpu.memory_space<vmem>>, vector<16xf32>,
      %add3A_67 = arith.constant 16 : i32
      %add3A_68 = arith.addi %mul3A_55, %add3A_67 : i32
      %get3A_69 = arith.index_cast %add3A_68 : i32 to index
      %get3A_70 = tpu.vector_load %arg5[%get3A_69] {strides = array<i32>} : memref<81920xf32, #tpu.memory_space<vmem>>, vector<16xf32>,
      %add3A_71 = arith.constant 16 : i32
      %add3A_72 = arith.addi %mul3A_49, %add3A_71 : i32
      %get3A_73 = arith.index_cast %add3A_72 : i32 to index
      %get3A_74 = tpu.vector_load %arg7[%get3A_73] {strides = array<i32>} : memref<8192xf32, #tpu.memory_space<vmem>>, vector<16xf32>,
      %max3A_75 = arith.maximumf %get3A_74, %get3A_70 : vector<16xf32>
      %add3A_76 = arith.constant 16 : i32
      %add3A_77 = arith.addi %mul3A_49, %add3A_76 : i32
      %swap3A_78 = arith.index_cast %add3A_77 : i32 to index
      %swap3A_79 = tpu.vector_load %arg7[%swap3A_78] {strides = array<i32>} : memref<8192xf32, #tpu.memory_space<vmem>>, vector<16xf32>,
      tpu.vector_store %arg7[%swap3A_78], %max3A_75 {strides = array<i32>} : memref<8192xf32, #tpu.memory_space<vmem>>, vector<16xf32>,
      %add3A_80 = arith.constant 32 : i32
      %add3A_81 = arith.addi %mul3A_55, %add3A_80 : i32
      %get3A_82 = arith.index_cast %add3A_81 : i32 to index
      %get3A_83 = tpu.vector_load %arg5[%get3A_82] {strides = array<i32>} : memref<81920xf32, #tpu.memory_space<vmem>>, vector<16xf32>,
      %add3A_84 = arith.constant 32 : i32
      %add3A_85 = arith.addi %mul3A_49, %add3A_84 : i32
      %get3A_86 = arith.index_cast %add3A_85 : i32 to index
      %get3A_87 = tpu.vector_load %arg7[%get3A_86] {strides = array<i32>} : memref<8192xf32, #tpu.memory_space<vmem>>, vector<16xf32>,
      %max3A_88 = arith.maximumf %get3A_87, %get3A_83 : vector<16xf32>
      %add3A_89 = arith.constant 32 : i32
      %add3A_90 = arith.addi %mul3A_49, %add3A_89 : i32
      %swap3A_91 = arith.index_cast %add3A_90 : i32 to index
      %swap3A_92 = tpu.vector_load %arg7[%swap3A_91] {strides = array<i32>} : memref<8192xf32, #tpu.memory_space<vmem>>, vector<16xf32>,
      tpu.vector_store %arg7[%swap3A_91], %max3A_88 {strides = array<i32>} : memref<8192xf32, #tpu.memory_space<vmem>>, vector<16xf32>,
      %add3A_93 = arith.constant 48 : i32
      %add3A_94 = arith.addi %mul3A_55, %add3A_93 : i32
      %get3A_95 = arith.index_cast %add3A_94 : i32 to index
      %get3A_96 = tpu.vector_load %arg5[%get3A_95] {strides = array<i32>} : memref<81920xf32, #tpu.memory_space<vmem>>, vector<16xf32>,
      %add3A_97 = arith.constant 48 : i32
      %add3A_98 = arith.addi %mul3A_49, %add3A_97 : i32
      %get3A_99 = arith.index_cast %add3A_98 : i32 to index
      %get3A_100 = tpu.vector_load %arg7[%get3A_99] {strides = array<i32>} : memref<8192xf32, #tpu.memory_space<vmem>>, vector<16xf32>,
      %max3A_101 = arith.maximumf %get3A_100, %get3A_96 : vector<16xf32>
      %add3A_102 = arith.constant 48 : i32
      %add3A_103 = arith.addi %mul3A_49, %add3A_102 : i32
      %swap3A_104 = arith.index_cast %add3A_103 : i32 to index
      %swap3A_105 = tpu.vector_load %arg7[%swap3A_104] {strides = array<i32>} : memref<8192xf32, #tpu.memory_space<vmem>>, vector<16xf32>,
      tpu.vector_store %arg7[%swap3A_104], %max3A_101 {strides = array<i32>} : memref<8192xf32, #tpu.memory_space<vmem>>, vector<16xf32>,
      %slice3A_106 = vector.extract_strided_slice %get3A_47 {offsets = [1], sizes = [1], strides = [1]} : vector<16xi32> to vector<1xi32>
      %squeeze3A_107 = vector.extract %slice3A_106[0] : i32 from vector<1xi32>
      %mul3A_108 = arith.constant 64 : i32
      %mul3A_109 = arith.muli %squeeze3A_107, %mul3A_108 : i32
      %mul3A_110 = arith.constant 16 : i32
      %mul3A_111 = arith.muli %scan3A_44, %mul3A_110 : i32
      %add3A_112 = arith.constant 1 : i32
      %add3A_113 = arith.addi %mul3A_111, %add3A_112 : i32
      %mul3A_114 = arith.constant 64 : i32
      %mul3A_115 = arith.muli %add3A_113, %mul3A_114 : i32
      %add3A_116 = arith.constant 0 : i32
      %add3A_117 = arith.addi %mul3A_115, %add3A_116 : i32
      %get3A_118 = arith.index_cast %add3A_117 : i32 to index
      %get3A_119 = tpu.vector_load %arg5[%get3A_118] {strides = array<i32>} : memref<81920xf32, #tpu.memory_space<vmem>>, vector<16xf32>,
      %add3A_120 = arith.constant 0 : i32
      %add3A_121 = arith.addi %mul3A_109, %add3A_120 : i32
      %get3A_122 = arith.index_cast %add3A_121 : i32 to index
      %get3A_123 = tpu.vector_load %arg7[%get3A_122] {strides = array<i32>} : memref<8192xf32, #tpu.memory_space<vmem>>, vector<16xf32>,
      %max3A_124 = arith.maximumf %get3A_123, %get3A_119 : vector<16xf32>
      %add3A_125 = arith.constant 0 : i32
      %add3A_126 = arith.addi %mul3A_109, %add3A_125 : i32
      %swap3A_127 = arith.index_cast %add3A_126 : i32 to index
      %swap3A_128 = tpu.vector_load %arg7[%swap3A_127] {strides = array<i32>} : memref<8192xf32, #tpu.memory_space<vmem>>, vector<16xf32>,
      tpu.vector_store %arg7[%swap3A_127], %max3A_124 {strides = array<i32>} : memref<8192xf32, #tpu.memory_space<vmem>>, vector<16xf32>,
      %add3A_129 = arith.constant 16 : i32
      %add3A_130 = arith.addi %mul3A_115, %add3A_129 : i32
      %get3A_131 = arith.index_cast %add3A_130 : i32 to index
      %get3A_132 = tpu.vector_load %arg5[%get3A_131] {strides = array<i32>} : memref<81920xf32, #tpu.memory_space<vmem>>, vector<16xf32>,
      %add3A_133 = arith.constant 16 : i32
      %add3A_134 = arith.addi %mul3A_109, %add3A_133 : i32
      %get3A_135 = arith.index_cast %add3A_134 : i32 to index
      %get3A_136 = tpu.vector_load %arg7[%get3A_135] {strides = array<i32>} : memref<8192xf32, #tpu.memory_space<vmem>>, vector<16xf32>,
      %max3A_137 = arith.maximumf %get3A_136, %get3A_132 : vector<16xf32>
      %add3A_138 = arith.constant 16 : i32
      %add3A_139 = arith.addi %mul3A_109, %add3A_138 : i32
      %swap3A_140 = arith.index_cast %add3A_139 : i32 to index
      %swap3A_141 = tpu.vector_load %arg7[%swap3A_140] {strides = array<i32>} : memref<8192xf32, #tpu.memory_space<vmem>>, vector<16xf32>,
      tpu.vector_store %arg7[%swap3A_140], %max3A_137 {strides = array<i32>} : memref<8192xf32, #tpu.memory_space<vmem>>, vector<16xf32>,
      %add3A_142 = arith.constant 32 : i32
      %add3A_143 = arith.addi %mul3A_115, %add3A_142 : i32
      %get3A_144 = arith.index_cast %add3A_143 : i32 to index
      %get3A_145 = tpu.vector_load %arg5[%get3A_144] {strides = array<i32>} : memref<81920xf32, #tpu.memory_space<vmem>>, vector<16xf32>,
      %add3A_146 = arith.constant 32 : i32
      %add3A_147 = arith.addi %mul3A_109, %add3A_146 : i32
      %get3A_148 = arith.index_cast %add3A_147 : i32 to index
      %get3A_149 = tpu.vector_load %arg7[%get3A_148] {strides = array<i32>} : memref<8192xf32, #tpu.memory_space<vmem>>, vector<16xf32>,
      %max3A_150 = arith.maximumf %get3A_149, %get3A_145 : vector<16xf32>
      %add3A_151 = arith.constant 32 : i32
      %add3A_152 = arith.addi %mul3A_109, %add3A_151 : i32
      %swap3A_153 = arith.index_cast %add3A_152 : i32 to index
      %swap3A_154 = tpu.vector_load %arg7[%swap3A_153] {strides = array<i32>} : memref<8192xf32, #tpu.memory_space<vmem>>, vector<16xf32>,
      tpu.vector_store %arg7[%swap3A_153], %max3A_150 {strides = array<i32>} : memref<8192xf32, #tpu.memory_space<vmem>>, vector<16xf32>,
      %add3A_155 = arith.constant 48 : i32
      %add3A_156 = arith.addi %mul3A_115, %add3A_155 : i32
      %get3A_157 = arith.index_cast %add3A_156 : i32 to index
      %get3A_158 = tpu.vector_load %arg5[%get3A_157] {strides = array<i32>} : memref<81920xf32, #tpu.memory_space<vmem>>, vector<16xf32>,
      %add3A_159 = arith.constant 48 : i32
      %add3A_160 = arith.addi %mul3A_109, %add3A_159 : i32
      %get3A_161 = arith.index_cast %add3A_160 : i32 to index
      %get3A_162 = tpu.vector_load %arg7[%get3A_161] {strides = array<i32>} : memref<8192xf32, #tpu.memory_space<vmem>>, vector<16xf32>,
      %max3A_163 = arith.maximumf %get3A_162, %get3A_158 : vector<16xf32>
      %add3A_164 = arith.constant 48 : i32
      %add3A_165 = arith.addi %mul3A_109, %add3A_164 : i32
      %swap3A_166 = arith.index_cast %add3A_165 : i32 to index
      %swap3A_167 = tpu.vector_load %arg7[%swap3A_166] {strides = array<i32>} : memref<8192xf32, #tpu.memory_space<vmem>>, vector<16xf32>,
      tpu.vector_store %arg7[%swap3A_166], %max3A_163 {strides = array<i32>} : memref<8192xf32, #tpu.memory_space<vmem>>, vector<16xf32>,
      %slice3A_168 = vector.extract_strided_slice %get3A_47 {offsets = [2], sizes = [1], strides = [1]} : vector<16xi32> to vector<1xi32>
      %squeeze3A_169 = vector.extract %slice3A_168[0] : i32 from vector<1xi32>
      %mul3A_170 = arith.constant 64 : i32
      %mul3A_171 = arith.muli %squeeze3A_169, %mul3A_170 : i32
      %mul3A_172 = arith.constant 16 : i32
      %mul3A_173 = arith.muli %scan3A_44, %mul3A_172 : i32
      %add3A_174 = arith.constant 2 : i32
      %add3A_175 = arith.addi %mul3A_173, %add3A_174 : i32
      %mul3A_176 = arith.constant 64 : i32
      %mul3A_177 = arith.muli %add3A_175, %mul3A_176 : i32
      %add3A_178 = arith.constant 0 : i32
      %add3A_179 = arith.addi %mul3A_177, %add3A_178 : i32
      %get3A_180 = arith.index_cast %add3A_179 : i32 to index
      %get3A_181 = tpu.vector_load %arg5[%get3A_180] {strides = array<i32>} : memref<81920xf32, #tpu.memory_space<vmem>>, vector<16xf32>,
      %add3A_182 = arith.constant 0 : i32
      %add3A_183 = arith.addi %mul3A_171, %add3A_182 : i32
      %get3A_184 = arith.index_cast %add3A_183 : i32 to index
      %get3A_185 = tpu.vector_load %arg7[%get3A_184] {strides = array<i32>} : memref<8192xf32, #tpu.memory_space<vmem>>, vector<16xf32>,
      %max3A_186 = arith.maximumf %get3A_185, %get3A_181 : vector<16xf32>
      %add3A_187 = arith.constant 0 : i32
      %add3A_188 = arith.addi %mul3A_171, %add3A_187 : i32
      %swap3A_189 = arith.index_cast %add3A_188 : i32 to index
      %swap3A_190 = tpu.vector_load %arg7[%swap3A_189] {strides = array<i32>} : memref<8192xf32, #tpu.memory_space<vmem>>, vector<16xf32>,
      tpu.vector_store %arg7[%swap3A_189], %max3A_186 {strides = array<i32>} : memref<8192xf32, #tpu.memory_space<vmem>>, vector<16xf32>,
      %add3A_191 = arith.constant 16 : i32
      %add3A_192 = arith.addi %mul3A_177, %add3A_191 : i32
      %get3A_193 = arith.index_cast %add3A_192 : i32 to index
      %get3A_194 = tpu.vector_load %arg5[%get3A_193] {strides = array<i32>} : memref<81920xf32, #tpu.memory_space<vmem>>, vector<16xf32>,
      %add3A_195 = arith.constant 16 : i32
      %add3A_196 = arith.addi %mul3A_171, %add3A_195 : i32
      %get3A_197 = arith.index_cast %add3A_196 : i32 to index
      %get3A_198 = tpu.vector_load %arg7[%get3A_197] {strides = array<i32>} : memref<8192xf32, #tpu.memory_space<vmem>>, vector<16xf32>,
      %max3A_199 = arith.maximumf %get3A_198, %get3A_194 : vector<16xf32>
      %add3A_200 = arith.constant 16 : i32
      %add3A_201 = arith.addi %mul3A_171, %add3A_200 : i32
      %swap3A_202 = arith.index_cast %add3A_201 : i32 to index
      %swap3A_203 = tpu.vector_load %arg7[%swap3A_202] {strides = array<i32>} : memref<8192xf32, #tpu.memory_space<vmem>>, vector<16xf32>,
      tpu.vector_store %arg7[%swap3A_202], %max3A_199 {strides = array<i32>} : memref<8192xf32, #tpu.memory_space<vmem>>, vector<16xf32>,
      %add3A_204 = arith.constant 32 : i32
      %add3A_205 = arith.addi %mul3A_177, %add3A_204 : i32
      %get3A_206 = arith.index_cast %add3A_205 : i32 to index
      %get3A_207 = tpu.vector_load %arg5[%get3A_206] {strides = array<i32>} : memref<81920xf32, #tpu.memory_space<vmem>>, vector<16xf32>,
      %add3A_208 = arith.constant 32 : i32
      %add3A_209 = arith.addi %mul3A_171, %add3A_208 : i32
      %get3A_210 = arith.index_cast %add3A_209 : i32 to index
      %get3A_211 = tpu.vector_load %arg7[%get3A_210] {strides = array<i32>} : memref<8192xf32, #tpu.memory_space<vmem>>, vector<16xf32>,
      %max3A_212 = arith.maximumf %get3A_211, %get3A_207 : vector<16xf32>
      %add3A_213 = arith.constant 32 : i32
      %add3A_214 = arith.addi %mul3A_171, %add3A_213 : i32
      %swap3A_215 = arith.index_cast %add3A_214 : i32 to index
      %swap3A_216 = tpu.vector_load %arg7[%swap3A_215] {strides = array<i32>} : memref<8192xf32, #tpu.memory_space<vmem>>, vector<16xf32>,
      tpu.vector_store %arg7[%swap3A_215], %max3A_212 {strides = array<i32>} : memref<8192xf32, #tpu.memory_space<vmem>>, vector<16xf32>,
      %add3A_217 = arith.constant 48 : i32
      %add3A_218 = arith.addi %mul3A_177, %add3A_217 : i32
      %get3A_219 = arith.index_cast %add3A_218 : i32 to index
      %get3A_220 = tpu.vector_load %arg5[%get3A_219] {strides = array<i32>} : memref<81920xf32, #tpu.memory_space<vmem>>, vector<16xf32>,
      %add3A_221 = arith.constant 48 : i32
      %add3A_222 = arith.addi %mul3A_171, %add3A_221 : i32
      %get3A_223 = arith.index_cast %add3A_222 : i32 to index
      %get3A_224 = tpu.vector_load %arg7[%get3A_223] {strides = array<i32>} : memref<8192xf32, #tpu.memory_space<vmem>>, vector<16xf32>,
      %max3A_225 = arith.maximumf %get3A_224, %get3A_220 : vector<16xf32>
      %add3A_226 = arith.constant 48 : i32
      %add3A_227 = arith.addi %mul3A_171, %add3A_226 : i32
      %swap3A_228 = arith.index_cast %add3A_227 : i32 to index
      %swap3A_229 = tpu.vector_load %arg7[%swap3A_228] {strides = array<i32>} : memref<8192xf32, #tpu.memory_space<vmem>>, vector<16xf32>,
      tpu.vector_store %arg7[%swap3A_228], %max3A_225 {strides = array<i32>} : memref<8192xf32, #tpu.memory_space<vmem>>, vector<16xf32>,
      %slice3A_230 = vector.extract_strided_slice %get3A_47 {offsets = [3], sizes = [1], strides = [1]} : vector<16xi32> to vector<1xi32>
      %squeeze3A_231 = vector.extract %slice3A_230[0] : i32 from vector<1xi32>
      %mul3A_232 = arith.constant 64 : i32
      %mul3A_233 = arith.muli %squeeze3A_231, %mul3A_232 : i32
      %mul3A_234 = arith.constant 16 : i32
      %mul3A_235 = arith.muli %scan3A_44, %mul3A_234 : i32
      %add3A_236 = arith.constant 3 : i32
      %add3A_237 = arith.addi %mul3A_235, %add3A_236 : i32
      %mul3A_238 = arith.constant 64 : i32
      %mul3A_239 = arith.muli %add3A_237, %mul3A_238 : i32
      %add3A_240 = arith.constant 0 : i32
      %add3A_241 = arith.addi %mul3A_239, %add3A_240 : i32
      %get3A_242 = arith.index_cast %add3A_241 : i32 to index
      %get3A_243 = tpu.vector_load %arg5[%get3A_242] {strides = array<i32>} : memref<81920xf32, #tpu.memory_space<vmem>>, vector<16xf32>,
      %add3A_244 = arith.constant 0 : i32
      %add3A_245 = arith.addi %mul3A_233, %add3A_244 : i32
      %get3A_246 = arith.index_cast %add3A_245 : i32 to index
      %get3A_247 = tpu.vector_load %arg7[%get3A_246] {strides = array<i32>} : memref<8192xf32, #tpu.memory_space<vmem>>, vector<16xf32>,
      %max3A_248 = arith.maximumf %get3A_247, %get3A_243 : vector<16xf32>
      %add3A_249 = arith.constant 0 : i32
      %add3A_250 = arith.addi %mul3A_233, %add3A_249 : i32
      %swap3A_251 = arith.index_cast %add3A_250 : i32 to index
      %swap3A_252 = tpu.vector_load %arg7[%swap3A_251] {strides = array<i32>} : memref<8192xf32, #tpu.memory_space<vmem>>, vector<16xf32>,
      tpu.vector_store %arg7[%swap3A_251], %max3A_248 {strides = array<i32>} : memref<8192xf32, #tpu.memory_space<vmem>>, vector<16xf32>,
      %add3A_253 = arith.constant 16 : i32
      %add3A_254 = arith.addi %mul3A_239, %add3A_253 : i32
      %get3A_255 = arith.index_cast %add3A_254 : i32 to index
      %get3A_256 = tpu.vector_load %arg5[%get3A_255] {strides = array<i32>} : memref<81920xf32, #tpu.memory_space<vmem>>, vector<16xf32>,
      %add3A_257 = arith.constant 16 : i32
      %add3A_258 = arith.addi %mul3A_233, %add3A_257 : i32
      %get3A_259 = arith.index_cast %add3A_258 : i32 to index
      %get3A_260 = tpu.vector_load %arg7[%get3A_259] {strides = array<i32>} : memref<8192xf32, #tpu.memory_space<vmem>>, vector<16xf32>,
      %max3A_261 = arith.maximumf %get3A_260, %get3A_256 : vector<16xf32>
      %add3A_262 = arith.constant 16 : i32
      %add3A_263 = arith.addi %mul3A_233, %add3A_262 : i32
      %swap3A_264 = arith.index_cast %add3A_263 : i32 to index
      %swap3A_265 = tpu.vector_load %arg7[%swap3A_264] {strides = array<i32>} : memref<8192xf32, #tpu.memory_space<vmem>>, vector<16xf32>,
      tpu.vector_store %arg7[%swap3A_264], %max3A_261 {strides = array<i32>} : memref<8192xf32, #tpu.memory_space<vmem>>, vector<16xf32>,
      %add3A_266 = arith.constant 32 : i32
      %add3A_267 = arith.addi %mul3A_239, %add3A_266 : i32
      %get3A_268 = arith.index_cast %add3A_267 : i32 to index
      %get3A_269 = tpu.vector_load %arg5[%get3A_268] {strides = array<i32>} : memref<81920xf32, #tpu.memory_space<vmem>>, vector<16xf32>,
      %add3A_270 = arith.constant 32 : i32
      %add3A_271 = arith.addi %mul3A_233, %add3A_270 : i32
      %get3A_272 = arith.index_cast %add3A_271 : i32 to index
      %get3A_273 = tpu.vector_load %arg7[%get3A_272] {strides = array<i32>} : memref<8192xf32, #tpu.memory_space<vmem>>, vector<16xf32>,
      %max3A_274 = arith.maximumf %get3A_273, %get3A_269 : vector<16xf32>
      %add3A_275 = arith.constant 32 : i32
      %add3A_276 = arith.addi %mul3A_233, %add3A_275 : i32
      %swap3A_277 = arith.index_cast %add3A_276 : i32 to index
      %swap3A_278 = tpu.vector_load %arg7[%swap3A_277] {strides = array<i32>} : memref<8192xf32, #tpu.memory_space<vmem>>, vector<16xf32>,
      tpu.vector_store %arg7[%swap3A_277], %max3A_274 {strides = array<i32>} : memref<8192xf32, #tpu.memory_space<vmem>>, vector<16xf32>,
      %add3A_279 = arith.constant 48 : i32
      %add3A_280 = arith.addi %mul3A_239, %add3A_279 : i32
      %get3A_281 = arith.index_cast %add3A_280 : i32 to index
      %get3A_282 = tpu.vector_load %arg5[%get3A_281] {strides = array<i32>} : memref<81920xf32, #tpu.memory_space<vmem>>, vector<16xf32>,
      %add3A_283 = arith.constant 48 : i32
      %add3A_284 = arith.addi %mul3A_233, %add3A_283 : i32
      %get3A_285 = arith.index_cast %add3A_284 : i32 to index
      %get3A_286 = tpu.vector_load %arg7[%get3A_285] {strides = array<i32>} : memref<8192xf32, #tpu.memory_space<vmem>>, vector<16xf32>,
      %max3A_287 = arith.maximumf %get3A_286, %get3A_282 : vector<16xf32>
      %add3A_288 = arith.constant 48 : i32
      %add3A_289 = arith.addi %mul3A_233, %add3A_288 : i32
      %swap3A_290 = arith.index_cast %add3A_289 : i32 to index
      %swap3A_291 = tpu.vector_load %arg7[%swap3A_290] {strides = array<i32>} : memref<8192xf32, #tpu.memory_space<vmem>>, vector<16xf32>,
      tpu.vector_store %arg7[%swap3A_290], %max3A_287 {strides = array<i32>} : memref<8192xf32, #tpu.memory_space<vmem>>, vector<16xf32>,
      %slice3A_292 = vector.extract_strided_slice %get3A_47 {offsets = [4], sizes = [1], strides = [1]} : vector<16xi32> to vector<1xi32>
      %squeeze3A_293 = vector.extract %slice3A_292[0] : i32 from vector<1xi32>
      %mul3A_294 = arith.constant 64 : i32
      %mul3A_295 = arith.muli %squeeze3A_293, %mul3A_294 : i32
      %mul3A_296 = arith.constant 16 : i32
      %mul3A_297 = arith.muli %scan3A_44, %mul3A_296 : i32
      %add3A_298 = arith.constant 4 : i32
      %add3A_299 = arith.addi %mul3A_297, %add3A_298 : i32
      %mul3A_300 = arith.constant 64 : i32
      %mul3A_301 = arith.muli %add3A_299, %mul3A_300 : i32
      %add3A_302 = arith.constant 0 : i32
      %add3A_303 = arith.addi %mul3A_301, %add3A_302 : i32
      %get3A_304 = arith.index_cast %add3A_303 : i32 to index
      %get3A_305 = tpu.vector_load %arg5[%get3A_304] {strides = array<i32>} : memref<81920xf32, #tpu.memory_space<vmem>>, vector<16xf32>,
      %add3A_306 = arith.constant 0 : i32
      %add3A_307 = arith.addi %mul3A_295, %add3A_306 : i32
      %get3A_308 = arith.index_cast %add3A_307 : i32 to index
      %get3A_309 = tpu.vector_load %arg7[%get3A_308] {strides = array<i32>} : memref<8192xf32, #tpu.memory_space<vmem>>, vector<16xf32>,
      %max3A_310 = arith.maximumf %get3A_309, %get3A_305 : vector<16xf32>
      %add3A_311 = arith.constant 0 : i32
      %add3A_312 = arith.addi %mul3A_295, %add3A_311 : i32
      %swap3A_313 = arith.index_cast %add3A_312 : i32 to index
      %swap3A_314 = tpu.vector_load %arg7[%swap3A_313] {strides = array<i32>} : memref<8192xf32, #tpu.memory_space<vmem>>, vector<16xf32>,
      tpu.vector_store %arg7[%swap3A_313], %max3A_310 {strides = array<i32>} : memref<8192xf32, #tpu.memory_space<vmem>>, vector<16xf32>,
      %add3A_315 = arith.constant 16 : i32
      %add3A_316 = arith.addi %mul3A_301, %add3A_315 : i32
      %get3A_317 = arith.index_cast %add3A_316 : i32 to index
      %get3A_318 = tpu.vector_load %arg5[%get3A_317] {strides = array<i32>} : memref<81920xf32, #tpu.memory_space<vmem>>, vector<16xf32>,
      %add3A_319 = arith.constant 16 : i32
      %add3A_320 = arith.addi %mul3A_295, %add3A_319 : i32
      %get3A_321 = arith.index_cast %add3A_320 : i32 to index
      %get3A_322 = tpu.vector_load %arg7[%get3A_321] {strides = array<i32>} : memref<8192xf32, #tpu.memory_space<vmem>>, vector<16xf32>,
      %max3A_323 = arith.maximumf %get3A_322, %get3A_318 : vector<16xf32>
      %add3A_324 = arith.constant 16 : i32
      %add3A_325 = arith.addi %mul3A_295, %add3A_324 : i32
      %swap3A_326 = arith.index_cast %add3A_325 : i32 to index
      %swap3A_327 = tpu.vector_load %arg7[%swap3A_326] {strides = array<i32>} : memref<8192xf32, #tpu.memory_space<vmem>>, vector<16xf32>,
      tpu.vector_store %arg7[%swap3A_326], %max3A_323 {strides = array<i32>} : memref<8192xf32, #tpu.memory_space<vmem>>, vector<16xf32>,
      %add3A_328 = arith.constant 32 : i32
      %add3A_329 = arith.addi %mul3A_301, %add3A_328 : i32
      %get3A_330 = arith.index_cast %add3A_329 : i32 to index
      %get3A_331 = tpu.vector_load %arg5[%get3A_330] {strides = array<i32>} : memref<81920xf32, #tpu.memory_space<vmem>>, vector<16xf32>,
      %add3A_332 = arith.constant 32 : i32
      %add3A_333 = arith.addi %mul3A_295, %add3A_332 : i32
      %get3A_334 = arith.index_cast %add3A_333 : i32 to index
      %get3A_335 = tpu.vector_load %arg7[%get3A_334] {strides = array<i32>} : memref<8192xf32, #tpu.memory_space<vmem>>, vector<16xf32>,
      %max3A_336 = arith.maximumf %get3A_335, %get3A_331 : vector<16xf32>
      %add3A_337 = arith.constant 32 : i32
      %add3A_338 = arith.addi %mul3A_295, %add3A_337 : i32
      %swap3A_339 = arith.index_cast %add3A_338 : i32 to index
      %swap3A_340 = tpu.vector_load %arg7[%swap3A_339] {strides = array<i32>} : memref<8192xf32, #tpu.memory_space<vmem>>, vector<16xf32>,
      tpu.vector_store %arg7[%swap3A_339], %max3A_336 {strides = array<i32>} : memref<8192xf32, #tpu.memory_space<vmem>>, vector<16xf32>,
      %add3A_341 = arith.constant 48 : i32
      %add3A_342 = arith.addi %mul3A_301, %add3A_341 : i32
      %get3A_343 = arith.index_cast %add3A_342 : i32 to index
      %get3A_344 = tpu.vector_load %arg5[%get3A_343] {strides = array<i32>} : memref<81920xf32, #tpu.memory_space<vmem>>, vector<16xf32>,
      %add3A_345 = arith.constant 48 : i32
      %add3A_346 = arith.addi %mul3A_295, %add3A_345 : i32
      %get3A_347 = arith.index_cast %add3A_346 : i32 to index
      %get3A_348 = tpu.vector_load %arg7[%get3A_347] {strides = array<i32>} : memref<8192xf32, #tpu.memory_space<vmem>>, vector<16xf32>,
      %max3A_349 = arith.maximumf %get3A_348, %get3A_344 : vector<16xf32>
      %add3A_350 = arith.constant 48 : i32
      %add3A_351 = arith.addi %mul3A_295, %add3A_350 : i32
      %swap3A_352 = arith.index_cast %add3A_351 : i32 to index
      %swap3A_353 = tpu.vector_load %arg7[%swap3A_352] {strides = array<i32>} : memref<8192xf32, #tpu.memory_space<vmem>>, vector<16xf32>,
      tpu.vector_store %arg7[%swap3A_352], %max3A_349 {strides = array<i32>} : memref<8192xf32, #tpu.memory_space<vmem>>, vector<16xf32>,
      %slice3A_354 = vector.extract_strided_slice %get3A_47 {offsets = [5], sizes = [1], strides = [1]} : vector<16xi32> to vector<1xi32>
      %squeeze3A_355 = vector.extract %slice3A_354[0] : i32 from vector<1xi32>
      %mul3A_356 = arith.constant 64 : i32
      %mul3A_357 = arith.muli %squeeze3A_355, %mul3A_356 : i32
      %mul3A_358 = arith.constant 16 : i32
      %mul3A_359 = arith.muli %scan3A_44, %mul3A_358 : i32
      %add3A_360 = arith.constant 5 : i32
      %add3A_361 = arith.addi %mul3A_359, %add3A_360 : i32
      %mul3A_362 = arith.constant 64 : i32
      %mul3A_363 = arith.muli %add3A_361, %mul3A_362 : i32
      %add3A_364 = arith.constant 0 : i32
      %add3A_365 = arith.addi %mul3A_363, %add3A_364 : i32
      %get3A_366 = arith.index_cast %add3A_365 : i32 to index
      %get3A_367 = tpu.vector_load %arg5[%get3A_366] {strides = array<i32>} : memref<81920xf32, #tpu.memory_space<vmem>>, vector<16xf32>,
      %add3A_368 = arith.constant 0 : i32
      %add3A_369 = arith.addi %mul3A_357, %add3A_368 : i32
      %get3A_370 = arith.index_cast %add3A_369 : i32 to index
      %get3A_371 = tpu.vector_load %arg7[%get3A_370] {strides = array<i32>} : memref<8192xf32, #tpu.memory_space<vmem>>, vector<16xf32>,
      %max3A_372 = arith.maximumf %get3A_371, %get3A_367 : vector<16xf32>
      %add3A_373 = arith.constant 0 : i32
      %add3A_374 = arith.addi %mul3A_357, %add3A_373 : i32
      %swap3A_375 = arith.index_cast %add3A_374 : i32 to index
      %swap3A_376 = tpu.vector_load %arg7[%swap3A_375] {strides = array<i32>} : memref<8192xf32, #tpu.memory_space<vmem>>, vector<16xf32>,
      tpu.vector_store %arg7[%swap3A_375], %max3A_372 {strides = array<i32>} : memref<8192xf32, #tpu.memory_space<vmem>>, vector<16xf32>,
      %add3A_377 = arith.constant 16 : i32
      %add3A_378 = arith.addi %mul3A_363, %add3A_377 : i32
      %get3A_379 = arith.index_cast %add3A_378 : i32 to index
      %get3A_380 = tpu.vector_load %arg5[%get3A_379] {strides = array<i32>} : memref<81920xf32, #tpu.memory_space<vmem>>, vector<16xf32>,
      %add3A_381 = arith.constant 16 : i32
      %add3A_382 = arith.addi %mul3A_357, %add3A_381 : i32
      %get3A_383 = arith.index_cast %add3A_382 : i32 to index
      %get3A_384 = tpu.vector_load %arg7[%get3A_383] {strides = array<i32>} : memref<8192xf32, #tpu.memory_space<vmem>>, vector<16xf32>,
      %max3A_385 = arith.maximumf %get3A_384, %get3A_380 : vector<16xf32>
      %add3A_386 = arith.constant 16 : i32
      %add3A_387 = arith.addi %mul3A_357, %add3A_386 : i32
      %swap3A_388 = arith.index_cast %add3A_387 : i32 to index
      %swap3A_389 = tpu.vector_load %arg7[%swap3A_388] {strides = array<i32>} : memref<8192xf32, #tpu.memory_space<vmem>>, vector<16xf32>,
      tpu.vector_store %arg7[%swap3A_388], %max3A_385 {strides = array<i32>} : memref<8192xf32, #tpu.memory_space<vmem>>, vector<16xf32>,
      %add3A_390 = arith.constant 32 : i32
      %add3A_391 = arith.addi %mul3A_363, %add3A_390 : i32
      %get3A_392 = arith.index_cast %add3A_391 : i32 to index
      %get3A_393 = tpu.vector_load %arg5[%get3A_392] {strides = array<i32>} : memref<81920xf32, #tpu.memory_space<vmem>>, vector<16xf32>,
      %add3A_394 = arith.constant 32 : i32
      %add3A_395 = arith.addi %mul3A_357, %add3A_394 : i32
      %get3A_396 = arith.index_cast %add3A_395 : i32 to index
      %get3A_397 = tpu.vector_load %arg7[%get3A_396] {strides = array<i32>} : memref<8192xf32, #tpu.memory_space<vmem>>, vector<16xf32>,
      %max3A_398 = arith.maximumf %get3A_397, %get3A_393 : vector<16xf32>
      %add3A_399 = arith.constant 32 : i32
      %add3A_400 = arith.addi %mul3A_357, %add3A_399 : i32
      %swap3A_401 = arith.index_cast %add3A_400 : i32 to index
      %swap3A_402 = tpu.vector_load %arg7[%swap3A_401] {strides = array<i32>} : memref<8192xf32, #tpu.memory_space<vmem>>, vector<16xf32>,
      tpu.vector_store %arg7[%swap3A_401], %max3A_398 {strides = array<i32>} : memref<8192xf32, #tpu.memory_space<vmem>>, vector<16xf32>,
      %add3A_403 = arith.constant 48 : i32
      %add3A_404 = arith.addi %mul3A_363, %add3A_403 : i32
      %get3A_405 = arith.index_cast %add3A_404 : i32 to index
      %get3A_406 = tpu.vector_load %arg5[%get3A_405] {strides = array<i32>} : memref<81920xf32, #tpu.memory_space<vmem>>, vector<16xf32>,
      %add3A_407 = arith.constant 48 : i32
      %add3A_408 = arith.addi %mul3A_357, %add3A_407 : i32
      %get3A_409 = arith.index_cast %add3A_408 : i32 to index
      %get3A_410 = tpu.vector_load %arg7[%get3A_409] {strides = array<i32>} : memref<8192xf32, #tpu.memory_space<vmem>>, vector<16xf32>,
      %max3A_411 = arith.maximumf %get3A_410, %get3A_406 : vector<16xf32>
      %add3A_412 = arith.constant 48 : i32
      %add3A_413 = arith.addi %mul3A_357, %add3A_412 : i32
      %swap3A_414 = arith.index_cast %add3A_413 : i32 to index
      %swap3A_415 = tpu.vector_load %arg7[%swap3A_414] {strides = array<i32>} : memref<8192xf32, #tpu.memory_space<vmem>>, vector<16xf32>,
      tpu.vector_store %arg7[%swap3A_414], %max3A_411 {strides = array<i32>} : memref<8192xf32, #tpu.memory_space<vmem>>, vector<16xf32>,
      %slice3A_416 = vector.extract_strided_slice %get3A_47 {offsets = [6], sizes = [1], strides = [1]} : vector<16xi32> to vector<1xi32>
      %squeeze3A_417 = vector.extract %slice3A_416[0] : i32 from vector<1xi32>
      %mul3A_418 = arith.constant 64 : i32
      %mul3A_419 = arith.muli %squeeze3A_417, %mul3A_418 : i32
      %mul3A_420 = arith.constant 16 : i32
      %mul3A_421 = arith.muli %scan3A_44, %mul3A_420 : i32
      %add3A_422 = arith.constant 6 : i32
      %add3A_423 = arith.addi %mul3A_421, %add3A_422 : i32
      %mul3A_424 = arith.constant 64 : i32
      %mul3A_425 = arith.muli %add3A_423, %mul3A_424 : i32
      %add3A_426 = arith.constant 0 : i32
      %add3A_427 = arith.addi %mul3A_425, %add3A_426 : i32
      %get3A_428 = arith.index_cast %add3A_427 : i32 to index
      %get3A_429 = tpu.vector_load %arg5[%get3A_428] {strides = array<i32>} : memref<81920xf32, #tpu.memory_space<vmem>>, vector<16xf32>,
      %add3A_430 = arith.constant 0 : i32
      %add3A_431 = arith.addi %mul3A_419, %add3A_430 : i32
      %get3A_432 = arith.index_cast %add3A_431 : i32 to index
      %get3A_433 = tpu.vector_load %arg7[%get3A_432] {strides = array<i32>} : memref<8192xf32, #tpu.memory_space<vmem>>, vector<16xf32>,
      %max3A_434 = arith.maximumf %get3A_433, %get3A_429 : vector<16xf32>
      %add3A_435 = arith.constant 0 : i32
      %add3A_436 = arith.addi %mul3A_419, %add3A_435 : i32
      %swap3A_437 = arith.index_cast %add3A_436 : i32 to index
      %swap3A_438 = tpu.vector_load %arg7[%swap3A_437] {strides = array<i32>} : memref<8192xf32, #tpu.memory_space<vmem>>, vector<16xf32>,
      tpu.vector_store %arg7[%swap3A_437], %max3A_434 {strides = array<i32>} : memref<8192xf32, #tpu.memory_space<vmem>>, vector<16xf32>,
      %add3A_439 = arith.constant 16 : i32
      %add3A_440 = arith.addi %mul3A_425, %add3A_439 : i32
      %get3A_441 = arith.index_cast %add3A_440 : i32 to index
      %get3A_442 = tpu.vector_load %arg5[%get3A_441] {strides = array<i32>} : memref<81920xf32, #tpu.memory_space<vmem>>, vector<16xf32>,
      %add3A_443 = arith.constant 16 : i32
      %add3A_444 = arith.addi %mul3A_419, %add3A_443 : i32
      %get3A_445 = arith.index_cast %add3A_444 : i32 to index
      %get3A_446 = tpu.vector_load %arg7[%get3A_445] {strides = array<i32>} : memref<8192xf32, #tpu.memory_space<vmem>>, vector<16xf32>,
      %max3A_447 = arith.maximumf %get3A_446, %get3A_442 : vector<16xf32>
      %add3A_448 = arith.constant 16 : i32
      %add3A_449 = arith.addi %mul3A_419, %add3A_448 : i32
      %swap3A_450 = arith.index_cast %add3A_449 : i32 to index
      %swap3A_451 = tpu.vector_load %arg7[%swap3A_450] {strides = array<i32>} : memref<8192xf32, #tpu.memory_space<vmem>>, vector<16xf32>,
      tpu.vector_store %arg7[%swap3A_450], %max3A_447 {strides = array<i32>} : memref<8192xf32, #tpu.memory_space<vmem>>, vector<16xf32>,
      %add3A_452 = arith.constant 32 : i32
      %add3A_453 = arith.addi %mul3A_425, %add3A_452 : i32
      %get3A_454 = arith.index_cast %add3A_453 : i32 to index
      %get3A_455 = tpu.vector_load %arg5[%get3A_454] {strides = array<i32>} : memref<81920xf32, #tpu.memory_space<vmem>>, vector<16xf32>,
      %add3A_456 = arith.constant 32 : i32
      %add3A_457 = arith.addi %mul3A_419, %add3A_456 : i32
      %get3A_458 = arith.index_cast %add3A_457 : i32 to index
      %get3A_459 = tpu.vector_load %arg7[%get3A_458] {strides = array<i32>} : memref<8192xf32, #tpu.memory_space<vmem>>, vector<16xf32>,
      %max3A_460 = arith.maximumf %get3A_459, %get3A_455 : vector<16xf32>
      %add3A_461 = arith.constant 32 : i32
      %add3A_462 = arith.addi %mul3A_419, %add3A_461 : i32
      %swap3A_463 = arith.index_cast %add3A_462 : i32 to index
      %swap3A_464 = tpu.vector_load %arg7[%swap3A_463] {strides = array<i32>} : memref<8192xf32, #tpu.memory_space<vmem>>, vector<16xf32>,
      tpu.vector_store %arg7[%swap3A_463], %max3A_460 {strides = array<i32>} : memref<8192xf32, #tpu.memory_space<vmem>>, vector<16xf32>,
      %add3A_465 = arith.constant 48 : i32
      %add3A_466 = arith.addi %mul3A_425, %add3A_465 : i32
      %get3A_467 = arith.index_cast %add3A_466 : i32 to index
      %get3A_468 = tpu.vector_load %arg5[%get3A_467] {strides = array<i32>} : memref<81920xf32, #tpu.memory_space<vmem>>, vector<16xf32>,
      %add3A_469 = arith.constant 48 : i32
      %add3A_470 = arith.addi %mul3A_419, %add3A_469 : i32
      %get3A_471 = arith.index_cast %add3A_470 : i32 to index
      %get3A_472 = tpu.vector_load %arg7[%get3A_471] {strides = array<i32>} : memref<8192xf32, #tpu.memory_space<vmem>>, vector<16xf32>,
      %max3A_473 = arith.maximumf %get3A_472, %get3A_468 : vector<16xf32>
      %add3A_474 = arith.constant 48 : i32
      %add3A_475 = arith.addi %mul3A_419, %add3A_474 : i32
      %swap3A_476 = arith.index_cast %add3A_475 : i32 to index
      %swap3A_477 = tpu.vector_load %arg7[%swap3A_476] {strides = array<i32>} : memref<8192xf32, #tpu.memory_space<vmem>>, vector<16xf32>,
      tpu.vector_store %arg7[%swap3A_476], %max3A_473 {strides = array<i32>} : memref<8192xf32, #tpu.memory_space<vmem>>, vector<16xf32>,
      %slice3A_478 = vector.extract_strided_slice %get3A_47 {offsets = [7], sizes = [1], strides = [1]} : vector<16xi32> to vector<1xi32>
      %squeeze3A_479 = vector.extract %slice3A_478[0] : i32 from vector<1xi32>
      %mul3A_480 = arith.constant 64 : i32
      %mul3A_481 = arith.muli %squeeze3A_479, %mul3A_480 : i32
      %mul3A_482 = arith.constant 16 : i32
      %mul3A_483 = arith.muli %scan3A_44, %mul3A_482 : i32
      %add3A_484 = arith.constant 7 : i32
      %add3A_485 = arith.addi %mul3A_483, %add3A_484 : i32
      %mul3A_486 = arith.constant 64 : i32
      %mul3A_487 = arith.muli %add3A_485, %mul3A_486 : i32
      %add3A_488 = arith.constant 0 : i32
      %add3A_489 = arith.addi %mul3A_487, %add3A_488 : i32
      %get3A_490 = arith.index_cast %add3A_489 : i32 to index
      %get3A_491 = tpu.vector_load %arg5[%get3A_490] {strides = array<i32>} : memref<81920xf32, #tpu.memory_space<vmem>>, vector<16xf32>,
      %add3A_492 = arith.constant 0 : i32
      %add3A_493 = arith.addi %mul3A_481, %add3A_492 : i32
      %get3A_494 = arith.index_cast %add3A_493 : i32 to index
      %get3A_495 = tpu.vector_load %arg7[%get3A_494] {strides = array<i32>} : memref<8192xf32, #tpu.memory_space<vmem>>, vector<16xf32>,
      %max3A_496 = arith.maximumf %get3A_495, %get3A_491 : vector<16xf32>
      %add3A_497 = arith.constant 0 : i32
      %add3A_498 = arith.addi %mul3A_481, %add3A_497 : i32
      %swap3A_499 = arith.index_cast %add3A_498 : i32 to index
      %swap3A_500 = tpu.vector_load %arg7[%swap3A_499] {strides = array<i32>} : memref<8192xf32, #tpu.memory_space<vmem>>, vector<16xf32>,
      tpu.vector_store %arg7[%swap3A_499], %max3A_496 {strides = array<i32>} : memref<8192xf32, #tpu.memory_space<vmem>>, vector<16xf32>,
      %add3A_501 = arith.constant 16 : i32
      %add3A_502 = arith.addi %mul3A_487, %add3A_501 : i32
      %get3A_503 = arith.index_cast %add3A_502 : i32 to index
      %get3A_504 = tpu.vector_load %arg5[%get3A_503] {strides = array<i32>} : memref<81920xf32, #tpu.memory_space<vmem>>, vector<16xf32>,
      %add3A_505 = arith.constant 16 : i32
      %add3A_506 = arith.addi %mul3A_481, %add3A_505 : i32
      %get3A_507 = arith.index_cast %add3A_506 : i32 to index
      %get3A_508 = tpu.vector_load %arg7[%get3A_507] {strides = array<i32>} : memref<8192xf32, #tpu.memory_space<vmem>>, vector<16xf32>,
      %max3A_509 = arith.maximumf %get3A_508, %get3A_504 : vector<16xf32>
      %add3A_510 = arith.constant 16 : i32
      %add3A_511 = arith.addi %mul3A_481, %add3A_510 : i32
      %swap3A_512 = arith.index_cast %add3A_511 : i32 to index
      %swap3A_513 = tpu.vector_load %arg7[%swap3A_512] {strides = array<i32>} : memref<8192xf32, #tpu.memory_space<vmem>>, vector<16xf32>,
      tpu.vector_store %arg7[%swap3A_512], %max3A_509 {strides = array<i32>} : memref<8192xf32, #tpu.memory_space<vmem>>, vector<16xf32>,
      %add3A_514 = arith.constant 32 : i32
      %add3A_515 = arith.addi %mul3A_487, %add3A_514 : i32
      %get3A_516 = arith.index_cast %add3A_515 : i32 to index
      %get3A_517 = tpu.vector_load %arg5[%get3A_516] {strides = array<i32>} : memref<81920xf32, #tpu.memory_space<vmem>>, vector<16xf32>,
      %add3A_518 = arith.constant 32 : i32
      %add3A_519 = arith.addi %mul3A_481, %add3A_518 : i32
      %get3A_520 = arith.index_cast %add3A_519 : i32 to index
      %get3A_521 = tpu.vector_load %arg7[%get3A_520] {strides = array<i32>} : memref<8192xf32, #tpu.memory_space<vmem>>, vector<16xf32>,
      %max3A_522 = arith.maximumf %get3A_521, %get3A_517 : vector<16xf32>
      %add3A_523 = arith.constant 32 : i32
      %add3A_524 = arith.addi %mul3A_481, %add3A_523 : i32
      %swap3A_525 = arith.index_cast %add3A_524 : i32 to index
      %swap3A_526 = tpu.vector_load %arg7[%swap3A_525] {strides = array<i32>} : memref<8192xf32, #tpu.memory_space<vmem>>, vector<16xf32>,
      tpu.vector_store %arg7[%swap3A_525], %max3A_522 {strides = array<i32>} : memref<8192xf32, #tpu.memory_space<vmem>>, vector<16xf32>,
      %add3A_527 = arith.constant 48 : i32
      %add3A_528 = arith.addi %mul3A_487, %add3A_527 : i32
      %get3A_529 = arith.index_cast %add3A_528 : i32 to index
      %get3A_530 = tpu.vector_load %arg5[%get3A_529] {strides = array<i32>} : memref<81920xf32, #tpu.memory_space<vmem>>, vector<16xf32>,
      %add3A_531 = arith.constant 48 : i32
      %add3A_532 = arith.addi %mul3A_481, %add3A_531 : i32
      %get3A_533 = arith.index_cast %add3A_532 : i32 to index
      %get3A_534 = tpu.vector_load %arg7[%get3A_533] {strides = array<i32>} : memref<8192xf32, #tpu.memory_space<vmem>>, vector<16xf32>,
      %max3A_535 = arith.maximumf %get3A_534, %get3A_530 : vector<16xf32>
      %add3A_536 = arith.constant 48 : i32
      %add3A_537 = arith.addi %mul3A_481, %add3A_536 : i32
      %swap3A_538 = arith.index_cast %add3A_537 : i32 to index
      %swap3A_539 = tpu.vector_load %arg7[%swap3A_538] {strides = array<i32>} : memref<8192xf32, #tpu.memory_space<vmem>>, vector<16xf32>,
      tpu.vector_store %arg7[%swap3A_538], %max3A_535 {strides = array<i32>} : memref<8192xf32, #tpu.memory_space<vmem>>, vector<16xf32>,
      %slice3A_540 = vector.extract_strided_slice %get3A_47 {offsets = [8], sizes = [1], strides = [1]} : vector<16xi32> to vector<1xi32>
      %squeeze3A_541 = vector.extract %slice3A_540[0] : i32 from vector<1xi32>
      %mul3A_542 = arith.constant 64 : i32
      %mul3A_543 = arith.muli %squeeze3A_541, %mul3A_542 : i32
      %mul3A_544 = arith.constant 16 : i32
      %mul3A_545 = arith.muli %scan3A_44, %mul3A_544 : i32
      %add3A_546 = arith.constant 8 : i32
      %add3A_547 = arith.addi %mul3A_545, %add3A_546 : i32
      %mul3A_548 = arith.constant 64 : i32
      %mul3A_549 = arith.muli %add3A_547, %mul3A_548 : i32
      %add3A_550 = arith.constant 0 : i32
      %add3A_551 = arith.addi %mul3A_549, %add3A_550 : i32
      %get3A_552 = arith.index_cast %add3A_551 : i32 to index
      %get3A_553 = tpu.vector_load %arg5[%get3A_552] {strides = array<i32>} : memref<81920xf32, #tpu.memory_space<vmem>>, vector<16xf32>,
      %add3A_554 = arith.constant 0 : i32
      %add3A_555 = arith.addi %mul3A_543, %add3A_554 : i32
      %get3A_556 = arith.index_cast %add3A_555 : i32 to index
      %get3A_557 = tpu.vector_load %arg7[%get3A_556] {strides = array<i32>} : memref<8192xf32, #tpu.memory_space<vmem>>, vector<16xf32>,
      %max3A_558 = arith.maximumf %get3A_557, %get3A_553 : vector<16xf32>
      %add3A_559 = arith.constant 0 : i32
      %add3A_560 = arith.addi %mul3A_543, %add3A_559 : i32
      %swap3A_561 = arith.index_cast %add3A_560 : i32 to index
      %swap3A_562 = tpu.vector_load %arg7[%swap3A_561] {strides = array<i32>} : memref<8192xf32, #tpu.memory_space<vmem>>, vector<16xf32>,
      tpu.vector_store %arg7[%swap3A_561], %max3A_558 {strides = array<i32>} : memref<8192xf32, #tpu.memory_space<vmem>>, vector<16xf32>,
      %add3A_563 = arith.constant 16 : i32
      %add3A_564 = arith.addi %mul3A_549, %add3A_563 : i32
      %get3A_565 = arith.index_cast %add3A_564 : i32 to index
      %get3A_566 = tpu.vector_load %arg5[%get3A_565] {strides = array<i32>} : memref<81920xf32, #tpu.memory_space<vmem>>, vector<16xf32>,
      %add3A_567 = arith.constant 16 : i32
      %add3A_568 = arith.addi %mul3A_543, %add3A_567 : i32
      %get3A_569 = arith.index_cast %add3A_568 : i32 to index
      %get3A_570 = tpu.vector_load %arg7[%get3A_569] {strides = array<i32>} : memref<8192xf32, #tpu.memory_space<vmem>>, vector<16xf32>,
      %max3A_571 = arith.maximumf %get3A_570, %get3A_566 : vector<16xf32>
      %add3A_572 = arith.constant 16 : i32
      %add3A_573 = arith.addi %mul3A_543, %add3A_572 : i32
      %swap3A_574 = arith.index_cast %add3A_573 : i32 to index
      %swap3A_575 = tpu.vector_load %arg7[%swap3A_574] {strides = array<i32>} : memref<8192xf32, #tpu.memory_space<vmem>>, vector<16xf32>,
      tpu.vector_store %arg7[%swap3A_574], %max3A_571 {strides = array<i32>} : memref<8192xf32, #tpu.memory_space<vmem>>, vector<16xf32>,
      %add3A_576 = arith.constant 32 : i32
      %add3A_577 = arith.addi %mul3A_549, %add3A_576 : i32
      %get3A_578 = arith.index_cast %add3A_577 : i32 to index
      %get3A_579 = tpu.vector_load %arg5[%get3A_578] {strides = array<i32>} : memref<81920xf32, #tpu.memory_space<vmem>>, vector<16xf32>,
      %add3A_580 = arith.constant 32 : i32
      %add3A_581 = arith.addi %mul3A_543, %add3A_580 : i32
      %get3A_582 = arith.index_cast %add3A_581 : i32 to index
      %get3A_583 = tpu.vector_load %arg7[%get3A_582] {strides = array<i32>} : memref<8192xf32, #tpu.memory_space<vmem>>, vector<16xf32>,
      %max3A_584 = arith.maximumf %get3A_583, %get3A_579 : vector<16xf32>
      %add3A_585 = arith.constant 32 : i32
      %add3A_586 = arith.addi %mul3A_543, %add3A_585 : i32
      %swap3A_587 = arith.index_cast %add3A_586 : i32 to index
      %swap3A_588 = tpu.vector_load %arg7[%swap3A_587] {strides = array<i32>} : memref<8192xf32, #tpu.memory_space<vmem>>, vector<16xf32>,
      tpu.vector_store %arg7[%swap3A_587], %max3A_584 {strides = array<i32>} : memref<8192xf32, #tpu.memory_space<vmem>>, vector<16xf32>,
      %add3A_589 = arith.constant 48 : i32
      %add3A_590 = arith.addi %mul3A_549, %add3A_589 : i32
      %get3A_591 = arith.index_cast %add3A_590 : i32 to index
      %get3A_592 = tpu.vector_load %arg5[%get3A_591] {strides = array<i32>} : memref<81920xf32, #tpu.memory_space<vmem>>, vector<16xf32>,
      %add3A_593 = arith.constant 48 : i32
      %add3A_594 = arith.addi %mul3A_543, %add3A_593 : i32
      %get3A_595 = arith.index_cast %add3A_594 : i32 to index
      %get3A_596 = tpu.vector_load %arg7[%get3A_595] {strides = array<i32>} : memref<8192xf32, #tpu.memory_space<vmem>>, vector<16xf32>,
      %max3A_597 = arith.maximumf %get3A_596, %get3A_592 : vector<16xf32>
      %add3A_598 = arith.constant 48 : i32
      %add3A_599 = arith.addi %mul3A_543, %add3A_598 : i32
      %swap3A_600 = arith.index_cast %add3A_599 : i32 to index
      %swap3A_601 = tpu.vector_load %arg7[%swap3A_600] {strides = array<i32>} : memref<8192xf32, #tpu.memory_space<vmem>>, vector<16xf32>,
      tpu.vector_store %arg7[%swap3A_600], %max3A_597 {strides = array<i32>} : memref<8192xf32, #tpu.memory_space<vmem>>, vector<16xf32>,
      %slice3A_602 = vector.extract_strided_slice %get3A_47 {offsets = [9], sizes = [1], strides = [1]} : vector<16xi32> to vector<1xi32>
      %squeeze3A_603 = vector.extract %slice3A_602[0] : i32 from vector<1xi32>
      %mul3A_604 = arith.constant 64 : i32
      %mul3A_605 = arith.muli %squeeze3A_603, %mul3A_604 : i32
      %mul3A_606 = arith.constant 16 : i32
      %mul3A_607 = arith.muli %scan3A_44, %mul3A_606 : i32
      %add3A_608 = arith.constant 9 : i32
      %add3A_609 = arith.addi %mul3A_607, %add3A_608 : i32
      %mul3A_610 = arith.constant 64 : i32
      %mul3A_611 = arith.muli %add3A_609, %mul3A_610 : i32
      %add3A_612 = arith.constant 0 : i32
      %add3A_613 = arith.addi %mul3A_611, %add3A_612 : i32
      %get3A_614 = arith.index_cast %add3A_613 : i32 to index
      %get3A_615 = tpu.vector_load %arg5[%get3A_614] {strides = array<i32>} : memref<81920xf32, #tpu.memory_space<vmem>>, vector<16xf32>,
      %add3A_616 = arith.constant 0 : i32
      %add3A_617 = arith.addi %mul3A_605, %add3A_616 : i32
      %get3A_618 = arith.index_cast %add3A_617 : i32 to index
      %get3A_619 = tpu.vector_load %arg7[%get3A_618] {strides = array<i32>} : memref<8192xf32, #tpu.memory_space<vmem>>, vector<16xf32>,
      %max3A_620 = arith.maximumf %get3A_619, %get3A_615 : vector<16xf32>
      %add3A_621 = arith.constant 0 : i32
      %add3A_622 = arith.addi %mul3A_605, %add3A_621 : i32
      %swap3A_623 = arith.index_cast %add3A_622 : i32 to index
      %swap3A_624 = tpu.vector_load %arg7[%swap3A_623] {strides = array<i32>} : memref<8192xf32, #tpu.memory_space<vmem>>, vector<16xf32>,
      tpu.vector_store %arg7[%swap3A_623], %max3A_620 {strides = array<i32>} : memref<8192xf32, #tpu.memory_space<vmem>>, vector<16xf32>,
      %add3A_625 = arith.constant 16 : i32
      %add3A_626 = arith.addi %mul3A_611, %add3A_625 : i32
      %get3A_627 = arith.index_cast %add3A_626 : i32 to index
      %get3A_628 = tpu.vector_load %arg5[%get3A_627] {strides = array<i32>} : memref<81920xf32, #tpu.memory_space<vmem>>, vector<16xf32>,
      %add3A_629 = arith.constant 16 : i32
      %add3A_630 = arith.addi %mul3A_605, %add3A_629 : i32
      %get3A_631 = arith.index_cast %add3A_630 : i32 to index
      %get3A_632 = tpu.vector_load %arg7[%get3A_631] {strides = array<i32>} : memref<8192xf32, #tpu.memory_space<vmem>>, vector<16xf32>,
      %max3A_633 = arith.maximumf %get3A_632, %get3A_628 : vector<16xf32>
      %add3A_634 = arith.constant 16 : i32
      %add3A_635 = arith.addi %mul3A_605, %add3A_634 : i32
      %swap3A_636 = arith.index_cast %add3A_635 : i32 to index
      %swap3A_637 = tpu.vector_load %arg7[%swap3A_636] {strides = array<i32>} : memref<8192xf32, #tpu.memory_space<vmem>>, vector<16xf32>,
      tpu.vector_store %arg7[%swap3A_636], %max3A_633 {strides = array<i32>} : memref<8192xf32, #tpu.memory_space<vmem>>, vector<16xf32>,
      %add3A_638 = arith.constant 32 : i32
      %add3A_639 = arith.addi %mul3A_611, %add3A_638 : i32
      %get3A_640 = arith.index_cast %add3A_639 : i32 to index
      %get3A_641 = tpu.vector_load %arg5[%get3A_640] {strides = array<i32>} : memref<81920xf32, #tpu.memory_space<vmem>>, vector<16xf32>,
      %add3A_642 = arith.constant 32 : i32
      %add3A_643 = arith.addi %mul3A_605, %add3A_642 : i32
      %get3A_644 = arith.index_cast %add3A_643 : i32 to index
      %get3A_645 = tpu.vector_load %arg7[%get3A_644] {strides = array<i32>} : memref<8192xf32, #tpu.memory_space<vmem>>, vector<16xf32>,
      %max3A_646 = arith.maximumf %get3A_645, %get3A_641 : vector<16xf32>
      %add3A_647 = arith.constant 32 : i32
      %add3A_648 = arith.addi %mul3A_605, %add3A_647 : i32
      %swap3A_649 = arith.index_cast %add3A_648 : i32 to index
      %swap3A_650 = tpu.vector_load %arg7[%swap3A_649] {strides = array<i32>} : memref<8192xf32, #tpu.memory_space<vmem>>, vector<16xf32>,
      tpu.vector_store %arg7[%swap3A_649], %max3A_646 {strides = array<i32>} : memref<8192xf32, #tpu.memory_space<vmem>>, vector<16xf32>,
      %add3A_651 = arith.constant 48 : i32
      %add3A_652 = arith.addi %mul3A_611, %add3A_651 : i32
      %get3A_653 = arith.index_cast %add3A_652 : i32 to index
      %get3A_654 = tpu.vector_load %arg5[%get3A_653] {strides = array<i32>} : memref<81920xf32, #tpu.memory_space<vmem>>, vector<16xf32>,
      %add3A_655 = arith.constant 48 : i32
      %add3A_656 = arith.addi %mul3A_605, %add3A_655 : i32
      %get3A_657 = arith.index_cast %add3A_656 : i32 to index
      %get3A_658 = tpu.vector_load %arg7[%get3A_657] {strides = array<i32>} : memref<8192xf32, #tpu.memory_space<vmem>>, vector<16xf32>,
      %max3A_659 = arith.maximumf %get3A_658, %get3A_654 : vector<16xf32>
      %add3A_660 = arith.constant 48 : i32
      %add3A_661 = arith.addi %mul3A_605, %add3A_660 : i32
      %swap3A_662 = arith.index_cast %add3A_661 : i32 to index
      %swap3A_663 = tpu.vector_load %arg7[%swap3A_662] {strides = array<i32>} : memref<8192xf32, #tpu.memory_space<vmem>>, vector<16xf32>,
      tpu.vector_store %arg7[%swap3A_662], %max3A_659 {strides = array<i32>} : memref<8192xf32, #tpu.memory_space<vmem>>, vector<16xf32>,
      %slice3A_664 = vector.extract_strided_slice %get3A_47 {offsets = [10], sizes = [1], strides = [1]} : vector<16xi32> to vector<1xi32>
      %squeeze3A_665 = vector.extract %slice3A_664[0] : i32 from vector<1xi32>
      %mul3A_666 = arith.constant 64 : i32
      %mul3A_667 = arith.muli %squeeze3A_665, %mul3A_666 : i32
      %mul3A_668 = arith.constant 16 : i32
      %mul3A_669 = arith.muli %scan3A_44, %mul3A_668 : i32
      %add3A_670 = arith.constant 10 : i32
      %add3A_671 = arith.addi %mul3A_669, %add3A_670 : i32
      %mul3A_672 = arith.constant 64 : i32
      %mul3A_673 = arith.muli %add3A_671, %mul3A_672 : i32
      %add3A_674 = arith.constant 0 : i32
      %add3A_675 = arith.addi %mul3A_673, %add3A_674 : i32
      %get3A_676 = arith.index_cast %add3A_675 : i32 to index
      %get3A_677 = tpu.vector_load %arg5[%get3A_676] {strides = array<i32>} : memref<81920xf32, #tpu.memory_space<vmem>>, vector<16xf32>,
      %add3A_678 = arith.constant 0 : i32
      %add3A_679 = arith.addi %mul3A_667, %add3A_678 : i32
      %get3A_680 = arith.index_cast %add3A_679 : i32 to index
      %get3A_681 = tpu.vector_load %arg7[%get3A_680] {strides = array<i32>} : memref<8192xf32, #tpu.memory_space<vmem>>, vector<16xf32>,
      %max3A_682 = arith.maximumf %get3A_681, %get3A_677 : vector<16xf32>
      %add3A_683 = arith.constant 0 : i32
      %add3A_684 = arith.addi %mul3A_667, %add3A_683 : i32
      %swap3A_685 = arith.index_cast %add3A_684 : i32 to index
      %swap3A_686 = tpu.vector_load %arg7[%swap3A_685] {strides = array<i32>} : memref<8192xf32, #tpu.memory_space<vmem>>, vector<16xf32>,
      tpu.vector_store %arg7[%swap3A_685], %max3A_682 {strides = array<i32>} : memref<8192xf32, #tpu.memory_space<vmem>>, vector<16xf32>,
      %add3A_687 = arith.constant 16 : i32
      %add3A_688 = arith.addi %mul3A_673, %add3A_687 : i32
      %get3A_689 = arith.index_cast %add3A_688 : i32 to index
      %get3A_690 = tpu.vector_load %arg5[%get3A_689] {strides = array<i32>} : memref<81920xf32, #tpu.memory_space<vmem>>, vector<16xf32>,
      %add3A_691 = arith.constant 16 : i32
      %add3A_692 = arith.addi %mul3A_667, %add3A_691 : i32
      %get3A_693 = arith.index_cast %add3A_692 : i32 to index
      %get3A_694 = tpu.vector_load %arg7[%get3A_693] {strides = array<i32>} : memref<8192xf32, #tpu.memory_space<vmem>>, vector<16xf32>,
      %max3A_695 = arith.maximumf %get3A_694, %get3A_690 : vector<16xf32>
      %add3A_696 = arith.constant 16 : i32
      %add3A_697 = arith.addi %mul3A_667, %add3A_696 : i32
      %swap3A_698 = arith.index_cast %add3A_697 : i32 to index
      %swap3A_699 = tpu.vector_load %arg7[%swap3A_698] {strides = array<i32>} : memref<8192xf32, #tpu.memory_space<vmem>>, vector<16xf32>,
      tpu.vector_store %arg7[%swap3A_698], %max3A_695 {strides = array<i32>} : memref<8192xf32, #tpu.memory_space<vmem>>, vector<16xf32>,
      %add3A_700 = arith.constant 32 : i32
      %add3A_701 = arith.addi %mul3A_673, %add3A_700 : i32
      %get3A_702 = arith.index_cast %add3A_701 : i32 to index
      %get3A_703 = tpu.vector_load %arg5[%get3A_702] {strides = array<i32>} : memref<81920xf32, #tpu.memory_space<vmem>>, vector<16xf32>,
      %add3A_704 = arith.constant 32 : i32
      %add3A_705 = arith.addi %mul3A_667, %add3A_704 : i32
      %get3A_706 = arith.index_cast %add3A_705 : i32 to index
      %get3A_707 = tpu.vector_load %arg7[%get3A_706] {strides = array<i32>} : memref<8192xf32, #tpu.memory_space<vmem>>, vector<16xf32>,
      %max3A_708 = arith.maximumf %get3A_707, %get3A_703 : vector<16xf32>
      %add3A_709 = arith.constant 32 : i32
      %add3A_710 = arith.addi %mul3A_667, %add3A_709 : i32
      %swap3A_711 = arith.index_cast %add3A_710 : i32 to index
      %swap3A_712 = tpu.vector_load %arg7[%swap3A_711] {strides = array<i32>} : memref<8192xf32, #tpu.memory_space<vmem>>, vector<16xf32>,
      tpu.vector_store %arg7[%swap3A_711], %max3A_708 {strides = array<i32>} : memref<8192xf32, #tpu.memory_space<vmem>>, vector<16xf32>,
      %add3A_713 = arith.constant 48 : i32
      %add3A_714 = arith.addi %mul3A_673, %add3A_713 : i32
      %get3A_715 = arith.index_cast %add3A_714 : i32 to index
      %get3A_716 = tpu.vector_load %arg5[%get3A_715] {strides = array<i32>} : memref<81920xf32, #tpu.memory_space<vmem>>, vector<16xf32>,
      %add3A_717 = arith.constant 48 : i32
      %add3A_718 = arith.addi %mul3A_667, %add3A_717 : i32
      %get3A_719 = arith.index_cast %add3A_718 : i32 to index
      %get3A_720 = tpu.vector_load %arg7[%get3A_719] {strides = array<i32>} : memref<8192xf32, #tpu.memory_space<vmem>>, vector<16xf32>,
      %max3A_721 = arith.maximumf %get3A_720, %get3A_716 : vector<16xf32>
      %add3A_722 = arith.constant 48 : i32
      %add3A_723 = arith.addi %mul3A_667, %add3A_722 : i32
      %swap3A_724 = arith.index_cast %add3A_723 : i32 to index
      %swap3A_725 = tpu.vector_load %arg7[%swap3A_724] {strides = array<i32>} : memref<8192xf32, #tpu.memory_space<vmem>>, vector<16xf32>,
      tpu.vector_store %arg7[%swap3A_724], %max3A_721 {strides = array<i32>} : memref<8192xf32, #tpu.memory_space<vmem>>, vector<16xf32>,
      %slice3A_726 = vector.extract_strided_slice %get3A_47 {offsets = [11], sizes = [1], strides = [1]} : vector<16xi32> to vector<1xi32>
      %squeeze3A_727 = vector.extract %slice3A_726[0] : i32 from vector<1xi32>
      %mul3A_728 = arith.constant 64 : i32
      %mul3A_729 = arith.muli %squeeze3A_727, %mul3A_728 : i32
      %mul3A_730 = arith.constant 16 : i32
      %mul3A_731 = arith.muli %scan3A_44, %mul3A_730 : i32
      %add3A_732 = arith.constant 11 : i32
      %add3A_733 = arith.addi %mul3A_731, %add3A_732 : i32
      %mul3A_734 = arith.constant 64 : i32
      %mul3A_735 = arith.muli %add3A_733, %mul3A_734 : i32
      %add3A_736 = arith.constant 0 : i32
      %add3A_737 = arith.addi %mul3A_735, %add3A_736 : i32
      %get3A_738 = arith.index_cast %add3A_737 : i32 to index
      %get3A_739 = tpu.vector_load %arg5[%get3A_738] {strides = array<i32>} : memref<81920xf32, #tpu.memory_space<vmem>>, vector<16xf32>,
      %add3A_740 = arith.constant 0 : i32
      %add3A_741 = arith.addi %mul3A_729, %add3A_740 : i32
      %get3A_742 = arith.index_cast %add3A_741 : i32 to index
      %get3A_743 = tpu.vector_load %arg7[%get3A_742] {strides = array<i32>} : memref<8192xf32, #tpu.memory_space<vmem>>, vector<16xf32>,
      %max3A_744 = arith.maximumf %get3A_743, %get3A_739 : vector<16xf32>
      %add3A_745 = arith.constant 0 : i32
      %add3A_746 = arith.addi %mul3A_729, %add3A_745 : i32
      %swap3A_747 = arith.index_cast %add3A_746 : i32 to index
      %swap3A_748 = tpu.vector_load %arg7[%swap3A_747] {strides = array<i32>} : memref<8192xf32, #tpu.memory_space<vmem>>, vector<16xf32>,
      tpu.vector_store %arg7[%swap3A_747], %max3A_744 {strides = array<i32>} : memref<8192xf32, #tpu.memory_space<vmem>>, vector<16xf32>,
      %add3A_749 = arith.constant 16 : i32
      %add3A_750 = arith.addi %mul3A_735, %add3A_749 : i32
      %get3A_751 = arith.index_cast %add3A_750 : i32 to index
      %get3A_752 = tpu.vector_load %arg5[%get3A_751] {strides = array<i32>} : memref<81920xf32, #tpu.memory_space<vmem>>, vector<16xf32>,
      %add3A_753 = arith.constant 16 : i32
      %add3A_754 = arith.addi %mul3A_729, %add3A_753 : i32
      %get3A_755 = arith.index_cast %add3A_754 : i32 to index
      %get3A_756 = tpu.vector_load %arg7[%get3A_755] {strides = array<i32>} : memref<8192xf32, #tpu.memory_space<vmem>>, vector<16xf32>,
      %max3A_757 = arith.maximumf %get3A_756, %get3A_752 : vector<16xf32>
      %add3A_758 = arith.constant 16 : i32
      %add3A_759 = arith.addi %mul3A_729, %add3A_758 : i32
      %swap3A_760 = arith.index_cast %add3A_759 : i32 to index
      %swap3A_761 = tpu.vector_load %arg7[%swap3A_760] {strides = array<i32>} : memref<8192xf32, #tpu.memory_space<vmem>>, vector<16xf32>,
      tpu.vector_store %arg7[%swap3A_760], %max3A_757 {strides = array<i32>} : memref<8192xf32, #tpu.memory_space<vmem>>, vector<16xf32>,
      %add3A_762 = arith.constant 32 : i32
      %add3A_763 = arith.addi %mul3A_735, %add3A_762 : i32
      %get3A_764 = arith.index_cast %add3A_763 : i32 to index
      %get3A_765 = tpu.vector_load %arg5[%get3A_764] {strides = array<i32>} : memref<81920xf32, #tpu.memory_space<vmem>>, vector<16xf32>,
      %add3A_766 = arith.constant 32 : i32
      %add3A_767 = arith.addi %mul3A_729, %add3A_766 : i32
      %get3A_768 = arith.index_cast %add3A_767 : i32 to index
      %get3A_769 = tpu.vector_load %arg7[%get3A_768] {strides = array<i32>} : memref<8192xf32, #tpu.memory_space<vmem>>, vector<16xf32>,
      %max3A_770 = arith.maximumf %get3A_769, %get3A_765 : vector<16xf32>
      %add3A_771 = arith.constant 32 : i32
      %add3A_772 = arith.addi %mul3A_729, %add3A_771 : i32
      %swap3A_773 = arith.index_cast %add3A_772 : i32 to index
      %swap3A_774 = tpu.vector_load %arg7[%swap3A_773] {strides = array<i32>} : memref<8192xf32, #tpu.memory_space<vmem>>, vector<16xf32>,
      tpu.vector_store %arg7[%swap3A_773], %max3A_770 {strides = array<i32>} : memref<8192xf32, #tpu.memory_space<vmem>>, vector<16xf32>,
      %add3A_775 = arith.constant 48 : i32
      %add3A_776 = arith.addi %mul3A_735, %add3A_775 : i32
      %get3A_777 = arith.index_cast %add3A_776 : i32 to index
      %get3A_778 = tpu.vector_load %arg5[%get3A_777] {strides = array<i32>} : memref<81920xf32, #tpu.memory_space<vmem>>, vector<16xf32>,
      %add3A_779 = arith.constant 48 : i32
      %add3A_780 = arith.addi %mul3A_729, %add3A_779 : i32
      %get3A_781 = arith.index_cast %add3A_780 : i32 to index
      %get3A_782 = tpu.vector_load %arg7[%get3A_781] {strides = array<i32>} : memref<8192xf32, #tpu.memory_space<vmem>>, vector<16xf32>,
      %max3A_783 = arith.maximumf %get3A_782, %get3A_778 : vector<16xf32>
      %add3A_784 = arith.constant 48 : i32
      %add3A_785 = arith.addi %mul3A_729, %add3A_784 : i32
      %swap3A_786 = arith.index_cast %add3A_785 : i32 to index
      %swap3A_787 = tpu.vector_load %arg7[%swap3A_786] {strides = array<i32>} : memref<8192xf32, #tpu.memory_space<vmem>>, vector<16xf32>,
      tpu.vector_store %arg7[%swap3A_786], %max3A_783 {strides = array<i32>} : memref<8192xf32, #tpu.memory_space<vmem>>, vector<16xf32>,
      %slice3A_788 = vector.extract_strided_slice %get3A_47 {offsets = [12], sizes = [1], strides = [1]} : vector<16xi32> to vector<1xi32>
      %squeeze3A_789 = vector.extract %slice3A_788[0] : i32 from vector<1xi32>
      %mul3A_790 = arith.constant 64 : i32
      %mul3A_791 = arith.muli %squeeze3A_789, %mul3A_790 : i32
      %mul3A_792 = arith.constant 16 : i32
      %mul3A_793 = arith.muli %scan3A_44, %mul3A_792 : i32
      %add3A_794 = arith.constant 12 : i32
      %add3A_795 = arith.addi %mul3A_793, %add3A_794 : i32
      %mul3A_796 = arith.constant 64 : i32
      %mul3A_797 = arith.muli %add3A_795, %mul3A_796 : i32
      %add3A_798 = arith.constant 0 : i32
      %add3A_799 = arith.addi %mul3A_797, %add3A_798 : i32
      %get3A_800 = arith.index_cast %add3A_799 : i32 to index
      %get3A_801 = tpu.vector_load %arg5[%get3A_800] {strides = array<i32>} : memref<81920xf32, #tpu.memory_space<vmem>>, vector<16xf32>,
      %add3A_802 = arith.constant 0 : i32
      %add3A_803 = arith.addi %mul3A_791, %add3A_802 : i32
      %get3A_804 = arith.index_cast %add3A_803 : i32 to index
      %get3A_805 = tpu.vector_load %arg7[%get3A_804] {strides = array<i32>} : memref<8192xf32, #tpu.memory_space<vmem>>, vector<16xf32>,
      %max3A_806 = arith.maximumf %get3A_805, %get3A_801 : vector<16xf32>
      %add3A_807 = arith.constant 0 : i32
      %add3A_808 = arith.addi %mul3A_791, %add3A_807 : i32
      %swap3A_809 = arith.index_cast %add3A_808 : i32 to index
      %swap3A_810 = tpu.vector_load %arg7[%swap3A_809] {strides = array<i32>} : memref<8192xf32, #tpu.memory_space<vmem>>, vector<16xf32>,
      tpu.vector_store %arg7[%swap3A_809], %max3A_806 {strides = array<i32>} : memref<8192xf32, #tpu.memory_space<vmem>>, vector<16xf32>,
      %add3A_811 = arith.constant 16 : i32
      %add3A_812 = arith.addi %mul3A_797, %add3A_811 : i32
      %get3A_813 = arith.index_cast %add3A_812 : i32 to index
      %get3A_814 = tpu.vector_load %arg5[%get3A_813] {strides = array<i32>} : memref<81920xf32, #tpu.memory_space<vmem>>, vector<16xf32>,
      %add3A_815 = arith.constant 16 : i32
      %add3A_816 = arith.addi %mul3A_791, %add3A_815 : i32
      %get3A_817 = arith.index_cast %add3A_816 : i32 to index
      %get3A_818 = tpu.vector_load %arg7[%get3A_817] {strides = array<i32>} : memref<8192xf32, #tpu.memory_space<vmem>>, vector<16xf32>,
      %max3A_819 = arith.maximumf %get3A_818, %get3A_814 : vector<16xf32>
      %add3A_820 = arith.constant 16 : i32
      %add3A_821 = arith.addi %mul3A_791, %add3A_820 : i32
      %swap3A_822 = arith.index_cast %add3A_821 : i32 to index
      %swap3A_823 = tpu.vector_load %arg7[%swap3A_822] {strides = array<i32>} : memref<8192xf32, #tpu.memory_space<vmem>>, vector<16xf32>,
      tpu.vector_store %arg7[%swap3A_822], %max3A_819 {strides = array<i32>} : memref<8192xf32, #tpu.memory_space<vmem>>, vector<16xf32>,
      %add3A_824 = arith.constant 32 : i32
      %add3A_825 = arith.addi %mul3A_797, %add3A_824 : i32
      %get3A_826 = arith.index_cast %add3A_825 : i32 to index
      %get3A_827 = tpu.vector_load %arg5[%get3A_826] {strides = array<i32>} : memref<81920xf32, #tpu.memory_space<vmem>>, vector<16xf32>,
      %add3A_828 = arith.constant 32 : i32
      %add3A_829 = arith.addi %mul3A_791, %add3A_828 : i32
      %get3A_830 = arith.index_cast %add3A_829 : i32 to index
      %get3A_831 = tpu.vector_load %arg7[%get3A_830] {strides = array<i32>} : memref<8192xf32, #tpu.memory_space<vmem>>, vector<16xf32>,
      %max3A_832 = arith.maximumf %get3A_831, %get3A_827 : vector<16xf32>
      %add3A_833 = arith.constant 32 : i32
      %add3A_834 = arith.addi %mul3A_791, %add3A_833 : i32
      %swap3A_835 = arith.index_cast %add3A_834 : i32 to index
      %swap3A_836 = tpu.vector_load %arg7[%swap3A_835] {strides = array<i32>} : memref<8192xf32, #tpu.memory_space<vmem>>, vector<16xf32>,
      tpu.vector_store %arg7[%swap3A_835], %max3A_832 {strides = array<i32>} : memref<8192xf32, #tpu.memory_space<vmem>>, vector<16xf32>,
      %add3A_837 = arith.constant 48 : i32
      %add3A_838 = arith.addi %mul3A_797, %add3A_837 : i32
      %get3A_839 = arith.index_cast %add3A_838 : i32 to index
      %get3A_840 = tpu.vector_load %arg5[%get3A_839] {strides = array<i32>} : memref<81920xf32, #tpu.memory_space<vmem>>, vector<16xf32>,
      %add3A_841 = arith.constant 48 : i32
      %add3A_842 = arith.addi %mul3A_791, %add3A_841 : i32
      %get3A_843 = arith.index_cast %add3A_842 : i32 to index
      %get3A_844 = tpu.vector_load %arg7[%get3A_843] {strides = array<i32>} : memref<8192xf32, #tpu.memory_space<vmem>>, vector<16xf32>,
      %max3A_845 = arith.maximumf %get3A_844, %get3A_840 : vector<16xf32>
      %add3A_846 = arith.constant 48 : i32
      %add3A_847 = arith.addi %mul3A_791, %add3A_846 : i32
      %swap3A_848 = arith.index_cast %add3A_847 : i32 to index
      %swap3A_849 = tpu.vector_load %arg7[%swap3A_848] {strides = array<i32>} : memref<8192xf32, #tpu.memory_space<vmem>>, vector<16xf32>,
      tpu.vector_store %arg7[%swap3A_848], %max3A_845 {strides = array<i32>} : memref<8192xf32, #tpu.memory_space<vmem>>, vector<16xf32>,
      %slice3A_850 = vector.extract_strided_slice %get3A_47 {offsets = [13], sizes = [1], strides = [1]} : vector<16xi32> to vector<1xi32>
      %squeeze3A_851 = vector.extract %slice3A_850[0] : i32 from vector<1xi32>
      %mul3A_852 = arith.constant 64 : i32
      %mul3A_853 = arith.muli %squeeze3A_851, %mul3A_852 : i32
      %mul3A_854 = arith.constant 16 : i32
      %mul3A_855 = arith.muli %scan3A_44, %mul3A_854 : i32
      %add3A_856 = arith.constant 13 : i32
      %add3A_857 = arith.addi %mul3A_855, %add3A_856 : i32
      %mul3A_858 = arith.constant 64 : i32
      %mul3A_859 = arith.muli %add3A_857, %mul3A_858 : i32
      %add3A_860 = arith.constant 0 : i32
      %add3A_861 = arith.addi %mul3A_859, %add3A_860 : i32
      %get3A_862 = arith.index_cast %add3A_861 : i32 to index
      %get3A_863 = tpu.vector_load %arg5[%get3A_862] {strides = array<i32>} : memref<81920xf32, #tpu.memory_space<vmem>>, vector<16xf32>,
      %add3A_864 = arith.constant 0 : i32
      %add3A_865 = arith.addi %mul3A_853, %add3A_864 : i32
      %get3A_866 = arith.index_cast %add3A_865 : i32 to index
      %get3A_867 = tpu.vector_load %arg7[%get3A_866] {strides = array<i32>} : memref<8192xf32, #tpu.memory_space<vmem>>, vector<16xf32>,
      %max3A_868 = arith.maximumf %get3A_867, %get3A_863 : vector<16xf32>
      %add3A_869 = arith.constant 0 : i32
      %add3A_870 = arith.addi %mul3A_853, %add3A_869 : i32
      %swap3A_871 = arith.index_cast %add3A_870 : i32 to index
      %swap3A_872 = tpu.vector_load %arg7[%swap3A_871] {strides = array<i32>} : memref<8192xf32, #tpu.memory_space<vmem>>, vector<16xf32>,
      tpu.vector_store %arg7[%swap3A_871], %max3A_868 {strides = array<i32>} : memref<8192xf32, #tpu.memory_space<vmem>>, vector<16xf32>,
      %add3A_873 = arith.constant 16 : i32
      %add3A_874 = arith.addi %mul3A_859, %add3A_873 : i32
      %get3A_875 = arith.index_cast %add3A_874 : i32 to index
      %get3A_876 = tpu.vector_load %arg5[%get3A_875] {strides = array<i32>} : memref<81920xf32, #tpu.memory_space<vmem>>, vector<16xf32>,
      %add3A_877 = arith.constant 16 : i32
      %add3A_878 = arith.addi %mul3A_853, %add3A_877 : i32
      %get3A_879 = arith.index_cast %add3A_878 : i32 to index
      %get3A_880 = tpu.vector_load %arg7[%get3A_879] {strides = array<i32>} : memref<8192xf32, #tpu.memory_space<vmem>>, vector<16xf32>,
      %max3A_881 = arith.maximumf %get3A_880, %get3A_876 : vector<16xf32>
      %add3A_882 = arith.constant 16 : i32
      %add3A_883 = arith.addi %mul3A_853, %add3A_882 : i32
      %swap3A_884 = arith.index_cast %add3A_883 : i32 to index
      %swap3A_885 = tpu.vector_load %arg7[%swap3A_884] {strides = array<i32>} : memref<8192xf32, #tpu.memory_space<vmem>>, vector<16xf32>,
      tpu.vector_store %arg7[%swap3A_884], %max3A_881 {strides = array<i32>} : memref<8192xf32, #tpu.memory_space<vmem>>, vector<16xf32>,
      %add3A_886 = arith.constant 32 : i32
      %add3A_887 = arith.addi %mul3A_859, %add3A_886 : i32
      %get3A_888 = arith.index_cast %add3A_887 : i32 to index
      %get3A_889 = tpu.vector_load %arg5[%get3A_888] {strides = array<i32>} : memref<81920xf32, #tpu.memory_space<vmem>>, vector<16xf32>,
      %add3A_890 = arith.constant 32 : i32
      %add3A_891 = arith.addi %mul3A_853, %add3A_890 : i32
      %get3A_892 = arith.index_cast %add3A_891 : i32 to index
      %get3A_893 = tpu.vector_load %arg7[%get3A_892] {strides = array<i32>} : memref<8192xf32, #tpu.memory_space<vmem>>, vector<16xf32>,
      %max3A_894 = arith.maximumf %get3A_893, %get3A_889 : vector<16xf32>
      %add3A_895 = arith.constant 32 : i32
      %add3A_896 = arith.addi %mul3A_853, %add3A_895 : i32
      %swap3A_897 = arith.index_cast %add3A_896 : i32 to index
      %swap3A_898 = tpu.vector_load %arg7[%swap3A_897] {strides = array<i32>} : memref<8192xf32, #tpu.memory_space<vmem>>, vector<16xf32>,
      tpu.vector_store %arg7[%swap3A_897], %max3A_894 {strides = array<i32>} : memref<8192xf32, #tpu.memory_space<vmem>>, vector<16xf32>,
      %add3A_899 = arith.constant 48 : i32
      %add3A_900 = arith.addi %mul3A_859, %add3A_899 : i32
      %get3A_901 = arith.index_cast %add3A_900 : i32 to index
      %get3A_902 = tpu.vector_load %arg5[%get3A_901] {strides = array<i32>} : memref<81920xf32, #tpu.memory_space<vmem>>, vector<16xf32>,
      %add3A_903 = arith.constant 48 : i32
      %add3A_904 = arith.addi %mul3A_853, %add3A_903 : i32
      %get3A_905 = arith.index_cast %add3A_904 : i32 to index
      %get3A_906 = tpu.vector_load %arg7[%get3A_905] {strides = array<i32>} : memref<8192xf32, #tpu.memory_space<vmem>>, vector<16xf32>,
      %max3A_907 = arith.maximumf %get3A_906, %get3A_902 : vector<16xf32>
      %add3A_908 = arith.constant 48 : i32
      %add3A_909 = arith.addi %mul3A_853, %add3A_908 : i32
      %swap3A_910 = arith.index_cast %add3A_909 : i32 to index
      %swap3A_911 = tpu.vector_load %arg7[%swap3A_910] {strides = array<i32>} : memref<8192xf32, #tpu.memory_space<vmem>>, vector<16xf32>,
      tpu.vector_store %arg7[%swap3A_910], %max3A_907 {strides = array<i32>} : memref<8192xf32, #tpu.memory_space<vmem>>, vector<16xf32>,
      %slice3A_912 = vector.extract_strided_slice %get3A_47 {offsets = [14], sizes = [1], strides = [1]} : vector<16xi32> to vector<1xi32>
      %squeeze3A_913 = vector.extract %slice3A_912[0] : i32 from vector<1xi32>
      %mul3A_914 = arith.constant 64 : i32
      %mul3A_915 = arith.muli %squeeze3A_913, %mul3A_914 : i32
      %mul3A_916 = arith.constant 16 : i32
      %mul3A_917 = arith.muli %scan3A_44, %mul3A_916 : i32
      %add3A_918 = arith.constant 14 : i32
      %add3A_919 = arith.addi %mul3A_917, %add3A_918 : i32
      %mul3A_920 = arith.constant 64 : i32
      %mul3A_921 = arith.muli %add3A_919, %mul3A_920 : i32
      %add3A_922 = arith.constant 0 : i32
      %add3A_923 = arith.addi %mul3A_921, %add3A_922 : i32
      %get3A_924 = arith.index_cast %add3A_923 : i32 to index
      %get3A_925 = tpu.vector_load %arg5[%get3A_924] {strides = array<i32>} : memref<81920xf32, #tpu.memory_space<vmem>>, vector<16xf32>,
      %add3A_926 = arith.constant 0 : i32
      %add3A_927 = arith.addi %mul3A_915, %add3A_926 : i32
      %get3A_928 = arith.index_cast %add3A_927 : i32 to index
      %get3A_929 = tpu.vector_load %arg7[%get3A_928] {strides = array<i32>} : memref<8192xf32, #tpu.memory_space<vmem>>, vector<16xf32>,
      %max3A_930 = arith.maximumf %get3A_929, %get3A_925 : vector<16xf32>
      %add3A_931 = arith.constant 0 : i32
      %add3A_932 = arith.addi %mul3A_915, %add3A_931 : i32
      %swap3A_933 = arith.index_cast %add3A_932 : i32 to index
      %swap3A_934 = tpu.vector_load %arg7[%swap3A_933] {strides = array<i32>} : memref<8192xf32, #tpu.memory_space<vmem>>, vector<16xf32>,
      tpu.vector_store %arg7[%swap3A_933], %max3A_930 {strides = array<i32>} : memref<8192xf32, #tpu.memory_space<vmem>>, vector<16xf32>,
      %add3A_935 = arith.constant 16 : i32
      %add3A_936 = arith.addi %mul3A_921, %add3A_935 : i32
      %get3A_937 = arith.index_cast %add3A_936 : i32 to index
      %get3A_938 = tpu.vector_load %arg5[%get3A_937] {strides = array<i32>} : memref<81920xf32, #tpu.memory_space<vmem>>, vector<16xf32>,
      %add3A_939 = arith.constant 16 : i32
      %add3A_940 = arith.addi %mul3A_915, %add3A_939 : i32
      %get3A_941 = arith.index_cast %add3A_940 : i32 to index
      %get3A_942 = tpu.vector_load %arg7[%get3A_941] {strides = array<i32>} : memref<8192xf32, #tpu.memory_space<vmem>>, vector<16xf32>,
      %max3A_943 = arith.maximumf %get3A_942, %get3A_938 : vector<16xf32>
      %add3A_944 = arith.constant 16 : i32
      %add3A_945 = arith.addi %mul3A_915, %add3A_944 : i32
      %swap3A_946 = arith.index_cast %add3A_945 : i32 to index
      %swap3A_947 = tpu.vector_load %arg7[%swap3A_946] {strides = array<i32>} : memref<8192xf32, #tpu.memory_space<vmem>>, vector<16xf32>,
      tpu.vector_store %arg7[%swap3A_946], %max3A_943 {strides = array<i32>} : memref<8192xf32, #tpu.memory_space<vmem>>, vector<16xf32>,
      %add3A_948 = arith.constant 32 : i32
      %add3A_949 = arith.addi %mul3A_921, %add3A_948 : i32
      %get3A_950 = arith.index_cast %add3A_949 : i32 to index
      %get3A_951 = tpu.vector_load %arg5[%get3A_950] {strides = array<i32>} : memref<81920xf32, #tpu.memory_space<vmem>>, vector<16xf32>,
      %add3A_952 = arith.constant 32 : i32
      %add3A_953 = arith.addi %mul3A_915, %add3A_952 : i32
      %get3A_954 = arith.index_cast %add3A_953 : i32 to index
      %get3A_955 = tpu.vector_load %arg7[%get3A_954] {strides = array<i32>} : memref<8192xf32, #tpu.memory_space<vmem>>, vector<16xf32>,
      %max3A_956 = arith.maximumf %get3A_955, %get3A_951 : vector<16xf32>
      %add3A_957 = arith.constant 32 : i32
      %add3A_958 = arith.addi %mul3A_915, %add3A_957 : i32
      %swap3A_959 = arith.index_cast %add3A_958 : i32 to index
      %swap3A_960 = tpu.vector_load %arg7[%swap3A_959] {strides = array<i32>} : memref<8192xf32, #tpu.memory_space<vmem>>, vector<16xf32>,
      tpu.vector_store %arg7[%swap3A_959], %max3A_956 {strides = array<i32>} : memref<8192xf32, #tpu.memory_space<vmem>>, vector<16xf32>,
      %add3A_961 = arith.constant 48 : i32
      %add3A_962 = arith.addi %mul3A_921, %add3A_961 : i32
      %get3A_963 = arith.index_cast %add3A_962 : i32 to index
      %get3A_964 = tpu.vector_load %arg5[%get3A_963] {strides = array<i32>} : memref<81920xf32, #tpu.memory_space<vmem>>, vector<16xf32>,
      %add3A_965 = arith.constant 48 : i32
      %add3A_966 = arith.addi %mul3A_915, %add3A_965 : i32
      %get3A_967 = arith.index_cast %add3A_966 : i32 to index
      %get3A_968 = tpu.vector_load %arg7[%get3A_967] {strides = array<i32>} : memref<8192xf32, #tpu.memory_space<vmem>>, vector<16xf32>,
      %max3A_969 = arith.maximumf %get3A_968, %get3A_964 : vector<16xf32>
      %add3A_970 = arith.constant 48 : i32
      %add3A_971 = arith.addi %mul3A_915, %add3A_970 : i32
      %swap3A_972 = arith.index_cast %add3A_971 : i32 to index
      %swap3A_973 = tpu.vector_load %arg7[%swap3A_972] {strides = array<i32>} : memref<8192xf32, #tpu.memory_space<vmem>>, vector<16xf32>,
      tpu.vector_store %arg7[%swap3A_972], %max3A_969 {strides = array<i32>} : memref<8192xf32, #tpu.memory_space<vmem>>, vector<16xf32>,
      %slice3A_974 = vector.extract_strided_slice %get3A_47 {offsets = [15], sizes = [1], strides = [1]} : vector<16xi32> to vector<1xi32>
      %squeeze3A_975 = vector.extract %slice3A_974[0] : i32 from vector<1xi32>
      %mul3A_976 = arith.constant 64 : i32
      %mul3A_977 = arith.muli %squeeze3A_975, %mul3A_976 : i32
      %mul3A_978 = arith.constant 16 : i32
      %mul3A_979 = arith.muli %scan3A_44, %mul3A_978 : i32
      %add3A_980 = arith.constant 15 : i32
      %add3A_981 = arith.addi %mul3A_979, %add3A_980 : i32
      %mul3A_982 = arith.constant 64 : i32
      %mul3A_983 = arith.muli %add3A_981, %mul3A_982 : i32
      %add3A_984 = arith.constant 0 : i32
      %add3A_985 = arith.addi %mul3A_983, %add3A_984 : i32
      %get3A_986 = arith.index_cast %add3A_985 : i32 to index
      %get3A_987 = tpu.vector_load %arg5[%get3A_986] {strides = array<i32>} : memref<81920xf32, #tpu.memory_space<vmem>>, vector<16xf32>,
      %add3A_988 = arith.constant 0 : i32
      %add3A_989 = arith.addi %mul3A_977, %add3A_988 : i32
      %get3A_990 = arith.index_cast %add3A_989 : i32 to index
      %get3A_991 = tpu.vector_load %arg7[%get3A_990] {strides = array<i32>} : memref<8192xf32, #tpu.memory_space<vmem>>, vector<16xf32>,
      %max3A_992 = arith.maximumf %get3A_991, %get3A_987 : vector<16xf32>
      %add3A_993 = arith.constant 0 : i32
      %add3A_994 = arith.addi %mul3A_977, %add3A_993 : i32
      %swap3A_995 = arith.index_cast %add3A_994 : i32 to index
      %swap3A_996 = tpu.vector_load %arg7[%swap3A_995] {strides = array<i32>} : memref<8192xf32, #tpu.memory_space<vmem>>, vector<16xf32>,
      tpu.vector_store %arg7[%swap3A_995], %max3A_992 {strides = array<i32>} : memref<8192xf32, #tpu.memory_space<vmem>>, vector<16xf32>,
      %add3A_997 = arith.constant 16 : i32
      %add3A_998 = arith.addi %mul3A_983, %add3A_997 : i32
      %get3A_999 = arith.index_cast %add3A_998 : i32 to index
      %get3A_1000 = tpu.vector_load %arg5[%get3A_999] {strides = array<i32>} : memref<81920xf32, #tpu.memory_space<vmem>>, vector<16xf32>,
      %add3A_1001 = arith.constant 16 : i32
      %add3A_1002 = arith.addi %mul3A_977, %add3A_1001 : i32
      %get3A_1003 = arith.index_cast %add3A_1002 : i32 to index
      %get3A_1004 = tpu.vector_load %arg7[%get3A_1003] {strides = array<i32>} : memref<8192xf32, #tpu.memory_space<vmem>>, vector<16xf32>,
      %max3A_1005 = arith.maximumf %get3A_1004, %get3A_1000 : vector<16xf32>
      %add3A_1006 = arith.constant 16 : i32
      %add3A_1007 = arith.addi %mul3A_977, %add3A_1006 : i32
      %swap3A_1008 = arith.index_cast %add3A_1007 : i32 to index
      %swap3A_1009 = tpu.vector_load %arg7[%swap3A_1008] {strides = array<i32>} : memref<8192xf32, #tpu.memory_space<vmem>>, vector<16xf32>,
      tpu.vector_store %arg7[%swap3A_1008], %max3A_1005 {strides = array<i32>} : memref<8192xf32, #tpu.memory_space<vmem>>, vector<16xf32>,
      %add3A_1010 = arith.constant 32 : i32
      %add3A_1011 = arith.addi %mul3A_983, %add3A_1010 : i32
      %get3A_1012 = arith.index_cast %add3A_1011 : i32 to index
      %get3A_1013 = tpu.vector_load %arg5[%get3A_1012] {strides = array<i32>} : memref<81920xf32, #tpu.memory_space<vmem>>, vector<16xf32>,
      %add3A_1014 = arith.constant 32 : i32
      %add3A_1015 = arith.addi %mul3A_977, %add3A_1014 : i32
      %get3A_1016 = arith.index_cast %add3A_1015 : i32 to index
      %get3A_1017 = tpu.vector_load %arg7[%get3A_1016] {strides = array<i32>} : memref<8192xf32, #tpu.memory_space<vmem>>, vector<16xf32>,
      %max3A_1018 = arith.maximumf %get3A_1017, %get3A_1013 : vector<16xf32>
      %add3A_1019 = arith.constant 32 : i32
      %add3A_1020 = arith.addi %mul3A_977, %add3A_1019 : i32
      %swap3A_1021 = arith.index_cast %add3A_1020 : i32 to index
      %swap3A_1022 = tpu.vector_load %arg7[%swap3A_1021] {strides = array<i32>} : memref<8192xf32, #tpu.memory_space<vmem>>, vector<16xf32>,
      tpu.vector_store %arg7[%swap3A_1021], %max3A_1018 {strides = array<i32>} : memref<8192xf32, #tpu.memory_space<vmem>>, vector<16xf32>,
      %add3A_1023 = arith.constant 48 : i32
      %add3A_1024 = arith.addi %mul3A_983, %add3A_1023 : i32
      %get3A_1025 = arith.index_cast %add3A_1024 : i32 to index
      %get3A_1026 = tpu.vector_load %arg5[%get3A_1025] {strides = array<i32>} : memref<81920xf32, #tpu.memory_space<vmem>>, vector<16xf32>,
      %add3A_1027 = arith.constant 48 : i32
      %add3A_1028 = arith.addi %mul3A_977, %add3A_1027 : i32
      %get3A_1029 = arith.index_cast %add3A_1028 : i32 to index
      %get3A_1030 = tpu.vector_load %arg7[%get3A_1029] {strides = array<i32>} : memref<8192xf32, #tpu.memory_space<vmem>>, vector<16xf32>,
      %max3A_1031 = arith.maximumf %get3A_1030, %get3A_1026 : vector<16xf32>
      %add3A_1032 = arith.constant 48 : i32
      %add3A_1033 = arith.addi %mul3A_977, %add3A_1032 : i32
      %swap3A_1034 = arith.index_cast %add3A_1033 : i32 to index
      %swap3A_1035 = tpu.vector_load %arg7[%swap3A_1034] {strides = array<i32>} : memref<8192xf32, #tpu.memory_space<vmem>>, vector<16xf32>,
      tpu.vector_store %arg7[%swap3A_1034], %max3A_1031 {strides = array<i32>} : memref<8192xf32, #tpu.memory_space<vmem>>, vector<16xf32>,
    }
    %scan3A_43 = arith.constant 80 : i32
    "tpu.region"() ({
      %run_scoped3A_44 = tpu.sem_alloc : memref<!tpu.dma_semaphore, #tpu.memory_space<semaphore_mem>>
      %dma_start3A = arith.constant 0 : i32
      %dma_start3A_45 = tpu.memref_slice %arg4[%add3A, %dma_start3A] : memref<32x8192xf32, #tpu.memory_space<hbm>> -> memref<1x8192xf32, #tpu.memory_space<hbm>>
      %dma_start3A_46 = tpu.memref_squeeze %dma_start3A_45 : memref<1x8192xf32, #tpu.memory_space<hbm>> -> memref<8192xf32, #tpu.memory_space<hbm>>
      %dma_start3A_47 = arith.constant 0 : i32
      %dma_start3A_48 = tpu.memref_slice %arg4[%add3A, %dma_start3A_47] : memref<32x8192xf32, #tpu.memory_space<hbm>> -> memref<1x8192xf32, #tpu.memory_space<hbm>>
      %dma_start3A_49 = tpu.memref_squeeze %dma_start3A_48 : memref<1x8192xf32, #tpu.memory_space<hbm>> -> memref<8192xf32, #tpu.memory_space<hbm>>
      tpu.enqueue_dma source(%arg7 : memref<8192xf32, #tpu.memory_space<vmem>>) target(%dma_start3A_49 : memref<8192xf32, #tpu.memory_space<hbm>>) target_semaphore(%run_scoped3A_44 : memref<!tpu.dma_semaphore, #tpu.memory_space<semaphore_mem>>)
      %dma_wait3A = arith.constant 0 : i32
      %dma_wait3A_50 = tpu.memref_slice %arg4[%add3A, %dma_wait3A] : memref<32x8192xf32, #tpu.memory_space<hbm>> -> memref<1x8192xf32, #tpu.memory_space<hbm>>
      %dma_wait3A_51 = tpu.memref_squeeze %dma_wait3A_50 : memref<1x8192xf32, #tpu.memory_space<hbm>> -> memref<8192xf32, #tpu.memory_space<hbm>>
      %dma_wait3A_52 = arith.constant 0 : i32
      %dma_wait3A_53 = tpu.memref_slice %arg4[%add3A, %dma_wait3A_52] : memref<32x8192xf32, #tpu.memory_space<hbm>> -> memref<1x8192xf32, #tpu.memory_space<hbm>>
      %dma_wait3A_54 = tpu.memref_squeeze %dma_wait3A_53 : memref<1x8192xf32, #tpu.memory_space<hbm>> -> memref<8192xf32, #tpu.memory_space<hbm>>
      tpu.wait_dma2 semaphore(%run_scoped3A_44 : memref<!tpu.dma_semaphore, #tpu.memory_space<semaphore_mem>>) src(%arg7 : memref<8192xf32, #tpu.memory_space<vmem>>) dst(%dma_wait3A_54 : memref<8192xf32, #tpu.memory_space<hbm>>)
      tpu.yield
    }) : () -> ()
    return
  }
}

module attributes {stable_mosaic.version = 14 : i64} {
  func.func @_p2_body(%arg0: i32, %arg1: i32, %arg2: memref<1x3x4096xf32, #tpu.memory_space<vmem>>, %arg3: memref<1x1x4096xf32, #tpu.memory_space<vmem>>, %arg4: memref<1x3x4096xf32, #tpu.memory_space<vmem>>, %arg5: memref<1x1x4096xf32, #tpu.memory_space<vmem>>, %arg6: memref<1x1x4096xi32, #tpu.memory_space<vmem>>, %arg7: memref<1x3x128xf32, #tpu.memory_space<vmem>>, %arg8: memref<32x8xf32, #tpu.memory_space<vmem>>, %arg9: memref<32x1xf32, #tpu.memory_space<vmem>>, %arg10: memref<32x32xf32, #tpu.memory_space<vmem>>, %arg11: memref<32x1xf32, #tpu.memory_space<vmem>>, %arg12: memref<32x32xf32, #tpu.memory_space<vmem>>, %arg13: memref<32x1xf32, #tpu.memory_space<vmem>>, %arg14: memref<1x3x4096xf32, #tpu.memory_space<vmem>>, %arg15: memref<1x32x4096xf32, #tpu.memory_space<vmem>>, %arg16: memref<1x4096x32xf32, #tpu.memory_space<vmem>>) attributes {dimension_semantics = [#tpu.dimension_semantics<arbitrary>, #tpu.dimension_semantics<arbitrary>], iteration_bounds = array<i64: 2, 5>, scalar_prefetch = 0 : i64, scratch_operands = 0 : i64, tpu.core_type = #tpu.core_type<tc>, window_params = [{transform_indices = @transform_0, window_bounds = array<i64: 1, 3, 4096>}, {transform_indices = @transform_1, window_bounds = array<i64: 1, 1, 4096>}, {transform_indices = @transform_2, window_bounds = array<i64: 1, 3, 4096>}, {transform_indices = @transform_3, window_bounds = array<i64: 1, 1, 4096>}, {transform_indices = @transform_4, window_bounds = array<i64: 1, 1, 4096>}, {transform_indices = @transform_5, window_bounds = array<i64: 1, 3, 128>}, {pipeline_mode = #tpu.pipeline_mode<synchronous>, transform_indices = @transform_6, window_bounds = array<i64: 32, 8>}, {pipeline_mode = #tpu.pipeline_mode<synchronous>, transform_indices = @transform_7, window_bounds = array<i64: 32, 1>}, {pipeline_mode = #tpu.pipeline_mode<synchronous>, transform_indices = @transform_8, window_bounds = array<i64: 32, 32>}, {pipeline_mode = #tpu.pipeline_mode<synchronous>, transform_indices = @transform_9, window_bounds = array<i64: 32, 1>}, {pipeline_mode = #tpu.pipeline_mode<synchronous>, transform_indices = @transform_10, window_bounds = array<i64: 32, 32>}, {pipeline_mode = #tpu.pipeline_mode<synchronous>, transform_indices = @transform_11, window_bounds = array<i64: 32, 1>}, {transform_indices = @transform_12, window_bounds = array<i64: 1, 3, 4096>}, {transform_indices = @transform_13, window_bounds = array<i64: 1, 32, 4096>}, {transform_indices = @transform_14, window_bounds = array<i64: 1, 4096, 32>}]} {
    %get3A = arith.constant 0 : index
    %get3A_0 = arith.constant 0 : index
    %get3A_1 = arith.constant 0 : index
    %get3A_2 = vector.load %arg6[%get3A, %get3A_0, %get3A_1] : memref<1x1x4096xi32, #tpu.memory_space<vmem>>, vector<1x1x4096xi32>
    %get3A_3 = vector.shape_cast %get3A_2 : vector<1x1x4096xi32> to vector<1x4096xi32>
    %iota3A = tpu.iota {dimensions = array<i32: 0>} : vector<128x4096xi32>
    %eq3A = vector.broadcast %get3A_3 : vector<1x4096xi32> to vector<128x4096xi32>
    %eq3A_4 = arith.cmpi eq, %iota3A, %eq3A : vector<128x4096xi32>
    %convert_element_type3A = arith.extui %eq3A_4 : vector<128x4096xi1> to vector<128x4096xi32>
    %convert_element_type3A_5 = arith.sitofp %convert_element_type3A : vector<128x4096xi32> to vector<128x4096xf32>
    %get3A_6 = arith.constant 0 : index
    %get3A_7 = arith.constant 0 : index
    %get3A_8 = arith.constant 0 : index
    %get3A_9 = vector.load %arg7[%get3A_6, %get3A_7, %get3A_8] : memref<1x3x128xf32, #tpu.memory_space<vmem>>, vector<1x3x128xf32>
    %get3A_10 = vector.shape_cast %get3A_9 : vector<1x3x128xf32> to vector<3x128xf32>
    %dot_general3A = arith.constant dense<0.000000e+00> : vector<3x4096xf32>
    %dot_general3A_11 = tpu.matmul %get3A_10, %convert_element_type3A_5, %dot_general3A {dimension_numbers = #tpu.dot_dimension_numbers<[1], [0], [0], [1], [0, 0, 1, 1], [], []>, precision = #tpu.contract_precision<fp32>, transpose_lhs_hint = false} : vector<3x128xf32>, vector<128x4096xf32>, vector<3x4096xf32> -> vector<3x4096xf32>
    %swap3A = arith.constant 0 : index
    %swap3A_12 = arith.constant 0 : index
    %swap3A_13 = arith.constant 0 : index
    %swap3A_14 = vector.load %arg14[%swap3A, %swap3A_12, %swap3A_13] : memref<1x3x4096xf32, #tpu.memory_space<vmem>>, vector<1x3x4096xf32>
    %swap3A_15 = vector.shape_cast %swap3A_14 : vector<1x3x4096xf32> to vector<3x4096xf32>
    %swap3A_16 = vector.shape_cast %dot_general3A_11 : vector<3x4096xf32> to vector<1x3x4096xf32>
    tpu.vector_store %arg14[%swap3A, %swap3A_12, %swap3A_13], %swap3A_16 {strides = array<i32>} : memref<1x3x4096xf32, #tpu.memory_space<vmem>>, vector<1x3x4096xf32>,
    %get3A_17 = arith.constant 0 : index
    %get3A_18 = arith.constant 0 : index
    %get3A_19 = arith.constant 0 : index
    %get3A_20 = vector.load %arg2[%get3A_17, %get3A_18, %get3A_19] : memref<1x3x4096xf32, #tpu.memory_space<vmem>>, vector<1x3x4096xf32>
    %get3A_21 = vector.shape_cast %get3A_20 : vector<1x3x4096xf32> to vector<3x4096xf32>
    %sub3A = arith.subf %get3A_21, %dot_general3A_11 : vector<3x4096xf32>
    %get3A_22 = arith.constant 0 : index
    %get3A_23 = arith.constant 0 : index
    %get3A_24 = vector.load %arg8[%get3A_22, %get3A_23] : memref<32x8xf32, #tpu.memory_space<vmem>>, vector<32x3xf32>
    %dot_general3A_25 = arith.constant dense<0.000000e+00> : vector<32x4096xf32>
    %dot_general3A_26 = tpu.matmul %get3A_24, %sub3A, %dot_general3A_25 {dimension_numbers = #tpu.dot_dimension_numbers<[1], [0], [0], [1], [0, 0, 1, 1], [], []>, transpose_lhs_hint = false} : vector<32x3xf32>, vector<3x4096xf32>, vector<32x4096xf32> -> vector<32x4096xf32>
    %get3A_27 = arith.constant 0 : index
    %get3A_28 = arith.constant 3 : index
    %get3A_29 = vector.load %arg8[%get3A_27, %get3A_28] : memref<32x8xf32, #tpu.memory_space<vmem>>, vector<32x1xf32>
    %get3A_30 = arith.constant 0 : index
    %get3A_31 = arith.constant 0 : index
    %get3A_32 = arith.constant 0 : index
    %get3A_33 = vector.load %arg3[%get3A_30, %get3A_31, %get3A_32] : memref<1x1x4096xf32, #tpu.memory_space<vmem>>, vector<1x1x4096xf32>
    %get3A_34 = vector.shape_cast %get3A_33 : vector<1x1x4096xf32> to vector<1x4096xf32>
    %mul3A = vector.broadcast %get3A_29 : vector<32x1xf32> to vector<32x4096xf32>
    %mul3A_35 = vector.broadcast %get3A_34 : vector<1x4096xf32> to vector<32x4096xf32>
    %mul3A_36 = arith.mulf %mul3A, %mul3A_35 : vector<32x4096xf32>
    %add3A = arith.addf %dot_general3A_26, %mul3A_36 : vector<32x4096xf32>
    %get3A_37 = arith.constant 0 : index
    %get3A_38 = arith.constant 4 : index
    %get3A_39 = vector.load %arg8[%get3A_37, %get3A_38] : memref<32x8xf32, #tpu.memory_space<vmem>>, vector<32x3xf32>
    %get3A_40 = arith.constant 0 : index
    %get3A_41 = arith.constant 0 : index
    %get3A_42 = arith.constant 0 : index
    %get3A_43 = vector.load %arg4[%get3A_40, %get3A_41, %get3A_42] : memref<1x3x4096xf32, #tpu.memory_space<vmem>>, vector<1x3x4096xf32>
    %get3A_44 = vector.shape_cast %get3A_43 : vector<1x3x4096xf32> to vector<3x4096xf32>
    %dot_general3A_45 = arith.constant dense<0.000000e+00> : vector<32x4096xf32>
    %dot_general3A_46 = tpu.matmul %get3A_39, %get3A_44, %dot_general3A_45 {dimension_numbers = #tpu.dot_dimension_numbers<[1], [0], [0], [1], [0, 0, 1, 1], [], []>, transpose_lhs_hint = false} : vector<32x3xf32>, vector<3x4096xf32>, vector<32x4096xf32> -> vector<32x4096xf32>
    %add3A_47 = arith.addf %add3A, %dot_general3A_46 : vector<32x4096xf32>
    %get3A_48 = arith.constant 0 : index
    %get3A_49 = arith.constant 7 : index
    %get3A_50 = vector.load %arg8[%get3A_48, %get3A_49] : memref<32x8xf32, #tpu.memory_space<vmem>>, vector<32x1xf32>
    %get3A_51 = arith.constant 0 : index
    %get3A_52 = arith.constant 0 : index
    %get3A_53 = arith.constant 0 : index
    %get3A_54 = vector.load %arg5[%get3A_51, %get3A_52, %get3A_53] : memref<1x1x4096xf32, #tpu.memory_space<vmem>>, vector<1x1x4096xf32>
    %get3A_55 = vector.shape_cast %get3A_54 : vector<1x1x4096xf32> to vector<1x4096xf32>
    %mul3A_56 = vector.broadcast %get3A_50 : vector<32x1xf32> to vector<32x4096xf32>
    %mul3A_57 = vector.broadcast %get3A_55 : vector<1x4096xf32> to vector<32x4096xf32>
    %mul3A_58 = arith.mulf %mul3A_56, %mul3A_57 : vector<32x4096xf32>
    %add3A_59 = arith.addf %add3A_47, %mul3A_58 : vector<32x4096xf32>
    %get3A_60 = arith.constant 0 : index
    %get3A_61 = arith.constant 0 : index
    %get3A_62 = vector.load %arg9[%get3A_60, %get3A_61] : memref<32x1xf32, #tpu.memory_space<vmem>>, vector<32x1xf32>
    %add3A_63 = vector.broadcast %get3A_62 : vector<32x1xf32> to vector<32x4096xf32>
    %add3A_64 = arith.addf %add3A_59, %add3A_63 : vector<32x4096xf32>
    %max3A = arith.constant 0.000000e+00 : f32
    %max3A_65 = vector.broadcast %max3A : f32 to vector<32x4096xf32>
    %max3A_66 = arith.maximumf %add3A_64, %max3A_65 : vector<32x4096xf32>
    %get3A_67 = arith.constant 0 : index
    %get3A_68 = arith.constant 0 : index
    %get3A_69 = vector.load %arg10[%get3A_67, %get3A_68] : memref<32x32xf32, #tpu.memory_space<vmem>>, vector<32x32xf32>
    %dot_general3A_70 = arith.constant dense<0.000000e+00> : vector<32x4096xf32>
    %dot_general3A_71 = tpu.matmul %get3A_69, %max3A_66, %dot_general3A_70 {dimension_numbers = #tpu.dot_dimension_numbers<[1], [0], [0], [1], [0, 0, 1, 1], [], []>, transpose_lhs_hint = false} : vector<32x32xf32>, vector<32x4096xf32>, vector<32x4096xf32> -> vector<32x4096xf32>
    %get3A_72 = arith.constant 0 : index
    %get3A_73 = arith.constant 0 : index
    %get3A_74 = vector.load %arg11[%get3A_72, %get3A_73] : memref<32x1xf32, #tpu.memory_space<vmem>>, vector<32x1xf32>
    %add3A_75 = vector.broadcast %get3A_74 : vector<32x1xf32> to vector<32x4096xf32>
    %add3A_76 = arith.addf %dot_general3A_71, %add3A_75 : vector<32x4096xf32>
    %max3A_77 = arith.constant 0.000000e+00 : f32
    %max3A_78 = vector.broadcast %max3A_77 : f32 to vector<32x4096xf32>
    %max3A_79 = arith.maximumf %add3A_76, %max3A_78 : vector<32x4096xf32>
    %get3A_80 = arith.constant 0 : index
    %get3A_81 = arith.constant 0 : index
    %get3A_82 = vector.load %arg12[%get3A_80, %get3A_81] : memref<32x32xf32, #tpu.memory_space<vmem>>, vector<32x32xf32>
    %dot_general3A_83 = arith.constant dense<0.000000e+00> : vector<32x4096xf32>
    %dot_general3A_84 = tpu.matmul %get3A_82, %max3A_79, %dot_general3A_83 {dimension_numbers = #tpu.dot_dimension_numbers<[1], [0], [0], [1], [0, 0, 1, 1], [], []>, transpose_lhs_hint = false} : vector<32x32xf32>, vector<32x4096xf32>, vector<32x4096xf32> -> vector<32x4096xf32>
    %get3A_85 = arith.constant 0 : index
    %get3A_86 = arith.constant 0 : index
    %get3A_87 = vector.load %arg13[%get3A_85, %get3A_86] : memref<32x1xf32, #tpu.memory_space<vmem>>, vector<32x1xf32>
    %add3A_88 = vector.broadcast %get3A_87 : vector<32x1xf32> to vector<32x4096xf32>
    %add3A_89 = arith.addf %dot_general3A_84, %add3A_88 : vector<32x4096xf32>
    %max3A_90 = arith.constant 0.000000e+00 : f32
    %max3A_91 = vector.broadcast %max3A_90 : f32 to vector<32x4096xf32>
    %max3A_92 = arith.maximumf %add3A_89, %max3A_91 : vector<32x4096xf32>
    %swap3A_93 = arith.constant 0 : index
    %swap3A_94 = arith.constant 0 : index
    %swap3A_95 = arith.constant 0 : index
    %swap3A_96 = vector.load %arg15[%swap3A_93, %swap3A_94, %swap3A_95] : memref<1x32x4096xf32, #tpu.memory_space<vmem>>, vector<1x32x4096xf32>
    %swap3A_97 = vector.shape_cast %swap3A_96 : vector<1x32x4096xf32> to vector<32x4096xf32>
    %swap3A_98 = vector.shape_cast %max3A_92 : vector<32x4096xf32> to vector<1x32x4096xf32>
    tpu.vector_store %arg15[%swap3A_93, %swap3A_94, %swap3A_95], %swap3A_98 {strides = array<i32>} : memref<1x32x4096xf32, #tpu.memory_space<vmem>>, vector<1x32x4096xf32>,
    %transpose3A = tpu.transpose %max3A_92, [1, 0] : vector<32x4096xf32> -> vector<4096x32xf32>
    %swap3A_99 = arith.constant 0 : index
    %swap3A_100 = arith.constant 0 : index
    %swap3A_101 = arith.constant 0 : index
    %swap3A_102 = vector.load %arg16[%swap3A_99, %swap3A_100, %swap3A_101] : memref<1x4096x32xf32, #tpu.memory_space<vmem>>, vector<1x4096x32xf32>
    %swap3A_103 = vector.shape_cast %swap3A_102 : vector<1x4096x32xf32> to vector<4096x32xf32>
    %swap3A_104 = vector.shape_cast %transpose3A : vector<4096x32xf32> to vector<1x4096x32xf32>
    tpu.vector_store %arg16[%swap3A_99, %swap3A_100, %swap3A_101], %swap3A_104 {strides = array<i32>} : memref<1x4096x32xf32, #tpu.memory_space<vmem>>, vector<1x4096x32xf32>,
    return
  }
  func.func @transform_0(%arg0: i32, %arg1: i32) -> (i32, i32, i32) {
    %c0_i32 = arith.constant 0 : i32
    %c0_i32_0 = arith.constant 0 : i32
    return %arg0, %c0_i32, %arg1 : i32, i32, i32
  }
  func.func @transform_1(%arg0: i32, %arg1: i32) -> (i32, i32, i32) {
    %c0_i32 = arith.constant 0 : i32
    %c0_i32_0 = arith.constant 0 : i32
    return %arg0, %c0_i32, %arg1 : i32, i32, i32
  }
  func.func @transform_2(%arg0: i32, %arg1: i32) -> (i32, i32, i32) {
    %c0_i32 = arith.constant 0 : i32
    %c0_i32_0 = arith.constant 0 : i32
    return %arg0, %c0_i32, %arg1 : i32, i32, i32
  }
  func.func @transform_3(%arg0: i32, %arg1: i32) -> (i32, i32, i32) {
    %c0_i32 = arith.constant 0 : i32
    %c0_i32_0 = arith.constant 0 : i32
    return %arg0, %c0_i32, %arg1 : i32, i32, i32
  }
  func.func @transform_4(%arg0: i32, %arg1: i32) -> (i32, i32, i32) {
    %c0_i32 = arith.constant 0 : i32
    %c0_i32_0 = arith.constant 0 : i32
    return %arg0, %c0_i32, %arg1 : i32, i32, i32
  }
  func.func @transform_5(%arg0: i32, %arg1: i32) -> (i32, i32, i32) {
    %c0_i32 = arith.constant 0 : i32
    %c0_i32_0 = arith.constant 0 : i32
    %c0_i32_1 = arith.constant 0 : i32
    return %arg0, %c0_i32, %c0_i32_0 : i32, i32, i32
  }
  func.func @transform_6(%arg0: i32, %arg1: i32) -> (i32, i32) {
    %c0_i32 = arith.constant 0 : i32
    %c0_i32_0 = arith.constant 0 : i32
    %c0_i32_1 = arith.constant 0 : i32
    return %c0_i32, %c0_i32_0 : i32, i32
  }
  func.func @transform_7(%arg0: i32, %arg1: i32) -> (i32, i32) {
    %c0_i32 = arith.constant 0 : i32
    %c0_i32_0 = arith.constant 0 : i32
    %c0_i32_1 = arith.constant 0 : i32
    return %c0_i32, %c0_i32_0 : i32, i32
  }
  func.func @transform_8(%arg0: i32, %arg1: i32) -> (i32, i32) {
    %c0_i32 = arith.constant 0 : i32
    %c0_i32_0 = arith.constant 0 : i32
    %c0_i32_1 = arith.constant 0 : i32
    return %c0_i32, %c0_i32_0 : i32, i32
  }
  func.func @transform_9(%arg0: i32, %arg1: i32) -> (i32, i32) {
    %c0_i32 = arith.constant 0 : i32
    %c0_i32_0 = arith.constant 0 : i32
    %c0_i32_1 = arith.constant 0 : i32
    return %c0_i32, %c0_i32_0 : i32, i32
  }
  func.func @transform_10(%arg0: i32, %arg1: i32) -> (i32, i32) {
    %c0_i32 = arith.constant 0 : i32
    %c0_i32_0 = arith.constant 0 : i32
    %c0_i32_1 = arith.constant 0 : i32
    return %c0_i32, %c0_i32_0 : i32, i32
  }
  func.func @transform_11(%arg0: i32, %arg1: i32) -> (i32, i32) {
    %c0_i32 = arith.constant 0 : i32
    %c0_i32_0 = arith.constant 0 : i32
    %c0_i32_1 = arith.constant 0 : i32
    return %c0_i32, %c0_i32_0 : i32, i32
  }
  func.func @transform_12(%arg0: i32, %arg1: i32) -> (i32, i32, i32) {
    %c0_i32 = arith.constant 0 : i32
    %c0_i32_0 = arith.constant 0 : i32
    return %arg0, %c0_i32, %arg1 : i32, i32, i32
  }
  func.func @transform_13(%arg0: i32, %arg1: i32) -> (i32, i32, i32) {
    %c0_i32 = arith.constant 0 : i32
    %c0_i32_0 = arith.constant 0 : i32
    return %arg0, %c0_i32, %arg1 : i32, i32, i32
  }
  func.func @transform_14(%arg0: i32, %arg1: i32) -> (i32, i32, i32) {
    %c0_i32 = arith.constant 0 : i32
    %c0_i32_0 = arith.constant 0 : i32
    return %arg0, %arg1, %c0_i32 : i32, i32, i32
  }
}

module attributes {stable_mosaic.version = 14 : i64} {
  func.func @_p1_body(%arg0: i32, %arg1: i32, %arg2: memref<1x3x4096xf32, #tpu.memory_space<vmem>>, %arg3: memref<1x128x3xf32, #tpu.memory_space<vmem>>, %arg4: memref<1x4096x3xi32, #tpu.memory_space<vmem>>, %arg5: memref<1x1x4096xi32, #tpu.memory_space<vmem>>, %arg6: memref<1x3x128xf32, #tpu.memory_space<vmem>>, %arg7: memref<128x4xf32, #tpu.memory_space<vmem>>) attributes {dimension_semantics = [#tpu.dimension_semantics<arbitrary>, #tpu.dimension_semantics<arbitrary>], iteration_bounds = array<i64: 2, 5>, scalar_prefetch = 0 : i64, scratch_operands = 1 : i64, tpu.core_type = #tpu.core_type<tc>, window_params = [{transform_indices = @transform_0, window_bounds = array<i64: 1, 3, 4096>}, {transform_indices = @transform_1, window_bounds = array<i64: 1, 128, 3>}, {transform_indices = @transform_2, window_bounds = array<i64: 1, 4096, 3>}, {transform_indices = @transform_3, window_bounds = array<i64: 1, 1, 4096>}, {transform_indices = @transform_4, window_bounds = array<i64: 1, 3, 128>}]} {
    %get3A = arith.constant 0 : index
    %get3A_0 = arith.constant 0 : index
    %get3A_1 = arith.constant 0 : index
    %get3A_2 = vector.load %arg2[%get3A, %get3A_0, %get3A_1] : memref<1x3x4096xf32, #tpu.memory_space<vmem>>, vector<1x3x4096xf32>
    %get3A_3 = vector.shape_cast %get3A_2 : vector<1x3x4096xf32> to vector<3x4096xf32>
    %get3A_4 = arith.constant 0 : index
    %get3A_5 = arith.constant 0 : index
    %get3A_6 = arith.constant 0 : index
    %get3A_7 = vector.load %arg3[%get3A_4, %get3A_5, %get3A_6] : memref<1x128x3xf32, #tpu.memory_space<vmem>>, vector<1x128x3xf32>
    %get3A_8 = vector.shape_cast %get3A_7 : vector<1x128x3xf32> to vector<128x3xf32>
    %slice3A = vector.extract_strided_slice %get3A_8 {offsets = [0, 0], sizes = [128, 1], strides = [1, 1]} : vector<128x3xf32> to vector<128x1xf32>
    %slice3A_9 = vector.extract_strided_slice %get3A_3 {offsets = [0, 0], sizes = [1, 4096], strides = [1, 1]} : vector<3x4096xf32> to vector<1x4096xf32>
    %sub3A = vector.broadcast %slice3A : vector<128x1xf32> to vector<128x4096xf32>
    %sub3A_10 = vector.broadcast %slice3A_9 : vector<1x4096xf32> to vector<128x4096xf32>
    %sub3A_11 = arith.subf %sub3A, %sub3A_10 : vector<128x4096xf32>
    %mul3A = arith.mulf %sub3A_11, %sub3A_11 : vector<128x4096xf32>
    %slice3A_12 = vector.extract_strided_slice %get3A_8 {offsets = [0, 1], sizes = [128, 1], strides = [1, 1]} : vector<128x3xf32> to vector<128x1xf32>
    %slice3A_13 = vector.extract_strided_slice %get3A_3 {offsets = [1, 0], sizes = [1, 4096], strides = [1, 1]} : vector<3x4096xf32> to vector<1x4096xf32>
    %sub3A_14 = vector.broadcast %slice3A_12 : vector<128x1xf32> to vector<128x4096xf32>
    %sub3A_15 = vector.broadcast %slice3A_13 : vector<1x4096xf32> to vector<128x4096xf32>
    %sub3A_16 = arith.subf %sub3A_14, %sub3A_15 : vector<128x4096xf32>
    %mul3A_17 = arith.mulf %sub3A_16, %sub3A_16 : vector<128x4096xf32>
    %add3A = arith.addf %mul3A, %mul3A_17 : vector<128x4096xf32>
    %slice3A_18 = vector.extract_strided_slice %get3A_8 {offsets = [0, 2], sizes = [128, 1], strides = [1, 1]} : vector<128x3xf32> to vector<128x1xf32>
    %slice3A_19 = vector.extract_strided_slice %get3A_3 {offsets = [2, 0], sizes = [1, 4096], strides = [1, 1]} : vector<3x4096xf32> to vector<1x4096xf32>
    %sub3A_20 = vector.broadcast %slice3A_18 : vector<128x1xf32> to vector<128x4096xf32>
    %sub3A_21 = vector.broadcast %slice3A_19 : vector<1x4096xf32> to vector<128x4096xf32>
    %sub3A_22 = arith.subf %sub3A_20, %sub3A_21 : vector<128x4096xf32>
    %mul3A_23 = arith.mulf %sub3A_22, %sub3A_22 : vector<128x4096xf32>
    %add3A_24 = arith.addf %add3A, %mul3A_23 : vector<128x4096xf32>
    %sqrt3A = math.sqrt %add3A_24 : vector<128x4096xf32>
    %iota3A = tpu.iota {dimensions = array<i32: 0>} : vector<128x4096xi32>
    %convert_element_type3A = arith.sitofp %iota3A : vector<128x4096xi32> to vector<128x4096xf32>
    %reduce_min3A = arith.constant dense<0x7F800000> : vector<4096xf32>
    %reduce_min3A_25 = vector.multi_reduction <minimumf>, %sqrt3A, %reduce_min3A [0] : vector<128x4096xf32> to vector<4096xf32>
    %broadcast_in_dim3A = vector.shape_cast %reduce_min3A_25 : vector<4096xf32> to vector<1x4096xf32>
    %eq3A = vector.broadcast %broadcast_in_dim3A : vector<1x4096xf32> to vector<128x4096xf32>
    %eq3A_26 = arith.cmpf oeq, %sqrt3A, %eq3A : vector<128x4096xf32>
    %jit3A = arith.constant 1.280000e+02 : f32
    %broadcast_in_dim3A_27 = vector.broadcast %jit3A : f32 to vector<128x4096xf32>
    %select_n3A = arith.select %eq3A_26, %convert_element_type3A, %broadcast_in_dim3A_27 : vector<128x4096xi1>, vector<128x4096xf32>
    %reduce_min3A_28 = arith.constant dense<0x7F800000> : vector<4096xf32>
    %reduce_min3A_29 = vector.multi_reduction <minimumf>, %select_n3A, %reduce_min3A_28 [0] : vector<128x4096xf32> to vector<4096xf32>
    %broadcast_in_dim3A_30 = vector.shape_cast %reduce_min3A_29 : vector<4096xf32> to vector<1x4096xf32>
    %convert_element_type3A_31 = arith.fptosi %broadcast_in_dim3A_30 : vector<1x4096xf32> to vector<1x4096xi32>
    %transpose3A = tpu.transpose %convert_element_type3A_31, [1, 0] : vector<1x4096xi32> -> vector<4096x1xi32>
    %swap3A = arith.constant 0 : index
    %swap3A_32 = arith.constant 0 : index
    %swap3A_33 = arith.constant 0 : index
    %swap3A_34 = vector.load %arg4[%swap3A, %swap3A_32, %swap3A_33] : memref<1x4096x3xi32, #tpu.memory_space<vmem>>, vector<1x4096x1xi32>
    %swap3A_35 = vector.shape_cast %swap3A_34 : vector<1x4096x1xi32> to vector<4096x1xi32>
    %swap3A_36 = vector.shape_cast %transpose3A : vector<4096x1xi32> to vector<1x4096x1xi32>
    tpu.vector_store %arg4[%swap3A, %swap3A_32, %swap3A_33], %swap3A_36 {strides = array<i32>} : memref<1x4096x3xi32, #tpu.memory_space<vmem>>, vector<1x4096x1xi32>,
    %swap3A_37 = arith.constant 0 : index
    %swap3A_38 = arith.constant 0 : index
    %swap3A_39 = arith.constant 0 : index
    %swap3A_40 = vector.load %arg5[%swap3A_37, %swap3A_38, %swap3A_39] : memref<1x1x4096xi32, #tpu.memory_space<vmem>>, vector<1x1x4096xi32>
    %swap3A_41 = vector.shape_cast %swap3A_40 : vector<1x1x4096xi32> to vector<1x4096xi32>
    %swap3A_42 = vector.shape_cast %convert_element_type3A_31 : vector<1x4096xi32> to vector<1x1x4096xi32>
    tpu.vector_store %arg5[%swap3A_37, %swap3A_38, %swap3A_39], %swap3A_42 {strides = array<i32>} : memref<1x1x4096xi32, #tpu.memory_space<vmem>>, vector<1x1x4096xi32>,
    %eq3A_43 = vector.broadcast %broadcast_in_dim3A_30 : vector<1x4096xf32> to vector<128x4096xf32>
    %eq3A_44 = arith.cmpf oeq, %convert_element_type3A, %eq3A_43 : vector<128x4096xf32>
    %jit3A_45 = arith.constant 0x7F800000 : f32
    %broadcast_in_dim3A_46 = vector.broadcast %jit3A_45 : f32 to vector<128x4096xf32>
    %select_n3A_47 = arith.select %eq3A_44, %broadcast_in_dim3A_46, %sqrt3A : vector<128x4096xi1>, vector<128x4096xf32>
    %reduce_min3A_48 = arith.constant dense<0x7F800000> : vector<4096xf32>
    %reduce_min3A_49 = vector.multi_reduction <minimumf>, %select_n3A_47, %reduce_min3A_48 [0] : vector<128x4096xf32> to vector<4096xf32>
    %broadcast_in_dim3A_50 = vector.shape_cast %reduce_min3A_49 : vector<4096xf32> to vector<1x4096xf32>
    %eq3A_51 = vector.broadcast %broadcast_in_dim3A_50 : vector<1x4096xf32> to vector<128x4096xf32>
    %eq3A_52 = arith.cmpf oeq, %select_n3A_47, %eq3A_51 : vector<128x4096xf32>
    %jit3A_53 = arith.constant 1.280000e+02 : f32
    %broadcast_in_dim3A_54 = vector.broadcast %jit3A_53 : f32 to vector<128x4096xf32>
    %select_n3A_55 = arith.select %eq3A_52, %convert_element_type3A, %broadcast_in_dim3A_54 : vector<128x4096xi1>, vector<128x4096xf32>
    %reduce_min3A_56 = arith.constant dense<0x7F800000> : vector<4096xf32>
    %reduce_min3A_57 = vector.multi_reduction <minimumf>, %select_n3A_55, %reduce_min3A_56 [0] : vector<128x4096xf32> to vector<4096xf32>
    %broadcast_in_dim3A_58 = vector.shape_cast %reduce_min3A_57 : vector<4096xf32> to vector<1x4096xf32>
    %convert_element_type3A_59 = arith.fptosi %broadcast_in_dim3A_58 : vector<1x4096xf32> to vector<1x4096xi32>
    %transpose3A_60 = tpu.transpose %convert_element_type3A_59, [1, 0] : vector<1x4096xi32> -> vector<4096x1xi32>
    %swap3A_61 = arith.constant 0 : index
    %swap3A_62 = arith.constant 0 : index
    %swap3A_63 = arith.constant 1 : index
    %swap3A_64 = vector.load %arg4[%swap3A_61, %swap3A_62, %swap3A_63] : memref<1x4096x3xi32, #tpu.memory_space<vmem>>, vector<1x4096x1xi32>
    %swap3A_65 = vector.shape_cast %swap3A_64 : vector<1x4096x1xi32> to vector<4096x1xi32>
    %swap3A_66 = vector.shape_cast %transpose3A_60 : vector<4096x1xi32> to vector<1x4096x1xi32>
    tpu.vector_store %arg4[%swap3A_61, %swap3A_62, %swap3A_63], %swap3A_66 {strides = array<i32>} : memref<1x4096x3xi32, #tpu.memory_space<vmem>>, vector<1x4096x1xi32>,
    %eq3A_67 = vector.broadcast %broadcast_in_dim3A_58 : vector<1x4096xf32> to vector<128x4096xf32>
    %eq3A_68 = arith.cmpf oeq, %convert_element_type3A, %eq3A_67 : vector<128x4096xf32>
    %jit3A_69 = arith.constant 0x7F800000 : f32
    %broadcast_in_dim3A_70 = vector.broadcast %jit3A_69 : f32 to vector<128x4096xf32>
    %select_n3A_71 = arith.select %eq3A_68, %broadcast_in_dim3A_70, %select_n3A_47 : vector<128x4096xi1>, vector<128x4096xf32>
    %reduce_min3A_72 = arith.constant dense<0x7F800000> : vector<4096xf32>
    %reduce_min3A_73 = vector.multi_reduction <minimumf>, %select_n3A_71, %reduce_min3A_72 [0] : vector<128x4096xf32> to vector<4096xf32>
    %broadcast_in_dim3A_74 = vector.shape_cast %reduce_min3A_73 : vector<4096xf32> to vector<1x4096xf32>
    %eq3A_75 = vector.broadcast %broadcast_in_dim3A_74 : vector<1x4096xf32> to vector<128x4096xf32>
    %eq3A_76 = arith.cmpf oeq, %select_n3A_71, %eq3A_75 : vector<128x4096xf32>
    %jit3A_77 = arith.constant 1.280000e+02 : f32
    %broadcast_in_dim3A_78 = vector.broadcast %jit3A_77 : f32 to vector<128x4096xf32>
    %select_n3A_79 = arith.select %eq3A_76, %convert_element_type3A, %broadcast_in_dim3A_78 : vector<128x4096xi1>, vector<128x4096xf32>
    %reduce_min3A_80 = arith.constant dense<0x7F800000> : vector<4096xf32>
    %reduce_min3A_81 = vector.multi_reduction <minimumf>, %select_n3A_79, %reduce_min3A_80 [0] : vector<128x4096xf32> to vector<4096xf32>
    %broadcast_in_dim3A_82 = vector.shape_cast %reduce_min3A_81 : vector<4096xf32> to vector<1x4096xf32>
    %convert_element_type3A_83 = arith.fptosi %broadcast_in_dim3A_82 : vector<1x4096xf32> to vector<1x4096xi32>
    %transpose3A_84 = tpu.transpose %convert_element_type3A_83, [1, 0] : vector<1x4096xi32> -> vector<4096x1xi32>
    %swap3A_85 = arith.constant 0 : index
    %swap3A_86 = arith.constant 0 : index
    %swap3A_87 = arith.constant 2 : index
    %swap3A_88 = vector.load %arg4[%swap3A_85, %swap3A_86, %swap3A_87] : memref<1x4096x3xi32, #tpu.memory_space<vmem>>, vector<1x4096x1xi32>
    %swap3A_89 = vector.shape_cast %swap3A_88 : vector<1x4096x1xi32> to vector<4096x1xi32>
    %swap3A_90 = vector.shape_cast %transpose3A_84 : vector<4096x1xi32> to vector<1x4096x1xi32>
    tpu.vector_store %arg4[%swap3A_85, %swap3A_86, %swap3A_87], %swap3A_90 {strides = array<i32>} : memref<1x4096x3xi32, #tpu.memory_space<vmem>>, vector<1x4096x1xi32>,
    %eq3A_91 = vector.broadcast %broadcast_in_dim3A_30 : vector<1x4096xf32> to vector<128x4096xf32>
    %eq3A_92 = arith.cmpf oeq, %convert_element_type3A, %eq3A_91 : vector<128x4096xf32>
    %convert_element_type3A_93 = arith.extui %eq3A_92 : vector<128x4096xi1> to vector<128x4096xi32>
    %convert_element_type3A_94 = arith.sitofp %convert_element_type3A_93 : vector<128x4096xi32> to vector<128x4096xf32>
    %dot_general3A = arith.constant dense<0.000000e+00> : vector<128x3xf32>
    %dot_general3A_95 = tpu.matmul %convert_element_type3A_94, %get3A_3, %dot_general3A {dimension_numbers = #tpu.dot_dimension_numbers<[1], [1], [0], [0], [0, 0, 1, 0], [], []>, precision = #tpu.contract_precision<fp32>, transpose_lhs_hint = false} : vector<128x4096xf32>, vector<3x4096xf32>, vector<128x3xf32> -> vector<128x3xf32>
    %reduce_sum3A = arith.constant dense<0.000000e+00> : vector<128xf32>
    %reduce_sum3A_96 = vector.multi_reduction <add>, %convert_element_type3A_94, %reduce_sum3A [1] : vector<128x4096xf32> to vector<128xf32>
    %broadcast_in_dim3A_97 = vector.shape_cast %reduce_sum3A_96 : vector<128xf32> to vector<128x1xf32>
    %eq3A_98 = arith.constant 0 : i32
    %eq3A_99 = arith.cmpi eq, %arg1, %eq3A_98 : i32
    %convert_element_type3A_100 = arith.extui %eq3A_99 : i1 to i32
    %cond3A = arith.constant 0 : i32
    %cond3A_101 = arith.cmpi ne, %convert_element_type3A_100, %cond3A : i32
    scf.if %cond3A_101 {
      %broadcast_in_dim3A_121 = arith.constant 0.000000e+00 : f32
      %broadcast_in_dim3A_122 = vector.broadcast %broadcast_in_dim3A_121 : f32 to vector<128x4xf32>
      %swap3A_123 = arith.constant 0 : index
      %swap3A_124 = arith.constant 0 : index
      %swap3A_125 = vector.load %arg7[%swap3A_123, %swap3A_124] : memref<128x4xf32, #tpu.memory_space<vmem>>, vector<128x4xf32>
      tpu.vector_store %arg7[%swap3A_123, %swap3A_124], %broadcast_in_dim3A_122 {strides = array<i32>} : memref<128x4xf32, #tpu.memory_space<vmem>>, vector<128x4xf32>,
    } else {
    }
    %get3A_102 = arith.constant 0 : index
    %get3A_103 = arith.constant 0 : index
    %get3A_104 = vector.load %arg7[%get3A_102, %get3A_103] : memref<128x4xf32, #tpu.memory_space<vmem>>, vector<128x3xf32>
    %add3A_105 = arith.addf %get3A_104, %dot_general3A_95 : vector<128x3xf32>
    %swap3A_106 = arith.constant 0 : index
    %swap3A_107 = arith.constant 0 : index
    %swap3A_108 = vector.load %arg7[%swap3A_106, %swap3A_107] : memref<128x4xf32, #tpu.memory_space<vmem>>, vector<128x3xf32>
    tpu.vector_store %arg7[%swap3A_106, %swap3A_107], %add3A_105 {strides = array<i32>} : memref<128x4xf32, #tpu.memory_space<vmem>>, vector<128x3xf32>,
    %get3A_109 = arith.constant 0 : index
    %get3A_110 = arith.constant 3 : index
    %get3A_111 = vector.load %arg7[%get3A_109, %get3A_110] : memref<128x4xf32, #tpu.memory_space<vmem>>, vector<128x1xf32>
    %add3A_112 = arith.addf %get3A_111, %broadcast_in_dim3A_97 : vector<128x1xf32>
    %swap3A_113 = arith.constant 0 : index
    %swap3A_114 = arith.constant 3 : index
    %swap3A_115 = vector.load %arg7[%swap3A_113, %swap3A_114] : memref<128x4xf32, #tpu.memory_space<vmem>>, vector<128x1xf32>
    tpu.vector_store %arg7[%swap3A_113, %swap3A_114], %add3A_112 {strides = array<i32>} : memref<128x4xf32, #tpu.memory_space<vmem>>, vector<128x1xf32>,
    %eq3A_116 = arith.constant 4 : i32
    %eq3A_117 = arith.cmpi eq, %arg1, %eq3A_116 : i32
    %convert_element_type3A_118 = arith.extui %eq3A_117 : i1 to i32
    %cond3A_119 = arith.constant 0 : i32
    %cond3A_120 = arith.cmpi ne, %convert_element_type3A_118, %cond3A_119 : i32
    scf.if %cond3A_120 {
      %get3A_121 = arith.constant 0 : index
      %get3A_122 = arith.constant 0 : index
      %get3A_123 = vector.load %arg7[%get3A_121, %get3A_122] : memref<128x4xf32, #tpu.memory_space<vmem>>, vector<128x4xf32>
      %slice3A_124 = vector.extract_strided_slice %get3A_123 {offsets = [0, 0], sizes = [128, 3], strides = [1, 1]} : vector<128x4xf32> to vector<128x3xf32>
      %slice3A_125 = vector.extract_strided_slice %get3A_123 {offsets = [0, 3], sizes = [128, 1], strides = [1, 1]} : vector<128x4xf32> to vector<128x1xf32>
      %add3A_126 = arith.constant 9.99999974E-6 : f32
      %add3A_127 = vector.broadcast %add3A_126 : f32 to vector<128x1xf32>
      %add3A_128 = arith.addf %slice3A_125, %add3A_127 : vector<128x1xf32>
      %div3A = vector.broadcast %add3A_128 : vector<128x1xf32> to vector<128x3xf32>
      %div3A_129 = arith.divf %slice3A_124, %div3A : vector<128x3xf32>
      %transpose3A_130 = tpu.transpose %div3A_129, [1, 0] : vector<128x3xf32> -> vector<3x128xf32>
      %swap3A_131 = arith.constant 0 : index
      %swap3A_132 = arith.constant 0 : index
      %swap3A_133 = arith.constant 0 : index
      %swap3A_134 = vector.load %arg6[%swap3A_131, %swap3A_132, %swap3A_133] : memref<1x3x128xf32, #tpu.memory_space<vmem>>, vector<1x3x128xf32>
      %swap3A_135 = vector.shape_cast %swap3A_134 : vector<1x3x128xf32> to vector<3x128xf32>
      %swap3A_136 = vector.shape_cast %transpose3A_130 : vector<3x128xf32> to vector<1x3x128xf32>
      tpu.vector_store %arg6[%swap3A_131, %swap3A_132, %swap3A_133], %swap3A_136 {strides = array<i32>} : memref<1x3x128xf32, #tpu.memory_space<vmem>>, vector<1x3x128xf32>,
    } else {
    }
    return
  }
  func.func @transform_0(%arg0: i32, %arg1: i32) -> (i32, i32, i32) {
    %c0_i32 = arith.constant 0 : i32
    %c0_i32_0 = arith.constant 0 : i32
    return %arg0, %c0_i32, %arg1 : i32, i32, i32
  }
  func.func @transform_1(%arg0: i32, %arg1: i32) -> (i32, i32, i32) {
    %c0_i32 = arith.constant 0 : i32
    %c0_i32_0 = arith.constant 0 : i32
    %c0_i32_1 = arith.constant 0 : i32
    return %arg0, %c0_i32, %c0_i32_0 : i32, i32, i32
  }
  func.func @transform_2(%arg0: i32, %arg1: i32) -> (i32, i32, i32) {
    %c0_i32 = arith.constant 0 : i32
    %c0_i32_0 = arith.constant 0 : i32
    return %arg0, %arg1, %c0_i32 : i32, i32, i32
  }
  func.func @transform_3(%arg0: i32, %arg1: i32) -> (i32, i32, i32) {
    %c0_i32 = arith.constant 0 : i32
    %c0_i32_0 = arith.constant 0 : i32
    return %arg0, %c0_i32, %arg1 : i32, i32, i32
  }
  func.func @transform_4(%arg0: i32, %arg1: i32) -> (i32, i32, i32) {
    %c0_i32 = arith.constant 0 : i32
    %c0_i32_0 = arith.constant 0 : i32
    %c0_i32_1 = arith.constant 0 : i32
    return %arg0, %c0_i32, %c0_i32_0 : i32, i32, i32
  }
}

module attributes {stable_mosaic.version = 14 : i64} {
  func.func @_p3_body(%arg0: i32, %arg1: i32, %arg2: memref<1x32x4096xf32, #tpu.memory_space<vmem>>, %arg3: memref<1x1x4096xi32, #tpu.memory_space<vmem>>, %arg4: memref<1x16x128x32xf32, #tpu.memory_space<vmem>>, %arg5: memref<64x64xf32, #tpu.memory_space<vmem>>, %arg6: memref<64x1xf32, #tpu.memory_space<vmem>>, %arg7: memref<64x64xf32, #tpu.memory_space<vmem>>, %arg8: memref<64x1xf32, #tpu.memory_space<vmem>>, %arg9: memref<1x64x4096xf32, #tpu.memory_space<vmem>>, %arg10: memref<1x4096x64xf32, #tpu.memory_space<vmem>>) attributes {dimension_semantics = [#tpu.dimension_semantics<arbitrary>, #tpu.dimension_semantics<arbitrary>], iteration_bounds = array<i64: 2, 5>, scalar_prefetch = 0 : i64, scratch_operands = 0 : i64, tpu.core_type = #tpu.core_type<tc>, window_params = [{transform_indices = @transform_0, window_bounds = array<i64: 1, 32, 4096>}, {transform_indices = @transform_1, window_bounds = array<i64: 1, 1, 4096>}, {transform_indices = @transform_2, window_bounds = array<i64: 1, 16, 128, 32>}, {pipeline_mode = #tpu.pipeline_mode<synchronous>, transform_indices = @transform_3, window_bounds = array<i64: 64, 64>}, {pipeline_mode = #tpu.pipeline_mode<synchronous>, transform_indices = @transform_4, window_bounds = array<i64: 64, 1>}, {pipeline_mode = #tpu.pipeline_mode<synchronous>, transform_indices = @transform_5, window_bounds = array<i64: 64, 64>}, {pipeline_mode = #tpu.pipeline_mode<synchronous>, transform_indices = @transform_6, window_bounds = array<i64: 64, 1>}, {transform_indices = @transform_7, window_bounds = array<i64: 1, 64, 4096>}, {transform_indices = @transform_8, window_bounds = array<i64: 1, 4096, 64>}]} {
    %get3A = arith.constant 0 : index
    %get3A_0 = arith.constant 0 : index
    %get3A_1 = arith.constant 0 : index
    %get3A_2 = arith.constant 0 : index
    %get3A_3 = vector.load %arg4[%get3A, %get3A_0, %get3A_1, %get3A_2] : memref<1x16x128x32xf32, #tpu.memory_space<vmem>>, vector<1x1x128x32xf32>
    %get3A_4 = vector.shape_cast %get3A_3 : vector<1x1x128x32xf32> to vector<128x32xf32>
    %get3A_5 = arith.constant 0 : index
    %get3A_6 = arith.constant 1 : index
    %get3A_7 = arith.constant 0 : index
    %get3A_8 = arith.constant 0 : index
    %get3A_9 = vector.load %arg4[%get3A_5, %get3A_6, %get3A_7, %get3A_8] : memref<1x16x128x32xf32, #tpu.memory_space<vmem>>, vector<1x1x128x32xf32>
    %get3A_10 = vector.shape_cast %get3A_9 : vector<1x1x128x32xf32> to vector<128x32xf32>
    %max3A = arith.maximumf %get3A_4, %get3A_10 : vector<128x32xf32>
    %get3A_11 = arith.constant 0 : index
    %get3A_12 = arith.constant 2 : index
    %get3A_13 = arith.constant 0 : index
    %get3A_14 = arith.constant 0 : index
    %get3A_15 = vector.load %arg4[%get3A_11, %get3A_12, %get3A_13, %get3A_14] : memref<1x16x128x32xf32, #tpu.memory_space<vmem>>, vector<1x1x128x32xf32>
    %get3A_16 = vector.shape_cast %get3A_15 : vector<1x1x128x32xf32> to vector<128x32xf32>
    %max3A_17 = arith.maximumf %max3A, %get3A_16 : vector<128x32xf32>
    %get3A_18 = arith.constant 0 : index
    %get3A_19 = arith.constant 3 : index
    %get3A_20 = arith.constant 0 : index
    %get3A_21 = arith.constant 0 : index
    %get3A_22 = vector.load %arg4[%get3A_18, %get3A_19, %get3A_20, %get3A_21] : memref<1x16x128x32xf32, #tpu.memory_space<vmem>>, vector<1x1x128x32xf32>
    %get3A_23 = vector.shape_cast %get3A_22 : vector<1x1x128x32xf32> to vector<128x32xf32>
    %max3A_24 = arith.maximumf %max3A_17, %get3A_23 : vector<128x32xf32>
    %get3A_25 = arith.constant 0 : index
    %get3A_26 = arith.constant 4 : index
    %get3A_27 = arith.constant 0 : index
    %get3A_28 = arith.constant 0 : index
    %get3A_29 = vector.load %arg4[%get3A_25, %get3A_26, %get3A_27, %get3A_28] : memref<1x16x128x32xf32, #tpu.memory_space<vmem>>, vector<1x1x128x32xf32>
    %get3A_30 = vector.shape_cast %get3A_29 : vector<1x1x128x32xf32> to vector<128x32xf32>
    %max3A_31 = arith.maximumf %max3A_24, %get3A_30 : vector<128x32xf32>
    %get3A_32 = arith.constant 0 : index
    %get3A_33 = arith.constant 5 : index
    %get3A_34 = arith.constant 0 : index
    %get3A_35 = arith.constant 0 : index
    %get3A_36 = vector.load %arg4[%get3A_32, %get3A_33, %get3A_34, %get3A_35] : memref<1x16x128x32xf32, #tpu.memory_space<vmem>>, vector<1x1x128x32xf32>
    %get3A_37 = vector.shape_cast %get3A_36 : vector<1x1x128x32xf32> to vector<128x32xf32>
    %max3A_38 = arith.maximumf %max3A_31, %get3A_37 : vector<128x32xf32>
    %get3A_39 = arith.constant 0 : index
    %get3A_40 = arith.constant 6 : index
    %get3A_41 = arith.constant 0 : index
    %get3A_42 = arith.constant 0 : index
    %get3A_43 = vector.load %arg4[%get3A_39, %get3A_40, %get3A_41, %get3A_42] : memref<1x16x128x32xf32, #tpu.memory_space<vmem>>, vector<1x1x128x32xf32>
    %get3A_44 = vector.shape_cast %get3A_43 : vector<1x1x128x32xf32> to vector<128x32xf32>
    %max3A_45 = arith.maximumf %max3A_38, %get3A_44 : vector<128x32xf32>
    %get3A_46 = arith.constant 0 : index
    %get3A_47 = arith.constant 7 : index
    %get3A_48 = arith.constant 0 : index
    %get3A_49 = arith.constant 0 : index
    %get3A_50 = vector.load %arg4[%get3A_46, %get3A_47, %get3A_48, %get3A_49] : memref<1x16x128x32xf32, #tpu.memory_space<vmem>>, vector<1x1x128x32xf32>
    %get3A_51 = vector.shape_cast %get3A_50 : vector<1x1x128x32xf32> to vector<128x32xf32>
    %max3A_52 = arith.maximumf %max3A_45, %get3A_51 : vector<128x32xf32>
    %get3A_53 = arith.constant 0 : index
    %get3A_54 = arith.constant 8 : index
    %get3A_55 = arith.constant 0 : index
    %get3A_56 = arith.constant 0 : index
    %get3A_57 = vector.load %arg4[%get3A_53, %get3A_54, %get3A_55, %get3A_56] : memref<1x16x128x32xf32, #tpu.memory_space<vmem>>, vector<1x1x128x32xf32>
    %get3A_58 = vector.shape_cast %get3A_57 : vector<1x1x128x32xf32> to vector<128x32xf32>
    %max3A_59 = arith.maximumf %max3A_52, %get3A_58 : vector<128x32xf32>
    %get3A_60 = arith.constant 0 : index
    %get3A_61 = arith.constant 9 : index
    %get3A_62 = arith.constant 0 : index
    %get3A_63 = arith.constant 0 : index
    %get3A_64 = vector.load %arg4[%get3A_60, %get3A_61, %get3A_62, %get3A_63] : memref<1x16x128x32xf32, #tpu.memory_space<vmem>>, vector<1x1x128x32xf32>
    %get3A_65 = vector.shape_cast %get3A_64 : vector<1x1x128x32xf32> to vector<128x32xf32>
    %max3A_66 = arith.maximumf %max3A_59, %get3A_65 : vector<128x32xf32>
    %get3A_67 = arith.constant 0 : index
    %get3A_68 = arith.constant 10 : index
    %get3A_69 = arith.constant 0 : index
    %get3A_70 = arith.constant 0 : index
    %get3A_71 = vector.load %arg4[%get3A_67, %get3A_68, %get3A_69, %get3A_70] : memref<1x16x128x32xf32, #tpu.memory_space<vmem>>, vector<1x1x128x32xf32>
    %get3A_72 = vector.shape_cast %get3A_71 : vector<1x1x128x32xf32> to vector<128x32xf32>
    %max3A_73 = arith.maximumf %max3A_66, %get3A_72 : vector<128x32xf32>
    %get3A_74 = arith.constant 0 : index
    %get3A_75 = arith.constant 11 : index
    %get3A_76 = arith.constant 0 : index
    %get3A_77 = arith.constant 0 : index
    %get3A_78 = vector.load %arg4[%get3A_74, %get3A_75, %get3A_76, %get3A_77] : memref<1x16x128x32xf32, #tpu.memory_space<vmem>>, vector<1x1x128x32xf32>
    %get3A_79 = vector.shape_cast %get3A_78 : vector<1x1x128x32xf32> to vector<128x32xf32>
    %max3A_80 = arith.maximumf %max3A_73, %get3A_79 : vector<128x32xf32>
    %get3A_81 = arith.constant 0 : index
    %get3A_82 = arith.constant 12 : index
    %get3A_83 = arith.constant 0 : index
    %get3A_84 = arith.constant 0 : index
    %get3A_85 = vector.load %arg4[%get3A_81, %get3A_82, %get3A_83, %get3A_84] : memref<1x16x128x32xf32, #tpu.memory_space<vmem>>, vector<1x1x128x32xf32>
    %get3A_86 = vector.shape_cast %get3A_85 : vector<1x1x128x32xf32> to vector<128x32xf32>
    %max3A_87 = arith.maximumf %max3A_80, %get3A_86 : vector<128x32xf32>
    %get3A_88 = arith.constant 0 : index
    %get3A_89 = arith.constant 13 : index
    %get3A_90 = arith.constant 0 : index
    %get3A_91 = arith.constant 0 : index
    %get3A_92 = vector.load %arg4[%get3A_88, %get3A_89, %get3A_90, %get3A_91] : memref<1x16x128x32xf32, #tpu.memory_space<vmem>>, vector<1x1x128x32xf32>
    %get3A_93 = vector.shape_cast %get3A_92 : vector<1x1x128x32xf32> to vector<128x32xf32>
    %max3A_94 = arith.maximumf %max3A_87, %get3A_93 : vector<128x32xf32>
    %get3A_95 = arith.constant 0 : index
    %get3A_96 = arith.constant 14 : index
    %get3A_97 = arith.constant 0 : index
    %get3A_98 = arith.constant 0 : index
    %get3A_99 = vector.load %arg4[%get3A_95, %get3A_96, %get3A_97, %get3A_98] : memref<1x16x128x32xf32, #tpu.memory_space<vmem>>, vector<1x1x128x32xf32>
    %get3A_100 = vector.shape_cast %get3A_99 : vector<1x1x128x32xf32> to vector<128x32xf32>
    %max3A_101 = arith.maximumf %max3A_94, %get3A_100 : vector<128x32xf32>
    %get3A_102 = arith.constant 0 : index
    %get3A_103 = arith.constant 15 : index
    %get3A_104 = arith.constant 0 : index
    %get3A_105 = arith.constant 0 : index
    %get3A_106 = vector.load %arg4[%get3A_102, %get3A_103, %get3A_104, %get3A_105] : memref<1x16x128x32xf32, #tpu.memory_space<vmem>>, vector<1x1x128x32xf32>
    %get3A_107 = vector.shape_cast %get3A_106 : vector<1x1x128x32xf32> to vector<128x32xf32>
    %max3A_108 = arith.maximumf %max3A_101, %get3A_107 : vector<128x32xf32>
    %transpose3A = tpu.transpose %max3A_108, [1, 0] : vector<128x32xf32> -> vector<32x128xf32>
    %get3A_109 = arith.constant 0 : index
    %get3A_110 = arith.constant 0 : index
    %get3A_111 = arith.constant 0 : index
    %get3A_112 = vector.load %arg3[%get3A_109, %get3A_110, %get3A_111] : memref<1x1x4096xi32, #tpu.memory_space<vmem>>, vector<1x1x4096xi32>
    %get3A_113 = vector.shape_cast %get3A_112 : vector<1x1x4096xi32> to vector<1x4096xi32>
    %iota3A = tpu.iota {dimensions = array<i32: 0>} : vector<128x4096xi32>
    %eq3A = vector.broadcast %get3A_113 : vector<1x4096xi32> to vector<128x4096xi32>
    %eq3A_114 = arith.cmpi eq, %iota3A, %eq3A : vector<128x4096xi32>
    %convert_element_type3A = arith.extui %eq3A_114 : vector<128x4096xi1> to vector<128x4096xi32>
    %convert_element_type3A_115 = arith.sitofp %convert_element_type3A : vector<128x4096xi32> to vector<128x4096xf32>
    %dot_general3A = arith.constant dense<0.000000e+00> : vector<32x4096xf32>
    %dot_general3A_116 = tpu.matmul %transpose3A, %convert_element_type3A_115, %dot_general3A {dimension_numbers = #tpu.dot_dimension_numbers<[1], [0], [0], [1], [0, 0, 1, 1], [], []>, precision = #tpu.contract_precision<fp32>, transpose_lhs_hint = false} : vector<32x128xf32>, vector<128x4096xf32>, vector<32x4096xf32> -> vector<32x4096xf32>
    %get3A_117 = arith.constant 0 : index
    %get3A_118 = arith.constant 0 : index
    %get3A_119 = arith.constant 0 : index
    %get3A_120 = vector.load %arg2[%get3A_117, %get3A_118, %get3A_119] : memref<1x32x4096xf32, #tpu.memory_space<vmem>>, vector<1x32x4096xf32>
    %get3A_121 = vector.shape_cast %get3A_120 : vector<1x32x4096xf32> to vector<32x4096xf32>
    %get3A_122 = arith.constant 0 : index
    %get3A_123 = arith.constant 0 : index
    %get3A_124 = vector.load %arg5[%get3A_122, %get3A_123] : memref<64x64xf32, #tpu.memory_space<vmem>>, vector<64x32xf32>
    %dot_general3A_125 = arith.constant dense<0.000000e+00> : vector<64x4096xf32>
    %dot_general3A_126 = tpu.matmul %get3A_124, %get3A_121, %dot_general3A_125 {dimension_numbers = #tpu.dot_dimension_numbers<[1], [0], [0], [1], [0, 0, 1, 1], [], []>, transpose_lhs_hint = false} : vector<64x32xf32>, vector<32x4096xf32>, vector<64x4096xf32> -> vector<64x4096xf32>
    %get3A_127 = arith.constant 0 : index
    %get3A_128 = arith.constant 32 : index
    %get3A_129 = vector.load %arg5[%get3A_127, %get3A_128] : memref<64x64xf32, #tpu.memory_space<vmem>>, vector<64x32xf32>
    %dot_general3A_130 = arith.constant dense<0.000000e+00> : vector<64x4096xf32>
    %dot_general3A_131 = tpu.matmul %get3A_129, %dot_general3A_116, %dot_general3A_130 {dimension_numbers = #tpu.dot_dimension_numbers<[1], [0], [0], [1], [0, 0, 1, 1], [], []>, transpose_lhs_hint = false} : vector<64x32xf32>, vector<32x4096xf32>, vector<64x4096xf32> -> vector<64x4096xf32>
    %add3A = arith.addf %dot_general3A_126, %dot_general3A_131 : vector<64x4096xf32>
    %get3A_132 = arith.constant 0 : index
    %get3A_133 = arith.constant 0 : index
    %get3A_134 = vector.load %arg6[%get3A_132, %get3A_133] : memref<64x1xf32, #tpu.memory_space<vmem>>, vector<64x1xf32>
    %add3A_135 = vector.broadcast %get3A_134 : vector<64x1xf32> to vector<64x4096xf32>
    %add3A_136 = arith.addf %add3A, %add3A_135 : vector<64x4096xf32>
    %max3A_137 = arith.constant 0.000000e+00 : f32
    %max3A_138 = vector.broadcast %max3A_137 : f32 to vector<64x4096xf32>
    %max3A_139 = arith.maximumf %add3A_136, %max3A_138 : vector<64x4096xf32>
    %get3A_140 = arith.constant 0 : index
    %get3A_141 = arith.constant 0 : index
    %get3A_142 = vector.load %arg7[%get3A_140, %get3A_141] : memref<64x64xf32, #tpu.memory_space<vmem>>, vector<64x64xf32>
    %dot_general3A_143 = arith.constant dense<0.000000e+00> : vector<64x4096xf32>
    %dot_general3A_144 = tpu.matmul %get3A_142, %max3A_139, %dot_general3A_143 {dimension_numbers = #tpu.dot_dimension_numbers<[1], [0], [0], [1], [0, 0, 1, 1], [], []>, transpose_lhs_hint = false} : vector<64x64xf32>, vector<64x4096xf32>, vector<64x4096xf32> -> vector<64x4096xf32>
    %get3A_145 = arith.constant 0 : index
    %get3A_146 = arith.constant 0 : index
    %get3A_147 = vector.load %arg8[%get3A_145, %get3A_146] : memref<64x1xf32, #tpu.memory_space<vmem>>, vector<64x1xf32>
    %add3A_148 = vector.broadcast %get3A_147 : vector<64x1xf32> to vector<64x4096xf32>
    %add3A_149 = arith.addf %dot_general3A_144, %add3A_148 : vector<64x4096xf32>
    %max3A_150 = arith.constant 0.000000e+00 : f32
    %max3A_151 = vector.broadcast %max3A_150 : f32 to vector<64x4096xf32>
    %max3A_152 = arith.maximumf %add3A_149, %max3A_151 : vector<64x4096xf32>
    %swap3A = arith.constant 0 : index
    %swap3A_153 = arith.constant 0 : index
    %swap3A_154 = arith.constant 0 : index
    %swap3A_155 = vector.load %arg9[%swap3A, %swap3A_153, %swap3A_154] : memref<1x64x4096xf32, #tpu.memory_space<vmem>>, vector<1x64x4096xf32>
    %swap3A_156 = vector.shape_cast %swap3A_155 : vector<1x64x4096xf32> to vector<64x4096xf32>
    %swap3A_157 = vector.shape_cast %max3A_152 : vector<64x4096xf32> to vector<1x64x4096xf32>
    tpu.vector_store %arg9[%swap3A, %swap3A_153, %swap3A_154], %swap3A_157 {strides = array<i32>} : memref<1x64x4096xf32, #tpu.memory_space<vmem>>, vector<1x64x4096xf32>,
    %transpose3A_158 = tpu.transpose %max3A_152, [1, 0] : vector<64x4096xf32> -> vector<4096x64xf32>
    %swap3A_159 = arith.constant 0 : index
    %swap3A_160 = arith.constant 0 : index
    %swap3A_161 = arith.constant 0 : index
    %swap3A_162 = vector.load %arg10[%swap3A_159, %swap3A_160, %swap3A_161] : memref<1x4096x64xf32, #tpu.memory_space<vmem>>, vector<1x4096x64xf32>
    %swap3A_163 = vector.shape_cast %swap3A_162 : vector<1x4096x64xf32> to vector<4096x64xf32>
    %swap3A_164 = vector.shape_cast %transpose3A_158 : vector<4096x64xf32> to vector<1x4096x64xf32>
    tpu.vector_store %arg10[%swap3A_159, %swap3A_160, %swap3A_161], %swap3A_164 {strides = array<i32>} : memref<1x4096x64xf32, #tpu.memory_space<vmem>>, vector<1x4096x64xf32>,
    return
  }
  func.func @transform_0(%arg0: i32, %arg1: i32) -> (i32, i32, i32) {
    %c0_i32 = arith.constant 0 : i32
    %c0_i32_0 = arith.constant 0 : i32
    return %arg0, %c0_i32, %arg1 : i32, i32, i32
  }
  func.func @transform_1(%arg0: i32, %arg1: i32) -> (i32, i32, i32) {
    %c0_i32 = arith.constant 0 : i32
    %c0_i32_0 = arith.constant 0 : i32
    return %arg0, %c0_i32, %arg1 : i32, i32, i32
  }
  func.func @transform_2(%arg0: i32, %arg1: i32) -> (i32, i32, i32, i32) {
    %c0_i32 = arith.constant 0 : i32
    %c0_i32_0 = arith.constant 0 : i32
    %c0_i32_1 = arith.constant 0 : i32
    %c0_i32_2 = arith.constant 0 : i32
    return %arg0, %c0_i32, %c0_i32_0, %c0_i32_1 : i32, i32, i32, i32
  }
  func.func @transform_3(%arg0: i32, %arg1: i32) -> (i32, i32) {
    %c0_i32 = arith.constant 0 : i32
    %c0_i32_0 = arith.constant 0 : i32
    %c0_i32_1 = arith.constant 0 : i32
    return %c0_i32, %c0_i32_0 : i32, i32
  }
  func.func @transform_4(%arg0: i32, %arg1: i32) -> (i32, i32) {
    %c0_i32 = arith.constant 0 : i32
    %c0_i32_0 = arith.constant 0 : i32
    %c0_i32_1 = arith.constant 0 : i32
    return %c0_i32, %c0_i32_0 : i32, i32
  }
  func.func @transform_5(%arg0: i32, %arg1: i32) -> (i32, i32) {
    %c0_i32 = arith.constant 0 : i32
    %c0_i32_0 = arith.constant 0 : i32
    %c0_i32_1 = arith.constant 0 : i32
    return %c0_i32, %c0_i32_0 : i32, i32
  }
  func.func @transform_6(%arg0: i32, %arg1: i32) -> (i32, i32) {
    %c0_i32 = arith.constant 0 : i32
    %c0_i32_0 = arith.constant 0 : i32
    %c0_i32_1 = arith.constant 0 : i32
    return %c0_i32, %c0_i32_0 : i32, i32
  }
  func.func @transform_7(%arg0: i32, %arg1: i32) -> (i32, i32, i32) {
    %c0_i32 = arith.constant 0 : i32
    %c0_i32_0 = arith.constant 0 : i32
    return %arg0, %c0_i32, %arg1 : i32, i32, i32
  }
  func.func @transform_8(%arg0: i32, %arg1: i32) -> (i32, i32, i32) {
    %c0_i32 = arith.constant 0 : i32
    %c0_i32_0 = arith.constant 0 : i32
    return %arg0, %arg1, %c0_i32 : i32, i32, i32
  }
}

module attributes {stable_mosaic.version = 14 : i64} {
  func.func @_b1_body(%arg0: i32, %arg1: i32, %arg2: memref<1x3x128xf32, #tpu.memory_space<vmem>>, %arg3: memref<1x64x3xf32, #tpu.memory_space<vmem>>, %arg4: memref<1x128x3xf32, #tpu.memory_space<vmem>>, %arg5: memref<1x16x128x64xf32, #tpu.memory_space<vmem>>, %arg6: memref<3x256xf32, #tpu.memory_space<vmem>>, %arg7: memref<64x256xf32, #tpu.memory_space<vmem>>, %arg8: memref<1x256xf32, #tpu.memory_space<vmem>>, %arg9: memref<256x256xf32, #tpu.memory_space<vmem>>, %arg10: memref<1x256xf32, #tpu.memory_space<vmem>>, %arg11: memref<256x512xf32, #tpu.memory_space<vmem>>, %arg12: memref<256x512xf32, #tpu.memory_space<vmem>>, %arg13: memref<1x512xf32, #tpu.memory_space<vmem>>, %arg14: memref<512x256xf32, #tpu.memory_space<vmem>>, %arg15: memref<1x256xf32, #tpu.memory_space<vmem>>, %arg16: memref<3x256xf32, #tpu.memory_space<vmem>>, %arg17: memref<256x256xf32, #tpu.memory_space<vmem>>, %arg18: memref<1x256xf32, #tpu.memory_space<vmem>>, %arg19: memref<256x512xf32, #tpu.memory_space<vmem>>, %arg20: memref<1x512xf32, #tpu.memory_space<vmem>>, %arg21: memref<1x64x256xf32, #tpu.memory_space<vmem>>, %arg22: memref<1x128x64xf32, #tpu.memory_space<vmem>>, %arg23: memref<1x1x512xf32, #tpu.memory_space<vmem>>, %arg24: memref<1x512xf32, #tpu.memory_space<vmem>>) attributes {dimension_semantics = [#tpu.dimension_semantics<arbitrary>, #tpu.dimension_semantics<arbitrary>], iteration_bounds = array<i64: 2, 2>, scalar_prefetch = 0 : i64, scratch_operands = 1 : i64, tpu.core_type = #tpu.core_type<tc>, window_params = [{transform_indices = @transform_0, window_bounds = array<i64: 1, 3, 128>}, {transform_indices = @transform_1, window_bounds = array<i64: 1, 64, 3>}, {transform_indices = @transform_2, window_bounds = array<i64: 1, 128, 3>}, {transform_indices = @transform_3, window_bounds = array<i64: 1, 16, 128, 64>}, {pipeline_mode = #tpu.pipeline_mode<synchronous>, transform_indices = @transform_4, window_bounds = array<i64: 3, 256>}, {pipeline_mode = #tpu.pipeline_mode<synchronous>, transform_indices = @transform_5, window_bounds = array<i64: 64, 256>}, {pipeline_mode = #tpu.pipeline_mode<synchronous>, transform_indices = @transform_6, window_bounds = array<i64: 1, 256>}, {pipeline_mode = #tpu.pipeline_mode<synchronous>, transform_indices = @transform_7, window_bounds = array<i64: 256, 256>}, {pipeline_mode = #tpu.pipeline_mode<synchronous>, transform_indices = @transform_8, window_bounds = array<i64: 1, 256>}, {pipeline_mode = #tpu.pipeline_mode<synchronous>, transform_indices = @transform_9, window_bounds = array<i64: 256, 512>}, {pipeline_mode = #tpu.pipeline_mode<synchronous>, transform_indices = @transform_10, window_bounds = array<i64: 256, 512>}, {pipeline_mode = #tpu.pipeline_mode<synchronous>, transform_indices = @transform_11, window_bounds = array<i64: 1, 512>}, {pipeline_mode = #tpu.pipeline_mode<synchronous>, transform_indices = @transform_12, window_bounds = array<i64: 512, 256>}, {pipeline_mode = #tpu.pipeline_mode<synchronous>, transform_indices = @transform_13, window_bounds = array<i64: 1, 256>}, {pipeline_mode = #tpu.pipeline_mode<synchronous>, transform_indices = @transform_14, window_bounds = array<i64: 3, 256>}, {pipeline_mode = #tpu.pipeline_mode<synchronous>, transform_indices = @transform_15, window_bounds = array<i64: 256, 256>}, {pipeline_mode = #tpu.pipeline_mode<synchronous>, transform_indices = @transform_16, window_bounds = array<i64: 1, 256>}, {pipeline_mode = #tpu.pipeline_mode<synchronous>, transform_indices = @transform_17, window_bounds = array<i64: 256, 512>}, {pipeline_mode = #tpu.pipeline_mode<synchronous>, transform_indices = @transform_18, window_bounds = array<i64: 1, 512>}, {transform_indices = @transform_19, window_bounds = array<i64: 1, 64, 256>}, {transform_indices = @transform_20, window_bounds = array<i64: 1, 128, 64>}, {transform_indices = @transform_21, window_bounds = array<i64: 1, 1, 512>}]} {
    %get3A = arith.constant 0 : index
    %get3A_0 = arith.constant 0 : index
    %get3A_1 = arith.constant 0 : index
    %get3A_2 = arith.constant 0 : index
    %get3A_3 = vector.load %arg5[%get3A, %get3A_0, %get3A_1, %get3A_2] : memref<1x16x128x64xf32, #tpu.memory_space<vmem>>, vector<1x1x128x64xf32>
    %get3A_4 = vector.shape_cast %get3A_3 : vector<1x1x128x64xf32> to vector<128x64xf32>
    %get3A_5 = arith.constant 0 : index
    %get3A_6 = arith.constant 1 : index
    %get3A_7 = arith.constant 0 : index
    %get3A_8 = arith.constant 0 : index
    %get3A_9 = vector.load %arg5[%get3A_5, %get3A_6, %get3A_7, %get3A_8] : memref<1x16x128x64xf32, #tpu.memory_space<vmem>>, vector<1x1x128x64xf32>
    %get3A_10 = vector.shape_cast %get3A_9 : vector<1x1x128x64xf32> to vector<128x64xf32>
    %max3A = arith.maximumf %get3A_4, %get3A_10 : vector<128x64xf32>
    %get3A_11 = arith.constant 0 : index
    %get3A_12 = arith.constant 2 : index
    %get3A_13 = arith.constant 0 : index
    %get3A_14 = arith.constant 0 : index
    %get3A_15 = vector.load %arg5[%get3A_11, %get3A_12, %get3A_13, %get3A_14] : memref<1x16x128x64xf32, #tpu.memory_space<vmem>>, vector<1x1x128x64xf32>
    %get3A_16 = vector.shape_cast %get3A_15 : vector<1x1x128x64xf32> to vector<128x64xf32>
    %max3A_17 = arith.maximumf %max3A, %get3A_16 : vector<128x64xf32>
    %get3A_18 = arith.constant 0 : index
    %get3A_19 = arith.constant 3 : index
    %get3A_20 = arith.constant 0 : index
    %get3A_21 = arith.constant 0 : index
    %get3A_22 = vector.load %arg5[%get3A_18, %get3A_19, %get3A_20, %get3A_21] : memref<1x16x128x64xf32, #tpu.memory_space<vmem>>, vector<1x1x128x64xf32>
    %get3A_23 = vector.shape_cast %get3A_22 : vector<1x1x128x64xf32> to vector<128x64xf32>
    %max3A_24 = arith.maximumf %max3A_17, %get3A_23 : vector<128x64xf32>
    %get3A_25 = arith.constant 0 : index
    %get3A_26 = arith.constant 4 : index
    %get3A_27 = arith.constant 0 : index
    %get3A_28 = arith.constant 0 : index
    %get3A_29 = vector.load %arg5[%get3A_25, %get3A_26, %get3A_27, %get3A_28] : memref<1x16x128x64xf32, #tpu.memory_space<vmem>>, vector<1x1x128x64xf32>
    %get3A_30 = vector.shape_cast %get3A_29 : vector<1x1x128x64xf32> to vector<128x64xf32>
    %max3A_31 = arith.maximumf %max3A_24, %get3A_30 : vector<128x64xf32>
    %get3A_32 = arith.constant 0 : index
    %get3A_33 = arith.constant 5 : index
    %get3A_34 = arith.constant 0 : index
    %get3A_35 = arith.constant 0 : index
    %get3A_36 = vector.load %arg5[%get3A_32, %get3A_33, %get3A_34, %get3A_35] : memref<1x16x128x64xf32, #tpu.memory_space<vmem>>, vector<1x1x128x64xf32>
    %get3A_37 = vector.shape_cast %get3A_36 : vector<1x1x128x64xf32> to vector<128x64xf32>
    %max3A_38 = arith.maximumf %max3A_31, %get3A_37 : vector<128x64xf32>
    %get3A_39 = arith.constant 0 : index
    %get3A_40 = arith.constant 6 : index
    %get3A_41 = arith.constant 0 : index
    %get3A_42 = arith.constant 0 : index
    %get3A_43 = vector.load %arg5[%get3A_39, %get3A_40, %get3A_41, %get3A_42] : memref<1x16x128x64xf32, #tpu.memory_space<vmem>>, vector<1x1x128x64xf32>
    %get3A_44 = vector.shape_cast %get3A_43 : vector<1x1x128x64xf32> to vector<128x64xf32>
    %max3A_45 = arith.maximumf %max3A_38, %get3A_44 : vector<128x64xf32>
    %get3A_46 = arith.constant 0 : index
    %get3A_47 = arith.constant 7 : index
    %get3A_48 = arith.constant 0 : index
    %get3A_49 = arith.constant 0 : index
    %get3A_50 = vector.load %arg5[%get3A_46, %get3A_47, %get3A_48, %get3A_49] : memref<1x16x128x64xf32, #tpu.memory_space<vmem>>, vector<1x1x128x64xf32>
    %get3A_51 = vector.shape_cast %get3A_50 : vector<1x1x128x64xf32> to vector<128x64xf32>
    %max3A_52 = arith.maximumf %max3A_45, %get3A_51 : vector<128x64xf32>
    %get3A_53 = arith.constant 0 : index
    %get3A_54 = arith.constant 8 : index
    %get3A_55 = arith.constant 0 : index
    %get3A_56 = arith.constant 0 : index
    %get3A_57 = vector.load %arg5[%get3A_53, %get3A_54, %get3A_55, %get3A_56] : memref<1x16x128x64xf32, #tpu.memory_space<vmem>>, vector<1x1x128x64xf32>
    %get3A_58 = vector.shape_cast %get3A_57 : vector<1x1x128x64xf32> to vector<128x64xf32>
    %max3A_59 = arith.maximumf %max3A_52, %get3A_58 : vector<128x64xf32>
    %get3A_60 = arith.constant 0 : index
    %get3A_61 = arith.constant 9 : index
    %get3A_62 = arith.constant 0 : index
    %get3A_63 = arith.constant 0 : index
    %get3A_64 = vector.load %arg5[%get3A_60, %get3A_61, %get3A_62, %get3A_63] : memref<1x16x128x64xf32, #tpu.memory_space<vmem>>, vector<1x1x128x64xf32>
    %get3A_65 = vector.shape_cast %get3A_64 : vector<1x1x128x64xf32> to vector<128x64xf32>
    %max3A_66 = arith.maximumf %max3A_59, %get3A_65 : vector<128x64xf32>
    %get3A_67 = arith.constant 0 : index
    %get3A_68 = arith.constant 10 : index
    %get3A_69 = arith.constant 0 : index
    %get3A_70 = arith.constant 0 : index
    %get3A_71 = vector.load %arg5[%get3A_67, %get3A_68, %get3A_69, %get3A_70] : memref<1x16x128x64xf32, #tpu.memory_space<vmem>>, vector<1x1x128x64xf32>
    %get3A_72 = vector.shape_cast %get3A_71 : vector<1x1x128x64xf32> to vector<128x64xf32>
    %max3A_73 = arith.maximumf %max3A_66, %get3A_72 : vector<128x64xf32>
    %get3A_74 = arith.constant 0 : index
    %get3A_75 = arith.constant 11 : index
    %get3A_76 = arith.constant 0 : index
    %get3A_77 = arith.constant 0 : index
    %get3A_78 = vector.load %arg5[%get3A_74, %get3A_75, %get3A_76, %get3A_77] : memref<1x16x128x64xf32, #tpu.memory_space<vmem>>, vector<1x1x128x64xf32>
    %get3A_79 = vector.shape_cast %get3A_78 : vector<1x1x128x64xf32> to vector<128x64xf32>
    %max3A_80 = arith.maximumf %max3A_73, %get3A_79 : vector<128x64xf32>
    %get3A_81 = arith.constant 0 : index
    %get3A_82 = arith.constant 12 : index
    %get3A_83 = arith.constant 0 : index
    %get3A_84 = arith.constant 0 : index
    %get3A_85 = vector.load %arg5[%get3A_81, %get3A_82, %get3A_83, %get3A_84] : memref<1x16x128x64xf32, #tpu.memory_space<vmem>>, vector<1x1x128x64xf32>
    %get3A_86 = vector.shape_cast %get3A_85 : vector<1x1x128x64xf32> to vector<128x64xf32>
    %max3A_87 = arith.maximumf %max3A_80, %get3A_86 : vector<128x64xf32>
    %get3A_88 = arith.constant 0 : index
    %get3A_89 = arith.constant 13 : index
    %get3A_90 = arith.constant 0 : index
    %get3A_91 = arith.constant 0 : index
    %get3A_92 = vector.load %arg5[%get3A_88, %get3A_89, %get3A_90, %get3A_91] : memref<1x16x128x64xf32, #tpu.memory_space<vmem>>, vector<1x1x128x64xf32>
    %get3A_93 = vector.shape_cast %get3A_92 : vector<1x1x128x64xf32> to vector<128x64xf32>
    %max3A_94 = arith.maximumf %max3A_87, %get3A_93 : vector<128x64xf32>
    %get3A_95 = arith.constant 0 : index
    %get3A_96 = arith.constant 14 : index
    %get3A_97 = arith.constant 0 : index
    %get3A_98 = arith.constant 0 : index
    %get3A_99 = vector.load %arg5[%get3A_95, %get3A_96, %get3A_97, %get3A_98] : memref<1x16x128x64xf32, #tpu.memory_space<vmem>>, vector<1x1x128x64xf32>
    %get3A_100 = vector.shape_cast %get3A_99 : vector<1x1x128x64xf32> to vector<128x64xf32>
    %max3A_101 = arith.maximumf %max3A_94, %get3A_100 : vector<128x64xf32>
    %get3A_102 = arith.constant 0 : index
    %get3A_103 = arith.constant 15 : index
    %get3A_104 = arith.constant 0 : index
    %get3A_105 = arith.constant 0 : index
    %get3A_106 = vector.load %arg5[%get3A_102, %get3A_103, %get3A_104, %get3A_105] : memref<1x16x128x64xf32, #tpu.memory_space<vmem>>, vector<1x1x128x64xf32>
    %get3A_107 = vector.shape_cast %get3A_106 : vector<1x1x128x64xf32> to vector<128x64xf32>
    %max3A_108 = arith.maximumf %max3A_101, %get3A_107 : vector<128x64xf32>
    %eq3A = arith.constant 0 : i32
    %eq3A_109 = arith.cmpi eq, %arg1, %eq3A : i32
    %convert_element_type3A = arith.extui %eq3A_109 : i1 to i32
    %cond3A = arith.constant 0 : i32
    %cond3A_110 = arith.cmpi ne, %convert_element_type3A, %cond3A : i32
    scf.if %cond3A_110 {
      %swap3A_907 = arith.constant 0 : index
      %swap3A_908 = arith.constant 0 : index
      %swap3A_909 = arith.constant 0 : index
      %swap3A_910 = vector.load %arg22[%swap3A_907, %swap3A_908, %swap3A_909] : memref<1x128x64xf32, #tpu.memory_space<vmem>>, vector<1x128x64xf32>
      %swap3A_911 = vector.shape_cast %swap3A_910 : vector<1x128x64xf32> to vector<128x64xf32>
      %swap3A_912 = vector.shape_cast %max3A_108 : vector<128x64xf32> to vector<1x128x64xf32>
      tpu.vector_store %arg22[%swap3A_907, %swap3A_908, %swap3A_909], %swap3A_912 {strides = array<i32>} : memref<1x128x64xf32, #tpu.memory_space<vmem>>, vector<1x128x64xf32>,
    } else {
    }
    %get3A_111 = arith.constant 0 : index
    %get3A_112 = arith.constant 0 : index
    %get3A_113 = arith.constant 0 : index
    %get3A_114 = vector.load %arg2[%get3A_111, %get3A_112, %get3A_113] : memref<1x3x128xf32, #tpu.memory_space<vmem>>, vector<1x3x128xf32>
    %get3A_115 = vector.shape_cast %get3A_114 : vector<1x3x128xf32> to vector<3x128xf32>
    %get3A_116 = arith.constant 0 : index
    %get3A_117 = arith.constant 0 : index
    %get3A_118 = arith.constant 0 : index
    %get3A_119 = vector.load %arg3[%get3A_116, %get3A_117, %get3A_118] : memref<1x64x3xf32, #tpu.memory_space<vmem>>, vector<1x64x3xf32>
    %get3A_120 = vector.shape_cast %get3A_119 : vector<1x64x3xf32> to vector<64x3xf32>
    %slice3A = vector.extract_strided_slice %get3A_120 {offsets = [0, 0], sizes = [64, 1], strides = [1, 1]} : vector<64x3xf32> to vector<64x1xf32>
    %slice3A_121 = vector.extract_strided_slice %get3A_115 {offsets = [0, 0], sizes = [1, 128], strides = [1, 1]} : vector<3x128xf32> to vector<1x128xf32>
    %sub3A = vector.broadcast %slice3A : vector<64x1xf32> to vector<64x128xf32>
    %sub3A_122 = vector.broadcast %slice3A_121 : vector<1x128xf32> to vector<64x128xf32>
    %sub3A_123 = arith.subf %sub3A, %sub3A_122 : vector<64x128xf32>
    %mul3A = arith.mulf %sub3A_123, %sub3A_123 : vector<64x128xf32>
    %slice3A_124 = vector.extract_strided_slice %get3A_120 {offsets = [0, 1], sizes = [64, 1], strides = [1, 1]} : vector<64x3xf32> to vector<64x1xf32>
    %slice3A_125 = vector.extract_strided_slice %get3A_115 {offsets = [1, 0], sizes = [1, 128], strides = [1, 1]} : vector<3x128xf32> to vector<1x128xf32>
    %sub3A_126 = vector.broadcast %slice3A_124 : vector<64x1xf32> to vector<64x128xf32>
    %sub3A_127 = vector.broadcast %slice3A_125 : vector<1x128xf32> to vector<64x128xf32>
    %sub3A_128 = arith.subf %sub3A_126, %sub3A_127 : vector<64x128xf32>
    %mul3A_129 = arith.mulf %sub3A_128, %sub3A_128 : vector<64x128xf32>
    %add3A = arith.addf %mul3A, %mul3A_129 : vector<64x128xf32>
    %slice3A_130 = vector.extract_strided_slice %get3A_120 {offsets = [0, 2], sizes = [64, 1], strides = [1, 1]} : vector<64x3xf32> to vector<64x1xf32>
    %slice3A_131 = vector.extract_strided_slice %get3A_115 {offsets = [2, 0], sizes = [1, 128], strides = [1, 1]} : vector<3x128xf32> to vector<1x128xf32>
    %sub3A_132 = vector.broadcast %slice3A_130 : vector<64x1xf32> to vector<64x128xf32>
    %sub3A_133 = vector.broadcast %slice3A_131 : vector<1x128xf32> to vector<64x128xf32>
    %sub3A_134 = arith.subf %sub3A_132, %sub3A_133 : vector<64x128xf32>
    %mul3A_135 = arith.mulf %sub3A_134, %sub3A_134 : vector<64x128xf32>
    %add3A_136 = arith.addf %add3A, %mul3A_135 : vector<64x128xf32>
    %add3A_137 = arith.constant 9.99999996E-13 : f32
    %add3A_138 = vector.broadcast %add3A_137 : f32 to vector<64x128xf32>
    %add3A_139 = arith.addf %add3A_136, %add3A_138 : vector<64x128xf32>
    %sqrt3A = math.sqrt %add3A_139 : vector<64x128xf32>
    %iota3A = tpu.iota {dimensions = array<i32: 1>} : vector<64x128xi32>
    %convert_element_type3A_140 = arith.sitofp %iota3A : vector<64x128xi32> to vector<64x128xf32>
    %reduce_min3A = arith.constant dense<0x7F800000> : vector<64xf32>
    %reduce_min3A_141 = vector.multi_reduction <minimumf>, %sqrt3A, %reduce_min3A [1] : vector<64x128xf32> to vector<64xf32>
    %broadcast_in_dim3A = vector.shape_cast %reduce_min3A_141 : vector<64xf32> to vector<64x1xf32>
    %eq3A_142 = vector.broadcast %broadcast_in_dim3A : vector<64x1xf32> to vector<64x128xf32>
    %eq3A_143 = arith.cmpf oeq, %sqrt3A, %eq3A_142 : vector<64x128xf32>
    %jit3A = arith.constant 1.280000e+02 : f32
    %broadcast_in_dim3A_144 = vector.broadcast %jit3A : f32 to vector<64x128xf32>
    %select_n3A = arith.select %eq3A_143, %convert_element_type3A_140, %broadcast_in_dim3A_144 : vector<64x128xi1>, vector<64x128xf32>
    %reduce_min3A_145 = arith.constant dense<0x7F800000> : vector<64xf32>
    %reduce_min3A_146 = vector.multi_reduction <minimumf>, %select_n3A, %reduce_min3A_145 [1] : vector<64x128xf32> to vector<64xf32>
    %broadcast_in_dim3A_147 = vector.shape_cast %reduce_min3A_146 : vector<64xf32> to vector<64x1xf32>
    %eq3A_148 = vector.broadcast %broadcast_in_dim3A_147 : vector<64x1xf32> to vector<64x128xf32>
    %eq3A_149 = arith.cmpf oeq, %convert_element_type3A_140, %eq3A_148 : vector<64x128xf32>
    %jit3A_150 = arith.constant 0x7F800000 : f32
    %broadcast_in_dim3A_151 = vector.broadcast %jit3A_150 : f32 to vector<64x128xf32>
    %select_n3A_152 = arith.select %eq3A_149, %broadcast_in_dim3A_151, %sqrt3A : vector<64x128xi1>, vector<64x128xf32>
    %reduce_min3A_153 = arith.constant dense<0x7F800000> : vector<64xf32>
    %reduce_min3A_154 = vector.multi_reduction <minimumf>, %select_n3A_152, %reduce_min3A_153 [1] : vector<64x128xf32> to vector<64xf32>
    %broadcast_in_dim3A_155 = vector.shape_cast %reduce_min3A_154 : vector<64xf32> to vector<64x1xf32>
    %eq3A_156 = vector.broadcast %broadcast_in_dim3A_155 : vector<64x1xf32> to vector<64x128xf32>
    %eq3A_157 = arith.cmpf oeq, %select_n3A_152, %eq3A_156 : vector<64x128xf32>
    %jit3A_158 = arith.constant 1.280000e+02 : f32
    %broadcast_in_dim3A_159 = vector.broadcast %jit3A_158 : f32 to vector<64x128xf32>
    %select_n3A_160 = arith.select %eq3A_157, %convert_element_type3A_140, %broadcast_in_dim3A_159 : vector<64x128xi1>, vector<64x128xf32>
    %reduce_min3A_161 = arith.constant dense<0x7F800000> : vector<64xf32>
    %reduce_min3A_162 = vector.multi_reduction <minimumf>, %select_n3A_160, %reduce_min3A_161 [1] : vector<64x128xf32> to vector<64xf32>
    %broadcast_in_dim3A_163 = vector.shape_cast %reduce_min3A_162 : vector<64xf32> to vector<64x1xf32>
    %eq3A_164 = vector.broadcast %broadcast_in_dim3A_163 : vector<64x1xf32> to vector<64x128xf32>
    %eq3A_165 = arith.cmpf oeq, %convert_element_type3A_140, %eq3A_164 : vector<64x128xf32>
    %jit3A_166 = arith.constant 0x7F800000 : f32
    %broadcast_in_dim3A_167 = vector.broadcast %jit3A_166 : f32 to vector<64x128xf32>
    %select_n3A_168 = arith.select %eq3A_165, %broadcast_in_dim3A_167, %select_n3A_152 : vector<64x128xi1>, vector<64x128xf32>
    %reduce_min3A_169 = arith.constant dense<0x7F800000> : vector<64xf32>
    %reduce_min3A_170 = vector.multi_reduction <minimumf>, %select_n3A_168, %reduce_min3A_169 [1] : vector<64x128xf32> to vector<64xf32>
    %broadcast_in_dim3A_171 = vector.shape_cast %reduce_min3A_170 : vector<64xf32> to vector<64x1xf32>
    %eq3A_172 = vector.broadcast %broadcast_in_dim3A_171 : vector<64x1xf32> to vector<64x128xf32>
    %eq3A_173 = arith.cmpf oeq, %select_n3A_168, %eq3A_172 : vector<64x128xf32>
    %jit3A_174 = arith.constant 1.280000e+02 : f32
    %broadcast_in_dim3A_175 = vector.broadcast %jit3A_174 : f32 to vector<64x128xf32>
    %select_n3A_176 = arith.select %eq3A_173, %convert_element_type3A_140, %broadcast_in_dim3A_175 : vector<64x128xi1>, vector<64x128xf32>
    %reduce_min3A_177 = arith.constant dense<0x7F800000> : vector<64xf32>
    %reduce_min3A_178 = vector.multi_reduction <minimumf>, %select_n3A_176, %reduce_min3A_177 [1] : vector<64x128xf32> to vector<64xf32>
    %broadcast_in_dim3A_179 = vector.shape_cast %reduce_min3A_178 : vector<64xf32> to vector<64x1xf32>
    %eq3A_180 = vector.broadcast %broadcast_in_dim3A_179 : vector<64x1xf32> to vector<64x128xf32>
    %eq3A_181 = arith.cmpf oeq, %convert_element_type3A_140, %eq3A_180 : vector<64x128xf32>
    %jit3A_182 = arith.constant 0x7F800000 : f32
    %broadcast_in_dim3A_183 = vector.broadcast %jit3A_182 : f32 to vector<64x128xf32>
    %select_n3A_184 = arith.select %eq3A_181, %broadcast_in_dim3A_183, %select_n3A_168 : vector<64x128xi1>, vector<64x128xf32>
    %reduce_min3A_185 = arith.constant dense<0x7F800000> : vector<64xf32>
    %reduce_min3A_186 = vector.multi_reduction <minimumf>, %select_n3A_184, %reduce_min3A_185 [1] : vector<64x128xf32> to vector<64xf32>
    %broadcast_in_dim3A_187 = vector.shape_cast %reduce_min3A_186 : vector<64xf32> to vector<64x1xf32>
    %eq3A_188 = vector.broadcast %broadcast_in_dim3A_187 : vector<64x1xf32> to vector<64x128xf32>
    %eq3A_189 = arith.cmpf oeq, %select_n3A_184, %eq3A_188 : vector<64x128xf32>
    %jit3A_190 = arith.constant 1.280000e+02 : f32
    %broadcast_in_dim3A_191 = vector.broadcast %jit3A_190 : f32 to vector<64x128xf32>
    %select_n3A_192 = arith.select %eq3A_189, %convert_element_type3A_140, %broadcast_in_dim3A_191 : vector<64x128xi1>, vector<64x128xf32>
    %reduce_min3A_193 = arith.constant dense<0x7F800000> : vector<64xf32>
    %reduce_min3A_194 = vector.multi_reduction <minimumf>, %select_n3A_192, %reduce_min3A_193 [1] : vector<64x128xf32> to vector<64xf32>
    %broadcast_in_dim3A_195 = vector.shape_cast %reduce_min3A_194 : vector<64xf32> to vector<64x1xf32>
    %eq3A_196 = vector.broadcast %broadcast_in_dim3A_195 : vector<64x1xf32> to vector<64x128xf32>
    %eq3A_197 = arith.cmpf oeq, %convert_element_type3A_140, %eq3A_196 : vector<64x128xf32>
    %jit3A_198 = arith.constant 0x7F800000 : f32
    %broadcast_in_dim3A_199 = vector.broadcast %jit3A_198 : f32 to vector<64x128xf32>
    %select_n3A_200 = arith.select %eq3A_197, %broadcast_in_dim3A_199, %select_n3A_184 : vector<64x128xi1>, vector<64x128xf32>
    %reduce_min3A_201 = arith.constant dense<0x7F800000> : vector<64xf32>
    %reduce_min3A_202 = vector.multi_reduction <minimumf>, %select_n3A_200, %reduce_min3A_201 [1] : vector<64x128xf32> to vector<64xf32>
    %broadcast_in_dim3A_203 = vector.shape_cast %reduce_min3A_202 : vector<64xf32> to vector<64x1xf32>
    %eq3A_204 = vector.broadcast %broadcast_in_dim3A_203 : vector<64x1xf32> to vector<64x128xf32>
    %eq3A_205 = arith.cmpf oeq, %select_n3A_200, %eq3A_204 : vector<64x128xf32>
    %jit3A_206 = arith.constant 1.280000e+02 : f32
    %broadcast_in_dim3A_207 = vector.broadcast %jit3A_206 : f32 to vector<64x128xf32>
    %select_n3A_208 = arith.select %eq3A_205, %convert_element_type3A_140, %broadcast_in_dim3A_207 : vector<64x128xi1>, vector<64x128xf32>
    %reduce_min3A_209 = arith.constant dense<0x7F800000> : vector<64xf32>
    %reduce_min3A_210 = vector.multi_reduction <minimumf>, %select_n3A_208, %reduce_min3A_209 [1] : vector<64x128xf32> to vector<64xf32>
    %broadcast_in_dim3A_211 = vector.shape_cast %reduce_min3A_210 : vector<64xf32> to vector<64x1xf32>
    %eq3A_212 = vector.broadcast %broadcast_in_dim3A_211 : vector<64x1xf32> to vector<64x128xf32>
    %eq3A_213 = arith.cmpf oeq, %convert_element_type3A_140, %eq3A_212 : vector<64x128xf32>
    %jit3A_214 = arith.constant 0x7F800000 : f32
    %broadcast_in_dim3A_215 = vector.broadcast %jit3A_214 : f32 to vector<64x128xf32>
    %select_n3A_216 = arith.select %eq3A_213, %broadcast_in_dim3A_215, %select_n3A_200 : vector<64x128xi1>, vector<64x128xf32>
    %reduce_min3A_217 = arith.constant dense<0x7F800000> : vector<64xf32>
    %reduce_min3A_218 = vector.multi_reduction <minimumf>, %select_n3A_216, %reduce_min3A_217 [1] : vector<64x128xf32> to vector<64xf32>
    %broadcast_in_dim3A_219 = vector.shape_cast %reduce_min3A_218 : vector<64xf32> to vector<64x1xf32>
    %eq3A_220 = vector.broadcast %broadcast_in_dim3A_219 : vector<64x1xf32> to vector<64x128xf32>
    %eq3A_221 = arith.cmpf oeq, %select_n3A_216, %eq3A_220 : vector<64x128xf32>
    %jit3A_222 = arith.constant 1.280000e+02 : f32
    %broadcast_in_dim3A_223 = vector.broadcast %jit3A_222 : f32 to vector<64x128xf32>
    %select_n3A_224 = arith.select %eq3A_221, %convert_element_type3A_140, %broadcast_in_dim3A_223 : vector<64x128xi1>, vector<64x128xf32>
    %reduce_min3A_225 = arith.constant dense<0x7F800000> : vector<64xf32>
    %reduce_min3A_226 = vector.multi_reduction <minimumf>, %select_n3A_224, %reduce_min3A_225 [1] : vector<64x128xf32> to vector<64xf32>
    %broadcast_in_dim3A_227 = vector.shape_cast %reduce_min3A_226 : vector<64xf32> to vector<64x1xf32>
    %eq3A_228 = vector.broadcast %broadcast_in_dim3A_227 : vector<64x1xf32> to vector<64x128xf32>
    %eq3A_229 = arith.cmpf oeq, %convert_element_type3A_140, %eq3A_228 : vector<64x128xf32>
    %jit3A_230 = arith.constant 0x7F800000 : f32
    %broadcast_in_dim3A_231 = vector.broadcast %jit3A_230 : f32 to vector<64x128xf32>
    %select_n3A_232 = arith.select %eq3A_229, %broadcast_in_dim3A_231, %select_n3A_216 : vector<64x128xi1>, vector<64x128xf32>
    %reduce_min3A_233 = arith.constant dense<0x7F800000> : vector<64xf32>
    %reduce_min3A_234 = vector.multi_reduction <minimumf>, %select_n3A_232, %reduce_min3A_233 [1] : vector<64x128xf32> to vector<64xf32>
    %broadcast_in_dim3A_235 = vector.shape_cast %reduce_min3A_234 : vector<64xf32> to vector<64x1xf32>
    %eq3A_236 = vector.broadcast %broadcast_in_dim3A_235 : vector<64x1xf32> to vector<64x128xf32>
    %eq3A_237 = arith.cmpf oeq, %select_n3A_232, %eq3A_236 : vector<64x128xf32>
    %jit3A_238 = arith.constant 1.280000e+02 : f32
    %broadcast_in_dim3A_239 = vector.broadcast %jit3A_238 : f32 to vector<64x128xf32>
    %select_n3A_240 = arith.select %eq3A_237, %convert_element_type3A_140, %broadcast_in_dim3A_239 : vector<64x128xi1>, vector<64x128xf32>
    %reduce_min3A_241 = arith.constant dense<0x7F800000> : vector<64xf32>
    %reduce_min3A_242 = vector.multi_reduction <minimumf>, %select_n3A_240, %reduce_min3A_241 [1] : vector<64x128xf32> to vector<64xf32>
    %broadcast_in_dim3A_243 = vector.shape_cast %reduce_min3A_242 : vector<64xf32> to vector<64x1xf32>
    %eq3A_244 = vector.broadcast %broadcast_in_dim3A_243 : vector<64x1xf32> to vector<64x128xf32>
    %eq3A_245 = arith.cmpf oeq, %convert_element_type3A_140, %eq3A_244 : vector<64x128xf32>
    %jit3A_246 = arith.constant 0x7F800000 : f32
    %broadcast_in_dim3A_247 = vector.broadcast %jit3A_246 : f32 to vector<64x128xf32>
    %select_n3A_248 = arith.select %eq3A_245, %broadcast_in_dim3A_247, %select_n3A_232 : vector<64x128xi1>, vector<64x128xf32>
    %reduce_min3A_249 = arith.constant dense<0x7F800000> : vector<64xf32>
    %reduce_min3A_250 = vector.multi_reduction <minimumf>, %select_n3A_248, %reduce_min3A_249 [1] : vector<64x128xf32> to vector<64xf32>
    %broadcast_in_dim3A_251 = vector.shape_cast %reduce_min3A_250 : vector<64xf32> to vector<64x1xf32>
    %eq3A_252 = vector.broadcast %broadcast_in_dim3A_251 : vector<64x1xf32> to vector<64x128xf32>
    %eq3A_253 = arith.cmpf oeq, %select_n3A_248, %eq3A_252 : vector<64x128xf32>
    %jit3A_254 = arith.constant 1.280000e+02 : f32
    %broadcast_in_dim3A_255 = vector.broadcast %jit3A_254 : f32 to vector<64x128xf32>
    %select_n3A_256 = arith.select %eq3A_253, %convert_element_type3A_140, %broadcast_in_dim3A_255 : vector<64x128xi1>, vector<64x128xf32>
    %reduce_min3A_257 = arith.constant dense<0x7F800000> : vector<64xf32>
    %reduce_min3A_258 = vector.multi_reduction <minimumf>, %select_n3A_256, %reduce_min3A_257 [1] : vector<64x128xf32> to vector<64xf32>
    %broadcast_in_dim3A_259 = vector.shape_cast %reduce_min3A_258 : vector<64xf32> to vector<64x1xf32>
    %eq3A_260 = vector.broadcast %broadcast_in_dim3A_259 : vector<64x1xf32> to vector<64x128xf32>
    %eq3A_261 = arith.cmpf oeq, %convert_element_type3A_140, %eq3A_260 : vector<64x128xf32>
    %jit3A_262 = arith.constant 0x7F800000 : f32
    %broadcast_in_dim3A_263 = vector.broadcast %jit3A_262 : f32 to vector<64x128xf32>
    %select_n3A_264 = arith.select %eq3A_261, %broadcast_in_dim3A_263, %select_n3A_248 : vector<64x128xi1>, vector<64x128xf32>
    %reduce_min3A_265 = arith.constant dense<0x7F800000> : vector<64xf32>
    %reduce_min3A_266 = vector.multi_reduction <minimumf>, %select_n3A_264, %reduce_min3A_265 [1] : vector<64x128xf32> to vector<64xf32>
    %broadcast_in_dim3A_267 = vector.shape_cast %reduce_min3A_266 : vector<64xf32> to vector<64x1xf32>
    %eq3A_268 = vector.broadcast %broadcast_in_dim3A_267 : vector<64x1xf32> to vector<64x128xf32>
    %eq3A_269 = arith.cmpf oeq, %select_n3A_264, %eq3A_268 : vector<64x128xf32>
    %jit3A_270 = arith.constant 1.280000e+02 : f32
    %broadcast_in_dim3A_271 = vector.broadcast %jit3A_270 : f32 to vector<64x128xf32>
    %select_n3A_272 = arith.select %eq3A_269, %convert_element_type3A_140, %broadcast_in_dim3A_271 : vector<64x128xi1>, vector<64x128xf32>
    %reduce_min3A_273 = arith.constant dense<0x7F800000> : vector<64xf32>
    %reduce_min3A_274 = vector.multi_reduction <minimumf>, %select_n3A_272, %reduce_min3A_273 [1] : vector<64x128xf32> to vector<64xf32>
    %broadcast_in_dim3A_275 = vector.shape_cast %reduce_min3A_274 : vector<64xf32> to vector<64x1xf32>
    %eq3A_276 = vector.broadcast %broadcast_in_dim3A_275 : vector<64x1xf32> to vector<64x128xf32>
    %eq3A_277 = arith.cmpf oeq, %convert_element_type3A_140, %eq3A_276 : vector<64x128xf32>
    %jit3A_278 = arith.constant 0x7F800000 : f32
    %broadcast_in_dim3A_279 = vector.broadcast %jit3A_278 : f32 to vector<64x128xf32>
    %select_n3A_280 = arith.select %eq3A_277, %broadcast_in_dim3A_279, %select_n3A_264 : vector<64x128xi1>, vector<64x128xf32>
    %reduce_min3A_281 = arith.constant dense<0x7F800000> : vector<64xf32>
    %reduce_min3A_282 = vector.multi_reduction <minimumf>, %select_n3A_280, %reduce_min3A_281 [1] : vector<64x128xf32> to vector<64xf32>
    %broadcast_in_dim3A_283 = vector.shape_cast %reduce_min3A_282 : vector<64xf32> to vector<64x1xf32>
    %eq3A_284 = vector.broadcast %broadcast_in_dim3A_283 : vector<64x1xf32> to vector<64x128xf32>
    %eq3A_285 = arith.cmpf oeq, %select_n3A_280, %eq3A_284 : vector<64x128xf32>
    %jit3A_286 = arith.constant 1.280000e+02 : f32
    %broadcast_in_dim3A_287 = vector.broadcast %jit3A_286 : f32 to vector<64x128xf32>
    %select_n3A_288 = arith.select %eq3A_285, %convert_element_type3A_140, %broadcast_in_dim3A_287 : vector<64x128xi1>, vector<64x128xf32>
    %reduce_min3A_289 = arith.constant dense<0x7F800000> : vector<64xf32>
    %reduce_min3A_290 = vector.multi_reduction <minimumf>, %select_n3A_288, %reduce_min3A_289 [1] : vector<64x128xf32> to vector<64xf32>
    %broadcast_in_dim3A_291 = vector.shape_cast %reduce_min3A_290 : vector<64xf32> to vector<64x1xf32>
    %eq3A_292 = vector.broadcast %broadcast_in_dim3A_291 : vector<64x1xf32> to vector<64x128xf32>
    %eq3A_293 = arith.cmpf oeq, %convert_element_type3A_140, %eq3A_292 : vector<64x128xf32>
    %jit3A_294 = arith.constant 0x7F800000 : f32
    %broadcast_in_dim3A_295 = vector.broadcast %jit3A_294 : f32 to vector<64x128xf32>
    %select_n3A_296 = arith.select %eq3A_293, %broadcast_in_dim3A_295, %select_n3A_280 : vector<64x128xi1>, vector<64x128xf32>
    %reduce_min3A_297 = arith.constant dense<0x7F800000> : vector<64xf32>
    %reduce_min3A_298 = vector.multi_reduction <minimumf>, %select_n3A_296, %reduce_min3A_297 [1] : vector<64x128xf32> to vector<64xf32>
    %broadcast_in_dim3A_299 = vector.shape_cast %reduce_min3A_298 : vector<64xf32> to vector<64x1xf32>
    %eq3A_300 = vector.broadcast %broadcast_in_dim3A_299 : vector<64x1xf32> to vector<64x128xf32>
    %eq3A_301 = arith.cmpf oeq, %select_n3A_296, %eq3A_300 : vector<64x128xf32>
    %jit3A_302 = arith.constant 1.280000e+02 : f32
    %broadcast_in_dim3A_303 = vector.broadcast %jit3A_302 : f32 to vector<64x128xf32>
    %select_n3A_304 = arith.select %eq3A_301, %convert_element_type3A_140, %broadcast_in_dim3A_303 : vector<64x128xi1>, vector<64x128xf32>
    %reduce_min3A_305 = arith.constant dense<0x7F800000> : vector<64xf32>
    %reduce_min3A_306 = vector.multi_reduction <minimumf>, %select_n3A_304, %reduce_min3A_305 [1] : vector<64x128xf32> to vector<64xf32>
    %broadcast_in_dim3A_307 = vector.shape_cast %reduce_min3A_306 : vector<64xf32> to vector<64x1xf32>
    %eq3A_308 = vector.broadcast %broadcast_in_dim3A_307 : vector<64x1xf32> to vector<64x128xf32>
    %eq3A_309 = arith.cmpf oeq, %convert_element_type3A_140, %eq3A_308 : vector<64x128xf32>
    %jit3A_310 = arith.constant 0x7F800000 : f32
    %broadcast_in_dim3A_311 = vector.broadcast %jit3A_310 : f32 to vector<64x128xf32>
    %select_n3A_312 = arith.select %eq3A_309, %broadcast_in_dim3A_311, %select_n3A_296 : vector<64x128xi1>, vector<64x128xf32>
    %reduce_min3A_313 = arith.constant dense<0x7F800000> : vector<64xf32>
    %reduce_min3A_314 = vector.multi_reduction <minimumf>, %select_n3A_312, %reduce_min3A_313 [1] : vector<64x128xf32> to vector<64xf32>
    %broadcast_in_dim3A_315 = vector.shape_cast %reduce_min3A_314 : vector<64xf32> to vector<64x1xf32>
    %eq3A_316 = vector.broadcast %broadcast_in_dim3A_315 : vector<64x1xf32> to vector<64x128xf32>
    %eq3A_317 = arith.cmpf oeq, %select_n3A_312, %eq3A_316 : vector<64x128xf32>
    %jit3A_318 = arith.constant 1.280000e+02 : f32
    %broadcast_in_dim3A_319 = vector.broadcast %jit3A_318 : f32 to vector<64x128xf32>
    %select_n3A_320 = arith.select %eq3A_317, %convert_element_type3A_140, %broadcast_in_dim3A_319 : vector<64x128xi1>, vector<64x128xf32>
    %reduce_min3A_321 = arith.constant dense<0x7F800000> : vector<64xf32>
    %reduce_min3A_322 = vector.multi_reduction <minimumf>, %select_n3A_320, %reduce_min3A_321 [1] : vector<64x128xf32> to vector<64xf32>
    %broadcast_in_dim3A_323 = vector.shape_cast %reduce_min3A_322 : vector<64xf32> to vector<64x1xf32>
    %eq3A_324 = vector.broadcast %broadcast_in_dim3A_323 : vector<64x1xf32> to vector<64x128xf32>
    %eq3A_325 = arith.cmpf oeq, %convert_element_type3A_140, %eq3A_324 : vector<64x128xf32>
    %jit3A_326 = arith.constant 0x7F800000 : f32
    %broadcast_in_dim3A_327 = vector.broadcast %jit3A_326 : f32 to vector<64x128xf32>
    %select_n3A_328 = arith.select %eq3A_325, %broadcast_in_dim3A_327, %select_n3A_312 : vector<64x128xi1>, vector<64x128xf32>
    %reduce_min3A_329 = arith.constant dense<0x7F800000> : vector<64xf32>
    %reduce_min3A_330 = vector.multi_reduction <minimumf>, %select_n3A_328, %reduce_min3A_329 [1] : vector<64x128xf32> to vector<64xf32>
    %broadcast_in_dim3A_331 = vector.shape_cast %reduce_min3A_330 : vector<64xf32> to vector<64x1xf32>
    %eq3A_332 = vector.broadcast %broadcast_in_dim3A_331 : vector<64x1xf32> to vector<64x128xf32>
    %eq3A_333 = arith.cmpf oeq, %select_n3A_328, %eq3A_332 : vector<64x128xf32>
    %jit3A_334 = arith.constant 1.280000e+02 : f32
    %broadcast_in_dim3A_335 = vector.broadcast %jit3A_334 : f32 to vector<64x128xf32>
    %select_n3A_336 = arith.select %eq3A_333, %convert_element_type3A_140, %broadcast_in_dim3A_335 : vector<64x128xi1>, vector<64x128xf32>
    %reduce_min3A_337 = arith.constant dense<0x7F800000> : vector<64xf32>
    %reduce_min3A_338 = vector.multi_reduction <minimumf>, %select_n3A_336, %reduce_min3A_337 [1] : vector<64x128xf32> to vector<64xf32>
    %broadcast_in_dim3A_339 = vector.shape_cast %reduce_min3A_338 : vector<64xf32> to vector<64x1xf32>
    %eq3A_340 = vector.broadcast %broadcast_in_dim3A_339 : vector<64x1xf32> to vector<64x128xf32>
    %eq3A_341 = arith.cmpf oeq, %convert_element_type3A_140, %eq3A_340 : vector<64x128xf32>
    %jit3A_342 = arith.constant 0x7F800000 : f32
    %broadcast_in_dim3A_343 = vector.broadcast %jit3A_342 : f32 to vector<64x128xf32>
    %select_n3A_344 = arith.select %eq3A_341, %broadcast_in_dim3A_343, %select_n3A_328 : vector<64x128xi1>, vector<64x128xf32>
    %reduce_min3A_345 = arith.constant dense<0x7F800000> : vector<64xf32>
    %reduce_min3A_346 = vector.multi_reduction <minimumf>, %select_n3A_344, %reduce_min3A_345 [1] : vector<64x128xf32> to vector<64xf32>
    %broadcast_in_dim3A_347 = vector.shape_cast %reduce_min3A_346 : vector<64xf32> to vector<64x1xf32>
    %eq3A_348 = vector.broadcast %broadcast_in_dim3A_347 : vector<64x1xf32> to vector<64x128xf32>
    %eq3A_349 = arith.cmpf oeq, %select_n3A_344, %eq3A_348 : vector<64x128xf32>
    %jit3A_350 = arith.constant 1.280000e+02 : f32
    %broadcast_in_dim3A_351 = vector.broadcast %jit3A_350 : f32 to vector<64x128xf32>
    %select_n3A_352 = arith.select %eq3A_349, %convert_element_type3A_140, %broadcast_in_dim3A_351 : vector<64x128xi1>, vector<64x128xf32>
    %reduce_min3A_353 = arith.constant dense<0x7F800000> : vector<64xf32>
    %reduce_min3A_354 = vector.multi_reduction <minimumf>, %select_n3A_352, %reduce_min3A_353 [1] : vector<64x128xf32> to vector<64xf32>
    %broadcast_in_dim3A_355 = vector.shape_cast %reduce_min3A_354 : vector<64xf32> to vector<64x1xf32>
    %eq3A_356 = vector.broadcast %broadcast_in_dim3A_355 : vector<64x1xf32> to vector<64x128xf32>
    %eq3A_357 = arith.cmpf oeq, %convert_element_type3A_140, %eq3A_356 : vector<64x128xf32>
    %jit3A_358 = arith.constant 0x7F800000 : f32
    %broadcast_in_dim3A_359 = vector.broadcast %jit3A_358 : f32 to vector<64x128xf32>
    %select_n3A_360 = arith.select %eq3A_357, %broadcast_in_dim3A_359, %select_n3A_344 : vector<64x128xi1>, vector<64x128xf32>
    %reduce_min3A_361 = arith.constant dense<0x7F800000> : vector<64xf32>
    %reduce_min3A_362 = vector.multi_reduction <minimumf>, %select_n3A_360, %reduce_min3A_361 [1] : vector<64x128xf32> to vector<64xf32>
    %broadcast_in_dim3A_363 = vector.shape_cast %reduce_min3A_362 : vector<64xf32> to vector<64x1xf32>
    %eq3A_364 = vector.broadcast %broadcast_in_dim3A_363 : vector<64x1xf32> to vector<64x128xf32>
    %eq3A_365 = arith.cmpf oeq, %select_n3A_360, %eq3A_364 : vector<64x128xf32>
    %jit3A_366 = arith.constant 1.280000e+02 : f32
    %broadcast_in_dim3A_367 = vector.broadcast %jit3A_366 : f32 to vector<64x128xf32>
    %select_n3A_368 = arith.select %eq3A_365, %convert_element_type3A_140, %broadcast_in_dim3A_367 : vector<64x128xi1>, vector<64x128xf32>
    %reduce_min3A_369 = arith.constant dense<0x7F800000> : vector<64xf32>
    %reduce_min3A_370 = vector.multi_reduction <minimumf>, %select_n3A_368, %reduce_min3A_369 [1] : vector<64x128xf32> to vector<64xf32>
    %broadcast_in_dim3A_371 = vector.shape_cast %reduce_min3A_370 : vector<64xf32> to vector<64x1xf32>
    %eq3A_372 = vector.broadcast %broadcast_in_dim3A_371 : vector<64x1xf32> to vector<64x128xf32>
    %eq3A_373 = arith.cmpf oeq, %convert_element_type3A_140, %eq3A_372 : vector<64x128xf32>
    %jit3A_374 = arith.constant 0x7F800000 : f32
    %broadcast_in_dim3A_375 = vector.broadcast %jit3A_374 : f32 to vector<64x128xf32>
    %select_n3A_376 = arith.select %eq3A_373, %broadcast_in_dim3A_375, %select_n3A_360 : vector<64x128xi1>, vector<64x128xf32>
    %reduce_min3A_377 = arith.constant dense<0x7F800000> : vector<64xf32>
    %reduce_min3A_378 = vector.multi_reduction <minimumf>, %select_n3A_376, %reduce_min3A_377 [1] : vector<64x128xf32> to vector<64xf32>
    %broadcast_in_dim3A_379 = vector.shape_cast %reduce_min3A_378 : vector<64xf32> to vector<64x1xf32>
    %eq3A_380 = vector.broadcast %broadcast_in_dim3A_379 : vector<64x1xf32> to vector<64x128xf32>
    %eq3A_381 = arith.cmpf oeq, %select_n3A_376, %eq3A_380 : vector<64x128xf32>
    %jit3A_382 = arith.constant 1.280000e+02 : f32
    %broadcast_in_dim3A_383 = vector.broadcast %jit3A_382 : f32 to vector<64x128xf32>
    %select_n3A_384 = arith.select %eq3A_381, %convert_element_type3A_140, %broadcast_in_dim3A_383 : vector<64x128xi1>, vector<64x128xf32>
    %reduce_min3A_385 = arith.constant dense<0x7F800000> : vector<64xf32>
    %reduce_min3A_386 = vector.multi_reduction <minimumf>, %select_n3A_384, %reduce_min3A_385 [1] : vector<64x128xf32> to vector<64xf32>
    %broadcast_in_dim3A_387 = vector.shape_cast %reduce_min3A_386 : vector<64xf32> to vector<64x1xf32>
    %eq3A_388 = vector.broadcast %broadcast_in_dim3A_387 : vector<64x1xf32> to vector<64x128xf32>
    %eq3A_389 = arith.cmpf oeq, %convert_element_type3A_140, %eq3A_388 : vector<64x128xf32>
    %jit3A_390 = arith.constant 0x7F800000 : f32
    %broadcast_in_dim3A_391 = vector.broadcast %jit3A_390 : f32 to vector<64x128xf32>
    %select_n3A_392 = arith.select %eq3A_389, %broadcast_in_dim3A_391, %select_n3A_376 : vector<64x128xi1>, vector<64x128xf32>
    %reduce_min3A_393 = arith.constant dense<0x7F800000> : vector<64xf32>
    %reduce_min3A_394 = vector.multi_reduction <minimumf>, %select_n3A_392, %reduce_min3A_393 [1] : vector<64x128xf32> to vector<64xf32>
    %broadcast_in_dim3A_395 = vector.shape_cast %reduce_min3A_394 : vector<64xf32> to vector<64x1xf32>
    %eq3A_396 = vector.broadcast %broadcast_in_dim3A_395 : vector<64x1xf32> to vector<64x128xf32>
    %eq3A_397 = arith.cmpf oeq, %select_n3A_392, %eq3A_396 : vector<64x128xf32>
    %jit3A_398 = arith.constant 1.280000e+02 : f32
    %broadcast_in_dim3A_399 = vector.broadcast %jit3A_398 : f32 to vector<64x128xf32>
    %select_n3A_400 = arith.select %eq3A_397, %convert_element_type3A_140, %broadcast_in_dim3A_399 : vector<64x128xi1>, vector<64x128xf32>
    %reduce_min3A_401 = arith.constant dense<0x7F800000> : vector<64xf32>
    %reduce_min3A_402 = vector.multi_reduction <minimumf>, %select_n3A_400, %reduce_min3A_401 [1] : vector<64x128xf32> to vector<64xf32>
    %broadcast_in_dim3A_403 = vector.shape_cast %reduce_min3A_402 : vector<64xf32> to vector<64x1xf32>
    %eq3A_404 = vector.broadcast %broadcast_in_dim3A_403 : vector<64x1xf32> to vector<64x128xf32>
    %eq3A_405 = arith.cmpf oeq, %convert_element_type3A_140, %eq3A_404 : vector<64x128xf32>
    %jit3A_406 = arith.constant 0x7F800000 : f32
    %broadcast_in_dim3A_407 = vector.broadcast %jit3A_406 : f32 to vector<64x128xf32>
    %select_n3A_408 = arith.select %eq3A_405, %broadcast_in_dim3A_407, %select_n3A_392 : vector<64x128xi1>, vector<64x128xf32>
    %reduce_min3A_409 = arith.constant dense<0x7F800000> : vector<64xf32>
    %reduce_min3A_410 = vector.multi_reduction <minimumf>, %select_n3A_408, %reduce_min3A_409 [1] : vector<64x128xf32> to vector<64xf32>
    %broadcast_in_dim3A_411 = vector.shape_cast %reduce_min3A_410 : vector<64xf32> to vector<64x1xf32>
    %eq3A_412 = vector.broadcast %broadcast_in_dim3A_411 : vector<64x1xf32> to vector<64x128xf32>
    %eq3A_413 = arith.cmpf oeq, %select_n3A_408, %eq3A_412 : vector<64x128xf32>
    %jit3A_414 = arith.constant 1.280000e+02 : f32
    %broadcast_in_dim3A_415 = vector.broadcast %jit3A_414 : f32 to vector<64x128xf32>
    %select_n3A_416 = arith.select %eq3A_413, %convert_element_type3A_140, %broadcast_in_dim3A_415 : vector<64x128xi1>, vector<64x128xf32>
    %reduce_min3A_417 = arith.constant dense<0x7F800000> : vector<64xf32>
    %reduce_min3A_418 = vector.multi_reduction <minimumf>, %select_n3A_416, %reduce_min3A_417 [1] : vector<64x128xf32> to vector<64xf32>
    %broadcast_in_dim3A_419 = vector.shape_cast %reduce_min3A_418 : vector<64xf32> to vector<64x1xf32>
    %eq3A_420 = vector.broadcast %broadcast_in_dim3A_419 : vector<64x1xf32> to vector<64x128xf32>
    %eq3A_421 = arith.cmpf oeq, %convert_element_type3A_140, %eq3A_420 : vector<64x128xf32>
    %jit3A_422 = arith.constant 0x7F800000 : f32
    %broadcast_in_dim3A_423 = vector.broadcast %jit3A_422 : f32 to vector<64x128xf32>
    %select_n3A_424 = arith.select %eq3A_421, %broadcast_in_dim3A_423, %select_n3A_408 : vector<64x128xi1>, vector<64x128xf32>
    %reduce_min3A_425 = arith.constant dense<0x7F800000> : vector<64xf32>
    %reduce_min3A_426 = vector.multi_reduction <minimumf>, %select_n3A_424, %reduce_min3A_425 [1] : vector<64x128xf32> to vector<64xf32>
    %broadcast_in_dim3A_427 = vector.shape_cast %reduce_min3A_426 : vector<64xf32> to vector<64x1xf32>
    %eq3A_428 = vector.broadcast %broadcast_in_dim3A_427 : vector<64x1xf32> to vector<64x128xf32>
    %eq3A_429 = arith.cmpf oeq, %select_n3A_424, %eq3A_428 : vector<64x128xf32>
    %jit3A_430 = arith.constant 1.280000e+02 : f32
    %broadcast_in_dim3A_431 = vector.broadcast %jit3A_430 : f32 to vector<64x128xf32>
    %select_n3A_432 = arith.select %eq3A_429, %convert_element_type3A_140, %broadcast_in_dim3A_431 : vector<64x128xi1>, vector<64x128xf32>
    %reduce_min3A_433 = arith.constant dense<0x7F800000> : vector<64xf32>
    %reduce_min3A_434 = vector.multi_reduction <minimumf>, %select_n3A_432, %reduce_min3A_433 [1] : vector<64x128xf32> to vector<64xf32>
    %broadcast_in_dim3A_435 = vector.shape_cast %reduce_min3A_434 : vector<64xf32> to vector<64x1xf32>
    %eq3A_436 = vector.broadcast %broadcast_in_dim3A_435 : vector<64x1xf32> to vector<64x128xf32>
    %eq3A_437 = arith.cmpf oeq, %convert_element_type3A_140, %eq3A_436 : vector<64x128xf32>
    %jit3A_438 = arith.constant 0x7F800000 : f32
    %broadcast_in_dim3A_439 = vector.broadcast %jit3A_438 : f32 to vector<64x128xf32>
    %select_n3A_440 = arith.select %eq3A_437, %broadcast_in_dim3A_439, %select_n3A_424 : vector<64x128xi1>, vector<64x128xf32>
    %reduce_min3A_441 = arith.constant dense<0x7F800000> : vector<64xf32>
    %reduce_min3A_442 = vector.multi_reduction <minimumf>, %select_n3A_440, %reduce_min3A_441 [1] : vector<64x128xf32> to vector<64xf32>
    %broadcast_in_dim3A_443 = vector.shape_cast %reduce_min3A_442 : vector<64xf32> to vector<64x1xf32>
    %eq3A_444 = vector.broadcast %broadcast_in_dim3A_443 : vector<64x1xf32> to vector<64x128xf32>
    %eq3A_445 = arith.cmpf oeq, %select_n3A_440, %eq3A_444 : vector<64x128xf32>
    %jit3A_446 = arith.constant 1.280000e+02 : f32
    %broadcast_in_dim3A_447 = vector.broadcast %jit3A_446 : f32 to vector<64x128xf32>
    %select_n3A_448 = arith.select %eq3A_445, %convert_element_type3A_140, %broadcast_in_dim3A_447 : vector<64x128xi1>, vector<64x128xf32>
    %reduce_min3A_449 = arith.constant dense<0x7F800000> : vector<64xf32>
    %reduce_min3A_450 = vector.multi_reduction <minimumf>, %select_n3A_448, %reduce_min3A_449 [1] : vector<64x128xf32> to vector<64xf32>
    %broadcast_in_dim3A_451 = vector.shape_cast %reduce_min3A_450 : vector<64xf32> to vector<64x1xf32>
    %eq3A_452 = vector.broadcast %broadcast_in_dim3A_451 : vector<64x1xf32> to vector<64x128xf32>
    %eq3A_453 = arith.cmpf oeq, %convert_element_type3A_140, %eq3A_452 : vector<64x128xf32>
    %jit3A_454 = arith.constant 0x7F800000 : f32
    %broadcast_in_dim3A_455 = vector.broadcast %jit3A_454 : f32 to vector<64x128xf32>
    %select_n3A_456 = arith.select %eq3A_453, %broadcast_in_dim3A_455, %select_n3A_440 : vector<64x128xi1>, vector<64x128xf32>
    %reduce_min3A_457 = arith.constant dense<0x7F800000> : vector<64xf32>
    %reduce_min3A_458 = vector.multi_reduction <minimumf>, %select_n3A_456, %reduce_min3A_457 [1] : vector<64x128xf32> to vector<64xf32>
    %broadcast_in_dim3A_459 = vector.shape_cast %reduce_min3A_458 : vector<64xf32> to vector<64x1xf32>
    %eq3A_460 = vector.broadcast %broadcast_in_dim3A_459 : vector<64x1xf32> to vector<64x128xf32>
    %eq3A_461 = arith.cmpf oeq, %select_n3A_456, %eq3A_460 : vector<64x128xf32>
    %jit3A_462 = arith.constant 1.280000e+02 : f32
    %broadcast_in_dim3A_463 = vector.broadcast %jit3A_462 : f32 to vector<64x128xf32>
    %select_n3A_464 = arith.select %eq3A_461, %convert_element_type3A_140, %broadcast_in_dim3A_463 : vector<64x128xi1>, vector<64x128xf32>
    %reduce_min3A_465 = arith.constant dense<0x7F800000> : vector<64xf32>
    %reduce_min3A_466 = vector.multi_reduction <minimumf>, %select_n3A_464, %reduce_min3A_465 [1] : vector<64x128xf32> to vector<64xf32>
    %broadcast_in_dim3A_467 = vector.shape_cast %reduce_min3A_466 : vector<64xf32> to vector<64x1xf32>
    %eq3A_468 = vector.broadcast %broadcast_in_dim3A_467 : vector<64x1xf32> to vector<64x128xf32>
    %eq3A_469 = arith.cmpf oeq, %convert_element_type3A_140, %eq3A_468 : vector<64x128xf32>
    %jit3A_470 = arith.constant 0x7F800000 : f32
    %broadcast_in_dim3A_471 = vector.broadcast %jit3A_470 : f32 to vector<64x128xf32>
    %select_n3A_472 = arith.select %eq3A_469, %broadcast_in_dim3A_471, %select_n3A_456 : vector<64x128xi1>, vector<64x128xf32>
    %reduce_min3A_473 = arith.constant dense<0x7F800000> : vector<64xf32>
    %reduce_min3A_474 = vector.multi_reduction <minimumf>, %select_n3A_472, %reduce_min3A_473 [1] : vector<64x128xf32> to vector<64xf32>
    %broadcast_in_dim3A_475 = vector.shape_cast %reduce_min3A_474 : vector<64xf32> to vector<64x1xf32>
    %eq3A_476 = vector.broadcast %broadcast_in_dim3A_475 : vector<64x1xf32> to vector<64x128xf32>
    %eq3A_477 = arith.cmpf oeq, %select_n3A_472, %eq3A_476 : vector<64x128xf32>
    %jit3A_478 = arith.constant 1.280000e+02 : f32
    %broadcast_in_dim3A_479 = vector.broadcast %jit3A_478 : f32 to vector<64x128xf32>
    %select_n3A_480 = arith.select %eq3A_477, %convert_element_type3A_140, %broadcast_in_dim3A_479 : vector<64x128xi1>, vector<64x128xf32>
    %reduce_min3A_481 = arith.constant dense<0x7F800000> : vector<64xf32>
    %reduce_min3A_482 = vector.multi_reduction <minimumf>, %select_n3A_480, %reduce_min3A_481 [1] : vector<64x128xf32> to vector<64xf32>
    %broadcast_in_dim3A_483 = vector.shape_cast %reduce_min3A_482 : vector<64xf32> to vector<64x1xf32>
    %eq3A_484 = vector.broadcast %broadcast_in_dim3A_483 : vector<64x1xf32> to vector<64x128xf32>
    %eq3A_485 = arith.cmpf oeq, %convert_element_type3A_140, %eq3A_484 : vector<64x128xf32>
    %jit3A_486 = arith.constant 0x7F800000 : f32
    %broadcast_in_dim3A_487 = vector.broadcast %jit3A_486 : f32 to vector<64x128xf32>
    %select_n3A_488 = arith.select %eq3A_485, %broadcast_in_dim3A_487, %select_n3A_472 : vector<64x128xi1>, vector<64x128xf32>
    %reduce_min3A_489 = arith.constant dense<0x7F800000> : vector<64xf32>
    %reduce_min3A_490 = vector.multi_reduction <minimumf>, %select_n3A_488, %reduce_min3A_489 [1] : vector<64x128xf32> to vector<64xf32>
    %broadcast_in_dim3A_491 = vector.shape_cast %reduce_min3A_490 : vector<64xf32> to vector<64x1xf32>
    %eq3A_492 = vector.broadcast %broadcast_in_dim3A_491 : vector<64x1xf32> to vector<64x128xf32>
    %eq3A_493 = arith.cmpf oeq, %select_n3A_488, %eq3A_492 : vector<64x128xf32>
    %jit3A_494 = arith.constant 1.280000e+02 : f32
    %broadcast_in_dim3A_495 = vector.broadcast %jit3A_494 : f32 to vector<64x128xf32>
    %select_n3A_496 = arith.select %eq3A_493, %convert_element_type3A_140, %broadcast_in_dim3A_495 : vector<64x128xi1>, vector<64x128xf32>
    %reduce_min3A_497 = arith.constant dense<0x7F800000> : vector<64xf32>
    %reduce_min3A_498 = vector.multi_reduction <minimumf>, %select_n3A_496, %reduce_min3A_497 [1] : vector<64x128xf32> to vector<64xf32>
    %broadcast_in_dim3A_499 = vector.shape_cast %reduce_min3A_498 : vector<64xf32> to vector<64x1xf32>
    %eq3A_500 = vector.broadcast %broadcast_in_dim3A_499 : vector<64x1xf32> to vector<64x128xf32>
    %eq3A_501 = arith.cmpf oeq, %convert_element_type3A_140, %eq3A_500 : vector<64x128xf32>
    %jit3A_502 = arith.constant 0x7F800000 : f32
    %broadcast_in_dim3A_503 = vector.broadcast %jit3A_502 : f32 to vector<64x128xf32>
    %select_n3A_504 = arith.select %eq3A_501, %broadcast_in_dim3A_503, %select_n3A_488 : vector<64x128xi1>, vector<64x128xf32>
    %reduce_min3A_505 = arith.constant dense<0x7F800000> : vector<64xf32>
    %reduce_min3A_506 = vector.multi_reduction <minimumf>, %select_n3A_504, %reduce_min3A_505 [1] : vector<64x128xf32> to vector<64xf32>
    %broadcast_in_dim3A_507 = vector.shape_cast %reduce_min3A_506 : vector<64xf32> to vector<64x1xf32>
    %eq3A_508 = vector.broadcast %broadcast_in_dim3A_507 : vector<64x1xf32> to vector<64x128xf32>
    %eq3A_509 = arith.cmpf oeq, %select_n3A_504, %eq3A_508 : vector<64x128xf32>
    %jit3A_510 = arith.constant 1.280000e+02 : f32
    %broadcast_in_dim3A_511 = vector.broadcast %jit3A_510 : f32 to vector<64x128xf32>
    %select_n3A_512 = arith.select %eq3A_509, %convert_element_type3A_140, %broadcast_in_dim3A_511 : vector<64x128xi1>, vector<64x128xf32>
    %reduce_min3A_513 = arith.constant dense<0x7F800000> : vector<64xf32>
    %reduce_min3A_514 = vector.multi_reduction <minimumf>, %select_n3A_512, %reduce_min3A_513 [1] : vector<64x128xf32> to vector<64xf32>
    %broadcast_in_dim3A_515 = vector.shape_cast %reduce_min3A_514 : vector<64xf32> to vector<64x1xf32>
    %eq3A_516 = vector.broadcast %broadcast_in_dim3A_515 : vector<64x1xf32> to vector<64x128xf32>
    %eq3A_517 = arith.cmpf oeq, %convert_element_type3A_140, %eq3A_516 : vector<64x128xf32>
    %jit3A_518 = arith.constant 0x7F800000 : f32
    %broadcast_in_dim3A_519 = vector.broadcast %jit3A_518 : f32 to vector<64x128xf32>
    %select_n3A_520 = arith.select %eq3A_517, %broadcast_in_dim3A_519, %select_n3A_504 : vector<64x128xi1>, vector<64x128xf32>
    %reduce_min3A_521 = arith.constant dense<0x7F800000> : vector<64xf32>
    %reduce_min3A_522 = vector.multi_reduction <minimumf>, %select_n3A_520, %reduce_min3A_521 [1] : vector<64x128xf32> to vector<64xf32>
    %broadcast_in_dim3A_523 = vector.shape_cast %reduce_min3A_522 : vector<64xf32> to vector<64x1xf32>
    %eq3A_524 = vector.broadcast %broadcast_in_dim3A_523 : vector<64x1xf32> to vector<64x128xf32>
    %eq3A_525 = arith.cmpf oeq, %select_n3A_520, %eq3A_524 : vector<64x128xf32>
    %jit3A_526 = arith.constant 1.280000e+02 : f32
    %broadcast_in_dim3A_527 = vector.broadcast %jit3A_526 : f32 to vector<64x128xf32>
    %select_n3A_528 = arith.select %eq3A_525, %convert_element_type3A_140, %broadcast_in_dim3A_527 : vector<64x128xi1>, vector<64x128xf32>
    %reduce_min3A_529 = arith.constant dense<0x7F800000> : vector<64xf32>
    %reduce_min3A_530 = vector.multi_reduction <minimumf>, %select_n3A_528, %reduce_min3A_529 [1] : vector<64x128xf32> to vector<64xf32>
    %broadcast_in_dim3A_531 = vector.shape_cast %reduce_min3A_530 : vector<64xf32> to vector<64x1xf32>
    %eq3A_532 = vector.broadcast %broadcast_in_dim3A_531 : vector<64x1xf32> to vector<64x128xf32>
    %eq3A_533 = arith.cmpf oeq, %convert_element_type3A_140, %eq3A_532 : vector<64x128xf32>
    %jit3A_534 = arith.constant 0x7F800000 : f32
    %broadcast_in_dim3A_535 = vector.broadcast %jit3A_534 : f32 to vector<64x128xf32>
    %select_n3A_536 = arith.select %eq3A_533, %broadcast_in_dim3A_535, %select_n3A_520 : vector<64x128xi1>, vector<64x128xf32>
    %reduce_min3A_537 = arith.constant dense<0x7F800000> : vector<64xf32>
    %reduce_min3A_538 = vector.multi_reduction <minimumf>, %select_n3A_536, %reduce_min3A_537 [1] : vector<64x128xf32> to vector<64xf32>
    %broadcast_in_dim3A_539 = vector.shape_cast %reduce_min3A_538 : vector<64xf32> to vector<64x1xf32>
    %eq3A_540 = vector.broadcast %broadcast_in_dim3A_539 : vector<64x1xf32> to vector<64x128xf32>
    %eq3A_541 = arith.cmpf oeq, %select_n3A_536, %eq3A_540 : vector<64x128xf32>
    %jit3A_542 = arith.constant 1.280000e+02 : f32
    %broadcast_in_dim3A_543 = vector.broadcast %jit3A_542 : f32 to vector<64x128xf32>
    %select_n3A_544 = arith.select %eq3A_541, %convert_element_type3A_140, %broadcast_in_dim3A_543 : vector<64x128xi1>, vector<64x128xf32>
    %reduce_min3A_545 = arith.constant dense<0x7F800000> : vector<64xf32>
    %reduce_min3A_546 = vector.multi_reduction <minimumf>, %select_n3A_544, %reduce_min3A_545 [1] : vector<64x128xf32> to vector<64xf32>
    %broadcast_in_dim3A_547 = vector.shape_cast %reduce_min3A_546 : vector<64xf32> to vector<64x1xf32>
    %eq3A_548 = vector.broadcast %broadcast_in_dim3A_547 : vector<64x1xf32> to vector<64x128xf32>
    %eq3A_549 = arith.cmpf oeq, %convert_element_type3A_140, %eq3A_548 : vector<64x128xf32>
    %jit3A_550 = arith.constant 0x7F800000 : f32
    %broadcast_in_dim3A_551 = vector.broadcast %jit3A_550 : f32 to vector<64x128xf32>
    %select_n3A_552 = arith.select %eq3A_549, %broadcast_in_dim3A_551, %select_n3A_536 : vector<64x128xi1>, vector<64x128xf32>
    %reduce_min3A_553 = arith.constant dense<0x7F800000> : vector<64xf32>
    %reduce_min3A_554 = vector.multi_reduction <minimumf>, %select_n3A_552, %reduce_min3A_553 [1] : vector<64x128xf32> to vector<64xf32>
    %broadcast_in_dim3A_555 = vector.shape_cast %reduce_min3A_554 : vector<64xf32> to vector<64x1xf32>
    %eq3A_556 = vector.broadcast %broadcast_in_dim3A_555 : vector<64x1xf32> to vector<64x128xf32>
    %eq3A_557 = arith.cmpf oeq, %select_n3A_552, %eq3A_556 : vector<64x128xf32>
    %jit3A_558 = arith.constant 1.280000e+02 : f32
    %broadcast_in_dim3A_559 = vector.broadcast %jit3A_558 : f32 to vector<64x128xf32>
    %select_n3A_560 = arith.select %eq3A_557, %convert_element_type3A_140, %broadcast_in_dim3A_559 : vector<64x128xi1>, vector<64x128xf32>
    %reduce_min3A_561 = arith.constant dense<0x7F800000> : vector<64xf32>
    %reduce_min3A_562 = vector.multi_reduction <minimumf>, %select_n3A_560, %reduce_min3A_561 [1] : vector<64x128xf32> to vector<64xf32>
    %broadcast_in_dim3A_563 = vector.shape_cast %reduce_min3A_562 : vector<64xf32> to vector<64x1xf32>
    %eq3A_564 = vector.broadcast %broadcast_in_dim3A_563 : vector<64x1xf32> to vector<64x128xf32>
    %eq3A_565 = arith.cmpf oeq, %convert_element_type3A_140, %eq3A_564 : vector<64x128xf32>
    %jit3A_566 = arith.constant 0x7F800000 : f32
    %broadcast_in_dim3A_567 = vector.broadcast %jit3A_566 : f32 to vector<64x128xf32>
    %select_n3A_568 = arith.select %eq3A_565, %broadcast_in_dim3A_567, %select_n3A_552 : vector<64x128xi1>, vector<64x128xf32>
    %reduce_min3A_569 = arith.constant dense<0x7F800000> : vector<64xf32>
    %reduce_min3A_570 = vector.multi_reduction <minimumf>, %select_n3A_568, %reduce_min3A_569 [1] : vector<64x128xf32> to vector<64xf32>
    %broadcast_in_dim3A_571 = vector.shape_cast %reduce_min3A_570 : vector<64xf32> to vector<64x1xf32>
    %eq3A_572 = vector.broadcast %broadcast_in_dim3A_571 : vector<64x1xf32> to vector<64x128xf32>
    %eq3A_573 = arith.cmpf oeq, %select_n3A_568, %eq3A_572 : vector<64x128xf32>
    %jit3A_574 = arith.constant 1.280000e+02 : f32
    %broadcast_in_dim3A_575 = vector.broadcast %jit3A_574 : f32 to vector<64x128xf32>
    %select_n3A_576 = arith.select %eq3A_573, %convert_element_type3A_140, %broadcast_in_dim3A_575 : vector<64x128xi1>, vector<64x128xf32>
    %reduce_min3A_577 = arith.constant dense<0x7F800000> : vector<64xf32>
    %reduce_min3A_578 = vector.multi_reduction <minimumf>, %select_n3A_576, %reduce_min3A_577 [1] : vector<64x128xf32> to vector<64xf32>
    %broadcast_in_dim3A_579 = vector.shape_cast %reduce_min3A_578 : vector<64xf32> to vector<64x1xf32>
    %eq3A_580 = vector.broadcast %broadcast_in_dim3A_579 : vector<64x1xf32> to vector<64x128xf32>
    %eq3A_581 = arith.cmpf oeq, %convert_element_type3A_140, %eq3A_580 : vector<64x128xf32>
    %jit3A_582 = arith.constant 0x7F800000 : f32
    %broadcast_in_dim3A_583 = vector.broadcast %jit3A_582 : f32 to vector<64x128xf32>
    %select_n3A_584 = arith.select %eq3A_581, %broadcast_in_dim3A_583, %select_n3A_568 : vector<64x128xi1>, vector<64x128xf32>
    %reduce_min3A_585 = arith.constant dense<0x7F800000> : vector<64xf32>
    %reduce_min3A_586 = vector.multi_reduction <minimumf>, %select_n3A_584, %reduce_min3A_585 [1] : vector<64x128xf32> to vector<64xf32>
    %broadcast_in_dim3A_587 = vector.shape_cast %reduce_min3A_586 : vector<64xf32> to vector<64x1xf32>
    %eq3A_588 = vector.broadcast %broadcast_in_dim3A_587 : vector<64x1xf32> to vector<64x128xf32>
    %eq3A_589 = arith.cmpf oeq, %select_n3A_584, %eq3A_588 : vector<64x128xf32>
    %jit3A_590 = arith.constant 1.280000e+02 : f32
    %broadcast_in_dim3A_591 = vector.broadcast %jit3A_590 : f32 to vector<64x128xf32>
    %select_n3A_592 = arith.select %eq3A_589, %convert_element_type3A_140, %broadcast_in_dim3A_591 : vector<64x128xi1>, vector<64x128xf32>
    %reduce_min3A_593 = arith.constant dense<0x7F800000> : vector<64xf32>
    %reduce_min3A_594 = vector.multi_reduction <minimumf>, %select_n3A_592, %reduce_min3A_593 [1] : vector<64x128xf32> to vector<64xf32>
    %broadcast_in_dim3A_595 = vector.shape_cast %reduce_min3A_594 : vector<64xf32> to vector<64x1xf32>
    %eq3A_596 = vector.broadcast %broadcast_in_dim3A_595 : vector<64x1xf32> to vector<64x128xf32>
    %eq3A_597 = arith.cmpf oeq, %convert_element_type3A_140, %eq3A_596 : vector<64x128xf32>
    %jit3A_598 = arith.constant 0x7F800000 : f32
    %broadcast_in_dim3A_599 = vector.broadcast %jit3A_598 : f32 to vector<64x128xf32>
    %select_n3A_600 = arith.select %eq3A_597, %broadcast_in_dim3A_599, %select_n3A_584 : vector<64x128xi1>, vector<64x128xf32>
    %reduce_min3A_601 = arith.constant dense<0x7F800000> : vector<64xf32>
    %reduce_min3A_602 = vector.multi_reduction <minimumf>, %select_n3A_600, %reduce_min3A_601 [1] : vector<64x128xf32> to vector<64xf32>
    %broadcast_in_dim3A_603 = vector.shape_cast %reduce_min3A_602 : vector<64xf32> to vector<64x1xf32>
    %eq3A_604 = vector.broadcast %broadcast_in_dim3A_603 : vector<64x1xf32> to vector<64x128xf32>
    %eq3A_605 = arith.cmpf oeq, %select_n3A_600, %eq3A_604 : vector<64x128xf32>
    %jit3A_606 = arith.constant 1.280000e+02 : f32
    %broadcast_in_dim3A_607 = vector.broadcast %jit3A_606 : f32 to vector<64x128xf32>
    %select_n3A_608 = arith.select %eq3A_605, %convert_element_type3A_140, %broadcast_in_dim3A_607 : vector<64x128xi1>, vector<64x128xf32>
    %reduce_min3A_609 = arith.constant dense<0x7F800000> : vector<64xf32>
    %reduce_min3A_610 = vector.multi_reduction <minimumf>, %select_n3A_608, %reduce_min3A_609 [1] : vector<64x128xf32> to vector<64xf32>
    %broadcast_in_dim3A_611 = vector.shape_cast %reduce_min3A_610 : vector<64xf32> to vector<64x1xf32>
    %eq3A_612 = vector.broadcast %broadcast_in_dim3A_611 : vector<64x1xf32> to vector<64x128xf32>
    %eq3A_613 = arith.cmpf oeq, %convert_element_type3A_140, %eq3A_612 : vector<64x128xf32>
    %jit3A_614 = arith.constant 0x7F800000 : f32
    %broadcast_in_dim3A_615 = vector.broadcast %jit3A_614 : f32 to vector<64x128xf32>
    %select_n3A_616 = arith.select %eq3A_613, %broadcast_in_dim3A_615, %select_n3A_600 : vector<64x128xi1>, vector<64x128xf32>
    %reduce_min3A_617 = arith.constant dense<0x7F800000> : vector<64xf32>
    %reduce_min3A_618 = vector.multi_reduction <minimumf>, %select_n3A_616, %reduce_min3A_617 [1] : vector<64x128xf32> to vector<64xf32>
    %broadcast_in_dim3A_619 = vector.shape_cast %reduce_min3A_618 : vector<64xf32> to vector<64x1xf32>
    %eq3A_620 = vector.broadcast %broadcast_in_dim3A_619 : vector<64x1xf32> to vector<64x128xf32>
    %eq3A_621 = arith.cmpf oeq, %select_n3A_616, %eq3A_620 : vector<64x128xf32>
    %jit3A_622 = arith.constant 1.280000e+02 : f32
    %broadcast_in_dim3A_623 = vector.broadcast %jit3A_622 : f32 to vector<64x128xf32>
    %select_n3A_624 = arith.select %eq3A_621, %convert_element_type3A_140, %broadcast_in_dim3A_623 : vector<64x128xi1>, vector<64x128xf32>
    %reduce_min3A_625 = arith.constant dense<0x7F800000> : vector<64xf32>
    %reduce_min3A_626 = vector.multi_reduction <minimumf>, %select_n3A_624, %reduce_min3A_625 [1] : vector<64x128xf32> to vector<64xf32>
    %broadcast_in_dim3A_627 = vector.shape_cast %reduce_min3A_626 : vector<64xf32> to vector<64x1xf32>
    %eq3A_628 = vector.broadcast %broadcast_in_dim3A_627 : vector<64x1xf32> to vector<64x128xf32>
    %eq3A_629 = arith.cmpf oeq, %convert_element_type3A_140, %eq3A_628 : vector<64x128xf32>
    %jit3A_630 = arith.constant 0x7F800000 : f32
    %broadcast_in_dim3A_631 = vector.broadcast %jit3A_630 : f32 to vector<64x128xf32>
    %select_n3A_632 = arith.select %eq3A_629, %broadcast_in_dim3A_631, %select_n3A_616 : vector<64x128xi1>, vector<64x128xf32>
    %reduce_min3A_633 = arith.constant dense<0x7F800000> : vector<64xf32>
    %reduce_min3A_634 = vector.multi_reduction <minimumf>, %select_n3A_632, %reduce_min3A_633 [1] : vector<64x128xf32> to vector<64xf32>
    %broadcast_in_dim3A_635 = vector.shape_cast %reduce_min3A_634 : vector<64xf32> to vector<64x1xf32>
    %eq3A_636 = vector.broadcast %broadcast_in_dim3A_635 : vector<64x1xf32> to vector<64x128xf32>
    %eq3A_637 = arith.cmpf oeq, %select_n3A_632, %eq3A_636 : vector<64x128xf32>
    %jit3A_638 = arith.constant 1.280000e+02 : f32
    %broadcast_in_dim3A_639 = vector.broadcast %jit3A_638 : f32 to vector<64x128xf32>
    %select_n3A_640 = arith.select %eq3A_637, %convert_element_type3A_140, %broadcast_in_dim3A_639 : vector<64x128xi1>, vector<64x128xf32>
    %reduce_min3A_641 = arith.constant dense<0x7F800000> : vector<64xf32>
    %reduce_min3A_642 = vector.multi_reduction <minimumf>, %select_n3A_640, %reduce_min3A_641 [1] : vector<64x128xf32> to vector<64xf32>
    %broadcast_in_dim3A_643 = vector.shape_cast %reduce_min3A_642 : vector<64xf32> to vector<64x1xf32>
    %concatenate3A = tpu.concatenate %broadcast_in_dim3A_147, %broadcast_in_dim3A_163, %broadcast_in_dim3A_179, %broadcast_in_dim3A_195, %broadcast_in_dim3A_211, %broadcast_in_dim3A_227, %broadcast_in_dim3A_243, %broadcast_in_dim3A_259, %broadcast_in_dim3A_275, %broadcast_in_dim3A_291, %broadcast_in_dim3A_307, %broadcast_in_dim3A_323, %broadcast_in_dim3A_339, %broadcast_in_dim3A_355, %broadcast_in_dim3A_371, %broadcast_in_dim3A_387, %broadcast_in_dim3A_403, %broadcast_in_dim3A_419, %broadcast_in_dim3A_435, %broadcast_in_dim3A_451, %broadcast_in_dim3A_467, %broadcast_in_dim3A_483, %broadcast_in_dim3A_499, %broadcast_in_dim3A_515, %broadcast_in_dim3A_531, %broadcast_in_dim3A_547, %broadcast_in_dim3A_563, %broadcast_in_dim3A_579, %broadcast_in_dim3A_595, %broadcast_in_dim3A_611, %broadcast_in_dim3A_627, %broadcast_in_dim3A_643 in 0 : vector<64x1xf32>, vector<64x1xf32>, vector<64x1xf32>, vector<64x1xf32>, vector<64x1xf32>, vector<64x1xf32>, vector<64x1xf32>, vector<64x1xf32>, vector<64x1xf32>, vector<64x1xf32>, vector<64x1xf32>, vector<64x1xf32>, vector<64x1xf32>, vector<64x1xf32>, vector<64x1xf32>, vector<64x1xf32>, vector<64x1xf32>, vector<64x1xf32>, vector<64x1xf32>, vector<64x1xf32>, vector<64x1xf32>, vector<64x1xf32>, vector<64x1xf32>, vector<64x1xf32>, vector<64x1xf32>, vector<64x1xf32>, vector<64x1xf32>, vector<64x1xf32>, vector<64x1xf32>, vector<64x1xf32>, vector<64x1xf32>, vector<64x1xf32> -> vector<2048x1xf32>
    %iota3A_644 = tpu.iota {dimensions = array<i32: 1>} : vector<2048x128xi32>
    %convert_element_type3A_645 = arith.sitofp %iota3A_644 : vector<2048x128xi32> to vector<2048x128xf32>
    %eq3A_646 = vector.broadcast %concatenate3A : vector<2048x1xf32> to vector<2048x128xf32>
    %eq3A_647 = arith.cmpf oeq, %convert_element_type3A_645, %eq3A_646 : vector<2048x128xf32>
    %convert_element_type3A_648 = arith.extui %eq3A_647 : vector<2048x128xi1> to vector<2048x128xi32>
    %convert_element_type3A_649 = arith.sitofp %convert_element_type3A_648 : vector<2048x128xi32> to vector<2048x128xf32>
    %get3A_650 = arith.constant 0 : index
    %get3A_651 = arith.constant 0 : index
    %get3A_652 = arith.constant 0 : index
    %get3A_653 = vector.load %arg4[%get3A_650, %get3A_651, %get3A_652] : memref<1x128x3xf32, #tpu.memory_space<vmem>>, vector<1x128x3xf32>
    %get3A_654 = vector.shape_cast %get3A_653 : vector<1x128x3xf32> to vector<128x3xf32>
    %dot_general3A = arith.constant dense<0.000000e+00> : vector<2048x3xf32>
    %dot_general3A_655 = tpu.matmul %convert_element_type3A_649, %get3A_654, %dot_general3A {dimension_numbers = #tpu.dot_dimension_numbers<[1], [0], [0], [1], [0, 0, 1, 1], [], []>, precision = #tpu.contract_precision<fp32>, transpose_lhs_hint = false} : vector<2048x128xf32>, vector<128x3xf32>, vector<2048x3xf32> -> vector<2048x3xf32>
    %concatenate3A_656 = tpu.concatenate %get3A_120, %get3A_120, %get3A_120, %get3A_120, %get3A_120, %get3A_120, %get3A_120, %get3A_120, %get3A_120, %get3A_120, %get3A_120, %get3A_120, %get3A_120, %get3A_120, %get3A_120, %get3A_120, %get3A_120, %get3A_120, %get3A_120, %get3A_120, %get3A_120, %get3A_120, %get3A_120, %get3A_120, %get3A_120, %get3A_120, %get3A_120, %get3A_120, %get3A_120, %get3A_120, %get3A_120, %get3A_120 in 0 : vector<64x3xf32>, vector<64x3xf32>, vector<64x3xf32>, vector<64x3xf32>, vector<64x3xf32>, vector<64x3xf32>, vector<64x3xf32>, vector<64x3xf32>, vector<64x3xf32>, vector<64x3xf32>, vector<64x3xf32>, vector<64x3xf32>, vector<64x3xf32>, vector<64x3xf32>, vector<64x3xf32>, vector<64x3xf32>, vector<64x3xf32>, vector<64x3xf32>, vector<64x3xf32>, vector<64x3xf32>, vector<64x3xf32>, vector<64x3xf32>, vector<64x3xf32>, vector<64x3xf32>, vector<64x3xf32>, vector<64x3xf32>, vector<64x3xf32>, vector<64x3xf32>, vector<64x3xf32>, vector<64x3xf32>, vector<64x3xf32>, vector<64x3xf32> -> vector<2048x3xf32>
    %sub3A_657 = arith.subf %dot_general3A_655, %concatenate3A_656 : vector<2048x3xf32>
    %dot_general3A_658 = arith.constant dense<0.000000e+00> : vector<2048x64xf32>
    %dot_general3A_659 = tpu.matmul %convert_element_type3A_649, %max3A_108, %dot_general3A_658 {dimension_numbers = #tpu.dot_dimension_numbers<[1], [0], [0], [1], [0, 0, 1, 1], [], []>, precision = #tpu.contract_precision<fp32>, transpose_lhs_hint = false} : vector<2048x128xf32>, vector<128x64xf32>, vector<2048x64xf32> -> vector<2048x64xf32>
    %get3A_660 = arith.constant 0 : index
    %get3A_661 = arith.constant 0 : index
    %get3A_662 = vector.load %arg6[%get3A_660, %get3A_661] : memref<3x256xf32, #tpu.memory_space<vmem>>, vector<3x256xf32>
    %dot_general3A_663 = arith.constant dense<0.000000e+00> : vector<2048x256xf32>
    %dot_general3A_664 = tpu.matmul %sub3A_657, %get3A_662, %dot_general3A_663 {dimension_numbers = #tpu.dot_dimension_numbers<[1], [0], [0], [1], [0, 0, 1, 1], [], []>, transpose_lhs_hint = false} : vector<2048x3xf32>, vector<3x256xf32>, vector<2048x256xf32> -> vector<2048x256xf32>
    %get3A_665 = arith.constant 0 : index
    %get3A_666 = arith.constant 0 : index
    %get3A_667 = vector.load %arg7[%get3A_665, %get3A_666] : memref<64x256xf32, #tpu.memory_space<vmem>>, vector<64x256xf32>
    %dot_general3A_668 = arith.constant dense<0.000000e+00> : vector<2048x256xf32>
    %dot_general3A_669 = tpu.matmul %dot_general3A_659, %get3A_667, %dot_general3A_668 {dimension_numbers = #tpu.dot_dimension_numbers<[1], [0], [0], [1], [0, 0, 1, 1], [], []>, transpose_lhs_hint = false} : vector<2048x64xf32>, vector<64x256xf32>, vector<2048x256xf32> -> vector<2048x256xf32>
    %add3A_670 = arith.addf %dot_general3A_664, %dot_general3A_669 : vector<2048x256xf32>
    %get3A_671 = arith.constant 0 : index
    %get3A_672 = arith.constant 0 : index
    %get3A_673 = vector.load %arg8[%get3A_671, %get3A_672] : memref<1x256xf32, #tpu.memory_space<vmem>>, vector<1x256xf32>
    %add3A_674 = vector.broadcast %get3A_673 : vector<1x256xf32> to vector<2048x256xf32>
    %add3A_675 = arith.addf %add3A_670, %add3A_674 : vector<2048x256xf32>
    %max3A_676 = arith.constant 0.000000e+00 : f32
    %max3A_677 = vector.broadcast %max3A_676 : f32 to vector<2048x256xf32>
    %max3A_678 = arith.maximumf %add3A_675, %max3A_677 : vector<2048x256xf32>
    %get3A_679 = arith.constant 0 : index
    %get3A_680 = arith.constant 0 : index
    %get3A_681 = vector.load %arg9[%get3A_679, %get3A_680] : memref<256x256xf32, #tpu.memory_space<vmem>>, vector<256x256xf32>
    %dot_general3A_682 = arith.constant dense<0.000000e+00> : vector<2048x256xf32>
    %dot_general3A_683 = tpu.matmul %max3A_678, %get3A_681, %dot_general3A_682 {dimension_numbers = #tpu.dot_dimension_numbers<[1], [0], [0], [1], [0, 0, 1, 1], [], []>, transpose_lhs_hint = false} : vector<2048x256xf32>, vector<256x256xf32>, vector<2048x256xf32> -> vector<2048x256xf32>
    %get3A_684 = arith.constant 0 : index
    %get3A_685 = arith.constant 0 : index
    %get3A_686 = vector.load %arg10[%get3A_684, %get3A_685] : memref<1x256xf32, #tpu.memory_space<vmem>>, vector<1x256xf32>
    %add3A_687 = vector.broadcast %get3A_686 : vector<1x256xf32> to vector<2048x256xf32>
    %add3A_688 = arith.addf %dot_general3A_683, %add3A_687 : vector<2048x256xf32>
    %max3A_689 = arith.constant 0.000000e+00 : f32
    %max3A_690 = vector.broadcast %max3A_689 : f32 to vector<2048x256xf32>
    %max3A_691 = arith.maximumf %add3A_688, %max3A_690 : vector<2048x256xf32>
    %slice3A_692 = vector.extract_strided_slice %max3A_691 {offsets = [0, 0], sizes = [64, 256], strides = [1, 1]} : vector<2048x256xf32> to vector<64x256xf32>
    %slice3A_693 = vector.extract_strided_slice %max3A_691 {offsets = [64, 0], sizes = [64, 256], strides = [1, 1]} : vector<2048x256xf32> to vector<64x256xf32>
    %max3A_694 = arith.maximumf %slice3A_692, %slice3A_693 : vector<64x256xf32>
    %slice3A_695 = vector.extract_strided_slice %max3A_691 {offsets = [128, 0], sizes = [64, 256], strides = [1, 1]} : vector<2048x256xf32> to vector<64x256xf32>
    %max3A_696 = arith.maximumf %max3A_694, %slice3A_695 : vector<64x256xf32>
    %slice3A_697 = vector.extract_strided_slice %max3A_691 {offsets = [192, 0], sizes = [64, 256], strides = [1, 1]} : vector<2048x256xf32> to vector<64x256xf32>
    %max3A_698 = arith.maximumf %max3A_696, %slice3A_697 : vector<64x256xf32>
    %slice3A_699 = vector.extract_strided_slice %max3A_691 {offsets = [256, 0], sizes = [64, 256], strides = [1, 1]} : vector<2048x256xf32> to vector<64x256xf32>
    %max3A_700 = arith.maximumf %max3A_698, %slice3A_699 : vector<64x256xf32>
    %slice3A_701 = vector.extract_strided_slice %max3A_691 {offsets = [320, 0], sizes = [64, 256], strides = [1, 1]} : vector<2048x256xf32> to vector<64x256xf32>
    %max3A_702 = arith.maximumf %max3A_700, %slice3A_701 : vector<64x256xf32>
    %slice3A_703 = vector.extract_strided_slice %max3A_691 {offsets = [384, 0], sizes = [64, 256], strides = [1, 1]} : vector<2048x256xf32> to vector<64x256xf32>
    %max3A_704 = arith.maximumf %max3A_702, %slice3A_703 : vector<64x256xf32>
    %slice3A_705 = vector.extract_strided_slice %max3A_691 {offsets = [448, 0], sizes = [64, 256], strides = [1, 1]} : vector<2048x256xf32> to vector<64x256xf32>
    %max3A_706 = arith.maximumf %max3A_704, %slice3A_705 : vector<64x256xf32>
    %slice3A_707 = vector.extract_strided_slice %max3A_691 {offsets = [512, 0], sizes = [64, 256], strides = [1, 1]} : vector<2048x256xf32> to vector<64x256xf32>
    %max3A_708 = arith.maximumf %max3A_706, %slice3A_707 : vector<64x256xf32>
    %slice3A_709 = vector.extract_strided_slice %max3A_691 {offsets = [576, 0], sizes = [64, 256], strides = [1, 1]} : vector<2048x256xf32> to vector<64x256xf32>
    %max3A_710 = arith.maximumf %max3A_708, %slice3A_709 : vector<64x256xf32>
    %slice3A_711 = vector.extract_strided_slice %max3A_691 {offsets = [640, 0], sizes = [64, 256], strides = [1, 1]} : vector<2048x256xf32> to vector<64x256xf32>
    %max3A_712 = arith.maximumf %max3A_710, %slice3A_711 : vector<64x256xf32>
    %slice3A_713 = vector.extract_strided_slice %max3A_691 {offsets = [704, 0], sizes = [64, 256], strides = [1, 1]} : vector<2048x256xf32> to vector<64x256xf32>
    %max3A_714 = arith.maximumf %max3A_712, %slice3A_713 : vector<64x256xf32>
    %slice3A_715 = vector.extract_strided_slice %max3A_691 {offsets = [768, 0], sizes = [64, 256], strides = [1, 1]} : vector<2048x256xf32> to vector<64x256xf32>
    %max3A_716 = arith.maximumf %max3A_714, %slice3A_715 : vector<64x256xf32>
    %slice3A_717 = vector.extract_strided_slice %max3A_691 {offsets = [832, 0], sizes = [64, 256], strides = [1, 1]} : vector<2048x256xf32> to vector<64x256xf32>
    %max3A_718 = arith.maximumf %max3A_716, %slice3A_717 : vector<64x256xf32>
    %slice3A_719 = vector.extract_strided_slice %max3A_691 {offsets = [896, 0], sizes = [64, 256], strides = [1, 1]} : vector<2048x256xf32> to vector<64x256xf32>
    %max3A_720 = arith.maximumf %max3A_718, %slice3A_719 : vector<64x256xf32>
    %slice3A_721 = vector.extract_strided_slice %max3A_691 {offsets = [960, 0], sizes = [64, 256], strides = [1, 1]} : vector<2048x256xf32> to vector<64x256xf32>
    %max3A_722 = arith.maximumf %max3A_720, %slice3A_721 : vector<64x256xf32>
    %slice3A_723 = vector.extract_strided_slice %max3A_691 {offsets = [1024, 0], sizes = [64, 256], strides = [1, 1]} : vector<2048x256xf32> to vector<64x256xf32>
    %max3A_724 = arith.maximumf %max3A_722, %slice3A_723 : vector<64x256xf32>
    %slice3A_725 = vector.extract_strided_slice %max3A_691 {offsets = [1088, 0], sizes = [64, 256], strides = [1, 1]} : vector<2048x256xf32> to vector<64x256xf32>
    %max3A_726 = arith.maximumf %max3A_724, %slice3A_725 : vector<64x256xf32>
    %slice3A_727 = vector.extract_strided_slice %max3A_691 {offsets = [1152, 0], sizes = [64, 256], strides = [1, 1]} : vector<2048x256xf32> to vector<64x256xf32>
    %max3A_728 = arith.maximumf %max3A_726, %slice3A_727 : vector<64x256xf32>
    %slice3A_729 = vector.extract_strided_slice %max3A_691 {offsets = [1216, 0], sizes = [64, 256], strides = [1, 1]} : vector<2048x256xf32> to vector<64x256xf32>
    %max3A_730 = arith.maximumf %max3A_728, %slice3A_729 : vector<64x256xf32>
    %slice3A_731 = vector.extract_strided_slice %max3A_691 {offsets = [1280, 0], sizes = [64, 256], strides = [1, 1]} : vector<2048x256xf32> to vector<64x256xf32>
    %max3A_732 = arith.maximumf %max3A_730, %slice3A_731 : vector<64x256xf32>
    %slice3A_733 = vector.extract_strided_slice %max3A_691 {offsets = [1344, 0], sizes = [64, 256], strides = [1, 1]} : vector<2048x256xf32> to vector<64x256xf32>
    %max3A_734 = arith.maximumf %max3A_732, %slice3A_733 : vector<64x256xf32>
    %slice3A_735 = vector.extract_strided_slice %max3A_691 {offsets = [1408, 0], sizes = [64, 256], strides = [1, 1]} : vector<2048x256xf32> to vector<64x256xf32>
    %max3A_736 = arith.maximumf %max3A_734, %slice3A_735 : vector<64x256xf32>
    %slice3A_737 = vector.extract_strided_slice %max3A_691 {offsets = [1472, 0], sizes = [64, 256], strides = [1, 1]} : vector<2048x256xf32> to vector<64x256xf32>
    %max3A_738 = arith.maximumf %max3A_736, %slice3A_737 : vector<64x256xf32>
    %slice3A_739 = vector.extract_strided_slice %max3A_691 {offsets = [1536, 0], sizes = [64, 256], strides = [1, 1]} : vector<2048x256xf32> to vector<64x256xf32>
    %max3A_740 = arith.maximumf %max3A_738, %slice3A_739 : vector<64x256xf32>
    %slice3A_741 = vector.extract_strided_slice %max3A_691 {offsets = [1600, 0], sizes = [64, 256], strides = [1, 1]} : vector<2048x256xf32> to vector<64x256xf32>
    %max3A_742 = arith.maximumf %max3A_740, %slice3A_741 : vector<64x256xf32>
    %slice3A_743 = vector.extract_strided_slice %max3A_691 {offsets = [1664, 0], sizes = [64, 256], strides = [1, 1]} : vector<2048x256xf32> to vector<64x256xf32>
    %max3A_744 = arith.maximumf %max3A_742, %slice3A_743 : vector<64x256xf32>
    %slice3A_745 = vector.extract_strided_slice %max3A_691 {offsets = [1728, 0], sizes = [64, 256], strides = [1, 1]} : vector<2048x256xf32> to vector<64x256xf32>
    %max3A_746 = arith.maximumf %max3A_744, %slice3A_745 : vector<64x256xf32>
    %slice3A_747 = vector.extract_strided_slice %max3A_691 {offsets = [1792, 0], sizes = [64, 256], strides = [1, 1]} : vector<2048x256xf32> to vector<64x256xf32>
    %max3A_748 = arith.maximumf %max3A_746, %slice3A_747 : vector<64x256xf32>
    %slice3A_749 = vector.extract_strided_slice %max3A_691 {offsets = [1856, 0], sizes = [64, 256], strides = [1, 1]} : vector<2048x256xf32> to vector<64x256xf32>
    %max3A_750 = arith.maximumf %max3A_748, %slice3A_749 : vector<64x256xf32>
    %slice3A_751 = vector.extract_strided_slice %max3A_691 {offsets = [1920, 0], sizes = [64, 256], strides = [1, 1]} : vector<2048x256xf32> to vector<64x256xf32>
    %max3A_752 = arith.maximumf %max3A_750, %slice3A_751 : vector<64x256xf32>
    %slice3A_753 = vector.extract_strided_slice %max3A_691 {offsets = [1984, 0], sizes = [64, 256], strides = [1, 1]} : vector<2048x256xf32> to vector<64x256xf32>
    %max3A_754 = arith.maximumf %max3A_752, %slice3A_753 : vector<64x256xf32>
    %get3A_755 = arith.constant 0 : index
    %get3A_756 = arith.constant 0 : index
    %get3A_757 = vector.load %arg11[%get3A_755, %get3A_756] : memref<256x512xf32, #tpu.memory_space<vmem>>, vector<256x512xf32>
    %dot_general3A_758 = arith.constant dense<0.000000e+00> : vector<64x512xf32>
    %dot_general3A_759 = tpu.matmul %max3A_754, %get3A_757, %dot_general3A_758 {dimension_numbers = #tpu.dot_dimension_numbers<[1], [0], [0], [1], [0, 0, 1, 1], [], []>, transpose_lhs_hint = false} : vector<64x256xf32>, vector<256x512xf32>, vector<64x512xf32> -> vector<64x512xf32>
    %concatenate3A_760 = tpu.concatenate %dot_general3A_759, %dot_general3A_759, %dot_general3A_759, %dot_general3A_759, %dot_general3A_759, %dot_general3A_759, %dot_general3A_759, %dot_general3A_759, %dot_general3A_759, %dot_general3A_759, %dot_general3A_759, %dot_general3A_759, %dot_general3A_759, %dot_general3A_759, %dot_general3A_759, %dot_general3A_759, %dot_general3A_759, %dot_general3A_759, %dot_general3A_759, %dot_general3A_759, %dot_general3A_759, %dot_general3A_759, %dot_general3A_759, %dot_general3A_759, %dot_general3A_759, %dot_general3A_759, %dot_general3A_759, %dot_general3A_759, %dot_general3A_759, %dot_general3A_759, %dot_general3A_759, %dot_general3A_759 in 0 : vector<64x512xf32>, vector<64x512xf32>, vector<64x512xf32>, vector<64x512xf32>, vector<64x512xf32>, vector<64x512xf32>, vector<64x512xf32>, vector<64x512xf32>, vector<64x512xf32>, vector<64x512xf32>, vector<64x512xf32>, vector<64x512xf32>, vector<64x512xf32>, vector<64x512xf32>, vector<64x512xf32>, vector<64x512xf32>, vector<64x512xf32>, vector<64x512xf32>, vector<64x512xf32>, vector<64x512xf32>, vector<64x512xf32>, vector<64x512xf32>, vector<64x512xf32>, vector<64x512xf32>, vector<64x512xf32>, vector<64x512xf32>, vector<64x512xf32>, vector<64x512xf32>, vector<64x512xf32>, vector<64x512xf32>, vector<64x512xf32>, vector<64x512xf32> -> vector<2048x512xf32>
    %get3A_761 = arith.constant 0 : index
    %get3A_762 = arith.constant 0 : index
    %get3A_763 = vector.load %arg12[%get3A_761, %get3A_762] : memref<256x512xf32, #tpu.memory_space<vmem>>, vector<256x512xf32>
    %dot_general3A_764 = arith.constant dense<0.000000e+00> : vector<2048x512xf32>
    %dot_general3A_765 = tpu.matmul %max3A_691, %get3A_763, %dot_general3A_764 {dimension_numbers = #tpu.dot_dimension_numbers<[1], [0], [0], [1], [0, 0, 1, 1], [], []>, transpose_lhs_hint = false} : vector<2048x256xf32>, vector<256x512xf32>, vector<2048x512xf32> -> vector<2048x512xf32>
    %add3A_766 = arith.addf %concatenate3A_760, %dot_general3A_765 : vector<2048x512xf32>
    %get3A_767 = arith.constant 0 : index
    %get3A_768 = arith.constant 0 : index
    %get3A_769 = vector.load %arg13[%get3A_767, %get3A_768] : memref<1x512xf32, #tpu.memory_space<vmem>>, vector<1x512xf32>
    %add3A_770 = vector.broadcast %get3A_769 : vector<1x512xf32> to vector<2048x512xf32>
    %add3A_771 = arith.addf %add3A_766, %add3A_770 : vector<2048x512xf32>
    %max3A_772 = arith.constant 0.000000e+00 : f32
    %max3A_773 = vector.broadcast %max3A_772 : f32 to vector<2048x512xf32>
    %max3A_774 = arith.maximumf %add3A_771, %max3A_773 : vector<2048x512xf32>
    %get3A_775 = arith.constant 0 : index
    %get3A_776 = arith.constant 0 : index
    %get3A_777 = vector.load %arg14[%get3A_775, %get3A_776] : memref<512x256xf32, #tpu.memory_space<vmem>>, vector<512x256xf32>
    %dot_general3A_778 = arith.constant dense<0.000000e+00> : vector<2048x256xf32>
    %dot_general3A_779 = tpu.matmul %max3A_774, %get3A_777, %dot_general3A_778 {dimension_numbers = #tpu.dot_dimension_numbers<[1], [0], [0], [1], [0, 0, 1, 1], [], []>, transpose_lhs_hint = false} : vector<2048x512xf32>, vector<512x256xf32>, vector<2048x256xf32> -> vector<2048x256xf32>
    %get3A_780 = arith.constant 0 : index
    %get3A_781 = arith.constant 0 : index
    %get3A_782 = vector.load %arg15[%get3A_780, %get3A_781] : memref<1x256xf32, #tpu.memory_space<vmem>>, vector<1x256xf32>
    %add3A_783 = vector.broadcast %get3A_782 : vector<1x256xf32> to vector<2048x256xf32>
    %add3A_784 = arith.addf %dot_general3A_779, %add3A_783 : vector<2048x256xf32>
    %max3A_785 = arith.constant 0.000000e+00 : f32
    %max3A_786 = vector.broadcast %max3A_785 : f32 to vector<2048x256xf32>
    %max3A_787 = arith.maximumf %add3A_784, %max3A_786 : vector<2048x256xf32>
    %slice3A_788 = vector.extract_strided_slice %max3A_787 {offsets = [0, 0], sizes = [64, 256], strides = [1, 1]} : vector<2048x256xf32> to vector<64x256xf32>
    %slice3A_789 = vector.extract_strided_slice %max3A_787 {offsets = [64, 0], sizes = [64, 256], strides = [1, 1]} : vector<2048x256xf32> to vector<64x256xf32>
    %max3A_790 = arith.maximumf %slice3A_788, %slice3A_789 : vector<64x256xf32>
    %slice3A_791 = vector.extract_strided_slice %max3A_787 {offsets = [128, 0], sizes = [64, 256], strides = [1, 1]} : vector<2048x256xf32> to vector<64x256xf32>
    %max3A_792 = arith.maximumf %max3A_790, %slice3A_791 : vector<64x256xf32>
    %slice3A_793 = vector.extract_strided_slice %max3A_787 {offsets = [192, 0], sizes = [64, 256], strides = [1, 1]} : vector<2048x256xf32> to vector<64x256xf32>
    %max3A_794 = arith.maximumf %max3A_792, %slice3A_793 : vector<64x256xf32>
    %slice3A_795 = vector.extract_strided_slice %max3A_787 {offsets = [256, 0], sizes = [64, 256], strides = [1, 1]} : vector<2048x256xf32> to vector<64x256xf32>
    %max3A_796 = arith.maximumf %max3A_794, %slice3A_795 : vector<64x256xf32>
    %slice3A_797 = vector.extract_strided_slice %max3A_787 {offsets = [320, 0], sizes = [64, 256], strides = [1, 1]} : vector<2048x256xf32> to vector<64x256xf32>
    %max3A_798 = arith.maximumf %max3A_796, %slice3A_797 : vector<64x256xf32>
    %slice3A_799 = vector.extract_strided_slice %max3A_787 {offsets = [384, 0], sizes = [64, 256], strides = [1, 1]} : vector<2048x256xf32> to vector<64x256xf32>
    %max3A_800 = arith.maximumf %max3A_798, %slice3A_799 : vector<64x256xf32>
    %slice3A_801 = vector.extract_strided_slice %max3A_787 {offsets = [448, 0], sizes = [64, 256], strides = [1, 1]} : vector<2048x256xf32> to vector<64x256xf32>
    %max3A_802 = arith.maximumf %max3A_800, %slice3A_801 : vector<64x256xf32>
    %slice3A_803 = vector.extract_strided_slice %max3A_787 {offsets = [512, 0], sizes = [64, 256], strides = [1, 1]} : vector<2048x256xf32> to vector<64x256xf32>
    %max3A_804 = arith.maximumf %max3A_802, %slice3A_803 : vector<64x256xf32>
    %slice3A_805 = vector.extract_strided_slice %max3A_787 {offsets = [576, 0], sizes = [64, 256], strides = [1, 1]} : vector<2048x256xf32> to vector<64x256xf32>
    %max3A_806 = arith.maximumf %max3A_804, %slice3A_805 : vector<64x256xf32>
    %slice3A_807 = vector.extract_strided_slice %max3A_787 {offsets = [640, 0], sizes = [64, 256], strides = [1, 1]} : vector<2048x256xf32> to vector<64x256xf32>
    %max3A_808 = arith.maximumf %max3A_806, %slice3A_807 : vector<64x256xf32>
    %slice3A_809 = vector.extract_strided_slice %max3A_787 {offsets = [704, 0], sizes = [64, 256], strides = [1, 1]} : vector<2048x256xf32> to vector<64x256xf32>
    %max3A_810 = arith.maximumf %max3A_808, %slice3A_809 : vector<64x256xf32>
    %slice3A_811 = vector.extract_strided_slice %max3A_787 {offsets = [768, 0], sizes = [64, 256], strides = [1, 1]} : vector<2048x256xf32> to vector<64x256xf32>
    %max3A_812 = arith.maximumf %max3A_810, %slice3A_811 : vector<64x256xf32>
    %slice3A_813 = vector.extract_strided_slice %max3A_787 {offsets = [832, 0], sizes = [64, 256], strides = [1, 1]} : vector<2048x256xf32> to vector<64x256xf32>
    %max3A_814 = arith.maximumf %max3A_812, %slice3A_813 : vector<64x256xf32>
    %slice3A_815 = vector.extract_strided_slice %max3A_787 {offsets = [896, 0], sizes = [64, 256], strides = [1, 1]} : vector<2048x256xf32> to vector<64x256xf32>
    %max3A_816 = arith.maximumf %max3A_814, %slice3A_815 : vector<64x256xf32>
    %slice3A_817 = vector.extract_strided_slice %max3A_787 {offsets = [960, 0], sizes = [64, 256], strides = [1, 1]} : vector<2048x256xf32> to vector<64x256xf32>
    %max3A_818 = arith.maximumf %max3A_816, %slice3A_817 : vector<64x256xf32>
    %slice3A_819 = vector.extract_strided_slice %max3A_787 {offsets = [1024, 0], sizes = [64, 256], strides = [1, 1]} : vector<2048x256xf32> to vector<64x256xf32>
    %max3A_820 = arith.maximumf %max3A_818, %slice3A_819 : vector<64x256xf32>
    %slice3A_821 = vector.extract_strided_slice %max3A_787 {offsets = [1088, 0], sizes = [64, 256], strides = [1, 1]} : vector<2048x256xf32> to vector<64x256xf32>
    %max3A_822 = arith.maximumf %max3A_820, %slice3A_821 : vector<64x256xf32>
    %slice3A_823 = vector.extract_strided_slice %max3A_787 {offsets = [1152, 0], sizes = [64, 256], strides = [1, 1]} : vector<2048x256xf32> to vector<64x256xf32>
    %max3A_824 = arith.maximumf %max3A_822, %slice3A_823 : vector<64x256xf32>
    %slice3A_825 = vector.extract_strided_slice %max3A_787 {offsets = [1216, 0], sizes = [64, 256], strides = [1, 1]} : vector<2048x256xf32> to vector<64x256xf32>
    %max3A_826 = arith.maximumf %max3A_824, %slice3A_825 : vector<64x256xf32>
    %slice3A_827 = vector.extract_strided_slice %max3A_787 {offsets = [1280, 0], sizes = [64, 256], strides = [1, 1]} : vector<2048x256xf32> to vector<64x256xf32>
    %max3A_828 = arith.maximumf %max3A_826, %slice3A_827 : vector<64x256xf32>
    %slice3A_829 = vector.extract_strided_slice %max3A_787 {offsets = [1344, 0], sizes = [64, 256], strides = [1, 1]} : vector<2048x256xf32> to vector<64x256xf32>
    %max3A_830 = arith.maximumf %max3A_828, %slice3A_829 : vector<64x256xf32>
    %slice3A_831 = vector.extract_strided_slice %max3A_787 {offsets = [1408, 0], sizes = [64, 256], strides = [1, 1]} : vector<2048x256xf32> to vector<64x256xf32>
    %max3A_832 = arith.maximumf %max3A_830, %slice3A_831 : vector<64x256xf32>
    %slice3A_833 = vector.extract_strided_slice %max3A_787 {offsets = [1472, 0], sizes = [64, 256], strides = [1, 1]} : vector<2048x256xf32> to vector<64x256xf32>
    %max3A_834 = arith.maximumf %max3A_832, %slice3A_833 : vector<64x256xf32>
    %slice3A_835 = vector.extract_strided_slice %max3A_787 {offsets = [1536, 0], sizes = [64, 256], strides = [1, 1]} : vector<2048x256xf32> to vector<64x256xf32>
    %max3A_836 = arith.maximumf %max3A_834, %slice3A_835 : vector<64x256xf32>
    %slice3A_837 = vector.extract_strided_slice %max3A_787 {offsets = [1600, 0], sizes = [64, 256], strides = [1, 1]} : vector<2048x256xf32> to vector<64x256xf32>
    %max3A_838 = arith.maximumf %max3A_836, %slice3A_837 : vector<64x256xf32>
    %slice3A_839 = vector.extract_strided_slice %max3A_787 {offsets = [1664, 0], sizes = [64, 256], strides = [1, 1]} : vector<2048x256xf32> to vector<64x256xf32>
    %max3A_840 = arith.maximumf %max3A_838, %slice3A_839 : vector<64x256xf32>
    %slice3A_841 = vector.extract_strided_slice %max3A_787 {offsets = [1728, 0], sizes = [64, 256], strides = [1, 1]} : vector<2048x256xf32> to vector<64x256xf32>
    %max3A_842 = arith.maximumf %max3A_840, %slice3A_841 : vector<64x256xf32>
    %slice3A_843 = vector.extract_strided_slice %max3A_787 {offsets = [1792, 0], sizes = [64, 256], strides = [1, 1]} : vector<2048x256xf32> to vector<64x256xf32>
    %max3A_844 = arith.maximumf %max3A_842, %slice3A_843 : vector<64x256xf32>
    %slice3A_845 = vector.extract_strided_slice %max3A_787 {offsets = [1856, 0], sizes = [64, 256], strides = [1, 1]} : vector<2048x256xf32> to vector<64x256xf32>
    %max3A_846 = arith.maximumf %max3A_844, %slice3A_845 : vector<64x256xf32>
    %slice3A_847 = vector.extract_strided_slice %max3A_787 {offsets = [1920, 0], sizes = [64, 256], strides = [1, 1]} : vector<2048x256xf32> to vector<64x256xf32>
    %max3A_848 = arith.maximumf %max3A_846, %slice3A_847 : vector<64x256xf32>
    %slice3A_849 = vector.extract_strided_slice %max3A_787 {offsets = [1984, 0], sizes = [64, 256], strides = [1, 1]} : vector<2048x256xf32> to vector<64x256xf32>
    %max3A_850 = arith.maximumf %max3A_848, %slice3A_849 : vector<64x256xf32>
    %swap3A = arith.constant 0 : index
    %swap3A_851 = arith.constant 0 : index
    %swap3A_852 = arith.constant 0 : index
    %swap3A_853 = vector.load %arg21[%swap3A, %swap3A_851, %swap3A_852] : memref<1x64x256xf32, #tpu.memory_space<vmem>>, vector<1x64x256xf32>
    %swap3A_854 = vector.shape_cast %swap3A_853 : vector<1x64x256xf32> to vector<64x256xf32>
    %swap3A_855 = vector.shape_cast %max3A_850 : vector<64x256xf32> to vector<1x64x256xf32>
    tpu.vector_store %arg21[%swap3A, %swap3A_851, %swap3A_852], %swap3A_855 {strides = array<i32>} : memref<1x64x256xf32, #tpu.memory_space<vmem>>, vector<1x64x256xf32>,
    %get3A_856 = arith.constant 0 : index
    %get3A_857 = arith.constant 0 : index
    %get3A_858 = vector.load %arg16[%get3A_856, %get3A_857] : memref<3x256xf32, #tpu.memory_space<vmem>>, vector<3x256xf32>
    %dot_general3A_859 = arith.constant dense<0.000000e+00> : vector<64x256xf32>
    %dot_general3A_860 = tpu.matmul %get3A_120, %get3A_858, %dot_general3A_859 {dimension_numbers = #tpu.dot_dimension_numbers<[1], [0], [0], [1], [0, 0, 1, 1], [], []>, transpose_lhs_hint = false} : vector<64x3xf32>, vector<3x256xf32>, vector<64x256xf32> -> vector<64x256xf32>
    %get3A_861 = arith.constant 0 : index
    %get3A_862 = arith.constant 0 : index
    %get3A_863 = vector.load %arg17[%get3A_861, %get3A_862] : memref<256x256xf32, #tpu.memory_space<vmem>>, vector<256x256xf32>
    %dot_general3A_864 = arith.constant dense<0.000000e+00> : vector<64x256xf32>
    %dot_general3A_865 = tpu.matmul %max3A_850, %get3A_863, %dot_general3A_864 {dimension_numbers = #tpu.dot_dimension_numbers<[1], [0], [0], [1], [0, 0, 1, 1], [], []>, transpose_lhs_hint = false} : vector<64x256xf32>, vector<256x256xf32>, vector<64x256xf32> -> vector<64x256xf32>
    %add3A_866 = arith.addf %dot_general3A_860, %dot_general3A_865 : vector<64x256xf32>
    %get3A_867 = arith.constant 0 : index
    %get3A_868 = arith.constant 0 : index
    %get3A_869 = vector.load %arg18[%get3A_867, %get3A_868] : memref<1x256xf32, #tpu.memory_space<vmem>>, vector<1x256xf32>
    %add3A_870 = vector.broadcast %get3A_869 : vector<1x256xf32> to vector<64x256xf32>
    %add3A_871 = arith.addf %add3A_866, %add3A_870 : vector<64x256xf32>
    %max3A_872 = arith.constant 0.000000e+00 : f32
    %max3A_873 = vector.broadcast %max3A_872 : f32 to vector<64x256xf32>
    %max3A_874 = arith.maximumf %add3A_871, %max3A_873 : vector<64x256xf32>
    %get3A_875 = arith.constant 0 : index
    %get3A_876 = arith.constant 0 : index
    %get3A_877 = vector.load %arg19[%get3A_875, %get3A_876] : memref<256x512xf32, #tpu.memory_space<vmem>>, vector<256x512xf32>
    %dot_general3A_878 = arith.constant dense<0.000000e+00> : vector<64x512xf32>
    %dot_general3A_879 = tpu.matmul %max3A_874, %get3A_877, %dot_general3A_878 {dimension_numbers = #tpu.dot_dimension_numbers<[1], [0], [0], [1], [0, 0, 1, 1], [], []>, transpose_lhs_hint = false} : vector<64x256xf32>, vector<256x512xf32>, vector<64x512xf32> -> vector<64x512xf32>
    %get3A_880 = arith.constant 0 : index
    %get3A_881 = arith.constant 0 : index
    %get3A_882 = vector.load %arg20[%get3A_880, %get3A_881] : memref<1x512xf32, #tpu.memory_space<vmem>>, vector<1x512xf32>
    %add3A_883 = vector.broadcast %get3A_882 : vector<1x512xf32> to vector<64x512xf32>
    %add3A_884 = arith.addf %dot_general3A_879, %add3A_883 : vector<64x512xf32>
    %max3A_885 = arith.constant 0.000000e+00 : f32
    %max3A_886 = vector.broadcast %max3A_885 : f32 to vector<64x512xf32>
    %max3A_887 = arith.maximumf %add3A_884, %max3A_886 : vector<64x512xf32>
    %reduce_max3A = arith.constant dense<0xFF800000> : vector<512xf32>
    %reduce_max3A_888 = vector.multi_reduction <maximumf>, %max3A_887, %reduce_max3A [0] : vector<64x512xf32> to vector<512xf32>
    %broadcast_in_dim3A_889 = vector.shape_cast %reduce_max3A_888 : vector<512xf32> to vector<1x512xf32>
    %eq3A_890 = arith.constant 0 : i32
    %eq3A_891 = arith.cmpi eq, %arg1, %eq3A_890 : i32
    %convert_element_type3A_892 = arith.extui %eq3A_891 : i1 to i32
    %cond3A_893 = arith.constant 0 : i32
    %cond3A_894 = arith.cmpi ne, %convert_element_type3A_892, %cond3A_893 : i32
    scf.if %cond3A_894 {
      %broadcast_in_dim3A_907 = arith.constant 0.000000e+00 : f32
      %broadcast_in_dim3A_908 = vector.broadcast %broadcast_in_dim3A_907 : f32 to vector<1x512xf32>
      %swap3A_909 = arith.constant 0 : index
      %swap3A_910 = arith.constant 0 : index
      %swap3A_911 = vector.load %arg24[%swap3A_909, %swap3A_910] : memref<1x512xf32, #tpu.memory_space<vmem>>, vector<1x512xf32>
      tpu.vector_store %arg24[%swap3A_909, %swap3A_910], %broadcast_in_dim3A_908 {strides = array<i32>} : memref<1x512xf32, #tpu.memory_space<vmem>>, vector<1x512xf32>,
    } else {
    }
    %get3A_895 = arith.constant 0 : index
    %get3A_896 = arith.constant 0 : index
    %get3A_897 = vector.load %arg24[%get3A_895, %get3A_896] : memref<1x512xf32, #tpu.memory_space<vmem>>, vector<1x512xf32>
    %max3A_898 = arith.maximumf %get3A_897, %broadcast_in_dim3A_889 : vector<1x512xf32>
    %swap3A_899 = arith.constant 0 : index
    %swap3A_900 = arith.constant 0 : index
    %swap3A_901 = vector.load %arg24[%swap3A_899, %swap3A_900] : memref<1x512xf32, #tpu.memory_space<vmem>>, vector<1x512xf32>
    tpu.vector_store %arg24[%swap3A_899, %swap3A_900], %max3A_898 {strides = array<i32>} : memref<1x512xf32, #tpu.memory_space<vmem>>, vector<1x512xf32>,
    %eq3A_902 = arith.constant 1 : i32
    %eq3A_903 = arith.cmpi eq, %arg1, %eq3A_902 : i32
    %convert_element_type3A_904 = arith.extui %eq3A_903 : i1 to i32
    %cond3A_905 = arith.constant 0 : i32
    %cond3A_906 = arith.cmpi ne, %convert_element_type3A_904, %cond3A_905 : i32
    scf.if %cond3A_906 {
      %get3A_907 = arith.constant 0 : index
      %get3A_908 = arith.constant 0 : index
      %get3A_909 = vector.load %arg24[%get3A_907, %get3A_908] : memref<1x512xf32, #tpu.memory_space<vmem>>, vector<1x512xf32>
      %swap3A_910 = arith.constant 0 : index
      %swap3A_911 = arith.constant 0 : index
      %swap3A_912 = arith.constant 0 : index
      %swap3A_913 = vector.load %arg23[%swap3A_910, %swap3A_911, %swap3A_912] : memref<1x1x512xf32, #tpu.memory_space<vmem>>, vector<1x1x512xf32>
      %swap3A_914 = vector.shape_cast %swap3A_913 : vector<1x1x512xf32> to vector<1x512xf32>
      %swap3A_915 = vector.shape_cast %get3A_909 : vector<1x512xf32> to vector<1x1x512xf32>
      tpu.vector_store %arg23[%swap3A_910, %swap3A_911, %swap3A_912], %swap3A_915 {strides = array<i32>} : memref<1x1x512xf32, #tpu.memory_space<vmem>>, vector<1x1x512xf32>,
    } else {
    }
    return
  }
  func.func @transform_0(%arg0: i32, %arg1: i32) -> (i32, i32, i32) {
    %c0_i32 = arith.constant 0 : i32
    %c0_i32_0 = arith.constant 0 : i32
    %c0_i32_1 = arith.constant 0 : i32
    return %arg0, %c0_i32, %c0_i32_0 : i32, i32, i32
  }
  func.func @transform_1(%arg0: i32, %arg1: i32) -> (i32, i32, i32) {
    %c0_i32 = arith.constant 0 : i32
    %c0_i32_0 = arith.constant 0 : i32
    return %arg0, %arg1, %c0_i32 : i32, i32, i32
  }
  func.func @transform_2(%arg0: i32, %arg1: i32) -> (i32, i32, i32) {
    %c0_i32 = arith.constant 0 : i32
    %c0_i32_0 = arith.constant 0 : i32
    %c0_i32_1 = arith.constant 0 : i32
    return %arg0, %c0_i32, %c0_i32_0 : i32, i32, i32
  }
  func.func @transform_3(%arg0: i32, %arg1: i32) -> (i32, i32, i32, i32) {
    %c0_i32 = arith.constant 0 : i32
    %c0_i32_0 = arith.constant 0 : i32
    %c0_i32_1 = arith.constant 0 : i32
    %c0_i32_2 = arith.constant 0 : i32
    return %arg0, %c0_i32, %c0_i32_0, %c0_i32_1 : i32, i32, i32, i32
  }
  func.func @transform_4(%arg0: i32, %arg1: i32) -> (i32, i32) {
    %c0_i32 = arith.constant 0 : i32
    %c0_i32_0 = arith.constant 0 : i32
    %c0_i32_1 = arith.constant 0 : i32
    return %c0_i32, %c0_i32_0 : i32, i32
  }
  func.func @transform_5(%arg0: i32, %arg1: i32) -> (i32, i32) {
    %c0_i32 = arith.constant 0 : i32
    %c0_i32_0 = arith.constant 0 : i32
    %c0_i32_1 = arith.constant 0 : i32
    return %c0_i32, %c0_i32_0 : i32, i32
  }
  func.func @transform_6(%arg0: i32, %arg1: i32) -> (i32, i32) {
    %c0_i32 = arith.constant 0 : i32
    %c0_i32_0 = arith.constant 0 : i32
    %c0_i32_1 = arith.constant 0 : i32
    return %c0_i32, %c0_i32_0 : i32, i32
  }
  func.func @transform_7(%arg0: i32, %arg1: i32) -> (i32, i32) {
    %c0_i32 = arith.constant 0 : i32
    %c0_i32_0 = arith.constant 0 : i32
    %c0_i32_1 = arith.constant 0 : i32
    return %c0_i32, %c0_i32_0 : i32, i32
  }
  func.func @transform_8(%arg0: i32, %arg1: i32) -> (i32, i32) {
    %c0_i32 = arith.constant 0 : i32
    %c0_i32_0 = arith.constant 0 : i32
    %c0_i32_1 = arith.constant 0 : i32
    return %c0_i32, %c0_i32_0 : i32, i32
  }
  func.func @transform_9(%arg0: i32, %arg1: i32) -> (i32, i32) {
    %c0_i32 = arith.constant 0 : i32
    %c0_i32_0 = arith.constant 0 : i32
    %c0_i32_1 = arith.constant 0 : i32
    return %c0_i32, %c0_i32_0 : i32, i32
  }
  func.func @transform_10(%arg0: i32, %arg1: i32) -> (i32, i32) {
    %c0_i32 = arith.constant 0 : i32
    %c0_i32_0 = arith.constant 0 : i32
    %c0_i32_1 = arith.constant 0 : i32
    return %c0_i32, %c0_i32_0 : i32, i32
  }
  func.func @transform_11(%arg0: i32, %arg1: i32) -> (i32, i32) {
    %c0_i32 = arith.constant 0 : i32
    %c0_i32_0 = arith.constant 0 : i32
    %c0_i32_1 = arith.constant 0 : i32
    return %c0_i32, %c0_i32_0 : i32, i32
  }
  func.func @transform_12(%arg0: i32, %arg1: i32) -> (i32, i32) {
    %c0_i32 = arith.constant 0 : i32
    %c0_i32_0 = arith.constant 0 : i32
    %c0_i32_1 = arith.constant 0 : i32
    return %c0_i32, %c0_i32_0 : i32, i32
  }
  func.func @transform_13(%arg0: i32, %arg1: i32) -> (i32, i32) {
    %c0_i32 = arith.constant 0 : i32
    %c0_i32_0 = arith.constant 0 : i32
    %c0_i32_1 = arith.constant 0 : i32
    return %c0_i32, %c0_i32_0 : i32, i32
  }
  func.func @transform_14(%arg0: i32, %arg1: i32) -> (i32, i32) {
    %c0_i32 = arith.constant 0 : i32
    %c0_i32_0 = arith.constant 0 : i32
    %c0_i32_1 = arith.constant 0 : i32
    return %c0_i32, %c0_i32_0 : i32, i32
  }
  func.func @transform_15(%arg0: i32, %arg1: i32) -> (i32, i32) {
    %c0_i32 = arith.constant 0 : i32
    %c0_i32_0 = arith.constant 0 : i32
    %c0_i32_1 = arith.constant 0 : i32
    return %c0_i32, %c0_i32_0 : i32, i32
  }
  func.func @transform_16(%arg0: i32, %arg1: i32) -> (i32, i32) {
    %c0_i32 = arith.constant 0 : i32
    %c0_i32_0 = arith.constant 0 : i32
    %c0_i32_1 = arith.constant 0 : i32
    return %c0_i32, %c0_i32_0 : i32, i32
  }
  func.func @transform_17(%arg0: i32, %arg1: i32) -> (i32, i32) {
    %c0_i32 = arith.constant 0 : i32
    %c0_i32_0 = arith.constant 0 : i32
    %c0_i32_1 = arith.constant 0 : i32
    return %c0_i32, %c0_i32_0 : i32, i32
  }
  func.func @transform_18(%arg0: i32, %arg1: i32) -> (i32, i32) {
    %c0_i32 = arith.constant 0 : i32
    %c0_i32_0 = arith.constant 0 : i32
    %c0_i32_1 = arith.constant 0 : i32
    return %c0_i32, %c0_i32_0 : i32, i32
  }
  func.func @transform_19(%arg0: i32, %arg1: i32) -> (i32, i32, i32) {
    %c0_i32 = arith.constant 0 : i32
    %c0_i32_0 = arith.constant 0 : i32
    return %arg0, %arg1, %c0_i32 : i32, i32, i32
  }
  func.func @transform_20(%arg0: i32, %arg1: i32) -> (i32, i32, i32) {
    %c0_i32 = arith.constant 0 : i32
    %c0_i32_0 = arith.constant 0 : i32
    %c0_i32_1 = arith.constant 0 : i32
    return %arg0, %c0_i32, %c0_i32_0 : i32, i32, i32
  }
  func.func @transform_21(%arg0: i32, %arg1: i32) -> (i32, i32, i32) {
    %c0_i32 = arith.constant 0 : i32
    %c0_i32_0 = arith.constant 0 : i32
    %c0_i32_1 = arith.constant 0 : i32
    return %arg0, %c0_i32, %c0_i32_0 : i32, i32, i32
  }
}

</mosaic_0001>

<sc_bundles>
// kernel: kernel.11.cloned.1.call-start
scs
__scs_entry_jumppad:
0x0: {  	(pc) =	sbr.rel $0x88, $3  }
0x1: {  	(tag) =	ssettag $0x0;
	lr =	simm.s32 $0x1  }
0x2: {  	[smem:$0x3F85] =	sst lr;
	_ =	strace $0xD0000000  }
0x3: {  	_ = 	snop  }
0x4: {  	_ = 	snop  }
0x5: {  	_ = 	snop  }
0x6: {  	_ = 	snop  }
0x7: {  	_ = 	snop  }
__scs_overlays_trampoline_lowered:
0x8: {  	[smem:$0x3F94] =	sst s0  }
0x9: {  	[smem:$0x3F95] =	sst s1  }
0xa: {  	[smem:$0x3F96] =	sst s2  }
0xb: {  	[smem:$0x3F97] =	sst s3  }
0xc: {  	[smem:$0x3F98] =	sst s4  }
0xd: {  	[smem:$0x3F99] =	sst s5  }
0xe: {  	[smem:$0x3F9A] =	sst s6  }
0xf: {  	[smem:$0x3F9B] =	sst s7  }
0x10: {  	[smem:$0x3F9C] =	sst s8  }
0x11: {  	[smem:$0x3F9D] =	sst s9;
	s0 =	simm.s32 @!p0 $0x0  }
0x12: {  	s1 =	sld [smem:$0x3F83];
	s0 =	simm.s32 @p0 $0x1  }
0x13: {  	[smem:$0x3F9E] =	sst s0;
	s0 =	simm.s32 @!p1 $0x0  }
0x14: {  	s2 =	sld [smem:$0x3F82];
	s0 =	simm.s32 @p1 $0x1  }
0x15: {  	[smem:$0x3F9F] =	sst s0;
	s0 =	simm.s32 @!p2 $0x0  }
0x16: {  	s3 =	sld [smem:$0x3FDB];
	s0 =	simm.s32 @p2 $0x1  }
0x17: {  	s4 =	simm.s32 $0x1BF5;
	[smem:$0x3FA1] =	sst s0  }
0x18: {  	s0 =	sld [smem:$0x3F84];
	_ =	swait.ge [sflag:s4], $0x0  }
0x19: {  	s7 =	sld [smem:$0x3F85]  }
0x1a: {  	s8 =	sadd.s32 $0xFFFFE003, lr  }
0x1b: {  	s9 =	sadd.s32 $0xFFFFFEF7, lr;
	s5 =	simm.s32 $0xFFFFFFFF;
	p2 =	slt.u32 s8, $0xFFFFF086  }
0x1c: {  	p1 =	slt.u32 s9, $0xF7A;
	s5 =	simm.s32 @!p2 $0x0  }
0x1d: {  	s5 =	simm.s32 @p1 $0x1;
	p0 =	seq.s32 s7, s2  }
0x1e: {  	s7 =	smul.u32 @!p0 $0xF7A, s2;
	p2 =	seq.s32 @!p0 s5, $0x0  }
0x1f: {  	s9 =	smul.u32 $0xF7A, s1;
	s8 =	simm.s32 @!p0 $0x1BF5;
	p2 =	por !p2, p0  }
0x20: {  	[sflag:s8] =	ssyncset.s32 @!p0 $0xFFFFF086;
	s6 =	sadd.s32 @!p0 s3, s7;
	s7 =	simm.s32 @!p0 $0x108  }
0x21: {  	s3 =	sadd.s32 s3, s9;
	s6 =	sadd.s32 @!p0 $0x88, s6;
	s7 =	simm.s32 @p2 $0x1082  }
0x22: {  	[simem:s7], [sflag:s8] =	dma.local @!p0 [hbm:s6], $0xF7A  }
0x23: {  	s9 =	sor.u32 $0xD0000000, s2;
	s6 =	simm.s32 $0x108;
	_ =	swait.ge @!p0 [sflag:s8], $0x0  }
0x24: {  	s3 =	sadd.s32 $0x88, s3;
	s6 =	simm.s32 @!p1 $0x1082;
	[sflag:s4] =	ssyncset.s32 $0xFFFFF086  }
0x25: {  	[simem:s6], [sflag:s4] =	dma.local [hbm:s3], $0xF7A  }
0x26: {  	[smem:$0x3F85] =	sst s1;
	(tag) =	ssettag s2;
	_ =	strace s9  }
0x27: {  	s1 =	sld [smem:$0x3F95]  }
0x28: {  	s2 =	sld [smem:$0x3F96]  }
0x29: {  	s4 =	sld [smem:$0x3F98]  }
0x2a: {  	p0 =	seq.s32 s5, $0x0;
	s5 =	sld [smem:$0x3F99]  }
0x2b: {  	s6 =	sld [smem:$0x3F9A]  }
0x2c: {  	s7 =	sld [smem:$0x3F9B]  }
0x2d: {  	s3 =	simm.s32 $0x108;
	s8 =	sld [smem:$0x3F9C]  }
0x2e: {  	s3 =	simm.s32 @!p0 $0x1082;
	s9 =	sld [smem:$0x3F9D]  }
0x2f: {  	lr =	sadd.s32 s0, s3;
	s0 =	sld [smem:$0x3F94]  }
0x30: {  	s3 =	sld [smem:$0x3F97]  }
0x31: {  	[smem:$0x3FA0] =	sst s10  }
0x32: {  	s10 =	sld [smem:$0x3F9E];
	_ =	sdelay $0x3  }
0x33: {  	p0 =	seq.s32 s10, $0x1;
	s10 =	sld [smem:$0x3FA0];
	_ =	sdelay $0x3  }
0x34: {  	[smem:$0x3FA0] =	sst s10  }
0x35: {  	s10 =	sld [smem:$0x3F9F];
	_ =	sdelay $0x3  }
0x36: {  	p1 =	seq.s32 s10, $0x1;
	s10 =	sld [smem:$0x3FA0];
	_ =	sdelay $0x3  }
0x37: {  	[smem:$0x3FA0] =	sst s10  }
0x38: {  	s10 =	sld [smem:$0x3FA1]  }
0x39: {  	_ = 	snop;
	(pc) =	sbr.ind lr, $3  }
0x3a: {  	_ = 	snop  }
0x3b: {  	_ = 	snop  }
0x3c: {  	p2 =	seq.s32 s10, $0x1;
	s10 =	sld [smem:$0x3FA0]  }
0x3d: {  	_ =	shalt  }
0x3e: {  	_ =	shalt  }
0x3f: {  	_ =	shalt  }
0x40: {  	_ =	shalt  }
0x41: {  	_ =	shalt  }
0x42: {  	_ =	shalt  }
0x43: {  	_ =	shalt  }
0x44: {  	_ =	shalt  }
0x45: {  	_ =	shalt  }
0x46: {  	_ =	shalt  }
0x47: {  	_ =	shalt  }
0x48: {  	_ =	shalt  }
0x49: {  	_ =	shalt  }
0x4a: {  	_ =	shalt  }
0x4b: {  	_ =	shalt  }
0x4c: {  	_ =	shalt  }
0x4d: {  	_ =	shalt  }
0x4e: {  	_ =	shalt  }
0x4f: {  	_ =	shalt  }
0x50: {  	_ =	shalt  }
0x51: {  	_ =	shalt  }
0x52: {  	_ =	shalt  }
0x53: {  	_ =	shalt  }
0x54: {  	_ =	shalt  }
0x55: {  	_ =	shalt  }
0x56: {  	_ =	shalt  }
0x57: {  	_ =	shalt  }
0x58: {  	_ =	shalt  }
0x59: {  	_ =	shalt  }
0x5a: {  	_ =	shalt  }
0x5b: {  	_ =	shalt  }
0x5c: {  	_ =	shalt  }
0x5d: {  	_ =	shalt  }
0x5e: {  	_ =	shalt  }
0x5f: {  	_ =	shalt  }
0x60: {  	_ =	shalt  }
0x61: {  	_ =	shalt  }
0x62: {  	_ =	shalt  }
0x63: {  	_ =	shalt  }
0x64: {  	_ =	shalt  }
0x65: {  	_ =	shalt  }
0x66: {  	_ =	shalt  }
0x67: {  	_ =	shalt  }
0x68: {  	_ =	shalt  }
0x69: {  	_ =	shalt  }
0x6a: {  	_ =	shalt  }
0x6b: {  	_ =	shalt  }
0x6c: {  	_ =	shalt  }
0x6d: {  	_ =	shalt  }
0x6e: {  	_ =	shalt  }
0x6f: {  	_ =	shalt  }
0x70: {  	_ =	shalt  }
0x71: {  	_ =	shalt  }
0x72: {  	_ =	shalt  }
0x73: {  	_ =	shalt  }
0x74: {  	_ =	shalt  }
0x75: {  	_ =	shalt  }
0x76: {  	_ =	shalt  }
0x77: {  	_ =	shalt  }
0x78: {  	_ =	shalt  }
0x79: {  	_ =	shalt  }
0x7a: {  	_ =	shalt  }
0x7b: {  	_ =	shalt  }
0x7c: {  	_ =	shalt  }
0x7d: {  	_ =	shalt  }
0x7e: {  	_ =	shalt  }
0x7f: {  	_ =	shalt  }
0x80: {  	_ =	shalt  }
0x81: {  	_ =	shalt  }
0x82: {  	_ =	shalt  }
0x83: {  	_ =	shalt  }
0x84: {  	_ =	shalt  }
0x85: {  	_ =	shalt  }
0x86: {  	_ =	shalt  }
0x87: {  	_ =	shalt  }
.Lfunc_end0:
.L_simem_size_0:
called_computation.1_lowered:
.L_overlay_start_0:
0x88: {  	s2 =	sld [smem:$0x3FD9]  }
0x89: {  	s3 =	sld [smem:$0x3FFE];
	_ =	sdelay $0x1  }
0x8a: {  	s1 =	srdreg.scid  }
0x8b: {  	s0 =	sand.u32 $0x1, s1  }
0x8c: {  	s14 =	sshll.u32 s0, $0xA;
	s2 =	sadd.s32 s3, s2  }
0x8d: {  	s2 =	sadd.s32 s2, s14  }
0x8e: {  	[smem:$0x3FAC] =	sst s2  }
0x8f: {  	_ = 	snop  }
0x90: {  	s2 =	sld [smem:$0x3FD0];
	_ =	sdelay $0x2  }
0x91: {  	s15 =	simm.s32 $0xA;
	s4 =	simm.s32 $0x10  }
0x92: {  	[smem:s4], [sflag:s15] =	dma.local [hbm:s2], $0x1  }
0x93: {  	_ =	swait.eq [sflag:s15], $0x1  }
0x94: {  	[sflag:s15] =	ssyncset.done $0x0  }
0x95: {  	[sflag:s15] =	ssyncadd.s32 $0xFFFFFFFF  }
0x96: {  	s16 =	sld [smem:$0x16];
	(tm) =	ssettm $0x1  }
0x97: {  	s17 =	sld [smem:$0x3FFB];
	_ =	sdelay $0x3  }
0x98: {  	_ =	strace s17  }
0x99: {  	s3 =	sld [smem:$0x3FFC];
	_ =	sdelay $0x3  }
0x9a: {  	_ =	strace s3  }
0x9b: {  	s3 =	sld [smem:$0x3FFD];
	_ =	sdelay $0x3  }
0x9c: {  	_ =	strace s3  }
0x9d: {  	_ =	strace $0x8FFFFFFF  }
0x9e: {  	s18 =	sld [smem:$0x3FDB];
	_ =	sdelay $0x1  }
0x9f: {  	s19 =	simm.s32 $_scs_section_size  }
0xa0: {  	s5 =	simm.s32 $_size__tile_overlayer_lowered;
	s6 =	simm.s32 $_tile_overlayer_lowered  }
0xa1: {  	s22 =	simm.s32 $0x1BFF;
	s21 =	sshll.u32 s6, $0x1;
	s3 =	sadd.s32 s19, s18  }
0xa2: {  	s7 =	simm.s32 $0x0;
	s20 =	sshll.u32 s5, $0x1;
	s5 =	sadd.s32 s21, s3  }
0xa3: {  	[timem:s7], [sflag:s22] =	dma.local [hbm:s5], s20  }
0xa4: {  	_ =	swait.ge [sflag:s22], s20  }
0xa5: {  	s4 =	ssub.s32 $0x0, s20;
	[sflag:s22] =	ssyncset.done $0x0  }
0xa6: {  	[sflag:s22] =	ssyncadd.s32 s4;
	_ =	sdelay $0x1  }
0xa7: {  	s23 =	simm.s32 $0x1B8B  }
0xa8: {  	_ =	swait.ge [sflag:s23], $0x1  }
0xa9: {  	[sflag:s23] =	ssyncset.done $0x0  }
0xaa: {  	s25 =	simm.s32 $0x1B8E;
	s24 =	sld [smem:$0x3FFE];
	[sflag:s23] =	ssyncadd.s32 $0xFFFFFFFF  }
0xab: {  	s26 =	simm.s32 $execute0_lowered;
	[smem:$0x3FD2] =	sst s25  }
0xac: {  	s5 =	sshll.u32 s26, $0x1;
	_ =	strace $0x80000049;
	[dreg:$0x1] =	wrdreg $0xFFFFFFFF  }
0xad: {  	s28 =	simm.s32 $_size_execute0_lowered;
	s3 =	sadd.s32 s3, s5;
	[dreg:$0x0] =	wrdreg $0x0  }
0xae: {  	s5 =	sshll.u32 s28, $0x1;
	[dreg:$0x2] =	wrdreg s3  }
0xaf: {  	[dreg:$0x3] =	wrdreg s5  }
0xb0: {  	[dreg:$0x4] =	wrdreg $0xC0  }
0xb1: {  	_ =	task [dreg:s7], $0x5FFFF  }
0xb2: {  	[dreg:$0x1] =	wrdreg $0xFFFFFFFF  }
0xb3: {  	[dreg:$0x0] =	wrdreg $0x60  }
0xb4: {  	[dreg:$0x2] =	wrdreg s24  }
0xb5: {  	[dreg:$0x3] =	wrdreg s16  }
0xb6: {  	[dreg:$0x4] =	wrdreg $0x9  }
0xb7: {  	_ =	task.clear_ibuf [dreg:s7], $0x5FFFF;
	_ =	strace $0x90000049  }
0xb8: {  	s29 =	simm.s32 $0x9;
	_ =	strace $0x8000004B  }
0xb9: {  	_ =	swait.ge [sflag:s29], $0x1  }
0xba: {  	[sflag:s29] =	ssyncadd.s32 $0xFFFFFFFF  }
0xbb: {  	_ =	strace $0x9000004B  }
0xbc: {  	_ =	sfence  }
0xbd: {  	s30 =	sld [smem:$0x0];
	_ =	sdelay $0x2  }
0xbe: {  	s31 =	sshll.u32 s1, $0xD;
	s1 =	sshrl.u32 s1, $0x2  }
0xbf: {  	s3 =	sand.u32 $0x4000, s31;
	s1 =	sadd.s32 s1, s30  }
0xc0: {  	s0 =	sor.u32 s3, s0;
	s1 =	sshll.u32 s1, $0x11  }
0xc1: {  	s0 =	sor.u32 s1, s0  }
0xc2: {  	s0 =	sadd.s32 $0x8F2B, s0  }
0xc3: {  	[sflag:s0] =	ssyncadd.remote.s32 $0x1  }
0xc4: {  	_ =	sfence.sel $0xFFFF  }
0xc5: {  	[dreg:$0x0] =	wrdreg $0xFFFFFFFF;
	(pc) =	sbr.abs _section_cstart, $3  }
0xc6: {  	[dreg:$0x1] =	wrdreg $0xFFFFFFFF  }
0xc7: {  	_ =	task.clear_ibuf [dreg:s7], $0x2FFFF;
	_ =	strace $0x9FFFFFFF  }
0xc8: {  	(tm) =	ssettm $0x7FFFFFFF  }
0xc9: {  	_ =	shalt  }
tec
execute0_lowered:
.L_overlay_start_1:
0x0: {  	(tag) =	ssettag $0x1  }
0x1: {  	s3 =	rddreg [dreg:$0x0];
	s1 =	srdreg.scid  }
0x2: {  	s0 =	stileid.u32;
	s4 =	rddreg [dreg:$0x1];
	s11 =	simm.s32 $0x14500  }
0x3: {  	s12 =	simm.s32 $0x0;
	s5 =	sand.u32 $0x1, s1;
	s2 =	sshll.u32 s0, $0x1  }
0x4: {  	s1 =	rddreg [dreg:$0x2];
	s7 =	sshrl.u32 s0, $0x2;
	s10 =	sshrl.u32 s0, $0x3  }
0x5: {  	s6 =	sor.u32 s5, s2;
	s2 =	simm.s32 $0x0;
	s9 =	smul.u32 $0xA0000, s7  }
0x6: {  	s7 =	sshll.u32 s7, $0x10;
	s10 =	smul.u32 $0x5000, s10;
	s5 =	ssub.s32 $0x2, s5  }
0x7: {  	s8 =	sshll.u32 s6, $0x7;
	[smem:$0x7FF] =	sst s2;
	s6 =	sand.u32 $0xF, s6  }
0x8: {  	s29 =	sshrl.u32 s5, $0x1;
	s8 =	sand.u32 $0x380, s8;
	_ =	strace $0x8000004A  }
0x9: {  	s6 =	smul.u32 $0x500, s6;
	s30 =	ssub.s32 s5, s29;
	s9 =	sor.u32 s9, s8  }
0xa: {  	s7 =	sor.u32 s7, s8;
	s8 =	simm.s32 $0x400;
	s9 =	sshrl.u32 s9, $0x3  }
0xb: {  	s7 =	sshrl.u32 s7, $0x3;
	s6 =	sadd.s32 s10, s6;
	s10 =	simm.s32 $0x14000  }
0xc: {  	s28 =	sadd.s32 s9, s3;
	s7 =	sadd.s32 s7, s3;
	s31 =	sshrl.u32 s6, $0x3  }
0xd: {  	s6 =	smax.u32 s30, $0x1;
	s9 =	simm.s32 $0x1;
	s3 =	sadd.s32 $0x145800, s28  }
0xe: {  	v0 =	vimm.f32 $0.0e+00;
	s4 =	sadd.s32 s4, s31;
	s5 =	sadd.s32 $0xA5800, s7;
	s7 =	simm.s32 $0x80  }
.LBB2_1:
0xf: {  	[tilespmem:s2], [sflag:$0x1] =	stream.strided.gather [hbm4b:s3+s7], $0x14000, s8, s7, $0x38;
	[tilespmem:$0x16500] =	vst v63  }
0x10: {  	_ =	swait.ge [sflag:s9], $0x14000  }
0x11: {  	[sflag:s9] =	ssyncset.done $0x0  }
0x12: {  	[sflag:s9] =	ssyncadd.s32 $0xFFFEC000  }
0x13: {  	[tilespmem:s10], [sflag:$0x1] =	stream.linear.gather [hbm4b:s4+s2], $0x500, $0x38;
	[tilespmem:$0x16500] =	vst v63  }
0x14: {  	_ =	swait.ge [sflag:s9], $0x500  }
0x15: {  	[sflag:s9] =	ssyncset.done $0x0  }
0x16: {  	s13 =	simm.s32 $0x0;
	[sflag:s9] =	ssyncadd.s32 $0xFFFFFB00  }
.LBB2_2:
0x17: {  	p0 =	sne.s32 s13, $0x7FC0  }
.Ltmp0:
0x18: {  	_ = 	snop;
	(pc) =	sbr.rel @p0 .LBB2_2-.Ltmp0, $3  }
0x19: {  	_ =	sdelay $0x1  }
0x1a: {  	s14 =	sshra.s32 s13, $0x2  }
0x1b: {  	s13 =	sadd.s32 $0x40, s13;
	[tilespmem:s14+$0x14500] =	vst v0  }
0x1c: {  	s13 =	simm.s32 $0x0;
	s14 =	simm.s32 $0x200  }
.LBB2_4:
0x1d: {  	s15 =	sshra.s32 s13, $0x2  }
0x1e: {  	v1 =	vld [tilespmem:s15+$0x14000];
	_ =	sdelay $0x4  }
0x1f: {  	v1 =	vshll.u32 v1, $0x8  }
0x20: {  	v1 =	vshra.s32 v1, $0x2  }
0x21: {  	(v2sf) =	vpush v1, $0x0;
	_ =	sdelay $0xe  }
0x22: {  	v2 =	vld [tilespmem:s14+$0xFFFFFE00];
	s31 =	spop (v2sf)  }
0x23: {  	v3 =	vld [tilespmem:s31+$0x14500];
	_ =	sdelay $0x4  }
0x24: {  	v2 =	vmax.f32 v3, v2  }
0x25: {  	v3 =	vld [tilespmem:s31+$0x14510];
	[tilespmem:s31+$0x14500] =	vst v2  }
0x26: {  	v2 =	vld [tilespmem:s14+$0xFFFFFE10];
	_ =	sdelay $0x4  }
0x27: {  	v2 =	vmax.f32 v3, v2  }
0x28: {  	(v2sf) =	vpush v1, $0x1;
	v3 =	vld [tilespmem:s31+$0x14520];
	[tilespmem:s31+$0x14510] =	vst v2  }
0x29: {  	v2 =	vld [tilespmem:s14+$0xFFFFFE20];
	_ =	sdelay $0x4  }
0x2a: {  	v2 =	vmax.f32 v3, v2  }
0x2b: {  	v3 =	vld [tilespmem:s31+$0x14530];
	[tilespmem:s31+$0x14520] =	vst v2  }
0x2c: {  	v2 =	vld [tilespmem:s14+$0xFFFFFE30];
	_ =	sdelay $0x4  }
0x2d: {  	v2 =	vmax.f32 v3, v2  }
0x2e: {  	[tilespmem:s31+$0x14530] =	vst v2  }
0x2f: {  	s16 =	spop (v2sf);
	v2 =	vld [tilespmem:s14+$0xFFFFFE40]  }
0x30: {  	v3 =	vld [tilespmem:s16+$0x14500];
	_ =	sdelay $0x4  }
0x31: {  	v2 =	vmax.f32 v3, v2  }
0x32: {  	v3 =	vld [tilespmem:s16+$0x14510];
	[tilespmem:s16+$0x14500] =	vst v2  }
0x33: {  	v2 =	vld [tilespmem:s14+$0xFFFFFE50];
	_ =	sdelay $0x4  }
0x34: {  	v2 =	vmax.f32 v3, v2  }
0x35: {  	(v2sf) =	vpush v1, $0x2;
	v3 =	vld [tilespmem:s16+$0x14520];
	[tilespmem:s16+$0x14510] =	vst v2  }
0x36: {  	v2 =	vld [tilespmem:s14+$0xFFFFFE60];
	_ =	sdelay $0x4  }
0x37: {  	v2 =	vmax.f32 v3, v2  }
0x38: {  	v3 =	vld [tilespmem:s16+$0x14530];
	[tilespmem:s16+$0x14520] =	vst v2  }
0x39: {  	v2 =	vld [tilespmem:s14+$0xFFFFFE70];
	_ =	sdelay $0x4  }
0x3a: {  	v2 =	vmax.f32 v3, v2  }
0x3b: {  	[tilespmem:s16+$0x14530] =	vst v2  }
0x3c: {  	s17 =	spop (v2sf);
	v2 =	vld [tilespmem:s14+$0xFFFFFE80]  }
0x3d: {  	v3 =	vld [tilespmem:s17+$0x14500];
	_ =	sdelay $0x4  }
0x3e: {  	v2 =	vmax.f32 v3, v2  }
0x3f: {  	v3 =	vld [tilespmem:s17+$0x14510];
	[tilespmem:s17+$0x14500] =	vst v2  }
0x40: {  	v2 =	vld [tilespmem:s14+$0xFFFFFE90];
	_ =	sdelay $0x4  }
0x41: {  	v2 =	vmax.f32 v3, v2  }
0x42: {  	(v2sf) =	vpush v1, $0x3;
	v3 =	vld [tilespmem:s17+$0x14520];
	[tilespmem:s17+$0x14510] =	vst v2  }
0x43: {  	v2 =	vld [tilespmem:s14+$0xFFFFFEA0];
	_ =	sdelay $0x4  }
0x44: {  	v2 =	vmax.f32 v3, v2  }
0x45: {  	v3 =	vld [tilespmem:s17+$0x14530];
	[tilespmem:s17+$0x14520] =	vst v2  }
0x46: {  	v2 =	vld [tilespmem:s14+$0xFFFFFEB0];
	_ =	sdelay $0x4  }
0x47: {  	v2 =	vmax.f32 v3, v2  }
0x48: {  	[tilespmem:s17+$0x14530] =	vst v2  }
0x49: {  	s18 =	spop (v2sf);
	v2 =	vld [tilespmem:s14+$0xFFFFFEC0]  }
0x4a: {  	v3 =	vld [tilespmem:s18+$0x14500];
	_ =	sdelay $0x4  }
0x4b: {  	v2 =	vmax.f32 v3, v2  }
0x4c: {  	v3 =	vld [tilespmem:s18+$0x14510];
	[tilespmem:s18+$0x14500] =	vst v2  }
0x4d: {  	v2 =	vld [tilespmem:s14+$0xFFFFFED0];
	_ =	sdelay $0x4  }
0x4e: {  	v2 =	vmax.f32 v3, v2  }
0x4f: {  	(v2sf) =	vpush v1, $0x4;
	v3 =	vld [tilespmem:s18+$0x14520];
	[tilespmem:s18+$0x14510] =	vst v2  }
0x50: {  	v2 =	vld [tilespmem:s14+$0xFFFFFEE0];
	_ =	sdelay $0x4  }
0x51: {  	v2 =	vmax.f32 v3, v2  }
0x52: {  	v3 =	vld [tilespmem:s18+$0x14530];
	[tilespmem:s18+$0x14520] =	vst v2  }
0x53: {  	v2 =	vld [tilespmem:s14+$0xFFFFFEF0];
	_ =	sdelay $0x4  }
0x54: {  	v2 =	vmax.f32 v3, v2  }
0x55: {  	[tilespmem:s18+$0x14530] =	vst v2  }
0x56: {  	s19 =	spop (v2sf);
	v2 =	vld [tilespmem:s14+$0xFFFFFF00]  }
0x57: {  	v3 =	vld [tilespmem:s19+$0x14500];
	_ =	sdelay $0x4  }
0x58: {  	v2 =	vmax.f32 v3, v2  }
0x59: {  	v3 =	vld [tilespmem:s19+$0x14510];
	[tilespmem:s19+$0x14500] =	vst v2  }
0x5a: {  	v2 =	vld [tilespmem:s14+$0xFFFFFF10];
	_ =	sdelay $0x4  }
0x5b: {  	v2 =	vmax.f32 v3, v2  }
0x5c: {  	(v2sf) =	vpush v1, $0x5;
	v3 =	vld [tilespmem:s19+$0x14520];
	[tilespmem:s19+$0x14510] =	vst v2  }
0x5d: {  	v2 =	vld [tilespmem:s14+$0xFFFFFF20];
	_ =	sdelay $0x4  }
0x5e: {  	v2 =	vmax.f32 v3, v2  }
0x5f: {  	v3 =	vld [tilespmem:s19+$0x14530];
	[tilespmem:s19+$0x14520] =	vst v2  }
0x60: {  	v2 =	vld [tilespmem:s14+$0xFFFFFF30];
	_ =	sdelay $0x4  }
0x61: {  	v2 =	vmax.f32 v3, v2  }
0x62: {  	[tilespmem:s19+$0x14530] =	vst v2  }
0x63: {  	s20 =	spop (v2sf);
	v2 =	vld [tilespmem:s14+$0xFFFFFF40]  }
0x64: {  	v3 =	vld [tilespmem:s20+$0x14500];
	_ =	sdelay $0x4  }
0x65: {  	v2 =	vmax.f32 v3, v2  }
0x66: {  	v3 =	vld [tilespmem:s20+$0x14510];
	[tilespmem:s20+$0x14500] =	vst v2  }
0x67: {  	v2 =	vld [tilespmem:s14+$0xFFFFFF50];
	_ =	sdelay $0x4  }
0x68: {  	v2 =	vmax.f32 v3, v2  }
0x69: {  	(v2sf) =	vpush v1, $0x6;
	v3 =	vld [tilespmem:s20+$0x14520];
	[tilespmem:s20+$0x14510] =	vst v2  }
0x6a: {  	v2 =	vld [tilespmem:s14+$0xFFFFFF60];
	_ =	sdelay $0x4  }
0x6b: {  	v2 =	vmax.f32 v3, v2  }
0x6c: {  	v3 =	vld [tilespmem:s20+$0x14530];
	[tilespmem:s20+$0x14520] =	vst v2  }
0x6d: {  	v2 =	vld [tilespmem:s14+$0xFFFFFF70];
	_ =	sdelay $0x4  }
0x6e: {  	v2 =	vmax.f32 v3, v2  }
0x6f: {  	[tilespmem:s20+$0x14530] =	vst v2  }
0x70: {  	s21 =	spop (v2sf);
	v2 =	vld [tilespmem:s14+$0xFFFFFF80]  }
0x71: {  	v3 =	vld [tilespmem:s21+$0x14500];
	_ =	sdelay $0x4  }
0x72: {  	v2 =	vmax.f32 v3, v2  }
0x73: {  	v3 =	vld [tilespmem:s21+$0x14510];
	[tilespmem:s21+$0x14500] =	vst v2  }
0x74: {  	v2 =	vld [tilespmem:s14+$0xFFFFFF90];
	_ =	sdelay $0x4  }
0x75: {  	v2 =	vmax.f32 v3, v2  }
0x76: {  	(v2sf) =	vpush v1, $0x7;
	v3 =	vld [tilespmem:s21+$0x14520];
	[tilespmem:s21+$0x14510] =	vst v2  }
0x77: {  	v2 =	vld [tilespmem:s14+$0xFFFFFFA0];
	_ =	sdelay $0x4  }
0x78: {  	v2 =	vmax.f32 v3, v2  }
0x79: {  	v3 =	vld [tilespmem:s21+$0x14530];
	[tilespmem:s21+$0x14520] =	vst v2  }
0x7a: {  	v2 =	vld [tilespmem:s14+$0xFFFFFFB0];
	_ =	sdelay $0x4  }
0x7b: {  	v2 =	vmax.f32 v3, v2  }
0x7c: {  	[tilespmem:s21+$0x14530] =	vst v2  }
0x7d: {  	s22 =	spop (v2sf);
	v2 =	vld [tilespmem:s14+$0xFFFFFFC0]  }
0x7e: {  	v3 =	vld [tilespmem:s22+$0x14500];
	_ =	sdelay $0x4  }
0x7f: {  	v2 =	vmax.f32 v3, v2  }
0x80: {  	v3 =	vld [tilespmem:s22+$0x14510];
	[tilespmem:s22+$0x14500] =	vst v2  }
0x81: {  	v2 =	vld [tilespmem:s14+$0xFFFFFFD0];
	_ =	sdelay $0x4  }
0x82: {  	v2 =	vmax.f32 v3, v2  }
0x83: {  	(v2sf) =	vpush v1, $0x8;
	v3 =	vld [tilespmem:s22+$0x14520];
	[tilespmem:s22+$0x14510] =	vst v2  }
0x84: {  	v2 =	vld [tilespmem:s14+$0xFFFFFFE0];
	_ =	sdelay $0x4  }
0x85: {  	v2 =	vmax.f32 v3, v2  }
0x86: {  	v3 =	vld [tilespmem:s22+$0x14530];
	[tilespmem:s22+$0x14520] =	vst v2  }
0x87: {  	v2 =	vld [tilespmem:s14+$0xFFFFFFF0];
	_ =	sdelay $0x4  }
0x88: {  	v2 =	vmax.f32 v3, v2  }
0x89: {  	[tilespmem:s22+$0x14530] =	vst v2  }
0x8a: {  	s23 =	spop (v2sf);
	v2 =	vld [tilespmem:s14+$0x0]  }
0x8b: {  	v3 =	vld [tilespmem:s23+$0x14500];
	_ =	sdelay $0x4  }
0x8c: {  	v2 =	vmax.f32 v3, v2  }
0x8d: {  	v3 =	vld [tilespmem:s23+$0x14510];
	[tilespmem:s23+$0x14500] =	vst v2  }
0x8e: {  	v2 =	vld [tilespmem:s14+$0x10];
	_ =	sdelay $0x4  }
0x8f: {  	v2 =	vmax.f32 v3, v2  }
0x90: {  	(v2sf) =	vpush v1, $0x9;
	v3 =	vld [tilespmem:s23+$0x14520];
	[tilespmem:s23+$0x14510] =	vst v2  }
0x91: {  	v2 =	vld [tilespmem:s14+$0x20];
	_ =	sdelay $0x4  }
0x92: {  	v2 =	vmax.f32 v3, v2  }
0x93: {  	v3 =	vld [tilespmem:s23+$0x14530];
	[tilespmem:s23+$0x14520] =	vst v2  }
0x94: {  	v2 =	vld [tilespmem:s14+$0x30];
	_ =	sdelay $0x4  }
0x95: {  	v2 =	vmax.f32 v3, v2  }
0x96: {  	[tilespmem:s23+$0x14530] =	vst v2  }
0x97: {  	s24 =	spop (v2sf);
	v2 =	vld [tilespmem:s14+$0x40]  }
0x98: {  	v3 =	vld [tilespmem:s24+$0x14500];
	_ =	sdelay $0x4  }
0x99: {  	v2 =	vmax.f32 v3, v2  }
0x9a: {  	v3 =	vld [tilespmem:s24+$0x14510];
	[tilespmem:s24+$0x14500] =	vst v2  }
0x9b: {  	v2 =	vld [tilespmem:s14+$0x50];
	_ =	sdelay $0x4  }
0x9c: {  	v2 =	vmax.f32 v3, v2  }
0x9d: {  	(v2sf) =	vpush v1, $0xA;
	v3 =	vld [tilespmem:s24+$0x14520];
	[tilespmem:s24+$0x14510] =	vst v2  }
0x9e: {  	v2 =	vld [tilespmem:s14+$0x60];
	_ =	sdelay $0x4  }
0x9f: {  	v2 =	vmax.f32 v3, v2  }
0xa0: {  	v3 =	vld [tilespmem:s24+$0x14530];
	[tilespmem:s24+$0x14520] =	vst v2  }
0xa1: {  	v2 =	vld [tilespmem:s14+$0x70];
	_ =	sdelay $0x4  }
0xa2: {  	v2 =	vmax.f32 v3, v2  }
0xa3: {  	[tilespmem:s24+$0x14530] =	vst v2  }
0xa4: {  	s25 =	spop (v2sf);
	v2 =	vld [tilespmem:s14+$0x80]  }
0xa5: {  	v3 =	vld [tilespmem:s25+$0x14500];
	_ =	sdelay $0x4  }
0xa6: {  	v2 =	vmax.f32 v3, v2  }
0xa7: {  	v3 =	vld [tilespmem:s25+$0x14510];
	[tilespmem:s25+$0x14500] =	vst v2  }
0xa8: {  	v2 =	vld [tilespmem:s14+$0x90];
	_ =	sdelay $0x4  }
0xa9: {  	v2 =	vmax.f32 v3, v2  }
0xaa: {  	(v2sf) =	vpush v1, $0xB;
	v3 =	vld [tilespmem:s25+$0x14520];
	[tilespmem:s25+$0x14510] =	vst v2  }
0xab: {  	v2 =	vld [tilespmem:s14+$0xA0];
	_ =	sdelay $0x4  }
0xac: {  	v2 =	vmax.f32 v3, v2  }
0xad: {  	v3 =	vld [tilespmem:s25+$0x14530];
	[tilespmem:s25+$0x14520] =	vst v2  }
0xae: {  	v2 =	vld [tilespmem:s14+$0xB0];
	_ =	sdelay $0x4  }
0xaf: {  	v2 =	vmax.f32 v3, v2  }
0xb0: {  	[tilespmem:s25+$0x14530] =	vst v2  }
0xb1: {  	s26 =	spop (v2sf);
	v2 =	vld [tilespmem:s14+$0xC0]  }
0xb2: {  	v3 =	vld [tilespmem:s26+$0x14500];
	_ =	sdelay $0x4  }
0xb3: {  	v2 =	vmax.f32 v3, v2  }
0xb4: {  	v3 =	vld [tilespmem:s26+$0x14510];
	[tilespmem:s26+$0x14500] =	vst v2  }
0xb5: {  	v2 =	vld [tilespmem:s14+$0xD0];
	_ =	sdelay $0x4  }
0xb6: {  	v2 =	vmax.f32 v3, v2  }
0xb7: {  	(v2sf) =	vpush v1, $0xC;
	v3 =	vld [tilespmem:s26+$0x14520];
	[tilespmem:s26+$0x14510] =	vst v2  }
0xb8: {  	v2 =	vld [tilespmem:s14+$0xE0];
	_ =	sdelay $0x4  }
0xb9: {  	v2 =	vmax.f32 v3, v2  }
0xba: {  	v3 =	vld [tilespmem:s26+$0x14530];
	[tilespmem:s26+$0x14520] =	vst v2  }
0xbb: {  	v2 =	vld [tilespmem:s14+$0xF0];
	_ =	sdelay $0x4  }
0xbc: {  	v2 =	vmax.f32 v3, v2  }
0xbd: {  	[tilespmem:s26+$0x14530] =	vst v2  }
0xbe: {  	s28 =	spop (v2sf);
	v2 =	vld [tilespmem:s14+$0x100]  }
0xbf: {  	v3 =	vld [tilespmem:s28+$0x14500];
	_ =	sdelay $0x4  }
0xc0: {  	v2 =	vmax.f32 v3, v2  }
0xc1: {  	v3 =	vld [tilespmem:s28+$0x14510];
	[tilespmem:s28+$0x14500] =	vst v2  }
0xc2: {  	v2 =	vld [tilespmem:s14+$0x110];
	_ =	sdelay $0x4  }
0xc3: {  	v2 =	vmax.f32 v3, v2  }
0xc4: {  	(v2sf) =	vpush v1, $0xD;
	v3 =	vld [tilespmem:s28+$0x14520];
	[tilespmem:s28+$0x14510] =	vst v2  }
0xc5: {  	v2 =	vld [tilespmem:s14+$0x120];
	_ =	sdelay $0x4  }
0xc6: {  	v2 =	vmax.f32 v3, v2  }
0xc7: {  	v3 =	vld [tilespmem:s28+$0x14530];
	[tilespmem:s28+$0x14520] =	vst v2  }
0xc8: {  	v2 =	vld [tilespmem:s14+$0x130];
	_ =	sdelay $0x4  }
0xc9: {  	v2 =	vmax.f32 v3, v2  }
0xca: {  	[tilespmem:s28+$0x14530] =	vst v2  }
0xcb: {  	s29 =	spop (v2sf);
	v2 =	vld [tilespmem:s14+$0x140]  }
0xcc: {  	v3 =	vld [tilespmem:s29+$0x14500];
	_ =	sdelay $0x4  }
0xcd: {  	v2 =	vmax.f32 v3, v2  }
0xce: {  	v3 =	vld [tilespmem:s29+$0x14510];
	[tilespmem:s29+$0x14500] =	vst v2  }
0xcf: {  	v2 =	vld [tilespmem:s14+$0x150];
	_ =	sdelay $0x4  }
0xd0: {  	v2 =	vmax.f32 v3, v2  }
0xd1: {  	(v2sf) =	vpush v1, $0xE;
	v3 =	vld [tilespmem:s29+$0x14520];
	[tilespmem:s29+$0x14510] =	vst v2  }
0xd2: {  	v2 =	vld [tilespmem:s14+$0x160];
	_ =	sdelay $0x4  }
0xd3: {  	v2 =	vmax.f32 v3, v2  }
0xd4: {  	v3 =	vld [tilespmem:s29+$0x14530];
	[tilespmem:s29+$0x14520] =	vst v2  }
0xd5: {  	v2 =	vld [tilespmem:s14+$0x170];
	_ =	sdelay $0x4  }
0xd6: {  	v2 =	vmax.f32 v3, v2  }
0xd7: {  	[tilespmem:s29+$0x14530] =	vst v2  }
0xd8: {  	s30 =	spop (v2sf);
	v2 =	vld [tilespmem:s14+$0x180]  }
0xd9: {  	v3 =	vld [tilespmem:s30+$0x14500];
	_ =	sdelay $0x4  }
0xda: {  	v2 =	vmax.f32 v3, v2  }
0xdb: {  	v3 =	vld [tilespmem:s30+$0x14510];
	[tilespmem:s30+$0x14500] =	vst v2  }
0xdc: {  	v2 =	vld [tilespmem:s14+$0x190];
	_ =	sdelay $0x4  }
0xdd: {  	v2 =	vmax.f32 v3, v2  }
0xde: {  	(v2sf) =	vpush v1, $0xF;
	v3 =	vld [tilespmem:s30+$0x14520];
	[tilespmem:s30+$0x14510] =	vst v2  }
0xdf: {  	v2 =	vld [tilespmem:s14+$0x1A0];
	_ =	sdelay $0x4  }
0xe0: {  	v1 =	vmax.f32 v3, v2  }
0xe1: {  	v2 =	vld [tilespmem:s30+$0x14530];
	[tilespmem:s30+$0x14520] =	vst v1  }
0xe2: {  	v1 =	vld [tilespmem:s14+$0x1B0];
	_ =	sdelay $0x4  }
0xe3: {  	v1 =	vmax.f32 v2, v1  }
0xe4: {  	[tilespmem:s30+$0x14530] =	vst v1  }
0xe5: {  	s31 =	spop (v2sf);
	v1 =	vld [tilespmem:s14+$0x1C0]  }
0xe6: {  	v2 =	vld [tilespmem:s31+$0x14500];
	_ =	sdelay $0x4  }
0xe7: {  	v1 =	vmax.f32 v2, v1  }
0xe8: {  	v2 =	vld [tilespmem:s31+$0x14510];
	[tilespmem:s31+$0x14500] =	vst v1  }
0xe9: {  	v1 =	vld [tilespmem:s14+$0x1D0];
	_ =	sdelay $0x4  }
0xea: {  	v1 =	vmax.f32 v2, v1  }
0xeb: {  	v2 =	vld [tilespmem:s31+$0x14520];
	[tilespmem:s31+$0x14510] =	vst v1  }
0xec: {  	v1 =	vld [tilespmem:s14+$0x1E0];
	_ =	sdelay $0x4  }
0xed: {  	v1 =	vmax.f32 v2, v1  }
0xee: {  	v2 =	vld [tilespmem:s31+$0x14530];
	[tilespmem:s31+$0x14520] =	vst v1  }
0xef: {  	v1 =	vld [tilespmem:s14+$0x1F0]  }
0xf0: {  	p0 =	sne.s32 s13, $0x13C0  }
.Ltmp1:
0xf1: {  	_ = 	snop;
	(pc) =	sbr.rel @p0 .LBB2_4-.Ltmp1, $3  }
0xf2: {  	_ =	sdelay $0x1  }
0xf3: {  	v1 =	vmax.f32 v2, v1  }
0xf4: {  	s13 =	sadd.s32 $0x40, s13;
	s14 =	sadd.s32 $0x400, s14;
	[tilespmem:s31+$0x14530] =	vst v1  }
0xf5: {  	s12 =	sadd.s32 $0x1, s12  }
0xf6: {  	p0 =	sne.s32 s12, s6  }
.Ltmp2:
0xf7: {  	_ = 	snop;
	(pc) =	sbr.rel @p0 .LBB2_1-.Ltmp2, $4  }
0xf8: {  	[hbm4b:s5+s7] =	stream.strided.scatter [tilespmem:s11], [sflag:$0x1], $0x2000, s8, s7, $0x38;
	[tilespmem:$0x16500] =	vst v63  }
0xf9: {  	_ =	swait.ge [sflag:s9], $0x2000  }
0xfa: {  	[sflag:s9] =	ssyncset.done $0x0  }
0xfb: {  	[sflag:s9] =	ssyncadd.s32 $0xFFFFE000  }
0xfc: {  	_ =	sfence.sel $0x180000  }
0xfd: {  	[bflag:$0x0] =	sbarrier.arrive $0xFFFF  }
0xfe: {  	p0 =	sne.s32 s0, $0x0;
	_ =	strace $0x9000004A  }
0xff: {  	s0 =	sadd.s32 @!p0 $0x100000, s1;
	[bflag:$0x2] =	sbarrier.arrive $0xFFFF  }
0x100: {  	[sflag:s0] =	ssyncadd.tile.s32 @!p0 $0x1;
	_ =	shalt  }
.Lfunc_end2:
_tile_overlayer_lowered:
.L_overlay_start_2:
0x101: {  	(tag) =	ssettag $0x2  }
0x102: {  	s0 =	rddreg [dreg:$0x0];
	s2 =	stileid.u32  }
0x103: {  	s1 =	rddreg [dreg:$0x1];
	p0 =	sne.s32 s2, $0x0  }
0x104: {  	s3 =	rddreg [dreg:$0x2];
	[bflag:$0x3] =	sbarrier.arrive $0xFFFF;
	s2 =	simm.s32 @!p0 $0x1C01  }
0x105: {  	[timem:s3], [sflag:s2] =	dma.local @!p0 [hbm:s0], s1  }
0x106: {  	s0 =	simm.s32 @!p0 $0x1  }
0x107: {  	_ =	swait.ge @!p0 [sflag:s0], s1  }
0x108: {  	s1 =	ssub.s32 @!p0 $0x0, s1;
	[sflag:s0] =	ssyncset.done @!p0 $0x0  }
0x109: {  	[sflag:s0] =	ssyncadd.s32 @!p0 s1  }
0x10a: {  	[bflag:$0x3] =	sbarrier.arrive $0xFFFF  }
0x10b: {  	_ =	shalt  }

// kernel: kernel.8.cloned.1.call-start
scs
__scs_entry_jumppad:
0x0: {  	(pc) =	sbr.rel $0x88, $3  }
0x1: {  	(tag) =	ssettag $0x0;
	lr =	simm.s32 $0x1  }
0x2: {  	[smem:$0x3F85] =	sst lr;
	_ =	strace $0xD0000000  }
0x3: {  	_ = 	snop  }
0x4: {  	_ = 	snop  }
0x5: {  	_ = 	snop  }
0x6: {  	_ = 	snop  }
0x7: {  	_ = 	snop  }
__scs_overlays_trampoline_lowered:
0x8: {  	[smem:$0x3F94] =	sst s0  }
0x9: {  	[smem:$0x3F95] =	sst s1  }
0xa: {  	[smem:$0x3F96] =	sst s2  }
0xb: {  	[smem:$0x3F97] =	sst s3  }
0xc: {  	[smem:$0x3F98] =	sst s4  }
0xd: {  	[smem:$0x3F99] =	sst s5  }
0xe: {  	[smem:$0x3F9A] =	sst s6  }
0xf: {  	[smem:$0x3F9B] =	sst s7  }
0x10: {  	[smem:$0x3F9C] =	sst s8  }
0x11: {  	[smem:$0x3F9D] =	sst s9;
	s0 =	simm.s32 @!p0 $0x0  }
0x12: {  	s1 =	sld [smem:$0x3F83];
	s0 =	simm.s32 @p0 $0x1  }
0x13: {  	[smem:$0x3F9E] =	sst s0;
	s0 =	simm.s32 @!p1 $0x0  }
0x14: {  	s2 =	sld [smem:$0x3F82];
	s0 =	simm.s32 @p1 $0x1  }
0x15: {  	[smem:$0x3F9F] =	sst s0;
	s0 =	simm.s32 @!p2 $0x0  }
0x16: {  	s3 =	sld [smem:$0x3FDB];
	s0 =	simm.s32 @p2 $0x1  }
0x17: {  	s4 =	simm.s32 $0x1BF5;
	[smem:$0x3FA1] =	sst s0  }
0x18: {  	s0 =	sld [smem:$0x3F84];
	_ =	swait.ge [sflag:s4], $0x0  }
0x19: {  	s7 =	sld [smem:$0x3F85]  }
0x1a: {  	s8 =	sadd.s32 $0xFFFFE003, lr  }
0x1b: {  	s9 =	sadd.s32 $0xFFFFFEF7, lr;
	s5 =	simm.s32 $0xFFFFFFFF;
	p2 =	slt.u32 s8, $0xFFFFF086  }
0x1c: {  	p1 =	slt.u32 s9, $0xF7A;
	s5 =	simm.s32 @!p2 $0x0  }
0x1d: {  	s5 =	simm.s32 @p1 $0x1;
	p0 =	seq.s32 s7, s2  }
0x1e: {  	s7 =	smul.u32 @!p0 $0xF7A, s2;
	p2 =	seq.s32 @!p0 s5, $0x0  }
0x1f: {  	s9 =	smul.u32 $0xF7A, s1;
	s8 =	simm.s32 @!p0 $0x1BF5;
	p2 =	por !p2, p0  }
0x20: {  	[sflag:s8] =	ssyncset.s32 @!p0 $0xFFFFF086;
	s6 =	sadd.s32 @!p0 s3, s7;
	s7 =	simm.s32 @!p0 $0x108  }
0x21: {  	s3 =	sadd.s32 s3, s9;
	s6 =	sadd.s32 @!p0 $0x88, s6;
	s7 =	simm.s32 @p2 $0x1082  }
0x22: {  	[simem:s7], [sflag:s8] =	dma.local @!p0 [hbm:s6], $0xF7A  }
0x23: {  	s9 =	sor.u32 $0xD0000000, s2;
	s6 =	simm.s32 $0x108;
	_ =	swait.ge @!p0 [sflag:s8], $0x0  }
0x24: {  	s3 =	sadd.s32 $0x88, s3;
	s6 =	simm.s32 @!p1 $0x1082;
	[sflag:s4] =	ssyncset.s32 $0xFFFFF086  }
0x25: {  	[simem:s6], [sflag:s4] =	dma.local [hbm:s3], $0xF7A  }
0x26: {  	[smem:$0x3F85] =	sst s1;
	(tag) =	ssettag s2;
	_ =	strace s9  }
0x27: {  	s1 =	sld [smem:$0x3F95]  }
0x28: {  	s2 =	sld [smem:$0x3F96]  }
0x29: {  	s4 =	sld [smem:$0x3F98]  }
0x2a: {  	p0 =	seq.s32 s5, $0x0;
	s5 =	sld [smem:$0x3F99]  }
0x2b: {  	s6 =	sld [smem:$0x3F9A]  }
0x2c: {  	s7 =	sld [smem:$0x3F9B]  }
0x2d: {  	s3 =	simm.s32 $0x108;
	s8 =	sld [smem:$0x3F9C]  }
0x2e: {  	s3 =	simm.s32 @!p0 $0x1082;
	s9 =	sld [smem:$0x3F9D]  }
0x2f: {  	lr =	sadd.s32 s0, s3;
	s0 =	sld [smem:$0x3F94]  }
0x30: {  	s3 =	sld [smem:$0x3F97]  }
0x31: {  	[smem:$0x3FA0] =	sst s10  }
0x32: {  	s10 =	sld [smem:$0x3F9E];
	_ =	sdelay $0x3  }
0x33: {  	p0 =	seq.s32 s10, $0x1;
	s10 =	sld [smem:$0x3FA0];
	_ =	sdelay $0x3  }
0x34: {  	[smem:$0x3FA0] =	sst s10  }
0x35: {  	s10 =	sld [smem:$0x3F9F];
	_ =	sdelay $0x3  }
0x36: {  	p1 =	seq.s32 s10, $0x1;
	s10 =	sld [smem:$0x3FA0];
	_ =	sdelay $0x3  }
0x37: {  	[smem:$0x3FA0] =	sst s10  }
0x38: {  	s10 =	sld [smem:$0x3FA1]  }
0x39: {  	_ = 	snop;
	(pc) =	sbr.ind lr, $3  }
0x3a: {  	_ = 	snop  }
0x3b: {  	_ = 	snop  }
0x3c: {  	p2 =	seq.s32 s10, $0x1;
	s10 =	sld [smem:$0x3FA0]  }
0x3d: {  	_ =	shalt  }
0x3e: {  	_ =	shalt  }
0x3f: {  	_ =	shalt  }
0x40: {  	_ =	shalt  }
0x41: {  	_ =	shalt  }
0x42: {  	_ =	shalt  }
0x43: {  	_ =	shalt  }
0x44: {  	_ =	shalt  }
0x45: {  	_ =	shalt  }
0x46: {  	_ =	shalt  }
0x47: {  	_ =	shalt  }
0x48: {  	_ =	shalt  }
0x49: {  	_ =	shalt  }
0x4a: {  	_ =	shalt  }
0x4b: {  	_ =	shalt  }
0x4c: {  	_ =	shalt  }
0x4d: {  	_ =	shalt  }
0x4e: {  	_ =	shalt  }
0x4f: {  	_ =	shalt  }
0x50: {  	_ =	shalt  }
0x51: {  	_ =	shalt  }
0x52: {  	_ =	shalt  }
0x53: {  	_ =	shalt  }
0x54: {  	_ =	shalt  }
0x55: {  	_ =	shalt  }
0x56: {  	_ =	shalt  }
0x57: {  	_ =	shalt  }
0x58: {  	_ =	shalt  }
0x59: {  	_ =	shalt  }
0x5a: {  	_ =	shalt  }
0x5b: {  	_ =	shalt  }
0x5c: {  	_ =	shalt  }
0x5d: {  	_ =	shalt  }
0x5e: {  	_ =	shalt  }
0x5f: {  	_ =	shalt  }
0x60: {  	_ =	shalt  }
0x61: {  	_ =	shalt  }
0x62: {  	_ =	shalt  }
0x63: {  	_ =	shalt  }
0x64: {  	_ =	shalt  }
0x65: {  	_ =	shalt  }
0x66: {  	_ =	shalt  }
0x67: {  	_ =	shalt  }
0x68: {  	_ =	shalt  }
0x69: {  	_ =	shalt  }
0x6a: {  	_ =	shalt  }
0x6b: {  	_ =	shalt  }
0x6c: {  	_ =	shalt  }
0x6d: {  	_ =	shalt  }
0x6e: {  	_ =	shalt  }
0x6f: {  	_ =	shalt  }
0x70: {  	_ =	shalt  }
0x71: {  	_ =	shalt  }
0x72: {  	_ =	shalt  }
0x73: {  	_ =	shalt  }
0x74: {  	_ =	shalt  }
0x75: {  	_ =	shalt  }
0x76: {  	_ =	shalt  }
0x77: {  	_ =	shalt  }
0x78: {  	_ =	shalt  }
0x79: {  	_ =	shalt  }
0x7a: {  	_ =	shalt  }
0x7b: {  	_ =	shalt  }
0x7c: {  	_ =	shalt  }
0x7d: {  	_ =	shalt  }
0x7e: {  	_ =	shalt  }
0x7f: {  	_ =	shalt  }
0x80: {  	_ =	shalt  }
0x81: {  	_ =	shalt  }
0x82: {  	_ =	shalt  }
0x83: {  	_ =	shalt  }
0x84: {  	_ =	shalt  }
0x85: {  	_ =	shalt  }
0x86: {  	_ =	shalt  }
0x87: {  	_ =	shalt  }
.Lfunc_end0:
.L_simem_size_0:
called_computation_lowered:
.L_overlay_start_0:
0x88: {  	s2 =	sld [smem:$0x3FD9]  }
0x89: {  	s3 =	sld [smem:$0x3FFE];
	_ =	sdelay $0x1  }
0x8a: {  	s1 =	srdreg.scid  }
0x8b: {  	s0 =	sand.u32 $0x1, s1  }
0x8c: {  	s14 =	sshll.u32 s0, $0xA;
	s2 =	sadd.s32 s3, s2  }
0x8d: {  	s2 =	sadd.s32 s2, s14  }
0x8e: {  	[smem:$0x3FAC] =	sst s2  }
0x8f: {  	_ = 	snop  }
0x90: {  	s2 =	sld [smem:$0x3FD0];
	_ =	sdelay $0x2  }
0x91: {  	s15 =	simm.s32 $0xA;
	s4 =	simm.s32 $0x10  }
0x92: {  	[smem:s4], [sflag:s15] =	dma.local [hbm:s2], $0x1  }
0x93: {  	_ =	swait.eq [sflag:s15], $0x1  }
0x94: {  	[sflag:s15] =	ssyncset.done $0x0  }
0x95: {  	s16 =	sld [smem:$0x14];
	[sflag:s15] =	ssyncadd.s32 $0xFFFFFFFF  }
0x96: {  	s17 =	sld [smem:$0x16];
	(tm) =	ssettm $0x1  }
0x97: {  	s18 =	sld [smem:$0x3FFB];
	_ =	sdelay $0x3  }
0x98: {  	_ =	strace s18  }
0x99: {  	s4 =	sld [smem:$0x3FFC];
	_ =	sdelay $0x3  }
0x9a: {  	_ =	strace s4  }
0x9b: {  	s4 =	sld [smem:$0x3FFD];
	_ =	sdelay $0x3  }
0x9c: {  	_ =	strace s4  }
0x9d: {  	_ =	strace $0x8FFFFFFF  }
0x9e: {  	s19 =	sld [smem:$0x3FDB];
	_ =	sdelay $0x1  }
0x9f: {  	s5 =	simm.s32 $_scs_section_size  }
0xa0: {  	s6 =	simm.s32 $_size__tile_overlayer_lowered;
	s7 =	simm.s32 $_tile_overlayer_lowered  }
0xa1: {  	s22 =	simm.s32 $0x1BFF;
	s21 =	sshll.u32 s7, $0x1;
	s4 =	sadd.s32 s5, s19  }
0xa2: {  	s8 =	simm.s32 $0x0;
	s20 =	sshll.u32 s6, $0x1;
	s6 =	sadd.s32 s21, s4  }
0xa3: {  	[timem:s8], [sflag:s22] =	dma.local [hbm:s6], s20  }
0xa4: {  	_ =	swait.ge [sflag:s22], s20  }
0xa5: {  	s5 =	ssub.s32 $0x0, s20;
	[sflag:s22] =	ssyncset.done $0x0  }
0xa6: {  	[sflag:s22] =	ssyncadd.s32 s5;
	_ =	sdelay $0x1  }
0xa7: {  	s23 =	simm.s32 $0x1B8B  }
0xa8: {  	_ =	swait.ge [sflag:s23], $0x1  }
0xa9: {  	[sflag:s23] =	ssyncset.done $0x0  }
0xaa: {  	s25 =	simm.s32 $0x1B8E;
	s24 =	sld [smem:$0x3FFE];
	[sflag:s23] =	ssyncadd.s32 $0xFFFFFFFF  }
0xab: {  	s26 =	simm.s32 $execute0_lowered;
	[smem:$0x3FD2] =	sst s25  }
0xac: {  	s6 =	sshll.u32 s26, $0x1;
	_ =	strace $0x80000046;
	[dreg:$0x1] =	wrdreg $0xFFFFFFFF  }
0xad: {  	s28 =	simm.s32 $_size_execute0_lowered;
	s4 =	sadd.s32 s4, s6;
	[dreg:$0x0] =	wrdreg $0x0  }
0xae: {  	s6 =	sshll.u32 s28, $0x1;
	[dreg:$0x2] =	wrdreg s4  }
0xaf: {  	[dreg:$0x3] =	wrdreg s6  }
0xb0: {  	[dreg:$0x4] =	wrdreg $0xC0  }
0xb1: {  	_ =	task [dreg:s8], $0x5FFFF  }
0xb2: {  	[dreg:$0x1] =	wrdreg $0xFFFFFFFF  }
0xb3: {  	[dreg:$0x0] =	wrdreg $0x60  }
0xb4: {  	[dreg:$0x2] =	wrdreg s16  }
0xb5: {  	[dreg:$0x3] =	wrdreg s17  }
0xb6: {  	[dreg:$0x4] =	wrdreg s24  }
0xb7: {  	[dreg:$0x5] =	wrdreg $0x9  }
0xb8: {  	_ =	task.clear_ibuf [dreg:s8], $0x6FFFF;
	_ =	strace $0x90000046  }
0xb9: {  	s29 =	simm.s32 $0x9;
	_ =	strace $0x80000048  }
0xba: {  	_ =	swait.ge [sflag:s29], $0x1  }
0xbb: {  	[sflag:s29] =	ssyncadd.s32 $0xFFFFFFFF  }
0xbc: {  	_ =	strace $0x90000048  }
0xbd: {  	_ =	sfence  }
0xbe: {  	s30 =	sld [smem:$0x0];
	_ =	sdelay $0x2  }
0xbf: {  	s31 =	sshll.u32 s1, $0xD;
	s1 =	sshrl.u32 s1, $0x2  }
0xc0: {  	s3 =	sand.u32 $0x4000, s31;
	s1 =	sadd.s32 s1, s30  }
0xc1: {  	s0 =	sor.u32 s3, s0;
	s1 =	sshll.u32 s1, $0x11  }
0xc2: {  	s0 =	sor.u32 s1, s0  }
0xc3: {  	s0 =	sadd.s32 $0x8F2B, s0  }
0xc4: {  	[sflag:s0] =	ssyncadd.remote.s32 $0x1  }
0xc5: {  	_ =	sfence.sel $0xFFFF  }
0xc6: {  	[dreg:$0x0] =	wrdreg $0xFFFFFFFF;
	(pc) =	sbr.abs _section_cstart, $3  }
0xc7: {  	[dreg:$0x1] =	wrdreg $0xFFFFFFFF  }
0xc8: {  	_ =	task.clear_ibuf [dreg:s8], $0x2FFFF;
	_ =	strace $0x9FFFFFFF  }
0xc9: {  	(tm) =	ssettm $0x7FFFFFFF  }
tec
execute0_lowered:
.L_overlay_start_1:
0x0: {  	(tag) =	ssettag $0x1  }
0x1: {  	s3 =	rddreg [dreg:$0x0]  }
0x2: {  	s1 =	srdreg.scid;
	s4 =	rddreg [dreg:$0x1]  }
0x3: {  	s0 =	stileid.u32;
	s6 =	rddreg [dreg:$0x2]  }
0x4: {  	s2 =	simm.s32 $0x0;
	s12 =	simm.s32 $0x0;
	s5 =	sand.u32 $0x1, s1  }
0x5: {  	s29 =	sshll.u32 s0, $0x1;
	s1 =	rddreg [dreg:$0x3];
	s9 =	sshrl.u32 s0, $0x2  }
0x6: {  	s11 =	sshrl.u32 s0, $0x3;
	s10 =	sshll.u32 s9, $0xF;
	s9 =	smul.u32 $0x50000, s9  }
0x7: {  	[smem:$0x7FF] =	sst s2;
	s7 =	sor.u32 s5, s29;
	s11 =	smul.u32 $0x5000, s11  }
0x8: {  	_ =	strace $0x80000047;
	s5 =	ssub.s32 $0x2, s5;
	s8 =	sshll.u32 s7, $0x7  }
0x9: {  	s7 =	sand.u32 $0xF, s7;
	s30 =	sshrl.u32 s5, $0x1;
	s8 =	sand.u32 $0x380, s8  }
0xa: {  	s7 =	smul.u32 $0x500, s7;
	s10 =	sor.u32 s10, s8;
	s8 =	sor.u32 s9, s8  }
0xb: {  	s9 =	ssub.s32 s5, s30;
	s10 =	sshrl.u32 s10, $0x3;
	s8 =	sshrl.u32 s8, $0x3  }
0xc: {  	s7 =	sadd.s32 s11, s7;
	s11 =	simm.s32 $0xA500;
	s6 =	sadd.s32 s10, s6  }
0xd: {  	s3 =	sadd.s32 s3, s8;
	s31 =	sshrl.u32 s7, $0x3;
	s7 =	simm.s32 $0x80  }
0xe: {  	s8 =	simm.s32 $0x400;
	s10 =	simm.s32 $0xA000;
	s4 =	sadd.s32 s4, s31  }
0xf: {  	v0 =	vimm.f32 $0.0e+00;
	s5 =	sadd.s32 $0xA5800, s6;
	s6 =	smax.u32 s9, $0x1;
	s9 =	simm.s32 $0x1  }
.LBB2_1:
0x10: {  	[tilespmem:s2], [sflag:$0x1] =	stream.strided.gather [hbm4b:s3+s7], $0xA000, s8, s7, $0x38;
	[tilespmem:$0xB500] =	vst v63  }
0x11: {  	_ =	swait.ge [sflag:s9], $0xA000  }
0x12: {  	[sflag:s9] =	ssyncset.done $0x0  }
0x13: {  	[sflag:s9] =	ssyncadd.s32 $0xFFFF6000  }
0x14: {  	[tilespmem:s10], [sflag:$0x1] =	stream.linear.gather [hbm4b:s4+s2], $0x500, $0x38;
	[tilespmem:$0xB500] =	vst v63  }
0x15: {  	_ =	swait.ge [sflag:s9], $0x500  }
0x16: {  	[sflag:s9] =	ssyncset.done $0x0  }
0x17: {  	s13 =	simm.s32 $0x0;
	[sflag:s9] =	ssyncadd.s32 $0xFFFFFB00  }
.LBB2_2:
0x18: {  	p0 =	sne.s32 s13, $0x3FC0  }
.Ltmp0:
0x19: {  	_ = 	snop;
	(pc) =	sbr.rel @p0 .LBB2_2-.Ltmp0, $3  }
0x1a: {  	_ =	sdelay $0x1  }
0x1b: {  	s14 =	sshra.s32 s13, $0x2  }
0x1c: {  	s13 =	sadd.s32 $0x40, s13;
	[tilespmem:s14+$0xA500] =	vst v0  }
0x1d: {  	s13 =	simm.s32 $0x0  }
0x1e: {  	v1 =	vld [tilespmem:s13+$0xA000];
	_ =	sdelay $0x4  }
0x1f: {  	v1 =	vshll.u32 v1, $0x7  }
0x20: {  	v1 =	vshra.s32 v1, $0x2  }
0x21: {  	(v2sf) =	vpush v1, $0x0;
	_ =	sdelay $0xd  }
0x22: {  	s13 =	simm.s32 $0x100  }
0x23: {  	v2 =	vld [tilespmem:s13+$0xFFFFFF00];
	s14 =	spop (v2sf);
	(v2sf) =	vpush v1, $0x1  }
0x24: {  	v3 =	vld [tilespmem:s14+$0xA500];
	_ =	sdelay $0x4  }
0x25: {  	v2 =	vmax.f32 v3, v2  }
0x26: {  	v3 =	vld [tilespmem:s14+$0xA510];
	[tilespmem:s14+$0xA500] =	vst v2  }
0x27: {  	v2 =	vld [tilespmem:s13+$0xFFFFFF10];
	_ =	sdelay $0x4  }
0x28: {  	v2 =	vmax.f32 v3, v2  }
0x29: {  	[tilespmem:s14+$0xA510] =	vst v2  }
0x2a: {  	v2 =	vld [tilespmem:s13+$0xFFFFFF20];
	s18 =	spop (v2sf);
	(v2sf) =	vpush v1, $0x2  }
0x2b: {  	v3 =	vld [tilespmem:s18+$0xA500];
	_ =	sdelay $0x4  }
0x2c: {  	v2 =	vmax.f32 v3, v2  }
0x2d: {  	[tilespmem:s18+$0xA500] =	vst v2;
	v2 =	vld [tilespmem:s18+$0xA510]  }
0x2e: {  	v3 =	vld [tilespmem:s13+$0xFFFFFF30];
	_ =	sdelay $0x4  }
0x2f: {  	v2 =	vmax.f32 v2, v3  }
0x30: {  	[tilespmem:s18+$0xA510] =	vst v2  }
0x31: {  	v2 =	vld [tilespmem:s13+$0xFFFFFF40];
	s19 =	spop (v2sf);
	(v2sf) =	vpush v1, $0x3  }
0x32: {  	v3 =	vld [tilespmem:s19+$0xA500];
	_ =	sdelay $0x4  }
0x33: {  	v2 =	vmax.f32 v3, v2  }
0x34: {  	v3 =	vld [tilespmem:s19+$0xA510];
	[tilespmem:s19+$0xA500] =	vst v2  }
0x35: {  	v2 =	vld [tilespmem:s13+$0xFFFFFF50];
	_ =	sdelay $0x4  }
0x36: {  	v2 =	vmax.f32 v3, v2  }
0x37: {  	[tilespmem:s19+$0xA510] =	vst v2  }
0x38: {  	v2 =	vld [tilespmem:s13+$0xFFFFFF60];
	s20 =	spop (v2sf);
	(v2sf) =	vpush v1, $0x4  }
0x39: {  	v3 =	vld [tilespmem:s20+$0xA500];
	_ =	sdelay $0x4  }
0x3a: {  	v2 =	vmax.f32 v3, v2  }
0x3b: {  	[tilespmem:s20+$0xA500] =	vst v2;
	v2 =	vld [tilespmem:s20+$0xA510]  }
0x3c: {  	v3 =	vld [tilespmem:s13+$0xFFFFFF70];
	_ =	sdelay $0x4  }
0x3d: {  	v2 =	vmax.f32 v2, v3  }
0x3e: {  	[tilespmem:s20+$0xA510] =	vst v2  }
0x3f: {  	v2 =	vld [tilespmem:s13+$0xFFFFFF80];
	s21 =	spop (v2sf);
	(v2sf) =	vpush v1, $0x5  }
0x40: {  	v3 =	vld [tilespmem:s21+$0xA500];
	_ =	sdelay $0x4  }
0x41: {  	v2 =	vmax.f32 v3, v2  }
0x42: {  	v3 =	vld [tilespmem:s21+$0xA510];
	[tilespmem:s21+$0xA500] =	vst v2  }
0x43: {  	v2 =	vld [tilespmem:s13+$0xFFFFFF90];
	_ =	sdelay $0x4  }
0x44: {  	v2 =	vmax.f32 v3, v2  }
0x45: {  	[tilespmem:s21+$0xA510] =	vst v2  }
0x46: {  	v2 =	vld [tilespmem:s13+$0xFFFFFFA0];
	s22 =	spop (v2sf);
	(v2sf) =	vpush v1, $0x6  }
0x47: {  	v3 =	vld [tilespmem:s22+$0xA500];
	_ =	sdelay $0x4  }
0x48: {  	v2 =	vmax.f32 v3, v2  }
0x49: {  	[tilespmem:s22+$0xA500] =	vst v2;
	v2 =	vld [tilespmem:s22+$0xA510]  }
0x4a: {  	v3 =	vld [tilespmem:s13+$0xFFFFFFB0];
	_ =	sdelay $0x4  }
0x4b: {  	v2 =	vmax.f32 v2, v3  }
0x4c: {  	[tilespmem:s22+$0xA510] =	vst v2  }
0x4d: {  	v2 =	vld [tilespmem:s13+$0xFFFFFFC0];
	s23 =	spop (v2sf);
	(v2sf) =	vpush v1, $0x7  }
0x4e: {  	v3 =	vld [tilespmem:s23+$0xA500];
	_ =	sdelay $0x4  }
0x4f: {  	v2 =	vmax.f32 v3, v2  }
0x50: {  	[tilespmem:s23+$0xA500] =	vst v2;
	v2 =	vld [tilespmem:s23+$0xA510]  }
0x51: {  	v3 =	vld [tilespmem:s13+$0xFFFFFFD0];
	_ =	sdelay $0x4  }
0x52: {  	v2 =	vmax.f32 v2, v3  }
0x53: {  	[tilespmem:s23+$0xA510] =	vst v2  }
0x54: {  	v2 =	vld [tilespmem:s13+$0xFFFFFFE0];
	s24 =	spop (v2sf);
	(v2sf) =	vpush v1, $0x8  }
0x55: {  	v3 =	vld [tilespmem:s24+$0xA500];
	_ =	sdelay $0x4  }
0x56: {  	v2 =	vmax.f32 v3, v2  }
0x57: {  	[tilespmem:s24+$0xA500] =	vst v2;
	v2 =	vld [tilespmem:s24+$0xA510]  }
0x58: {  	v3 =	vld [tilespmem:s13+$0xFFFFFFF0];
	_ =	sdelay $0x4  }
0x59: {  	v2 =	vmax.f32 v2, v3  }
0x5a: {  	[tilespmem:s24+$0xA510] =	vst v2  }
0x5b: {  	v2 =	vld [tilespmem:s13+$0x0];
	s25 =	spop (v2sf);
	(v2sf) =	vpush v1, $0x9  }
0x5c: {  	v3 =	vld [tilespmem:s25+$0xA500];
	_ =	sdelay $0x4  }
0x5d: {  	v2 =	vmax.f32 v3, v2  }
0x5e: {  	[tilespmem:s25+$0xA500] =	vst v2;
	v2 =	vld [tilespmem:s25+$0xA510]  }
0x5f: {  	v3 =	vld [tilespmem:s13+$0x10];
	_ =	sdelay $0x4  }
0x60: {  	v2 =	vmax.f32 v2, v3  }
0x61: {  	[tilespmem:s25+$0xA510] =	vst v2  }
0x62: {  	v2 =	vld [tilespmem:s13+$0x20];
	s26 =	spop (v2sf);
	(v2sf) =	vpush v1, $0xA  }
0x63: {  	v3 =	vld [tilespmem:s26+$0xA500];
	_ =	sdelay $0x4  }
0x64: {  	v2 =	vmax.f32 v3, v2  }
0x65: {  	v3 =	vld [tilespmem:s26+$0xA510];
	[tilespmem:s26+$0xA500] =	vst v2  }
0x66: {  	v2 =	vld [tilespmem:s13+$0x30];
	_ =	sdelay $0x4  }
0x67: {  	v2 =	vmax.f32 v3, v2  }
0x68: {  	[tilespmem:s26+$0xA510] =	vst v2  }
0x69: {  	v2 =	vld [tilespmem:s13+$0x40];
	s28 =	spop (v2sf);
	(v2sf) =	vpush v1, $0xB  }
0x6a: {  	v3 =	vld [tilespmem:s28+$0xA500];
	_ =	sdelay $0x4  }
0x6b: {  	v2 =	vmax.f32 v3, v2  }
0x6c: {  	v3 =	vld [tilespmem:s28+$0xA510];
	[tilespmem:s28+$0xA500] =	vst v2  }
0x6d: {  	v2 =	vld [tilespmem:s13+$0x50];
	_ =	sdelay $0x4  }
0x6e: {  	v2 =	vmax.f32 v3, v2  }
0x6f: {  	[tilespmem:s28+$0xA510] =	vst v2  }
0x70: {  	v2 =	vld [tilespmem:s13+$0x60];
	s29 =	spop (v2sf);
	(v2sf) =	vpush v1, $0xC  }
0x71: {  	v3 =	vld [tilespmem:s29+$0xA500];
	_ =	sdelay $0x4  }
0x72: {  	v2 =	vmax.f32 v3, v2  }
0x73: {  	v3 =	vld [tilespmem:s29+$0xA510];
	[tilespmem:s29+$0xA500] =	vst v2  }
0x74: {  	v2 =	vld [tilespmem:s13+$0x70];
	_ =	sdelay $0x4  }
0x75: {  	v2 =	vmax.f32 v3, v2  }
0x76: {  	[tilespmem:s29+$0xA510] =	vst v2  }
0x77: {  	v2 =	vld [tilespmem:s13+$0x80];
	s30 =	spop (v2sf);
	(v2sf) =	vpush v1, $0xD  }
0x78: {  	v3 =	vld [tilespmem:s30+$0xA500];
	_ =	sdelay $0x4  }
0x79: {  	v2 =	vmax.f32 v3, v2  }
0x7a: {  	v3 =	vld [tilespmem:s30+$0xA510];
	[tilespmem:s30+$0xA500] =	vst v2  }
0x7b: {  	v2 =	vld [tilespmem:s13+$0x90];
	_ =	sdelay $0x4  }
0x7c: {  	v2 =	vmax.f32 v3, v2  }
0x7d: {  	[tilespmem:s30+$0xA510] =	vst v2  }
0x7e: {  	v2 =	vld [tilespmem:s13+$0xA0];
	s31 =	spop (v2sf);
	(v2sf) =	vpush v1, $0xE  }
0x7f: {  	v3 =	vld [tilespmem:s31+$0xA500];
	_ =	sdelay $0x4  }
0x80: {  	v2 =	vmax.f32 v3, v2  }
0x81: {  	v3 =	vld [tilespmem:s31+$0xA510];
	[tilespmem:s31+$0xA500] =	vst v2  }
0x82: {  	v2 =	vld [tilespmem:s13+$0xB0];
	_ =	sdelay $0x4  }
0x83: {  	v2 =	vmax.f32 v3, v2  }
0x84: {  	[tilespmem:s31+$0xA510] =	vst v2  }
0x85: {  	v3 =	vld [tilespmem:s13+$0xC0];
	s16 =	spop (v2sf);
	(v2sf) =	vpush v1, $0xF  }
0x86: {  	v4 =	vld [tilespmem:s16+$0xA500];
	_ =	sdelay $0x4  }
0x87: {  	v3 =	vmax.f32 v4, v3  }
0x88: {  	v2 =	vld [tilespmem:s16+$0xA510];
	[tilespmem:s16+$0xA500] =	vst v3  }
0x89: {  	s15 =	simm.s32 $0x40;
	s14 =	simm.s32 $0x100;
	v1 =	vld [tilespmem:s13+$0xD0]  }
.LBB2_4:
0x8a: {  	_ = 	snop  }
0x8b: {  	p0 =	sne.s32 s15, $0x13C0  }
0x8c: {  	s13 =	sadd.s32 $0x200, s13;
	s17 =	smov.u32 s15;
	s15 =	sadd.s32 $0x40, s15  }
0x8d: {  	_ = 	snop  }
0x8e: {  	v1 =	vmax.f32 v2, v1  }
0x8f: {  	[tilespmem:s16+$0xA510] =	vst v1  }
0x90: {  	v1 =	vld [tilespmem:s14+$0xE0];
	s16 =	spop (v2sf)  }
0x91: {  	v2 =	vld [tilespmem:s16+$0xA500]  }
0x92: {  	v3 =	vld [tilespmem:s16+$0xA510];
	_ =	sdelay $0x3  }
0x93: {  	v1 =	vmax.f32 v2, v1  }
0x94: {  	[tilespmem:s16+$0xA500] =	vst v1  }
0x95: {  	v1 =	vld [tilespmem:s14+$0xF0];
	s14 =	smov.u32 s13;
	_ =	sdelay $0x2  }
0x96: {  	s17 =	sshra.s32 s17, $0x2;
	_ =	sdelay $0x1  }
0x97: {  	v1 =	vmax.f32 v3, v1  }
0x98: {  	[tilespmem:s16+$0xA510] =	vst v1  }
0x99: {  	v1 =	vld [tilespmem:s17+$0xA000];
	_ =	sdelay $0x4  }
0x9a: {  	v1 =	vshll.u32 v1, $0x7  }
0x9b: {  	v1 =	vshra.s32 v1, $0x2  }
0x9c: {  	(v2sf) =	vpush v1, $0x0;
	_ =	sdelay $0xe  }
0x9d: {  	v2 =	vld [tilespmem:s13+$0xFFFFFF00];
	s16 =	spop (v2sf);
	(v2sf) =	vpush v1, $0x1  }
0x9e: {  	v3 =	vld [tilespmem:s16+$0xA500];
	_ =	sdelay $0x2  }
0x9f: {  	v4 =	vld [tilespmem:s16+$0xA510];
	_ =	sdelay $0x1  }
0xa0: {  	v2 =	vmax.f32 v3, v2  }
0xa1: {  	[tilespmem:s16+$0xA500] =	vst v2  }
0xa2: {  	v2 =	vld [tilespmem:s13+$0xFFFFFF10];
	_ =	sdelay $0x4  }
0xa3: {  	v2 =	vmax.f32 v4, v2  }
0xa4: {  	[tilespmem:s16+$0xA510] =	vst v2  }
0xa5: {  	v2 =	vld [tilespmem:s13+$0xFFFFFF20];
	s16 =	spop (v2sf);
	(v2sf) =	vpush v1, $0x2  }
0xa6: {  	v3 =	vld [tilespmem:s16+$0xA500];
	_ =	sdelay $0x4  }
0xa7: {  	v2 =	vmax.f32 v3, v2  }
0xa8: {  	[tilespmem:s16+$0xA500] =	vst v2;
	v2 =	vld [tilespmem:s16+$0xA510]  }
0xa9: {  	v3 =	vld [tilespmem:s13+$0xFFFFFF30];
	_ =	sdelay $0x4  }
0xaa: {  	v2 =	vmax.f32 v2, v3  }
0xab: {  	[tilespmem:s16+$0xA510] =	vst v2  }
0xac: {  	v2 =	vld [tilespmem:s13+$0xFFFFFF40];
	s16 =	spop (v2sf);
	(v2sf) =	vpush v1, $0x3  }
0xad: {  	v3 =	vld [tilespmem:s16+$0xA500]  }
0xae: {  	v4 =	vld [tilespmem:s16+$0xA510];
	_ =	sdelay $0x3  }
0xaf: {  	v2 =	vmax.f32 v3, v2  }
0xb0: {  	[tilespmem:s16+$0xA500] =	vst v2  }
0xb1: {  	v2 =	vld [tilespmem:s13+$0xFFFFFF50];
	_ =	sdelay $0x4  }
0xb2: {  	v2 =	vmax.f32 v4, v2  }
0xb3: {  	[tilespmem:s16+$0xA510] =	vst v2  }
0xb4: {  	v2 =	vld [tilespmem:s13+$0xFFFFFF60];
	s16 =	spop (v2sf);
	(v2sf) =	vpush v1, $0x4  }
0xb5: {  	v3 =	vld [tilespmem:s16+$0xA500];
	_ =	sdelay $0x4  }
0xb6: {  	v2 =	vmax.f32 v3, v2  }
0xb7: {  	[tilespmem:s16+$0xA500] =	vst v2;
	v2 =	vld [tilespmem:s16+$0xA510]  }
0xb8: {  	v3 =	vld [tilespmem:s13+$0xFFFFFF70];
	_ =	sdelay $0x4  }
0xb9: {  	v2 =	vmax.f32 v2, v3  }
0xba: {  	[tilespmem:s16+$0xA510] =	vst v2  }
0xbb: {  	v2 =	vld [tilespmem:s13+$0xFFFFFF80];
	s16 =	spop (v2sf);
	(v2sf) =	vpush v1, $0x5  }
0xbc: {  	v3 =	vld [tilespmem:s16+$0xA500]  }
0xbd: {  	v4 =	vld [tilespmem:s16+$0xA510];
	_ =	sdelay $0x3  }
0xbe: {  	v2 =	vmax.f32 v3, v2  }
0xbf: {  	[tilespmem:s16+$0xA500] =	vst v2  }
0xc0: {  	v2 =	vld [tilespmem:s13+$0xFFFFFF90];
	_ =	sdelay $0x4  }
0xc1: {  	v2 =	vmax.f32 v4, v2  }
0xc2: {  	[tilespmem:s16+$0xA510] =	vst v2  }
0xc3: {  	v2 =	vld [tilespmem:s13+$0xFFFFFFA0];
	s16 =	spop (v2sf);
	(v2sf) =	vpush v1, $0x6  }
0xc4: {  	v3 =	vld [tilespmem:s16+$0xA500];
	_ =	sdelay $0x4  }
0xc5: {  	v2 =	vmax.f32 v3, v2  }
0xc6: {  	[tilespmem:s16+$0xA500] =	vst v2;
	v2 =	vld [tilespmem:s16+$0xA510]  }
0xc7: {  	v3 =	vld [tilespmem:s13+$0xFFFFFFB0];
	_ =	sdelay $0x4  }
0xc8: {  	v2 =	vmax.f32 v2, v3  }
0xc9: {  	[tilespmem:s16+$0xA510] =	vst v2  }
0xca: {  	v2 =	vld [tilespmem:s13+$0xFFFFFFC0];
	s16 =	spop (v2sf);
	(v2sf) =	vpush v1, $0x7  }
0xcb: {  	v3 =	vld [tilespmem:s16+$0xA500];
	_ =	sdelay $0x4  }
0xcc: {  	v2 =	vmax.f32 v3, v2  }
0xcd: {  	[tilespmem:s16+$0xA500] =	vst v2;
	v2 =	vld [tilespmem:s16+$0xA510]  }
0xce: {  	v3 =	vld [tilespmem:s13+$0xFFFFFFD0];
	_ =	sdelay $0x4  }
0xcf: {  	v2 =	vmax.f32 v2, v3  }
0xd0: {  	[tilespmem:s16+$0xA510] =	vst v2  }
0xd1: {  	v2 =	vld [tilespmem:s13+$0xFFFFFFE0];
	s16 =	spop (v2sf);
	(v2sf) =	vpush v1, $0x8  }
0xd2: {  	v3 =	vld [tilespmem:s16+$0xA500];
	_ =	sdelay $0x4  }
0xd3: {  	v2 =	vmax.f32 v3, v2  }
0xd4: {  	[tilespmem:s16+$0xA500] =	vst v2;
	v2 =	vld [tilespmem:s16+$0xA510]  }
0xd5: {  	v3 =	vld [tilespmem:s13+$0xFFFFFFF0];
	_ =	sdelay $0x4  }
0xd6: {  	v2 =	vmax.f32 v2, v3  }
0xd7: {  	[tilespmem:s16+$0xA510] =	vst v2  }
0xd8: {  	v2 =	vld [tilespmem:s13+$0x0];
	s16 =	spop (v2sf);
	(v2sf) =	vpush v1, $0x9  }
0xd9: {  	v3 =	vld [tilespmem:s16+$0xA500];
	_ =	sdelay $0x4  }
0xda: {  	v2 =	vmax.f32 v3, v2  }
0xdb: {  	[tilespmem:s16+$0xA500] =	vst v2;
	v2 =	vld [tilespmem:s16+$0xA510]  }
0xdc: {  	v3 =	vld [tilespmem:s13+$0x10];
	_ =	sdelay $0x4  }
0xdd: {  	v2 =	vmax.f32 v2, v3  }
0xde: {  	[tilespmem:s16+$0xA510] =	vst v2  }
0xdf: {  	v2 =	vld [tilespmem:s13+$0x20];
	s16 =	spop (v2sf);
	(v2sf) =	vpush v1, $0xA  }
0xe0: {  	v3 =	vld [tilespmem:s16+$0xA500]  }
0xe1: {  	v4 =	vld [tilespmem:s16+$0xA510];
	_ =	sdelay $0x3  }
0xe2: {  	v2 =	vmax.f32 v3, v2  }
0xe3: {  	[tilespmem:s16+$0xA500] =	vst v2  }
0xe4: {  	v2 =	vld [tilespmem:s13+$0x30];
	_ =	sdelay $0x4  }
0xe5: {  	v2 =	vmax.f32 v4, v2  }
0xe6: {  	[tilespmem:s16+$0xA510] =	vst v2  }
0xe7: {  	v2 =	vld [tilespmem:s13+$0x40];
	s16 =	spop (v2sf);
	(v2sf) =	vpush v1, $0xB  }
0xe8: {  	v3 =	vld [tilespmem:s16+$0xA500]  }
0xe9: {  	v4 =	vld [tilespmem:s16+$0xA510];
	_ =	sdelay $0x3  }
0xea: {  	v2 =	vmax.f32 v3, v2  }
0xeb: {  	[tilespmem:s16+$0xA500] =	vst v2  }
0xec: {  	v2 =	vld [tilespmem:s13+$0x50];
	_ =	sdelay $0x4  }
0xed: {  	v2 =	vmax.f32 v4, v2  }
0xee: {  	[tilespmem:s16+$0xA510] =	vst v2  }
0xef: {  	v2 =	vld [tilespmem:s13+$0x60];
	s16 =	spop (v2sf);
	(v2sf) =	vpush v1, $0xC  }
0xf0: {  	v3 =	vld [tilespmem:s16+$0xA500]  }
0xf1: {  	v4 =	vld [tilespmem:s16+$0xA510];
	_ =	sdelay $0x3  }
0xf2: {  	v2 =	vmax.f32 v3, v2  }
0xf3: {  	[tilespmem:s16+$0xA500] =	vst v2  }
0xf4: {  	v2 =	vld [tilespmem:s13+$0x70];
	_ =	sdelay $0x4  }
0xf5: {  	v2 =	vmax.f32 v4, v2  }
0xf6: {  	[tilespmem:s16+$0xA510] =	vst v2  }
0xf7: {  	v2 =	vld [tilespmem:s13+$0x80];
	s16 =	spop (v2sf);
	(v2sf) =	vpush v1, $0xD  }
0xf8: {  	v3 =	vld [tilespmem:s16+$0xA500]  }
0xf9: {  	v4 =	vld [tilespmem:s16+$0xA510];
	_ =	sdelay $0x3  }
0xfa: {  	v2 =	vmax.f32 v3, v2  }
0xfb: {  	[tilespmem:s16+$0xA500] =	vst v2  }
0xfc: {  	v2 =	vld [tilespmem:s13+$0x90];
	_ =	sdelay $0x4  }
0xfd: {  	v2 =	vmax.f32 v4, v2  }
0xfe: {  	[tilespmem:s16+$0xA510] =	vst v2  }
0xff: {  	v2 =	vld [tilespmem:s13+$0xA0];
	s16 =	spop (v2sf);
	(v2sf) =	vpush v1, $0xE  }
0x100: {  	v3 =	vld [tilespmem:s16+$0xA500]  }
0x101: {  	v4 =	vld [tilespmem:s16+$0xA510];
	_ =	sdelay $0x3  }
0x102: {  	v2 =	vmax.f32 v3, v2  }
0x103: {  	[tilespmem:s16+$0xA500] =	vst v2  }
0x104: {  	v2 =	vld [tilespmem:s13+$0xB0];
	_ =	sdelay $0x4  }
0x105: {  	v2 =	vmax.f32 v4, v2  }
0x106: {  	[tilespmem:s16+$0xA510] =	vst v2  }
0x107: {  	v3 =	vld [tilespmem:s13+$0xC0];
	s16 =	spop (v2sf);
	(v2sf) =	vpush v1, $0xF  }
0x108: {  	v1 =	vld [tilespmem:s16+$0xA500]  }
0x109: {  	v2 =	vld [tilespmem:s16+$0xA510];
	_ =	sdelay $0x1  }
.Ltmp1:
0x10a: {  	(pc) =	sbr.rel @p0 .LBB2_4-.Ltmp1, $4  }
0x10b: {  	_ = 	snop  }
0x10c: {  	v1 =	vmax.f32 v1, v3  }
0x10d: {  	[tilespmem:s16+$0xA500] =	vst v1  }
0x10e: {  	v1 =	vld [tilespmem:s13+$0xD0]  }
0x10f: {  	_ =	sdelay $0x3  }
0x110: {  	v1 =	vmax.f32 v2, v1  }
0x111: {  	[tilespmem:s16+$0xA510] =	vst v1  }
0x112: {  	v1 =	vld [tilespmem:s14+$0xE0];
	s13 =	spop (v2sf)  }
0x113: {  	v2 =	vld [tilespmem:s13+$0xA500];
	_ =	sdelay $0x4  }
0x114: {  	v1 =	vmax.f32 v2, v1  }
0x115: {  	v2 =	vld [tilespmem:s13+$0xA510];
	[tilespmem:s13+$0xA500] =	vst v1  }
0x116: {  	v1 =	vld [tilespmem:s14+$0xF0];
	_ =	sdelay $0x3  }
0x117: {  	s12 =	sadd.s32 $0x1, s12  }
0x118: {  	p0 =	sne.s32 s12, s6;
	v1 =	vmax.f32 v2, v1  }
.Ltmp2:
0x119: {  	[tilespmem:s13+$0xA510] =	vst v1;
	(pc) =	sbr.rel @p0 .LBB2_1-.Ltmp2, $4  }
0x11a: {  	[hbm4b:s5+s7] =	stream.strided.scatter [tilespmem:s11], [sflag:$0x1], $0x1000, s8, s7, $0x38;
	[tilespmem:$0xB500] =	vst v63  }
0x11b: {  	_ =	swait.ge [sflag:s9], $0x1000  }
0x11c: {  	[sflag:s9] =	ssyncset.done $0x0  }
0x11d: {  	[sflag:s9] =	ssyncadd.s32 $0xFFFFF000  }
0x11e: {  	_ =	sfence.sel $0x180000  }
0x11f: {  	[bflag:$0x0] =	sbarrier.arrive $0xFFFF  }
0x120: {  	p0 =	sne.s32 s0, $0x0;
	_ =	strace $0x90000047  }
0x121: {  	s0 =	sadd.s32 @!p0 $0x100000, s1;
	[bflag:$0x2] =	sbarrier.arrive $0xFFFF  }
0x122: {  	[sflag:s0] =	ssyncadd.tile.s32 @!p0 $0x1;
	_ =	shalt  }
.Lfunc_end2:
_tile_overlayer_lowered:
.L_overlay_start_2:
0x123: {  	(tag) =	ssettag $0x2  }
0x124: {  	s0 =	rddreg [dreg:$0x0];
	s2 =	stileid.u32  }
0x125: {  	s1 =	rddreg [dreg:$0x1];
	p0 =	sne.s32 s2, $0x0  }
0x126: {  	s3 =	rddreg [dreg:$0x2];
	[bflag:$0x3] =	sbarrier.arrive $0xFFFF;
	s2 =	simm.s32 @!p0 $0x1C01  }
0x127: {  	[timem:s3], [sflag:s2] =	dma.local @!p0 [hbm:s0], s1  }
0x128: {  	s0 =	simm.s32 @!p0 $0x1  }
0x129: {  	_ =	swait.ge @!p0 [sflag:s0], s1  }
0x12a: {  	s1 =	ssub.s32 @!p0 $0x0, s1;
	[sflag:s0] =	ssyncset.done @!p0 $0x0  }
0x12b: {  	[sflag:s0] =	ssyncadd.s32 @!p0 s1  }
0x12c: {  	[bflag:$0x3] =	sbarrier.arrive $0xFFFF  }
0x12d: {  	_ =	shalt  }

</sc_bundles>
